<compile_context>
chip_gen: v7x
topology: tpu7x:2x2x1
jax: 0.10.2.dev20260603
libtpu: 0.0.44.dev20260713+nightly
codegen_flags: <defaults>
</compile_context>

<pallas_src>
import functools

import jax
import jax.numpy as jnp
from jax import lax
from jax.experimental import pallas as pl
from jax.experimental.pallas import tpu as pltpu
from jax.experimental.pallas import tpu_sc as plsc

N = 10000
E = 320000
G = 8
NCLS = 10
NC = 2
NS = 16
NW = NC * NS
EPT = E // NW
K = 80
NCH = EPT // K
RPT = 624
TAIL = N - NS * RPT
NBUF = 5
assert NCH % NBUF == 0


def _make_segsum(d, colstack=False):
    mesh = plsc.VectorSubcoreMesh(core_axis_name="c", subcore_axis_name="s")
    oshape = (N, NC * d) if colstack else (NC, N, d)

    @functools.partial(
        pl.kernel,
        out_type=jax.ShapeDtypeStruct(oshape, jnp.float32),
        mesh=mesh,
        scratch_types=[
            pltpu.VMEM((EPT,), jnp.int32),
            pltpu.VMEM((EPT,), jnp.int32),
            pltpu.VMEM((NBUF, K, d), jnp.float32),
            pltpu.VMEM((RPT, d), jnp.float32),
            pltpu.VMEM_SHARED((N, d), jnp.float32),
            pltpu.SemaphoreType.DMA((NBUF,)),
        ],
        compiler_params=pltpu.CompilerParams(use_tc_tiling_on_sc=False),
    )
    def seg(h_hbm, ei_hbm, out_hbm, src_v, dst_v, rows_v, zer_v, acc_s, gsem):
        cid = lax.axis_index("c")
        sid = lax.axis_index("s")
        wid = cid * NS + sid

        pltpu.sync_copy(ei_hbm.at[0, pl.ds(wid * EPT, EPT)], src_v)
        pltpu.sync_copy(ei_hbm.at[1, pl.ds(wid * EPT, EPT)], dst_v)

        for b in range(NBUF):
            pltpu.async_copy(h_hbm.at[src_v.at[pl.ds(b * K, K)]], rows_v.at[b],
                             gsem.at[b])

        def zbody(i, _):
            for c in range(d // 16):
                zer_v[i, pl.ds(c * 16, 16)] = jnp.zeros((16,), jnp.float32)
            return 0

        lax.fori_loop(0, RPT, zbody, 0)
        pltpu.sync_copy(zer_v, acc_s.at[pl.ds(sid * RPT, RPT)])

        @pl.when(sid == NS - 1)
        def _():
            pltpu.sync_copy(zer_v.at[pl.ds(0, TAIL)],
                            acc_s.at[pl.ds(NS * RPT, TAIL)])

        plsc.subcore_barrier()

        def body(i, _):
            for b in range(NBUF):
                c = i * NBUF + b
                pltpu.make_async_copy(h_hbm.at[src_v.at[pl.ds(c * K, K)]],
                                      rows_v.at[b], gsem.at[b]).wait()
                pltpu.sync_copy(rows_v.at[b],
                                acc_s.at[dst_v.at[pl.ds(c * K, K)]], add=True)
                nxt = c + NBUF

                @pl.when(nxt < NCH)
                def _():
                    pltpu.async_copy(h_hbm.at[src_v.at[pl.ds(nxt * K, K)]],
                                     rows_v.at[b], gsem.at[b])
            return 0

        lax.fori_loop(0, NCH // NBUF, body, 0)
        plsc.subcore_barrier()
        if colstack:
            pltpu.sync_copy(acc_s.at[pl.ds(sid * RPT, RPT)],
                            out_hbm.at[pl.ds(sid * RPT, RPT), pl.ds(cid * d, d)])

            @pl.when(sid == NS - 1)
            def _():
                pltpu.sync_copy(acc_s.at[pl.ds(NS * RPT, TAIL)],
                                out_hbm.at[pl.ds(NS * RPT, TAIL),
                                           pl.ds(cid * d, d)])
        else:
            pltpu.sync_copy(acc_s.at[pl.ds(sid * RPT, RPT)],
                            out_hbm.at[cid, pl.ds(sid * RPT, RPT)])

            @pl.when(sid == NS - 1)
            def _():
                pltpu.sync_copy(acc_s.at[pl.ds(NS * RPT, TAIL)],
                                out_hbm.at[cid, pl.ds(NS * RPT, TAIL)])

    return seg


_segsum16 = _make_segsum(16)
_segsum64 = _make_segsum(64, colstack=True)


def _make_segsum64x2():
    d = 64
    mesh = plsc.VectorSubcoreMesh(core_axis_name="c", subcore_axis_name="s")

    @functools.partial(
        pl.kernel,
        out_type=[jax.ShapeDtypeStruct((N, NC * d), jnp.float32),
                  jax.ShapeDtypeStruct((N, NC * d), jnp.float32)],
        mesh=mesh,
        scratch_types=[
            pltpu.VMEM((EPT,), jnp.int32),
            pltpu.VMEM((EPT,), jnp.int32),
            pltpu.VMEM((NBUF, K, d), jnp.float32),
            pltpu.VMEM((RPT, d), jnp.float32),
            pltpu.VMEM_SHARED((N, d), jnp.float32),
            pltpu.SemaphoreType.DMA((NBUF,)),
        ],
        compiler_params=pltpu.CompilerParams(use_tc_tiling_on_sc=False),
    )
    def seg(ha_hbm, hb_hbm, ei_hbm, outa_hbm, outb_hbm,
            src_v, dst_v, rows_v, zer_v, acc_s, gsem):
        cid = lax.axis_index("c")
        sid = lax.axis_index("s")
        wid = cid * NS + sid

        pltpu.sync_copy(ei_hbm.at[0, pl.ds(wid * EPT, EPT)], src_v)
        pltpu.sync_copy(ei_hbm.at[1, pl.ds(wid * EPT, EPT)], dst_v)

        def zbody(i, _):
            for c in range(d // 16):
                zer_v[i, pl.ds(c * 16, 16)] = jnp.zeros((16,), jnp.float32)
            return 0

        lax.fori_loop(0, RPT, zbody, 0)

        for hh, oo in ((ha_hbm, outa_hbm), (hb_hbm, outb_hbm)):
            for b in range(NBUF):
                pltpu.async_copy(hh.at[src_v.at[pl.ds(b * K, K)]],
                                 rows_v.at[b], gsem.at[b])
            pltpu.sync_copy(zer_v, acc_s.at[pl.ds(sid * RPT, RPT)])

            @pl.when(sid == NS - 1)
            def _():
                pltpu.sync_copy(zer_v.at[pl.ds(0, TAIL)],
                                acc_s.at[pl.ds(NS * RPT, TAIL)])

            plsc.subcore_barrier()

            def body(i, _, hh=hh):
                for b in range(NBUF):
                    c = i * NBUF + b
                    pltpu.make_async_copy(hh.at[src_v.at[pl.ds(c * K, K)]],
                                          rows_v.at[b], gsem.at[b]).wait()
                    pltpu.sync_copy(rows_v.at[b],
                                    acc_s.at[dst_v.at[pl.ds(c * K, K)]],
                                    add=True)
                    nxt = c + NBUF

                    @pl.when(nxt < NCH)
                    def _(b=b, nxt=nxt, hh=hh):
                        pltpu.async_copy(hh.at[src_v.at[pl.ds(nxt * K, K)]],
                                         rows_v.at[b], gsem.at[b])
                return 0

            lax.fori_loop(0, NCH // NBUF, body, 0)
            plsc.subcore_barrier()
            pltpu.sync_copy(acc_s.at[pl.ds(sid * RPT, RPT)],
                            oo.at[pl.ds(sid * RPT, RPT), pl.ds(cid * d, d)])

            @pl.when(sid == NS - 1)
            def _(oo=oo):
                pltpu.sync_copy(acc_s.at[pl.ds(NS * RPT, TAIL)],
                                oo.at[pl.ds(NS * RPT, TAIL), pl.ds(cid * d, d)])

    return seg


_segsum64x2 = _make_segsum64x2()


R_BLK = 2000
_GRID = N // R_BLK


def _full(shape):
    return pl.BlockSpec(shape, lambda i: (0,) * len(shape))


def _part(w, j):
    return pl.BlockSpec((1, R_BLK, w), lambda i, j=j: (j, i, 0))


def _rows(w):
    return pl.BlockSpec((R_BLK, w), lambda i: (i, 0))


def _mm1_body(s1a, s1b, w, b, o):
    s = (s1a[0] + s1b[0])[:, :8]
    o[...] = jnp.maximum(
        jnp.dot(s, w[...], preferred_element_type=jnp.float32) + b[...], 0.0)


def _mm1(s1, w, b):
    return pl.pallas_call(
        _mm1_body,
        grid=(_GRID,),
        in_specs=[_part(16, 0), _part(16, 1), _full(w.shape), _full(b.shape)],
        out_specs=_rows(64),
        out_shape=jax.ShapeDtypeStruct((N, 64), jnp.float32),
    )(s1, s1, w, b)


def _mm2_body(t1p, s1a, s1b, w, b, o, o2):
    t1f = t1p[...]
    t1 = t1f[:, :64] + t1f[:, 64:]
    s1 = (s1a[0] + s1b[0])[:, :8]
    acc = jnp.dot(t1, w[:64], preferred_element_type=jnp.float32)
    acc += jnp.dot(s1, w[64:72], preferred_element_type=jnp.float32)
    h2 = jnp.maximum(acc + b[...], 0.0)
    o[...] = h2[:, :64]
    o2[...] = h2[:, 64:]


def _mm2(t1, s1, w, b):
    return pl.pallas_call(
        _mm2_body,
        grid=(_GRID,),
        in_specs=[_rows(128), _part(16, 0), _part(16, 1),
                  _full(w.shape), _full(b.shape)],
        out_specs=[_rows(64), _rows(64)],
        out_shape=[jax.ShapeDtypeStruct((N, 64), jnp.float32),
                   jax.ShapeDtypeStruct((N, 64), jnp.float32)],
    )(t1, s1, s1, w, b)


def _mm3pool_body(t1p, s1a, s1b, t2ap, t2bp, bat, w, b, o):
    t1f = t1p[...]
    t1 = t1f[:, :64] + t1f[:, 64:]
    s1 = (s1a[0] + s1b[0])[:, :8]
    t2af = t2ap[...]
    t2a = t2af[:, :64] + t2af[:, 64:]
    t2bf = t2bp[...]
    t2b = t2bf[:, :64] + t2bf[:, 64:]
    wf = w[...]
    acc = jnp.dot(t1, wf[:64], preferred_element_type=jnp.float32)
    acc += jnp.dot(s1, wf[64:72] + wf[200:208], preferred_element_type=jnp.float32)
    acc += jnp.dot(t2a, wf[72:136], preferred_element_type=jnp.float32)
    acc += jnp.dot(t2b, wf[136:200], preferred_element_type=jnp.float32)
    h3 = jnp.maximum(acc + b[...], 0.0)
    neg = jnp.float32(-jnp.inf)
    bt = bat[0, 0][:, None]
    pooled = jnp.stack(
        [jnp.max(jnp.where(bt == g, h3, neg), axis=0) for g in range(G)], axis=0)

    @pl.when(pl.program_id(0) == 0)
    def _():
        o[...] = jnp.full((G, 256), neg, jnp.float32)

    o[...] = jnp.maximum(o[...], pooled)


def _mm3pool(t1, s1, t2a, t2b, bat, w, b):
    return pl.pallas_call(
        _mm3pool_body,
        grid=(_GRID,),
        in_specs=[_rows(128), _part(16, 0), _part(16, 1),
                  _rows(128), _rows(128),
                  pl.BlockSpec((1, 1, R_BLK), lambda i: (i, 0, 0)),
                  _full(w.shape), _full(b.shape)],
        out_specs=pl.BlockSpec((G, 256), lambda i: (0, 0)),
        out_shape=jax.ShapeDtypeStruct((G, 256), jnp.float32),
    )(t1, s1, s1, t2a, t2b, bat, w, b)


def _head_body(p, wl, bl, out_r, pred_r):
    logits = jnp.dot(p[...], wl[...], preferred_element_type=jnp.float32) + bl[...]
    m = jnp.max(logits, axis=1, keepdims=True)
    e = jnp.exp(logits - m)
    lse = jnp.log(jnp.sum(e, axis=1, keepdims=True)) + m
    out = logits - lse
    out_r[...] = out
    pred_r[...] = jnp.exp(out)


def _head(p, wl, bl):
    return pl.pallas_call(
        _head_body,
        grid=(1,),
        in_specs=[_full(p.shape), _full(wl.shape), _full(bl.shape)],
        out_specs=[_full((G, NCLS)), _full((G, NCLS))],
        out_shape=[jax.ShapeDtypeStruct((G, NCLS), jnp.float32),
                   jax.ShapeDtypeStruct((G, NCLS), jnp.float32)],
    )(p, wl, bl)


@jax.jit
def kernel(norm, pos, x, edge_index, edge_attr, batch, W1, b1, W2, b2, W3, b3, Wl, bl):
    inp16 = jnp.concatenate(
        [norm, pos, x, jnp.zeros((N, 8), jnp.float32)], axis=1)

    S1 = _segsum16(inp16, edge_index)
    h1 = _mm1(S1, W1, b1[None, :])
    T1 = _segsum64(h1, edge_index)
    h2a, h2b = _mm2(T1, S1, W2, b2[None, :])
    T2a, T2b = _segsum64x2(h2a, h2b, edge_index)
    pooled = _mm3pool(T1, S1, T2a, T2b, batch.reshape(_GRID, 1, R_BLK),
                      W3, b3[None, :])
    out, pred = _head(pooled, Wl, bl[None, :])
    return (out, pred)

# --- scband reference (transcript-rebuilt; emitter-appended) ---
"""Pipeline reference for scband-gcncat-2860448219407 (READ-ONLY COPY).

The authoritative reference and input builder live on the scoring server;
editing this copy changes nothing except your own understanding.
"""

import jax, jax.numpy as jnp
import numpy as np

N = 10000
E = 320000
NUM_GRAPHS = 8
NUM_CLASSES = 10


def setup_inputs(seed: int = 0) -> dict:
    key = jax.random.key(seed)
    ks = jax.random.split(key, 16)
    norm = jax.random.normal(ks[0], (N, 3), dtype=jnp.float32)
    pos = jax.random.normal(ks[1], (N, 3), dtype=jnp.float32)
    x = jax.random.normal(ks[2], (N, 2), dtype=jnp.float32)
    edge_index = jax.random.randint(ks[3], (2, E), 0, N, dtype=jnp.int32)
    edge_attr = jax.random.normal(ks[4], (E, 1), dtype=jnp.float32)
    batch = jnp.sort(jax.random.randint(ks[5], (N,), 0, NUM_GRAPHS, dtype=jnp.int32))
    # GCNConv params (normalize=False -> plain x@W, scatter-add over edges, + bias)
    W1 = jax.random.normal(ks[6], (8, 64), dtype=jnp.float32) * (1.0 / np.sqrt(8))
    b1 = jnp.zeros((64,), dtype=jnp.float32)
    W2 = jax.random.normal(ks[7], (72, 128), dtype=jnp.float32) * (1.0 / np.sqrt(72))
    b2 = jnp.zeros((128,), dtype=jnp.float32)
    W3 = jax.random.normal(ks[8], (208, 256), dtype=jnp.float32) * (1.0 / np.sqrt(208))
    b3 = jnp.zeros((256,), dtype=jnp.float32)
    Wl = jax.random.normal(ks[9], (256, NUM_CLASSES), dtype=jnp.float32) * (1.0 / np.sqrt(256))
    bl = jnp.zeros((NUM_CLASSES,), dtype=jnp.float32)
    return {"norm": norm, "pos": pos, "x": x, "edge_index": edge_index,
            "edge_attr": edge_attr, "batch": batch,
            "W1": W1, "b1": b1, "W2": W2, "b2": b2, "W3": W3, "b3": b3,
            "Wl": Wl, "bl": bl}


def _gcn_conv(h, W, b, src, dst, ew):
    # GCNConv(cached=False, normalize=False): out[i] = sum_{(j->i) in E} ew_e * (h@W)[j] + b
    hw = h @ W
    msg = jnp.take(hw, src, axis=0) * ew[:, None]
    agg = jax.ops.segment_sum(msg, dst, num_segments=N)
    return agg + b


def reference(norm, pos, x, edge_index, edge_attr, batch, W1, b1, W2, b2, W3, b3, Wl, bl):
    inp = jnp.concatenate([norm, pos, x], axis=1)  # [N, 8]
    src = edge_index[0]
    dst = edge_index[1]
    # module overwrites edge_weight with ones (edge_attr unused)
    ew = jnp.ones((E,), dtype=inp.dtype)
    # eval mode: dropout is identity
    h1 = jax.nn.relu(_gcn_conv(inp, W1, b1, src, dst, ew))          # [N, 64]
    h = jnp.concatenate([h1, inp], axis=1)                           # [N, 72]
    h2 = jax.nn.relu(_gcn_conv(h, W2, b2, src, dst, ew))            # [N, 128]
    h = jnp.concatenate([h, h2, inp], axis=1)                        # [N, 208]
    h3 = jax.nn.relu(_gcn_conv(h, W3, b3, src, dst, ew))            # [N, 256]
    pooled = jax.ops.segment_max(h3, batch, num_segments=NUM_GRAPHS)  # [8, 256]
    logits = pooled @ Wl + bl
    out = jax.nn.log_softmax(logits, axis=1)
    pred = jax.nn.softmax(out, axis=1)
    return (out, pred)

if __name__ == "__main__":
    import jax
    _d = setup_inputs()
    print(jax.jit(kernel)(*tuple(_d.values())))

</pallas_src>

<mosaic_0001>
#map = affine_map<(d0, d1) -> (0, 0)>
#map1 = affine_map<(d0, d1) -> (0, 0, 0)>
module attributes {stable_mosaic.version = 14 : i64} {
  func.func @seg(%arg0: i32, %arg1: i32, %arg2: memref<10000x16xf32, #tpu.memory_space<hbm>>, %arg3: memref<2x320000xi32, #tpu.memory_space<hbm>>, %arg4: memref<2x10000x16xf32, #tpu.memory_space<hbm>>, %arg5: memref<10000xi32, #tpu.memory_space<vmem>>, %arg6: memref<10000xi32, #tpu.memory_space<vmem>>, %arg7: memref<5x80x16xf32, #tpu.memory_space<vmem>>, %arg8: memref<624x16xf32, #tpu.memory_space<vmem>>, %arg9: memref<10000x16xf32, #tpu.memory_space<vmem_shared>>, %arg10: memref<5x!tpu.dma_semaphore, #tpu.memory_space<semaphore_mem>>) attributes {dimension_semantics = [#tpu.dimension_semantics<core_parallel>, #tpu.dimension_semantics<subcore_parallel>], iteration_bounds = array<i64: 2, 16>, scalar_prefetch = 0 : i64, scratch_operands = 6 : i64, tpu.core_type = #tpu.core_type<sc_vector_subcore>, window_params = [{transform_indices = #map}, {transform_indices = #map}, {transform_indices = #map1}]} {
    %mul3A = arith.constant 16 : i32
    %mul3A_0 = arith.muli %arg0, %mul3A : i32
    %add3A = arith.addi %mul3A_0, %arg1 : i32
    %mul3A_1 = arith.constant 10000 : i32
    %mul3A_2 = arith.muli %add3A, %mul3A_1 : i32
    %run_scoped3A = arith.constant 0 : i32
    "tpu.region"() ({
      %run_scoped3A_97 = tpu.sem_alloc : memref<!tpu.dma_semaphore, #tpu.memory_space<semaphore_mem>>
      %dma_start3A_98 = tpu.memref_slice %arg3[%run_scoped3A, %mul3A_2] : memref<2x320000xi32, #tpu.memory_space<hbm>> -> memref<1x10000xi32, #tpu.memory_space<hbm>>
      %dma_start3A_99 = tpu.memref_squeeze %dma_start3A_98 : memref<1x10000xi32, #tpu.memory_space<hbm>> -> memref<10000xi32, #tpu.memory_space<hbm>>
      %dma_start3A_100 = tpu.memref_slice %arg3[%run_scoped3A, %mul3A_2] : memref<2x320000xi32, #tpu.memory_space<hbm>> -> memref<1x10000xi32, #tpu.memory_space<hbm>>
      %dma_start3A_101 = tpu.memref_squeeze %dma_start3A_100 : memref<1x10000xi32, #tpu.memory_space<hbm>> -> memref<10000xi32, #tpu.memory_space<hbm>>
      tpu.enqueue_dma source(%dma_start3A_101 : memref<10000xi32, #tpu.memory_space<hbm>>) target(%arg5 : memref<10000xi32, #tpu.memory_space<vmem>>) target_semaphore(%run_scoped3A_97 : memref<!tpu.dma_semaphore, #tpu.memory_space<semaphore_mem>>)
      %dma_wait3A = tpu.memref_slice %arg3[%run_scoped3A, %mul3A_2] : memref<2x320000xi32, #tpu.memory_space<hbm>> -> memref<1x10000xi32, #tpu.memory_space<hbm>>
      %dma_wait3A_102 = tpu.memref_squeeze %dma_wait3A : memref<1x10000xi32, #tpu.memory_space<hbm>> -> memref<10000xi32, #tpu.memory_space<hbm>>
      %dma_wait3A_103 = tpu.memref_slice %arg3[%run_scoped3A, %mul3A_2] : memref<2x320000xi32, #tpu.memory_space<hbm>> -> memref<1x10000xi32, #tpu.memory_space<hbm>>
      %dma_wait3A_104 = tpu.memref_squeeze %dma_wait3A_103 : memref<1x10000xi32, #tpu.memory_space<hbm>> -> memref<10000xi32, #tpu.memory_space<hbm>>
      tpu.wait_dma2 semaphore(%run_scoped3A_97 : memref<!tpu.dma_semaphore, #tpu.memory_space<semaphore_mem>>) src(%dma_wait3A_104 : memref<10000xi32, #tpu.memory_space<hbm>>) dst(%arg5 : memref<10000xi32, #tpu.memory_space<vmem>>)
      tpu.yield
    }) : () -> ()
    %mul3A_3 = arith.constant 10000 : i32
    %mul3A_4 = arith.muli %add3A, %mul3A_3 : i32
    %run_scoped3A_5 = arith.constant 1 : i32
    "tpu.region"() ({
      %run_scoped3A_97 = tpu.sem_alloc : memref<!tpu.dma_semaphore, #tpu.memory_space<semaphore_mem>>
      %dma_start3A_98 = tpu.memref_slice %arg3[%run_scoped3A_5, %mul3A_4] : memref<2x320000xi32, #tpu.memory_space<hbm>> -> memref<1x10000xi32, #tpu.memory_space<hbm>>
      %dma_start3A_99 = tpu.memref_squeeze %dma_start3A_98 : memref<1x10000xi32, #tpu.memory_space<hbm>> -> memref<10000xi32, #tpu.memory_space<hbm>>
      %dma_start3A_100 = tpu.memref_slice %arg3[%run_scoped3A_5, %mul3A_4] : memref<2x320000xi32, #tpu.memory_space<hbm>> -> memref<1x10000xi32, #tpu.memory_space<hbm>>
      %dma_start3A_101 = tpu.memref_squeeze %dma_start3A_100 : memref<1x10000xi32, #tpu.memory_space<hbm>> -> memref<10000xi32, #tpu.memory_space<hbm>>
      tpu.enqueue_dma source(%dma_start3A_101 : memref<10000xi32, #tpu.memory_space<hbm>>) target(%arg6 : memref<10000xi32, #tpu.memory_space<vmem>>) target_semaphore(%run_scoped3A_97 : memref<!tpu.dma_semaphore, #tpu.memory_space<semaphore_mem>>)
      %dma_wait3A = tpu.memref_slice %arg3[%run_scoped3A_5, %mul3A_4] : memref<2x320000xi32, #tpu.memory_space<hbm>> -> memref<1x10000xi32, #tpu.memory_space<hbm>>
      %dma_wait3A_102 = tpu.memref_squeeze %dma_wait3A : memref<1x10000xi32, #tpu.memory_space<hbm>> -> memref<10000xi32, #tpu.memory_space<hbm>>
      %dma_wait3A_103 = tpu.memref_slice %arg3[%run_scoped3A_5, %mul3A_4] : memref<2x320000xi32, #tpu.memory_space<hbm>> -> memref<1x10000xi32, #tpu.memory_space<hbm>>
      %dma_wait3A_104 = tpu.memref_squeeze %dma_wait3A_103 : memref<1x10000xi32, #tpu.memory_space<hbm>> -> memref<10000xi32, #tpu.memory_space<hbm>>
      tpu.wait_dma2 semaphore(%run_scoped3A_97 : memref<!tpu.dma_semaphore, #tpu.memory_space<semaphore_mem>>) src(%dma_wait3A_104 : memref<10000xi32, #tpu.memory_space<hbm>>) dst(%arg6 : memref<10000xi32, #tpu.memory_space<vmem>>)
      tpu.yield
    }) : () -> ()
    %dma_start3A = arith.constant 0 : i32
    %dma_start3A_6 = arith.constant 0 : i32
    %dma_start3A_7 = arith.constant 0 : i32
    %dma_start3A_8 = arith.constant 0 : i32
    %dma_start3A_9 = tpu.memref_slice %arg7[%dma_start3A, %dma_start3A_7, %dma_start3A_8] : memref<5x80x16xf32, #tpu.memory_space<vmem>> -> memref<1x80x16xf32, #tpu.memory_space<vmem>>
    %dma_start3A_10 = tpu.memref_squeeze %dma_start3A_9 : memref<1x80x16xf32, #tpu.memory_space<vmem>> -> memref<80x16xf32, #tpu.memory_space<vmem>>
    %dma_start3A_11 = arith.constant 0 : i32
    %dma_start3A_12 = tpu.memref_slice %arg5[%dma_start3A_11] : memref<10000xi32, #tpu.memory_space<vmem>> -> memref<80xi32, #tpu.memory_space<vmem>>
    %dma_start3A_13 = arith.constant 0 : i32
    %dma_start3A_14 = arith.constant 0 : i32
    %dma_start3A_15 = tpu.memref_slice %arg2[%dma_start3A_13, %dma_start3A_14] : memref<10000x16xf32, #tpu.memory_space<hbm>> -> memref<10000x16xf32, #tpu.memory_space<hbm>>
    %dma_start3A_16 = tpu.memref_slice %arg10[%dma_start3A_6] : memref<5x!tpu.dma_semaphore, #tpu.memory_space<semaphore_mem>> -> memref<1x!tpu.dma_semaphore, #tpu.memory_space<semaphore_mem>>
    %dma_start3A_17 = tpu.memref_squeeze %dma_start3A_16 : memref<1x!tpu.dma_semaphore, #tpu.memory_space<semaphore_mem>> -> memref<!tpu.dma_semaphore, #tpu.memory_space<semaphore_mem>>
    tpu.enqueue_indirect_dma source(%dma_start3A_15 : memref<10000x16xf32, #tpu.memory_space<hbm>>) target(%dma_start3A_10 : memref<80x16xf32, #tpu.memory_space<vmem>>) offsets(%dma_start3A_12 : memref<80xi32, #tpu.memory_space<vmem>>) semaphore(%dma_start3A_17 : memref<!tpu.dma_semaphore, #tpu.memory_space<semaphore_mem>>)
    %dma_start3A_18 = arith.constant 1 : i32
    %dma_start3A_19 = arith.constant 1 : i32
    %dma_start3A_20 = arith.constant 0 : i32
    %dma_start3A_21 = arith.constant 0 : i32
    %dma_start3A_22 = tpu.memref_slice %arg7[%dma_start3A_18, %dma_start3A_20, %dma_start3A_21] : memref<5x80x16xf32, #tpu.memory_space<vmem>> -> memref<1x80x16xf32, #tpu.memory_space<vmem>>
    %dma_start3A_23 = tpu.memref_squeeze %dma_start3A_22 : memref<1x80x16xf32, #tpu.memory_space<vmem>> -> memref<80x16xf32, #tpu.memory_space<vmem>>
    %dma_start3A_24 = arith.constant 80 : i32
    %dma_start3A_25 = tpu.memref_slice %arg5[%dma_start3A_24] : memref<10000xi32, #tpu.memory_space<vmem>> -> memref<80xi32, #tpu.memory_space<vmem>>
    %dma_start3A_26 = arith.constant 0 : i32
    %dma_start3A_27 = arith.constant 0 : i32
    %dma_start3A_28 = tpu.memref_slice %arg2[%dma_start3A_26, %dma_start3A_27] : memref<10000x16xf32, #tpu.memory_space<hbm>> -> memref<10000x16xf32, #tpu.memory_space<hbm>>
    %dma_start3A_29 = tpu.memref_slice %arg10[%dma_start3A_19] : memref<5x!tpu.dma_semaphore, #tpu.memory_space<semaphore_mem>> -> memref<1x!tpu.dma_semaphore, #tpu.memory_space<semaphore_mem>>
    %dma_start3A_30 = tpu.memref_squeeze %dma_start3A_29 : memref<1x!tpu.dma_semaphore, #tpu.memory_space<semaphore_mem>> -> memref<!tpu.dma_semaphore, #tpu.memory_space<semaphore_mem>>
    tpu.enqueue_indirect_dma source(%dma_start3A_28 : memref<10000x16xf32, #tpu.memory_space<hbm>>) target(%dma_start3A_23 : memref<80x16xf32, #tpu.memory_space<vmem>>) offsets(%dma_start3A_25 : memref<80xi32, #tpu.memory_space<vmem>>) semaphore(%dma_start3A_30 : memref<!tpu.dma_semaphore, #tpu.memory_space<semaphore_mem>>)
    %dma_start3A_31 = arith.constant 2 : i32
    %dma_start3A_32 = arith.constant 2 : i32
    %dma_start3A_33 = arith.constant 0 : i32
    %dma_start3A_34 = arith.constant 0 : i32
    %dma_start3A_35 = tpu.memref_slice %arg7[%dma_start3A_31, %dma_start3A_33, %dma_start3A_34] : memref<5x80x16xf32, #tpu.memory_space<vmem>> -> memref<1x80x16xf32, #tpu.memory_space<vmem>>
    %dma_start3A_36 = tpu.memref_squeeze %dma_start3A_35 : memref<1x80x16xf32, #tpu.memory_space<vmem>> -> memref<80x16xf32, #tpu.memory_space<vmem>>
    %dma_start3A_37 = arith.constant 160 : i32
    %dma_start3A_38 = tpu.memref_slice %arg5[%dma_start3A_37] : memref<10000xi32, #tpu.memory_space<vmem>> -> memref<80xi32, #tpu.memory_space<vmem>>
    %dma_start3A_39 = arith.constant 0 : i32
    %dma_start3A_40 = arith.constant 0 : i32
    %dma_start3A_41 = tpu.memref_slice %arg2[%dma_start3A_39, %dma_start3A_40] : memref<10000x16xf32, #tpu.memory_space<hbm>> -> memref<10000x16xf32, #tpu.memory_space<hbm>>
    %dma_start3A_42 = tpu.memref_slice %arg10[%dma_start3A_32] : memref<5x!tpu.dma_semaphore, #tpu.memory_space<semaphore_mem>> -> memref<1x!tpu.dma_semaphore, #tpu.memory_space<semaphore_mem>>
    %dma_start3A_43 = tpu.memref_squeeze %dma_start3A_42 : memref<1x!tpu.dma_semaphore, #tpu.memory_space<semaphore_mem>> -> memref<!tpu.dma_semaphore, #tpu.memory_space<semaphore_mem>>
    tpu.enqueue_indirect_dma source(%dma_start3A_41 : memref<10000x16xf32, #tpu.memory_space<hbm>>) target(%dma_start3A_36 : memref<80x16xf32, #tpu.memory_space<vmem>>) offsets(%dma_start3A_38 : memref<80xi32, #tpu.memory_space<vmem>>) semaphore(%dma_start3A_43 : memref<!tpu.dma_semaphore, #tpu.memory_space<semaphore_mem>>)
    %dma_start3A_44 = arith.constant 3 : i32
    %dma_start3A_45 = arith.constant 3 : i32
    %dma_start3A_46 = arith.constant 0 : i32
    %dma_start3A_47 = arith.constant 0 : i32
    %dma_start3A_48 = tpu.memref_slice %arg7[%dma_start3A_44, %dma_start3A_46, %dma_start3A_47] : memref<5x80x16xf32, #tpu.memory_space<vmem>> -> memref<1x80x16xf32, #tpu.memory_space<vmem>>
    %dma_start3A_49 = tpu.memref_squeeze %dma_start3A_48 : memref<1x80x16xf32, #tpu.memory_space<vmem>> -> memref<80x16xf32, #tpu.memory_space<vmem>>
    %dma_start3A_50 = arith.constant 240 : i32
    %dma_start3A_51 = tpu.memref_slice %arg5[%dma_start3A_50] : memref<10000xi32, #tpu.memory_space<vmem>> -> memref<80xi32, #tpu.memory_space<vmem>>
    %dma_start3A_52 = arith.constant 0 : i32
    %dma_start3A_53 = arith.constant 0 : i32
    %dma_start3A_54 = tpu.memref_slice %arg2[%dma_start3A_52, %dma_start3A_53] : memref<10000x16xf32, #tpu.memory_space<hbm>> -> memref<10000x16xf32, #tpu.memory_space<hbm>>
    %dma_start3A_55 = tpu.memref_slice %arg10[%dma_start3A_45] : memref<5x!tpu.dma_semaphore, #tpu.memory_space<semaphore_mem>> -> memref<1x!tpu.dma_semaphore, #tpu.memory_space<semaphore_mem>>
    %dma_start3A_56 = tpu.memref_squeeze %dma_start3A_55 : memref<1x!tpu.dma_semaphore, #tpu.memory_space<semaphore_mem>> -> memref<!tpu.dma_semaphore, #tpu.memory_space<semaphore_mem>>
    tpu.enqueue_indirect_dma source(%dma_start3A_54 : memref<10000x16xf32, #tpu.memory_space<hbm>>) target(%dma_start3A_49 : memref<80x16xf32, #tpu.memory_space<vmem>>) offsets(%dma_start3A_51 : memref<80xi32, #tpu.memory_space<vmem>>) semaphore(%dma_start3A_56 : memref<!tpu.dma_semaphore, #tpu.memory_space<semaphore_mem>>)
    %dma_start3A_57 = arith.constant 4 : i32
    %dma_start3A_58 = arith.constant 4 : i32
    %dma_start3A_59 = arith.constant 0 : i32
    %dma_start3A_60 = arith.constant 0 : i32
    %dma_start3A_61 = tpu.memref_slice %arg7[%dma_start3A_57, %dma_start3A_59, %dma_start3A_60] : memref<5x80x16xf32, #tpu.memory_space<vmem>> -> memref<1x80x16xf32, #tpu.memory_space<vmem>>
    %dma_start3A_62 = tpu.memref_squeeze %dma_start3A_61 : memref<1x80x16xf32, #tpu.memory_space<vmem>> -> memref<80x16xf32, #tpu.memory_space<vmem>>
    %dma_start3A_63 = arith.constant 320 : i32
    %dma_start3A_64 = tpu.memref_slice %arg5[%dma_start3A_63] : memref<10000xi32, #tpu.memory_space<vmem>> -> memref<80xi32, #tpu.memory_space<vmem>>
    %dma_start3A_65 = arith.constant 0 : i32
    %dma_start3A_66 = arith.constant 0 : i32
    %dma_start3A_67 = tpu.memref_slice %arg2[%dma_start3A_65, %dma_start3A_66] : memref<10000x16xf32, #tpu.memory_space<hbm>> -> memref<10000x16xf32, #tpu.memory_space<hbm>>
    %dma_start3A_68 = tpu.memref_slice %arg10[%dma_start3A_58] : memref<5x!tpu.dma_semaphore, #tpu.memory_space<semaphore_mem>> -> memref<1x!tpu.dma_semaphore, #tpu.memory_space<semaphore_mem>>
    %dma_start3A_69 = tpu.memref_squeeze %dma_start3A_68 : memref<1x!tpu.dma_semaphore, #tpu.memory_space<semaphore_mem>> -> memref<!tpu.dma_semaphore, #tpu.memory_space<semaphore_mem>>
    tpu.enqueue_indirect_dma source(%dma_start3A_67 : memref<10000x16xf32, #tpu.memory_space<hbm>>) target(%dma_start3A_62 : memref<80x16xf32, #tpu.memory_space<vmem>>) offsets(%dma_start3A_64 : memref<80xi32, #tpu.memory_space<vmem>>) semaphore(%dma_start3A_69 : memref<!tpu.dma_semaphore, #tpu.memory_space<semaphore_mem>>)
    %scan3A = arith.constant 0 : i32
    %scan3A_70 = arith.constant 0 : i32
    %scan3A_71 = arith.constant 624 : i32
    %scan3A_72 = arith.addi %scan3A_70, %scan3A_71 : i32
    %scan3A_73 = arith.constant 1 : i32
    %scan3A_74 = scf.for %scan3A_97 = %scan3A_70 to %scan3A_72 step %scan3A_73 iter_args(%scan3A_98 = %scan3A) -> (i32)  : i32 {
      %broadcast_in_dim3A = arith.constant 0.000000e+00 : f32
      %broadcast_in_dim3A_99 = vector.broadcast %broadcast_in_dim3A : f32 to vector<16xf32>
      %swap3A = arith.index_cast %scan3A_97 : i32 to index
      %swap3A_100 = arith.constant 0 : index
      %swap3A_101 = tpu.vector_load %arg8[%swap3A, %swap3A_100] {strides = array<i32>} : memref<624x16xf32, #tpu.memory_space<vmem>>, vector<1x16xf32>,
      %swap3A_102 = vector.shape_cast %swap3A_101 : vector<1x16xf32> to vector<16xf32>
      %swap3A_103 = vector.shape_cast %broadcast_in_dim3A_99 : vector<16xf32> to vector<1x16xf32>
      tpu.vector_store %arg8[%swap3A, %swap3A_100], %swap3A_103 {strides = array<i32>} : memref<624x16xf32, #tpu.memory_space<vmem>>, vector<1x16xf32>,
      %scan3A_104 = arith.constant 0 : i32
      scf.yield %scan3A_104 : i32
    }
    %scan3A_75 = arith.constant 624 : i32
    %mul3A_76 = arith.constant 624 : i32
    %mul3A_77 = arith.muli %arg1, %mul3A_76 : i32
    "tpu.region"() ({
      %run_scoped3A_97 = tpu.sem_alloc : memref<!tpu.dma_semaphore, #tpu.memory_space<semaphore_mem>>
      %dma_start3A_98 = arith.constant 0 : i32
      %dma_start3A_99 = tpu.memref_slice %arg9[%mul3A_77, %dma_start3A_98] : memref<10000x16xf32, #tpu.memory_space<vmem_shared>> -> memref<624x16xf32, #tpu.memory_space<vmem_shared>>
      %dma_start3A_100 = arith.constant 0 : i32
      %dma_start3A_101 = tpu.memref_slice %arg9[%mul3A_77, %dma_start3A_100] : memref<10000x16xf32, #tpu.memory_space<vmem_shared>> -> memref<624x16xf32, #tpu.memory_space<vmem_shared>>
      tpu.enqueue_dma source(%arg8 : memref<624x16xf32, #tpu.memory_space<vmem>>) target(%dma_start3A_101 : memref<624x16xf32, #tpu.memory_space<vmem_shared>>) target_semaphore(%run_scoped3A_97 : memref<!tpu.dma_semaphore, #tpu.memory_space<semaphore_mem>>)
      %dma_wait3A = arith.constant 0 : i32
      %dma_wait3A_102 = tpu.memref_slice %arg9[%mul3A_77, %dma_wait3A] : memref<10000x16xf32, #tpu.memory_space<vmem_shared>> -> memref<624x16xf32, #tpu.memory_space<vmem_shared>>
      %dma_wait3A_103 = arith.constant 0 : i32
      %dma_wait3A_104 = tpu.memref_slice %arg9[%mul3A_77, %dma_wait3A_103] : memref<10000x16xf32, #tpu.memory_space<vmem_shared>> -> memref<624x16xf32, #tpu.memory_space<vmem_shared>>
      tpu.wait_dma2 semaphore(%run_scoped3A_97 : memref<!tpu.dma_semaphore, #tpu.memory_space<semaphore_mem>>) src(%arg8 : memref<624x16xf32, #tpu.memory_space<vmem>>) dst(%dma_wait3A_104 : memref<624x16xf32, #tpu.memory_space<vmem_shared>>)
      tpu.yield
    }) : () -> ()
    %eq3A = arith.constant 15 : i32
    %eq3A_78 = arith.cmpi eq, %arg1, %eq3A : i32
    %convert_element_type3A = arith.extui %eq3A_78 : i1 to i32
    %cond3A = arith.constant 0 : i32
    %cond3A_79 = arith.cmpi ne, %convert_element_type3A, %cond3A : i32
    scf.if %cond3A_79 {
      "tpu.region"() ({
        %run_scoped3A_97 = tpu.sem_alloc : memref<!tpu.dma_semaphore, #tpu.memory_space<semaphore_mem>>
        %dma_start3A_98 = arith.constant 0 : i32
        %dma_start3A_99 = arith.constant 0 : i32
        %dma_start3A_100 = tpu.memref_slice %arg8[%dma_start3A_98, %dma_start3A_99] : memref<624x16xf32, #tpu.memory_space<vmem>> -> memref<16x16xf32, #tpu.memory_space<vmem>>
        %dma_start3A_101 = arith.constant 9984 : i32
        %dma_start3A_102 = arith.constant 0 : i32
        %dma_start3A_103 = tpu.memref_slice %arg9[%dma_start3A_101, %dma_start3A_102] : memref<10000x16xf32, #tpu.memory_space<vmem_shared>> -> memref<16x16xf32, #tpu.memory_space<vmem_shared>>
        %dma_start3A_104 = arith.constant 9984 : i32
        %dma_start3A_105 = arith.constant 0 : i32
        %dma_start3A_106 = tpu.memref_slice %arg9[%dma_start3A_104, %dma_start3A_105] : memref<10000x16xf32, #tpu.memory_space<vmem_shared>> -> memref<16x16xf32, #tpu.memory_space<vmem_shared>>
        %dma_start3A_107 = arith.constant 0 : i32
        %dma_start3A_108 = arith.constant 0 : i32
        %dma_start3A_109 = tpu.memref_slice %arg8[%dma_start3A_107, %dma_start3A_108] : memref<624x16xf32, #tpu.memory_space<vmem>> -> memref<16x16xf32, #tpu.memory_space<vmem>>
        tpu.enqueue_dma source(%dma_start3A_109 : memref<16x16xf32, #tpu.memory_space<vmem>>) target(%dma_start3A_106 : memref<16x16xf32, #tpu.memory_space<vmem_shared>>) target_semaphore(%run_scoped3A_97 : memref<!tpu.dma_semaphore, #tpu.memory_space<semaphore_mem>>)
        %dma_wait3A = arith.constant 0 : i32
        %dma_wait3A_110 = arith.constant 0 : i32
        %dma_wait3A_111 = tpu.memref_slice %arg8[%dma_wait3A, %dma_wait3A_110] : memref<624x16xf32, #tpu.memory_space<vmem>> -> memref<16x16xf32, #tpu.memory_space<vmem>>
        %dma_wait3A_112 = arith.constant 9984 : i32
        %dma_wait3A_113 = arith.constant 0 : i32
        %dma_wait3A_114 = tpu.memref_slice %arg9[%dma_wait3A_112, %dma_wait3A_113] : memref<10000x16xf32, #tpu.memory_space<vmem_shared>> -> memref<16x16xf32, #tpu.memory_space<vmem_shared>>
        %dma_wait3A_115 = arith.constant 9984 : i32
        %dma_wait3A_116 = arith.constant 0 : i32
        %dma_wait3A_117 = tpu.memref_slice %arg9[%dma_wait3A_115, %dma_wait3A_116] : memref<10000x16xf32, #tpu.memory_space<vmem_shared>> -> memref<16x16xf32, #tpu.memory_space<vmem_shared>>
        %dma_wait3A_118 = arith.constant 0 : i32
        %dma_wait3A_119 = arith.constant 0 : i32
        %dma_wait3A_120 = tpu.memref_slice %arg8[%dma_wait3A_118, %dma_wait3A_119] : memref<624x16xf32, #tpu.memory_space<vmem>> -> memref<16x16xf32, #tpu.memory_space<vmem>>
        tpu.wait_dma2 semaphore(%run_scoped3A_97 : memref<!tpu.dma_semaphore, #tpu.memory_space<semaphore_mem>>) src(%dma_wait3A_120 : memref<16x16xf32, #tpu.memory_space<vmem>>) dst(%dma_wait3A_117 : memref<16x16xf32, #tpu.memory_space<vmem_shared>>)
        tpu.yield
      }) : () -> ()
    } else {
    }
    %barrier3A = arith.constant 0 : index
    tpu.barrier barrier_id(%barrier3A)
    %scan3A_80 = arith.constant 0 : i32
    %scan3A_81 = arith.constant 0 : i32
    %scan3A_82 = arith.constant 25 : i32
    %scan3A_83 = arith.addi %scan3A_81, %scan3A_82 : i32
    %scan3A_84 = arith.constant 1 : i32
    %scan3A_85 = scf.for %scan3A_97 = %scan3A_81 to %scan3A_83 step %scan3A_84 iter_args(%scan3A_98 = %scan3A_80) -> (i32)  : i32 {
      %mul3A_99 = arith.constant 5 : i32
      %mul3A_100 = arith.muli %scan3A_97, %mul3A_99 : i32
      %add3A_101 = arith.constant 0 : i32
      %add3A_102 = arith.addi %mul3A_100, %add3A_101 : i32
      %mul3A_103 = arith.constant 80 : i32
      %mul3A_104 = arith.muli %add3A_102, %mul3A_103 : i32
      %dma_wait3A = arith.constant 0 : i32
      %dma_wait3A_105 = arith.constant 0 : i32
      %dma_wait3A_106 = arith.constant 0 : i32
      %dma_wait3A_107 = arith.constant 0 : i32
      %dma_wait3A_108 = tpu.memref_slice %arg7[%dma_wait3A, %dma_wait3A_106, %dma_wait3A_107] : memref<5x80x16xf32, #tpu.memory_space<vmem>> -> memref<1x80x16xf32, #tpu.memory_space<vmem>>
      %dma_wait3A_109 = tpu.memref_squeeze %dma_wait3A_108 : memref<1x80x16xf32, #tpu.memory_space<vmem>> -> memref<80x16xf32, #tpu.memory_space<vmem>>
      %dma_wait3A_110 = tpu.memref_slice %arg5[%mul3A_104] : memref<10000xi32, #tpu.memory_space<vmem>> -> memref<80xi32, #tpu.memory_space<vmem>>
      %dma_wait3A_111 = arith.constant 0 : i32
      %dma_wait3A_112 = arith.constant 0 : i32
      %dma_wait3A_113 = tpu.memref_slice %arg2[%dma_wait3A_111, %dma_wait3A_112] : memref<10000x16xf32, #tpu.memory_space<hbm>> -> memref<10000x16xf32, #tpu.memory_space<hbm>>
      %dma_wait3A_114 = tpu.memref_slice %arg10[%dma_wait3A_105] : memref<5x!tpu.dma_semaphore, #tpu.memory_space<semaphore_mem>> -> memref<1x!tpu.dma_semaphore, #tpu.memory_space<semaphore_mem>>
      %dma_wait3A_115 = tpu.memref_squeeze %dma_wait3A_114 : memref<1x!tpu.dma_semaphore, #tpu.memory_space<semaphore_mem>> -> memref<!tpu.dma_semaphore, #tpu.memory_space<semaphore_mem>>
      tpu.wait_indirect_dma semaphore(%dma_wait3A_115 : memref<!tpu.dma_semaphore, #tpu.memory_space<semaphore_mem>>) src(%dma_wait3A_113 : memref<10000x16xf32, #tpu.memory_space<hbm>>) dst(%dma_wait3A_109 : memref<80x16xf32, #tpu.memory_space<vmem>>)
      %mul3A_116 = arith.constant 80 : i32
      %mul3A_117 = arith.muli %add3A_102, %mul3A_116 : i32
      %run_scoped3A_118 = arith.constant 0 : i32
      "tpu.region"() ({
        %run_scoped3A_238 = tpu.sem_alloc : memref<!tpu.dma_semaphore, #tpu.memory_space<semaphore_mem>>
        %dma_start3A_239 = arith.constant 0 : i32
        %dma_start3A_240 = arith.constant 0 : i32
        %dma_start3A_241 = tpu.memref_slice %arg7[%run_scoped3A_118, %dma_start3A_239, %dma_start3A_240] : memref<5x80x16xf32, #tpu.memory_space<vmem>> -> memref<1x80x16xf32, #tpu.memory_space<vmem>>
        %dma_start3A_242 = tpu.memref_squeeze %dma_start3A_241 : memref<1x80x16xf32, #tpu.memory_space<vmem>> -> memref<80x16xf32, #tpu.memory_space<vmem>>
        %dma_start3A_243 = tpu.memref_slice %arg6[%mul3A_117] : memref<10000xi32, #tpu.memory_space<vmem>> -> memref<80xi32, #tpu.memory_space<vmem>>
        %dma_start3A_244 = arith.constant 0 : i32
        %dma_start3A_245 = arith.constant 0 : i32
        %dma_start3A_246 = tpu.memref_slice %arg9[%dma_start3A_244, %dma_start3A_245] : memref<10000x16xf32, #tpu.memory_space<vmem_shared>> -> memref<10000x16xf32, #tpu.memory_space<vmem_shared>>
        tpu.enqueue_indirect_dma source(%dma_start3A_242 : memref<80x16xf32, #tpu.memory_space<vmem>>) target(%dma_start3A_246 : memref<10000x16xf32, #tpu.memory_space<vmem_shared>>) offsets(%dma_start3A_243 : memref<80xi32, #tpu.memory_space<vmem>>) semaphore(%run_scoped3A_238 : memref<!tpu.dma_semaphore, #tpu.memory_space<semaphore_mem>>) {add = true}
        %dma_wait3A_247 = arith.constant 0 : i32
        %dma_wait3A_248 = arith.constant 0 : i32
        %dma_wait3A_249 = tpu.memref_slice %arg7[%run_scoped3A_118, %dma_wait3A_247, %dma_wait3A_248] : memref<5x80x16xf32, #tpu.memory_space<vmem>> -> memref<1x80x16xf32, #tpu.memory_space<vmem>>
        %dma_wait3A_250 = tpu.memref_squeeze %dma_wait3A_249 : memref<1x80x16xf32, #tpu.memory_space<vmem>> -> memref<80x16xf32, #tpu.memory_space<vmem>>
        %dma_wait3A_251 = tpu.memref_slice %arg6[%mul3A_117] : memref<10000xi32, #tpu.memory_space<vmem>> -> memref<80xi32, #tpu.memory_space<vmem>>
        %dma_wait3A_252 = arith.constant 0 : i32
        %dma_wait3A_253 = arith.constant 0 : i32
        %dma_wait3A_254 = tpu.memref_slice %arg9[%dma_wait3A_252, %dma_wait3A_253] : memref<10000x16xf32, #tpu.memory_space<vmem_shared>> -> memref<10000x16xf32, #tpu.memory_space<vmem_shared>>
        tpu.wait_indirect_dma semaphore(%run_scoped3A_238 : memref<!tpu.dma_semaphore, #tpu.memory_space<semaphore_mem>>) src(%dma_wait3A_250 : memref<80x16xf32, #tpu.memory_space<vmem>>) dst(%dma_wait3A_254 : memref<10000x16xf32, #tpu.memory_space<vmem_shared>>)
        tpu.yield
      }) : () -> ()
      %add3A_119 = arith.constant 5 : i32
      %add3A_120 = arith.addi %add3A_102, %add3A_119 : i32
      %lt3A = arith.constant 125 : i32
      %lt3A_121 = arith.cmpi slt, %add3A_120, %lt3A : i32
      %convert_element_type3A_122 = arith.extui %lt3A_121 : i1 to i32
      %cond3A_123 = arith.constant 0 : i32
      %cond3A_124 = arith.cmpi ne, %convert_element_type3A_122, %cond3A_123 : i32
      scf.if %cond3A_124 {
        %mul3A_238 = arith.constant 80 : i32
        %mul3A_239 = arith.muli %add3A_120, %mul3A_238 : i32
        %dma_start3A_240 = arith.constant 0 : i32
        %dma_start3A_241 = arith.constant 0 : i32
        %dma_start3A_242 = arith.constant 0 : i32
        %dma_start3A_243 = arith.constant 0 : i32
        %dma_start3A_244 = tpu.memref_slice %arg7[%dma_start3A_240, %dma_start3A_242, %dma_start3A_243] : memref<5x80x16xf32, #tpu.memory_space<vmem>> -> memref<1x80x16xf32, #tpu.memory_space<vmem>>
        %dma_start3A_245 = tpu.memref_squeeze %dma_start3A_244 : memref<1x80x16xf32, #tpu.memory_space<vmem>> -> memref<80x16xf32, #tpu.memory_space<vmem>>
        %dma_start3A_246 = tpu.memref_slice %arg5[%mul3A_239] : memref<10000xi32, #tpu.memory_space<vmem>> -> memref<80xi32, #tpu.memory_space<vmem>>
        %dma_start3A_247 = arith.constant 0 : i32
        %dma_start3A_248 = arith.constant 0 : i32
        %dma_start3A_249 = tpu.memref_slice %arg2[%dma_start3A_247, %dma_start3A_248] : memref<10000x16xf32, #tpu.memory_space<hbm>> -> memref<10000x16xf32, #tpu.memory_space<hbm>>
        %dma_start3A_250 = tpu.memref_slice %arg10[%dma_start3A_241] : memref<5x!tpu.dma_semaphore, #tpu.memory_space<semaphore_mem>> -> memref<1x!tpu.dma_semaphore, #tpu.memory_space<semaphore_mem>>
        %dma_start3A_251 = tpu.memref_squeeze %dma_start3A_250 : memref<1x!tpu.dma_semaphore, #tpu.memory_space<semaphore_mem>> -> memref<!tpu.dma_semaphore, #tpu.memory_space<semaphore_mem>>
        tpu.enqueue_indirect_dma source(%dma_start3A_249 : memref<10000x16xf32, #tpu.memory_space<hbm>>) target(%dma_start3A_245 : memref<80x16xf32, #tpu.memory_space<vmem>>) offsets(%dma_start3A_246 : memref<80xi32, #tpu.memory_space<vmem>>) semaphore(%dma_start3A_251 : memref<!tpu.dma_semaphore, #tpu.memory_space<semaphore_mem>>)
      } else {
      }
      %mul3A_125 = arith.constant 5 : i32
      %mul3A_126 = arith.muli %scan3A_97, %mul3A_125 : i32
      %add3A_127 = arith.constant 1 : i32
      %add3A_128 = arith.addi %mul3A_126, %add3A_127 : i32
      %mul3A_129 = arith.constant 80 : i32
      %mul3A_130 = arith.muli %add3A_128, %mul3A_129 : i32
      %dma_wait3A_131 = arith.constant 1 : i32
      %dma_wait3A_132 = arith.constant 1 : i32
      %dma_wait3A_133 = arith.constant 0 : i32
      %dma_wait3A_134 = arith.constant 0 : i32
      %dma_wait3A_135 = tpu.memref_slice %arg7[%dma_wait3A_131, %dma_wait3A_133, %dma_wait3A_134] : memref<5x80x16xf32, #tpu.memory_space<vmem>> -> memref<1x80x16xf32, #tpu.memory_space<vmem>>
      %dma_wait3A_136 = tpu.memref_squeeze %dma_wait3A_135 : memref<1x80x16xf32, #tpu.memory_space<vmem>> -> memref<80x16xf32, #tpu.memory_space<vmem>>
      %dma_wait3A_137 = tpu.memref_slice %arg5[%mul3A_130] : memref<10000xi32, #tpu.memory_space<vmem>> -> memref<80xi32, #tpu.memory_space<vmem>>
      %dma_wait3A_138 = arith.constant 0 : i32
      %dma_wait3A_139 = arith.constant 0 : i32
      %dma_wait3A_140 = tpu.memref_slice %arg2[%dma_wait3A_138, %dma_wait3A_139] : memref<10000x16xf32, #tpu.memory_space<hbm>> -> memref<10000x16xf32, #tpu.memory_space<hbm>>
      %dma_wait3A_141 = tpu.memref_slice %arg10[%dma_wait3A_132] : memref<5x!tpu.dma_semaphore, #tpu.memory_space<semaphore_mem>> -> memref<1x!tpu.dma_semaphore, #tpu.memory_space<semaphore_mem>>
      %dma_wait3A_142 = tpu.memref_squeeze %dma_wait3A_141 : memref<1x!tpu.dma_semaphore, #tpu.memory_space<semaphore_mem>> -> memref<!tpu.dma_semaphore, #tpu.memory_space<semaphore_mem>>
      tpu.wait_indirect_dma semaphore(%dma_wait3A_142 : memref<!tpu.dma_semaphore, #tpu.memory_space<semaphore_mem>>) src(%dma_wait3A_140 : memref<10000x16xf32, #tpu.memory_space<hbm>>) dst(%dma_wait3A_136 : memref<80x16xf32, #tpu.memory_space<vmem>>)
      %mul3A_143 = arith.constant 80 : i32
      %mul3A_144 = arith.muli %add3A_128, %mul3A_143 : i32
      %run_scoped3A_145 = arith.constant 1 : i32
      "tpu.region"() ({
        %run_scoped3A_238 = tpu.sem_alloc : memref<!tpu.dma_semaphore, #tpu.memory_space<semaphore_mem>>
        %dma_start3A_239 = arith.constant 0 : i32
        %dma_start3A_240 = arith.constant 0 : i32
        %dma_start3A_241 = tpu.memref_slice %arg7[%run_scoped3A_145, %dma_start3A_239, %dma_start3A_240] : memref<5x80x16xf32, #tpu.memory_space<vmem>> -> memref<1x80x16xf32, #tpu.memory_space<vmem>>
        %dma_start3A_242 = tpu.memref_squeeze %dma_start3A_241 : memref<1x80x16xf32, #tpu.memory_space<vmem>> -> memref<80x16xf32, #tpu.memory_space<vmem>>
        %dma_start3A_243 = tpu.memref_slice %arg6[%mul3A_144] : memref<10000xi32, #tpu.memory_space<vmem>> -> memref<80xi32, #tpu.memory_space<vmem>>
        %dma_start3A_244 = arith.constant 0 : i32
        %dma_start3A_245 = arith.constant 0 : i32
        %dma_start3A_246 = tpu.memref_slice %arg9[%dma_start3A_244, %dma_start3A_245] : memref<10000x16xf32, #tpu.memory_space<vmem_shared>> -> memref<10000x16xf32, #tpu.memory_space<vmem_shared>>
        tpu.enqueue_indirect_dma source(%dma_start3A_242 : memref<80x16xf32, #tpu.memory_space<vmem>>) target(%dma_start3A_246 : memref<10000x16xf32, #tpu.memory_space<vmem_shared>>) offsets(%dma_start3A_243 : memref<80xi32, #tpu.memory_space<vmem>>) semaphore(%run_scoped3A_238 : memref<!tpu.dma_semaphore, #tpu.memory_space<semaphore_mem>>) {add = true}
        %dma_wait3A_247 = arith.constant 0 : i32
        %dma_wait3A_248 = arith.constant 0 : i32
        %dma_wait3A_249 = tpu.memref_slice %arg7[%run_scoped3A_145, %dma_wait3A_247, %dma_wait3A_248] : memref<5x80x16xf32, #tpu.memory_space<vmem>> -> memref<1x80x16xf32, #tpu.memory_space<vmem>>
        %dma_wait3A_250 = tpu.memref_squeeze %dma_wait3A_249 : memref<1x80x16xf32, #tpu.memory_space<vmem>> -> memref<80x16xf32, #tpu.memory_space<vmem>>
        %dma_wait3A_251 = tpu.memref_slice %arg6[%mul3A_144] : memref<10000xi32, #tpu.memory_space<vmem>> -> memref<80xi32, #tpu.memory_space<vmem>>
        %dma_wait3A_252 = arith.constant 0 : i32
        %dma_wait3A_253 = arith.constant 0 : i32
        %dma_wait3A_254 = tpu.memref_slice %arg9[%dma_wait3A_252, %dma_wait3A_253] : memref<10000x16xf32, #tpu.memory_space<vmem_shared>> -> memref<10000x16xf32, #tpu.memory_space<vmem_shared>>
        tpu.wait_indirect_dma semaphore(%run_scoped3A_238 : memref<!tpu.dma_semaphore, #tpu.memory_space<semaphore_mem>>) src(%dma_wait3A_250 : memref<80x16xf32, #tpu.memory_space<vmem>>) dst(%dma_wait3A_254 : memref<10000x16xf32, #tpu.memory_space<vmem_shared>>)
        tpu.yield
      }) : () -> ()
      %add3A_146 = arith.constant 5 : i32
      %add3A_147 = arith.addi %add3A_128, %add3A_146 : i32
      %lt3A_148 = arith.constant 125 : i32
      %lt3A_149 = arith.cmpi slt, %add3A_147, %lt3A_148 : i32
      %convert_element_type3A_150 = arith.extui %lt3A_149 : i1 to i32
      %cond3A_151 = arith.constant 0 : i32
      %cond3A_152 = arith.cmpi ne, %convert_element_type3A_150, %cond3A_151 : i32
      scf.if %cond3A_152 {
        %mul3A_238 = arith.constant 80 : i32
        %mul3A_239 = arith.muli %add3A_147, %mul3A_238 : i32
        %dma_start3A_240 = arith.constant 1 : i32
        %dma_start3A_241 = arith.constant 1 : i32
        %dma_start3A_242 = arith.constant 0 : i32
        %dma_start3A_243 = arith.constant 0 : i32
        %dma_start3A_244 = tpu.memref_slice %arg7[%dma_start3A_240, %dma_start3A_242, %dma_start3A_243] : memref<5x80x16xf32, #tpu.memory_space<vmem>> -> memref<1x80x16xf32, #tpu.memory_space<vmem>>
        %dma_start3A_245 = tpu.memref_squeeze %dma_start3A_244 : memref<1x80x16xf32, #tpu.memory_space<vmem>> -> memref<80x16xf32, #tpu.memory_space<vmem>>
        %dma_start3A_246 = tpu.memref_slice %arg5[%mul3A_239] : memref<10000xi32, #tpu.memory_space<vmem>> -> memref<80xi32, #tpu.memory_space<vmem>>
        %dma_start3A_247 = arith.constant 0 : i32
        %dma_start3A_248 = arith.constant 0 : i32
        %dma_start3A_249 = tpu.memref_slice %arg2[%dma_start3A_247, %dma_start3A_248] : memref<10000x16xf32, #tpu.memory_space<hbm>> -> memref<10000x16xf32, #tpu.memory_space<hbm>>
        %dma_start3A_250 = tpu.memref_slice %arg10[%dma_start3A_241] : memref<5x!tpu.dma_semaphore, #tpu.memory_space<semaphore_mem>> -> memref<1x!tpu.dma_semaphore, #tpu.memory_space<semaphore_mem>>
        %dma_start3A_251 = tpu.memref_squeeze %dma_start3A_250 : memref<1x!tpu.dma_semaphore, #tpu.memory_space<semaphore_mem>> -> memref<!tpu.dma_semaphore, #tpu.memory_space<semaphore_mem>>
        tpu.enqueue_indirect_dma source(%dma_start3A_249 : memref<10000x16xf32, #tpu.memory_space<hbm>>) target(%dma_start3A_245 : memref<80x16xf32, #tpu.memory_space<vmem>>) offsets(%dma_start3A_246 : memref<80xi32, #tpu.memory_space<vmem>>) semaphore(%dma_start3A_251 : memref<!tpu.dma_semaphore, #tpu.memory_space<semaphore_mem>>)
      } else {
      }
      %mul3A_153 = arith.constant 5 : i32
      %mul3A_154 = arith.muli %scan3A_97, %mul3A_153 : i32
      %add3A_155 = arith.constant 2 : i32
      %add3A_156 = arith.addi %mul3A_154, %add3A_155 : i32
      %mul3A_157 = arith.constant 80 : i32
      %mul3A_158 = arith.muli %add3A_156, %mul3A_157 : i32
      %dma_wait3A_159 = arith.constant 2 : i32
      %dma_wait3A_160 = arith.constant 2 : i32
      %dma_wait3A_161 = arith.constant 0 : i32
      %dma_wait3A_162 = arith.constant 0 : i32
      %dma_wait3A_163 = tpu.memref_slice %arg7[%dma_wait3A_159, %dma_wait3A_161, %dma_wait3A_162] : memref<5x80x16xf32, #tpu.memory_space<vmem>> -> memref<1x80x16xf32, #tpu.memory_space<vmem>>
      %dma_wait3A_164 = tpu.memref_squeeze %dma_wait3A_163 : memref<1x80x16xf32, #tpu.memory_space<vmem>> -> memref<80x16xf32, #tpu.memory_space<vmem>>
      %dma_wait3A_165 = tpu.memref_slice %arg5[%mul3A_158] : memref<10000xi32, #tpu.memory_space<vmem>> -> memref<80xi32, #tpu.memory_space<vmem>>
      %dma_wait3A_166 = arith.constant 0 : i32
      %dma_wait3A_167 = arith.constant 0 : i32
      %dma_wait3A_168 = tpu.memref_slice %arg2[%dma_wait3A_166, %dma_wait3A_167] : memref<10000x16xf32, #tpu.memory_space<hbm>> -> memref<10000x16xf32, #tpu.memory_space<hbm>>
      %dma_wait3A_169 = tpu.memref_slice %arg10[%dma_wait3A_160] : memref<5x!tpu.dma_semaphore, #tpu.memory_space<semaphore_mem>> -> memref<1x!tpu.dma_semaphore, #tpu.memory_space<semaphore_mem>>
      %dma_wait3A_170 = tpu.memref_squeeze %dma_wait3A_169 : memref<1x!tpu.dma_semaphore, #tpu.memory_space<semaphore_mem>> -> memref<!tpu.dma_semaphore, #tpu.memory_space<semaphore_mem>>
      tpu.wait_indirect_dma semaphore(%dma_wait3A_170 : memref<!tpu.dma_semaphore, #tpu.memory_space<semaphore_mem>>) src(%dma_wait3A_168 : memref<10000x16xf32, #tpu.memory_space<hbm>>) dst(%dma_wait3A_164 : memref<80x16xf32, #tpu.memory_space<vmem>>)
      %mul3A_171 = arith.constant 80 : i32
      %mul3A_172 = arith.muli %add3A_156, %mul3A_171 : i32
      %run_scoped3A_173 = arith.constant 2 : i32
      "tpu.region"() ({
        %run_scoped3A_238 = tpu.sem_alloc : memref<!tpu.dma_semaphore, #tpu.memory_space<semaphore_mem>>
        %dma_start3A_239 = arith.constant 0 : i32
        %dma_start3A_240 = arith.constant 0 : i32
        %dma_start3A_241 = tpu.memref_slice %arg7[%run_scoped3A_173, %dma_start3A_239, %dma_start3A_240] : memref<5x80x16xf32, #tpu.memory_space<vmem>> -> memref<1x80x16xf32, #tpu.memory_space<vmem>>
        %dma_start3A_242 = tpu.memref_squeeze %dma_start3A_241 : memref<1x80x16xf32, #tpu.memory_space<vmem>> -> memref<80x16xf32, #tpu.memory_space<vmem>>
        %dma_start3A_243 = tpu.memref_slice %arg6[%mul3A_172] : memref<10000xi32, #tpu.memory_space<vmem>> -> memref<80xi32, #tpu.memory_space<vmem>>
        %dma_start3A_244 = arith.constant 0 : i32
        %dma_start3A_245 = arith.constant 0 : i32
        %dma_start3A_246 = tpu.memref_slice %arg9[%dma_start3A_244, %dma_start3A_245] : memref<10000x16xf32, #tpu.memory_space<vmem_shared>> -> memref<10000x16xf32, #tpu.memory_space<vmem_shared>>
        tpu.enqueue_indirect_dma source(%dma_start3A_242 : memref<80x16xf32, #tpu.memory_space<vmem>>) target(%dma_start3A_246 : memref<10000x16xf32, #tpu.memory_space<vmem_shared>>) offsets(%dma_start3A_243 : memref<80xi32, #tpu.memory_space<vmem>>) semaphore(%run_scoped3A_238 : memref<!tpu.dma_semaphore, #tpu.memory_space<semaphore_mem>>) {add = true}
        %dma_wait3A_247 = arith.constant 0 : i32
        %dma_wait3A_248 = arith.constant 0 : i32
        %dma_wait3A_249 = tpu.memref_slice %arg7[%run_scoped3A_173, %dma_wait3A_247, %dma_wait3A_248] : memref<5x80x16xf32, #tpu.memory_space<vmem>> -> memref<1x80x16xf32, #tpu.memory_space<vmem>>
        %dma_wait3A_250 = tpu.memref_squeeze %dma_wait3A_249 : memref<1x80x16xf32, #tpu.memory_space<vmem>> -> memref<80x16xf32, #tpu.memory_space<vmem>>
        %dma_wait3A_251 = tpu.memref_slice %arg6[%mul3A_172] : memref<10000xi32, #tpu.memory_space<vmem>> -> memref<80xi32, #tpu.memory_space<vmem>>
        %dma_wait3A_252 = arith.constant 0 : i32
        %dma_wait3A_253 = arith.constant 0 : i32
        %dma_wait3A_254 = tpu.memref_slice %arg9[%dma_wait3A_252, %dma_wait3A_253] : memref<10000x16xf32, #tpu.memory_space<vmem_shared>> -> memref<10000x16xf32, #tpu.memory_space<vmem_shared>>
        tpu.wait_indirect_dma semaphore(%run_scoped3A_238 : memref<!tpu.dma_semaphore, #tpu.memory_space<semaphore_mem>>) src(%dma_wait3A_250 : memref<80x16xf32, #tpu.memory_space<vmem>>) dst(%dma_wait3A_254 : memref<10000x16xf32, #tpu.memory_space<vmem_shared>>)
        tpu.yield
      }) : () -> ()
      %add3A_174 = arith.constant 5 : i32
      %add3A_175 = arith.addi %add3A_156, %add3A_174 : i32
      %lt3A_176 = arith.constant 125 : i32
      %lt3A_177 = arith.cmpi slt, %add3A_175, %lt3A_176 : i32
      %convert_element_type3A_178 = arith.extui %lt3A_177 : i1 to i32
      %cond3A_179 = arith.constant 0 : i32
      %cond3A_180 = arith.cmpi ne, %convert_element_type3A_178, %cond3A_179 : i32
      scf.if %cond3A_180 {
        %mul3A_238 = arith.constant 80 : i32
        %mul3A_239 = arith.muli %add3A_175, %mul3A_238 : i32
        %dma_start3A_240 = arith.constant 2 : i32
        %dma_start3A_241 = arith.constant 2 : i32
        %dma_start3A_242 = arith.constant 0 : i32
        %dma_start3A_243 = arith.constant 0 : i32
        %dma_start3A_244 = tpu.memref_slice %arg7[%dma_start3A_240, %dma_start3A_242, %dma_start3A_243] : memref<5x80x16xf32, #tpu.memory_space<vmem>> -> memref<1x80x16xf32, #tpu.memory_space<vmem>>
        %dma_start3A_245 = tpu.memref_squeeze %dma_start3A_244 : memref<1x80x16xf32, #tpu.memory_space<vmem>> -> memref<80x16xf32, #tpu.memory_space<vmem>>
        %dma_start3A_246 = tpu.memref_slice %arg5[%mul3A_239] : memref<10000xi32, #tpu.memory_space<vmem>> -> memref<80xi32, #tpu.memory_space<vmem>>
        %dma_start3A_247 = arith.constant 0 : i32
        %dma_start3A_248 = arith.constant 0 : i32
        %dma_start3A_249 = tpu.memref_slice %arg2[%dma_start3A_247, %dma_start3A_248] : memref<10000x16xf32, #tpu.memory_space<hbm>> -> memref<10000x16xf32, #tpu.memory_space<hbm>>
        %dma_start3A_250 = tpu.memref_slice %arg10[%dma_start3A_241] : memref<5x!tpu.dma_semaphore, #tpu.memory_space<semaphore_mem>> -> memref<1x!tpu.dma_semaphore, #tpu.memory_space<semaphore_mem>>
        %dma_start3A_251 = tpu.memref_squeeze %dma_start3A_250 : memref<1x!tpu.dma_semaphore, #tpu.memory_space<semaphore_mem>> -> memref<!tpu.dma_semaphore, #tpu.memory_space<semaphore_mem>>
        tpu.enqueue_indirect_dma source(%dma_start3A_249 : memref<10000x16xf32, #tpu.memory_space<hbm>>) target(%dma_start3A_245 : memref<80x16xf32, #tpu.memory_space<vmem>>) offsets(%dma_start3A_246 : memref<80xi32, #tpu.memory_space<vmem>>) semaphore(%dma_start3A_251 : memref<!tpu.dma_semaphore, #tpu.memory_space<semaphore_mem>>)
      } else {
      }
      %mul3A_181 = arith.constant 5 : i32
      %mul3A_182 = arith.muli %scan3A_97, %mul3A_181 : i32
      %add3A_183 = arith.constant 3 : i32
      %add3A_184 = arith.addi %mul3A_182, %add3A_183 : i32
      %mul3A_185 = arith.constant 80 : i32
      %mul3A_186 = arith.muli %add3A_184, %mul3A_185 : i32
      %dma_wait3A_187 = arith.constant 3 : i32
      %dma_wait3A_188 = arith.constant 3 : i32
      %dma_wait3A_189 = arith.constant 0 : i32
      %dma_wait3A_190 = arith.constant 0 : i32
      %dma_wait3A_191 = tpu.memref_slice %arg7[%dma_wait3A_187, %dma_wait3A_189, %dma_wait3A_190] : memref<5x80x16xf32, #tpu.memory_space<vmem>> -> memref<1x80x16xf32, #tpu.memory_space<vmem>>
      %dma_wait3A_192 = tpu.memref_squeeze %dma_wait3A_191 : memref<1x80x16xf32, #tpu.memory_space<vmem>> -> memref<80x16xf32, #tpu.memory_space<vmem>>
      %dma_wait3A_193 = tpu.memref_slice %arg5[%mul3A_186] : memref<10000xi32, #tpu.memory_space<vmem>> -> memref<80xi32, #tpu.memory_space<vmem>>
      %dma_wait3A_194 = arith.constant 0 : i32
      %dma_wait3A_195 = arith.constant 0 : i32
      %dma_wait3A_196 = tpu.memref_slice %arg2[%dma_wait3A_194, %dma_wait3A_195] : memref<10000x16xf32, #tpu.memory_space<hbm>> -> memref<10000x16xf32, #tpu.memory_space<hbm>>
      %dma_wait3A_197 = tpu.memref_slice %arg10[%dma_wait3A_188] : memref<5x!tpu.dma_semaphore, #tpu.memory_space<semaphore_mem>> -> memref<1x!tpu.dma_semaphore, #tpu.memory_space<semaphore_mem>>
      %dma_wait3A_198 = tpu.memref_squeeze %dma_wait3A_197 : memref<1x!tpu.dma_semaphore, #tpu.memory_space<semaphore_mem>> -> memref<!tpu.dma_semaphore, #tpu.memory_space<semaphore_mem>>
      tpu.wait_indirect_dma semaphore(%dma_wait3A_198 : memref<!tpu.dma_semaphore, #tpu.memory_space<semaphore_mem>>) src(%dma_wait3A_196 : memref<10000x16xf32, #tpu.memory_space<hbm>>) dst(%dma_wait3A_192 : memref<80x16xf32, #tpu.memory_space<vmem>>)
      %mul3A_199 = arith.constant 80 : i32
      %mul3A_200 = arith.muli %add3A_184, %mul3A_199 : i32
      %run_scoped3A_201 = arith.constant 3 : i32
      "tpu.region"() ({
        %run_scoped3A_238 = tpu.sem_alloc : memref<!tpu.dma_semaphore, #tpu.memory_space<semaphore_mem>>
        %dma_start3A_239 = arith.constant 0 : i32
        %dma_start3A_240 = arith.constant 0 : i32
        %dma_start3A_241 = tpu.memref_slice %arg7[%run_scoped3A_201, %dma_start3A_239, %dma_start3A_240] : memref<5x80x16xf32, #tpu.memory_space<vmem>> -> memref<1x80x16xf32, #tpu.memory_space<vmem>>
        %dma_start3A_242 = tpu.memref_squeeze %dma_start3A_241 : memref<1x80x16xf32, #tpu.memory_space<vmem>> -> memref<80x16xf32, #tpu.memory_space<vmem>>
        %dma_start3A_243 = tpu.memref_slice %arg6[%mul3A_200] : memref<10000xi32, #tpu.memory_space<vmem>> -> memref<80xi32, #tpu.memory_space<vmem>>
        %dma_start3A_244 = arith.constant 0 : i32
        %dma_start3A_245 = arith.constant 0 : i32
        %dma_start3A_246 = tpu.memref_slice %arg9[%dma_start3A_244, %dma_start3A_245] : memref<10000x16xf32, #tpu.memory_space<vmem_shared>> -> memref<10000x16xf32, #tpu.memory_space<vmem_shared>>
        tpu.enqueue_indirect_dma source(%dma_start3A_242 : memref<80x16xf32, #tpu.memory_space<vmem>>) target(%dma_start3A_246 : memref<10000x16xf32, #tpu.memory_space<vmem_shared>>) offsets(%dma_start3A_243 : memref<80xi32, #tpu.memory_space<vmem>>) semaphore(%run_scoped3A_238 : memref<!tpu.dma_semaphore, #tpu.memory_space<semaphore_mem>>) {add = true}
        %dma_wait3A_247 = arith.constant 0 : i32
        %dma_wait3A_248 = arith.constant 0 : i32
        %dma_wait3A_249 = tpu.memref_slice %arg7[%run_scoped3A_201, %dma_wait3A_247, %dma_wait3A_248] : memref<5x80x16xf32, #tpu.memory_space<vmem>> -> memref<1x80x16xf32, #tpu.memory_space<vmem>>
        %dma_wait3A_250 = tpu.memref_squeeze %dma_wait3A_249 : memref<1x80x16xf32, #tpu.memory_space<vmem>> -> memref<80x16xf32, #tpu.memory_space<vmem>>
        %dma_wait3A_251 = tpu.memref_slice %arg6[%mul3A_200] : memref<10000xi32, #tpu.memory_space<vmem>> -> memref<80xi32, #tpu.memory_space<vmem>>
        %dma_wait3A_252 = arith.constant 0 : i32
        %dma_wait3A_253 = arith.constant 0 : i32
        %dma_wait3A_254 = tpu.memref_slice %arg9[%dma_wait3A_252, %dma_wait3A_253] : memref<10000x16xf32, #tpu.memory_space<vmem_shared>> -> memref<10000x16xf32, #tpu.memory_space<vmem_shared>>
        tpu.wait_indirect_dma semaphore(%run_scoped3A_238 : memref<!tpu.dma_semaphore, #tpu.memory_space<semaphore_mem>>) src(%dma_wait3A_250 : memref<80x16xf32, #tpu.memory_space<vmem>>) dst(%dma_wait3A_254 : memref<10000x16xf32, #tpu.memory_space<vmem_shared>>)
        tpu.yield
      }) : () -> ()
      %add3A_202 = arith.constant 5 : i32
      %add3A_203 = arith.addi %add3A_184, %add3A_202 : i32
      %lt3A_204 = arith.constant 125 : i32
      %lt3A_205 = arith.cmpi slt, %add3A_203, %lt3A_204 : i32
      %convert_element_type3A_206 = arith.extui %lt3A_205 : i1 to i32
      %cond3A_207 = arith.constant 0 : i32
      %cond3A_208 = arith.cmpi ne, %convert_element_type3A_206, %cond3A_207 : i32
      scf.if %cond3A_208 {
        %mul3A_238 = arith.constant 80 : i32
        %mul3A_239 = arith.muli %add3A_203, %mul3A_238 : i32
        %dma_start3A_240 = arith.constant 3 : i32
        %dma_start3A_241 = arith.constant 3 : i32
        %dma_start3A_242 = arith.constant 0 : i32
        %dma_start3A_243 = arith.constant 0 : i32
        %dma_start3A_244 = tpu.memref_slice %arg7[%dma_start3A_240, %dma_start3A_242, %dma_start3A_243] : memref<5x80x16xf32, #tpu.memory_space<vmem>> -> memref<1x80x16xf32, #tpu.memory_space<vmem>>
        %dma_start3A_245 = tpu.memref_squeeze %dma_start3A_244 : memref<1x80x16xf32, #tpu.memory_space<vmem>> -> memref<80x16xf32, #tpu.memory_space<vmem>>
        %dma_start3A_246 = tpu.memref_slice %arg5[%mul3A_239] : memref<10000xi32, #tpu.memory_space<vmem>> -> memref<80xi32, #tpu.memory_space<vmem>>
        %dma_start3A_247 = arith.constant 0 : i32
        %dma_start3A_248 = arith.constant 0 : i32
        %dma_start3A_249 = tpu.memref_slice %arg2[%dma_start3A_247, %dma_start3A_248] : memref<10000x16xf32, #tpu.memory_space<hbm>> -> memref<10000x16xf32, #tpu.memory_space<hbm>>
        %dma_start3A_250 = tpu.memref_slice %arg10[%dma_start3A_241] : memref<5x!tpu.dma_semaphore, #tpu.memory_space<semaphore_mem>> -> memref<1x!tpu.dma_semaphore, #tpu.memory_space<semaphore_mem>>
        %dma_start3A_251 = tpu.memref_squeeze %dma_start3A_250 : memref<1x!tpu.dma_semaphore, #tpu.memory_space<semaphore_mem>> -> memref<!tpu.dma_semaphore, #tpu.memory_space<semaphore_mem>>
        tpu.enqueue_indirect_dma source(%dma_start3A_249 : memref<10000x16xf32, #tpu.memory_space<hbm>>) target(%dma_start3A_245 : memref<80x16xf32, #tpu.memory_space<vmem>>) offsets(%dma_start3A_246 : memref<80xi32, #tpu.memory_space<vmem>>) semaphore(%dma_start3A_251 : memref<!tpu.dma_semaphore, #tpu.memory_space<semaphore_mem>>)
      } else {
      }
      %mul3A_209 = arith.constant 5 : i32
      %mul3A_210 = arith.muli %scan3A_97, %mul3A_209 : i32
      %add3A_211 = arith.constant 4 : i32
      %add3A_212 = arith.addi %mul3A_210, %add3A_211 : i32
      %mul3A_213 = arith.constant 80 : i32
      %mul3A_214 = arith.muli %add3A_212, %mul3A_213 : i32
      %dma_wait3A_215 = arith.constant 4 : i32
      %dma_wait3A_216 = arith.constant 4 : i32
      %dma_wait3A_217 = arith.constant 0 : i32
      %dma_wait3A_218 = arith.constant 0 : i32
      %dma_wait3A_219 = tpu.memref_slice %arg7[%dma_wait3A_215, %dma_wait3A_217, %dma_wait3A_218] : memref<5x80x16xf32, #tpu.memory_space<vmem>> -> memref<1x80x16xf32, #tpu.memory_space<vmem>>
      %dma_wait3A_220 = tpu.memref_squeeze %dma_wait3A_219 : memref<1x80x16xf32, #tpu.memory_space<vmem>> -> memref<80x16xf32, #tpu.memory_space<vmem>>
      %dma_wait3A_221 = tpu.memref_slice %arg5[%mul3A_214] : memref<10000xi32, #tpu.memory_space<vmem>> -> memref<80xi32, #tpu.memory_space<vmem>>
      %dma_wait3A_222 = arith.constant 0 : i32
      %dma_wait3A_223 = arith.constant 0 : i32
      %dma_wait3A_224 = tpu.memref_slice %arg2[%dma_wait3A_222, %dma_wait3A_223] : memref<10000x16xf32, #tpu.memory_space<hbm>> -> memref<10000x16xf32, #tpu.memory_space<hbm>>
      %dma_wait3A_225 = tpu.memref_slice %arg10[%dma_wait3A_216] : memref<5x!tpu.dma_semaphore, #tpu.memory_space<semaphore_mem>> -> memref<1x!tpu.dma_semaphore, #tpu.memory_space<semaphore_mem>>
      %dma_wait3A_226 = tpu.memref_squeeze %dma_wait3A_225 : memref<1x!tpu.dma_semaphore, #tpu.memory_space<semaphore_mem>> -> memref<!tpu.dma_semaphore, #tpu.memory_space<semaphore_mem>>
      tpu.wait_indirect_dma semaphore(%dma_wait3A_226 : memref<!tpu.dma_semaphore, #tpu.memory_space<semaphore_mem>>) src(%dma_wait3A_224 : memref<10000x16xf32, #tpu.memory_space<hbm>>) dst(%dma_wait3A_220 : memref<80x16xf32, #tpu.memory_space<vmem>>)
      %mul3A_227 = arith.constant 80 : i32
      %mul3A_228 = arith.muli %add3A_212, %mul3A_227 : i32
      %run_scoped3A_229 = arith.constant 4 : i32
      "tpu.region"() ({
        %run_scoped3A_238 = tpu.sem_alloc : memref<!tpu.dma_semaphore, #tpu.memory_space<semaphore_mem>>
        %dma_start3A_239 = arith.constant 0 : i32
        %dma_start3A_240 = arith.constant 0 : i32
        %dma_start3A_241 = tpu.memref_slice %arg7[%run_scoped3A_229, %dma_start3A_239, %dma_start3A_240] : memref<5x80x16xf32, #tpu.memory_space<vmem>> -> memref<1x80x16xf32, #tpu.memory_space<vmem>>
        %dma_start3A_242 = tpu.memref_squeeze %dma_start3A_241 : memref<1x80x16xf32, #tpu.memory_space<vmem>> -> memref<80x16xf32, #tpu.memory_space<vmem>>
        %dma_start3A_243 = tpu.memref_slice %arg6[%mul3A_228] : memref<10000xi32, #tpu.memory_space<vmem>> -> memref<80xi32, #tpu.memory_space<vmem>>
        %dma_start3A_244 = arith.constant 0 : i32
        %dma_start3A_245 = arith.constant 0 : i32
        %dma_start3A_246 = tpu.memref_slice %arg9[%dma_start3A_244, %dma_start3A_245] : memref<10000x16xf32, #tpu.memory_space<vmem_shared>> -> memref<10000x16xf32, #tpu.memory_space<vmem_shared>>
        tpu.enqueue_indirect_dma source(%dma_start3A_242 : memref<80x16xf32, #tpu.memory_space<vmem>>) target(%dma_start3A_246 : memref<10000x16xf32, #tpu.memory_space<vmem_shared>>) offsets(%dma_start3A_243 : memref<80xi32, #tpu.memory_space<vmem>>) semaphore(%run_scoped3A_238 : memref<!tpu.dma_semaphore, #tpu.memory_space<semaphore_mem>>) {add = true}
        %dma_wait3A_247 = arith.constant 0 : i32
        %dma_wait3A_248 = arith.constant 0 : i32
        %dma_wait3A_249 = tpu.memref_slice %arg7[%run_scoped3A_229, %dma_wait3A_247, %dma_wait3A_248] : memref<5x80x16xf32, #tpu.memory_space<vmem>> -> memref<1x80x16xf32, #tpu.memory_space<vmem>>
        %dma_wait3A_250 = tpu.memref_squeeze %dma_wait3A_249 : memref<1x80x16xf32, #tpu.memory_space<vmem>> -> memref<80x16xf32, #tpu.memory_space<vmem>>
        %dma_wait3A_251 = tpu.memref_slice %arg6[%mul3A_228] : memref<10000xi32, #tpu.memory_space<vmem>> -> memref<80xi32, #tpu.memory_space<vmem>>
        %dma_wait3A_252 = arith.constant 0 : i32
        %dma_wait3A_253 = arith.constant 0 : i32
        %dma_wait3A_254 = tpu.memref_slice %arg9[%dma_wait3A_252, %dma_wait3A_253] : memref<10000x16xf32, #tpu.memory_space<vmem_shared>> -> memref<10000x16xf32, #tpu.memory_space<vmem_shared>>
        tpu.wait_indirect_dma semaphore(%run_scoped3A_238 : memref<!tpu.dma_semaphore, #tpu.memory_space<semaphore_mem>>) src(%dma_wait3A_250 : memref<80x16xf32, #tpu.memory_space<vmem>>) dst(%dma_wait3A_254 : memref<10000x16xf32, #tpu.memory_space<vmem_shared>>)
        tpu.yield
      }) : () -> ()
      %add3A_230 = arith.constant 5 : i32
      %add3A_231 = arith.addi %add3A_212, %add3A_230 : i32
      %lt3A_232 = arith.constant 125 : i32
      %lt3A_233 = arith.cmpi slt, %add3A_231, %lt3A_232 : i32
      %convert_element_type3A_234 = arith.extui %lt3A_233 : i1 to i32
      %cond3A_235 = arith.constant 0 : i32
      %cond3A_236 = arith.cmpi ne, %convert_element_type3A_234, %cond3A_235 : i32
      scf.if %cond3A_236 {
        %mul3A_238 = arith.constant 80 : i32
        %mul3A_239 = arith.muli %add3A_231, %mul3A_238 : i32
        %dma_start3A_240 = arith.constant 4 : i32
        %dma_start3A_241 = arith.constant 4 : i32
        %dma_start3A_242 = arith.constant 0 : i32
        %dma_start3A_243 = arith.constant 0 : i32
        %dma_start3A_244 = tpu.memref_slice %arg7[%dma_start3A_240, %dma_start3A_242, %dma_start3A_243] : memref<5x80x16xf32, #tpu.memory_space<vmem>> -> memref<1x80x16xf32, #tpu.memory_space<vmem>>
        %dma_start3A_245 = tpu.memref_squeeze %dma_start3A_244 : memref<1x80x16xf32, #tpu.memory_space<vmem>> -> memref<80x16xf32, #tpu.memory_space<vmem>>
        %dma_start3A_246 = tpu.memref_slice %arg5[%mul3A_239] : memref<10000xi32, #tpu.memory_space<vmem>> -> memref<80xi32, #tpu.memory_space<vmem>>
        %dma_start3A_247 = arith.constant 0 : i32
        %dma_start3A_248 = arith.constant 0 : i32
        %dma_start3A_249 = tpu.memref_slice %arg2[%dma_start3A_247, %dma_start3A_248] : memref<10000x16xf32, #tpu.memory_space<hbm>> -> memref<10000x16xf32, #tpu.memory_space<hbm>>
        %dma_start3A_250 = tpu.memref_slice %arg10[%dma_start3A_241] : memref<5x!tpu.dma_semaphore, #tpu.memory_space<semaphore_mem>> -> memref<1x!tpu.dma_semaphore, #tpu.memory_space<semaphore_mem>>
        %dma_start3A_251 = tpu.memref_squeeze %dma_start3A_250 : memref<1x!tpu.dma_semaphore, #tpu.memory_space<semaphore_mem>> -> memref<!tpu.dma_semaphore, #tpu.memory_space<semaphore_mem>>
        tpu.enqueue_indirect_dma source(%dma_start3A_249 : memref<10000x16xf32, #tpu.memory_space<hbm>>) target(%dma_start3A_245 : memref<80x16xf32, #tpu.memory_space<vmem>>) offsets(%dma_start3A_246 : memref<80xi32, #tpu.memory_space<vmem>>) semaphore(%dma_start3A_251 : memref<!tpu.dma_semaphore, #tpu.memory_space<semaphore_mem>>)
      } else {
      }
      %scan3A_237 = arith.constant 0 : i32
      scf.yield %scan3A_237 : i32
    }
    %scan3A_86 = arith.constant 25 : i32
    %barrier3A_87 = arith.constant 0 : index
    tpu.barrier barrier_id(%barrier3A_87)
    %mul3A_88 = arith.constant 624 : i32
    %mul3A_89 = arith.muli %arg1, %mul3A_88 : i32
    %mul3A_90 = arith.constant 624 : i32
    %mul3A_91 = arith.muli %arg1, %mul3A_90 : i32
    "tpu.region"() ({
      %run_scoped3A_97 = tpu.sem_alloc : memref<!tpu.dma_semaphore, #tpu.memory_space<semaphore_mem>>
      %dma_start3A_98 = arith.constant 0 : i32
      %dma_start3A_99 = tpu.memref_slice %arg4[%arg0, %mul3A_91, %dma_start3A_98] : memref<2x10000x16xf32, #tpu.memory_space<hbm>> -> memref<1x624x16xf32, #tpu.memory_space<hbm>>
      %dma_start3A_100 = tpu.memref_squeeze %dma_start3A_99 : memref<1x624x16xf32, #tpu.memory_space<hbm>> -> memref<624x16xf32, #tpu.memory_space<hbm>>
      %dma_start3A_101 = arith.constant 0 : i32
      %dma_start3A_102 = tpu.memref_slice %arg9[%mul3A_89, %dma_start3A_101] : memref<10000x16xf32, #tpu.memory_space<vmem_shared>> -> memref<624x16xf32, #tpu.memory_space<vmem_shared>>
      tpu.enqueue_dma source(%dma_start3A_102 : memref<624x16xf32, #tpu.memory_space<vmem_shared>>) target(%dma_start3A_100 : memref<624x16xf32, #tpu.memory_space<hbm>>) target_semaphore(%run_scoped3A_97 : memref<!tpu.dma_semaphore, #tpu.memory_space<semaphore_mem>>)
      %dma_wait3A = arith.constant 0 : i32
      %dma_wait3A_103 = tpu.memref_slice %arg4[%arg0, %mul3A_91, %dma_wait3A] : memref<2x10000x16xf32, #tpu.memory_space<hbm>> -> memref<1x624x16xf32, #tpu.memory_space<hbm>>
      %dma_wait3A_104 = tpu.memref_squeeze %dma_wait3A_103 : memref<1x624x16xf32, #tpu.memory_space<hbm>> -> memref<624x16xf32, #tpu.memory_space<hbm>>
      %dma_wait3A_105 = arith.constant 0 : i32
      %dma_wait3A_106 = tpu.memref_slice %arg9[%mul3A_89, %dma_wait3A_105] : memref<10000x16xf32, #tpu.memory_space<vmem_shared>> -> memref<624x16xf32, #tpu.memory_space<vmem_shared>>
      tpu.wait_dma2 semaphore(%run_scoped3A_97 : memref<!tpu.dma_semaphore, #tpu.memory_space<semaphore_mem>>) src(%dma_wait3A_106 : memref<624x16xf32, #tpu.memory_space<vmem_shared>>) dst(%dma_wait3A_104 : memref<624x16xf32, #tpu.memory_space<hbm>>)
      tpu.yield
    }) : () -> ()
    %eq3A_92 = arith.constant 15 : i32
    %eq3A_93 = arith.cmpi eq, %arg1, %eq3A_92 : i32
    %convert_element_type3A_94 = arith.extui %eq3A_93 : i1 to i32
    %cond3A_95 = arith.constant 0 : i32
    %cond3A_96 = arith.cmpi ne, %convert_element_type3A_94, %cond3A_95 : i32
    scf.if %cond3A_96 {
      "tpu.region"() ({
        %run_scoped3A_97 = tpu.sem_alloc : memref<!tpu.dma_semaphore, #tpu.memory_space<semaphore_mem>>
        %dma_start3A_98 = arith.constant 9984 : i32
        %dma_start3A_99 = arith.constant 0 : i32
        %dma_start3A_100 = tpu.memref_slice %arg4[%arg0, %dma_start3A_98, %dma_start3A_99] : memref<2x10000x16xf32, #tpu.memory_space<hbm>> -> memref<1x16x16xf32, #tpu.memory_space<hbm>>
        %dma_start3A_101 = tpu.memref_squeeze %dma_start3A_100 : memref<1x16x16xf32, #tpu.memory_space<hbm>> -> memref<16x16xf32, #tpu.memory_space<hbm>>
        %dma_start3A_102 = arith.constant 9984 : i32
        %dma_start3A_103 = arith.constant 0 : i32
        %dma_start3A_104 = tpu.memref_slice %arg9[%dma_start3A_102, %dma_start3A_103] : memref<10000x16xf32, #tpu.memory_space<vmem_shared>> -> memref<16x16xf32, #tpu.memory_space<vmem_shared>>
        tpu.enqueue_dma source(%dma_start3A_104 : memref<16x16xf32, #tpu.memory_space<vmem_shared>>) target(%dma_start3A_101 : memref<16x16xf32, #tpu.memory_space<hbm>>) target_semaphore(%run_scoped3A_97 : memref<!tpu.dma_semaphore, #tpu.memory_space<semaphore_mem>>)
        %dma_wait3A = arith.constant 9984 : i32
        %dma_wait3A_105 = arith.constant 0 : i32
        %dma_wait3A_106 = tpu.memref_slice %arg4[%arg0, %dma_wait3A, %dma_wait3A_105] : memref<2x10000x16xf32, #tpu.memory_space<hbm>> -> memref<1x16x16xf32, #tpu.memory_space<hbm>>
        %dma_wait3A_107 = tpu.memref_squeeze %dma_wait3A_106 : memref<1x16x16xf32, #tpu.memory_space<hbm>> -> memref<16x16xf32, #tpu.memory_space<hbm>>
        %dma_wait3A_108 = arith.constant 9984 : i32
        %dma_wait3A_109 = arith.constant 0 : i32
        %dma_wait3A_110 = tpu.memref_slice %arg9[%dma_wait3A_108, %dma_wait3A_109] : memref<10000x16xf32, #tpu.memory_space<vmem_shared>> -> memref<16x16xf32, #tpu.memory_space<vmem_shared>>
        tpu.wait_dma2 semaphore(%run_scoped3A_97 : memref<!tpu.dma_semaphore, #tpu.memory_space<semaphore_mem>>) src(%dma_wait3A_110 : memref<16x16xf32, #tpu.memory_space<vmem_shared>>) dst(%dma_wait3A_107 : memref<16x16xf32, #tpu.memory_space<hbm>>)
        tpu.yield
      }) : () -> ()
    } else {
    }
    return
  }
}

#map = affine_map<(d0, d1) -> (0, 0)>
module attributes {stable_mosaic.version = 14 : i64} {
  func.func @seg(%arg0: i32, %arg1: i32, %arg2: memref<10000x64xf32, #tpu.memory_space<hbm>>, %arg3: memref<10000x64xf32, #tpu.memory_space<hbm>>, %arg4: memref<2x320000xi32, #tpu.memory_space<hbm>>, %arg5: memref<10000x128xf32, #tpu.memory_space<hbm>>, %arg6: memref<10000x128xf32, #tpu.memory_space<hbm>>, %arg7: memref<10000xi32, #tpu.memory_space<vmem>>, %arg8: memref<10000xi32, #tpu.memory_space<vmem>>, %arg9: memref<5x80x64xf32, #tpu.memory_space<vmem>>, %arg10: memref<624x64xf32, #tpu.memory_space<vmem>>, %arg11: memref<10000x64xf32, #tpu.memory_space<vmem_shared>>, %arg12: memref<5x!tpu.dma_semaphore, #tpu.memory_space<semaphore_mem>>) attributes {dimension_semantics = [#tpu.dimension_semantics<core_parallel>, #tpu.dimension_semantics<subcore_parallel>], iteration_bounds = array<i64: 2, 16>, scalar_prefetch = 0 : i64, scratch_operands = 6 : i64, tpu.core_type = #tpu.core_type<sc_vector_subcore>, window_params = [{transform_indices = #map}, {transform_indices = #map}, {transform_indices = #map}, {transform_indices = #map}, {transform_indices = #map}]} {
    %mul3A = arith.constant 16 : i32
    %mul3A_0 = arith.muli %arg0, %mul3A : i32
    %add3A = arith.addi %mul3A_0, %arg1 : i32
    %mul3A_1 = arith.constant 10000 : i32
    %mul3A_2 = arith.muli %add3A, %mul3A_1 : i32
    %run_scoped3A = arith.constant 0 : i32
    "tpu.region"() ({
      %run_scoped3A_191 = tpu.sem_alloc : memref<!tpu.dma_semaphore, #tpu.memory_space<semaphore_mem>>
      %dma_start3A_192 = tpu.memref_slice %arg4[%run_scoped3A, %mul3A_2] : memref<2x320000xi32, #tpu.memory_space<hbm>> -> memref<1x10000xi32, #tpu.memory_space<hbm>>
      %dma_start3A_193 = tpu.memref_squeeze %dma_start3A_192 : memref<1x10000xi32, #tpu.memory_space<hbm>> -> memref<10000xi32, #tpu.memory_space<hbm>>
      %dma_start3A_194 = tpu.memref_slice %arg4[%run_scoped3A, %mul3A_2] : memref<2x320000xi32, #tpu.memory_space<hbm>> -> memref<1x10000xi32, #tpu.memory_space<hbm>>
      %dma_start3A_195 = tpu.memref_squeeze %dma_start3A_194 : memref<1x10000xi32, #tpu.memory_space<hbm>> -> memref<10000xi32, #tpu.memory_space<hbm>>
      tpu.enqueue_dma source(%dma_start3A_195 : memref<10000xi32, #tpu.memory_space<hbm>>) target(%arg7 : memref<10000xi32, #tpu.memory_space<vmem>>) target_semaphore(%run_scoped3A_191 : memref<!tpu.dma_semaphore, #tpu.memory_space<semaphore_mem>>)
      %dma_wait3A = tpu.memref_slice %arg4[%run_scoped3A, %mul3A_2] : memref<2x320000xi32, #tpu.memory_space<hbm>> -> memref<1x10000xi32, #tpu.memory_space<hbm>>
      %dma_wait3A_196 = tpu.memref_squeeze %dma_wait3A : memref<1x10000xi32, #tpu.memory_space<hbm>> -> memref<10000xi32, #tpu.memory_space<hbm>>
      %dma_wait3A_197 = tpu.memref_slice %arg4[%run_scoped3A, %mul3A_2] : memref<2x320000xi32, #tpu.memory_space<hbm>> -> memref<1x10000xi32, #tpu.memory_space<hbm>>
      %dma_wait3A_198 = tpu.memref_squeeze %dma_wait3A_197 : memref<1x10000xi32, #tpu.memory_space<hbm>> -> memref<10000xi32, #tpu.memory_space<hbm>>
      tpu.wait_dma2 semaphore(%run_scoped3A_191 : memref<!tpu.dma_semaphore, #tpu.memory_space<semaphore_mem>>) src(%dma_wait3A_198 : memref<10000xi32, #tpu.memory_space<hbm>>) dst(%arg7 : memref<10000xi32, #tpu.memory_space<vmem>>)
      tpu.yield
    }) : () -> ()
    %mul3A_3 = arith.constant 10000 : i32
    %mul3A_4 = arith.muli %add3A, %mul3A_3 : i32
    %run_scoped3A_5 = arith.constant 1 : i32
    "tpu.region"() ({
      %run_scoped3A_191 = tpu.sem_alloc : memref<!tpu.dma_semaphore, #tpu.memory_space<semaphore_mem>>
      %dma_start3A_192 = tpu.memref_slice %arg4[%run_scoped3A_5, %mul3A_4] : memref<2x320000xi32, #tpu.memory_space<hbm>> -> memref<1x10000xi32, #tpu.memory_space<hbm>>
      %dma_start3A_193 = tpu.memref_squeeze %dma_start3A_192 : memref<1x10000xi32, #tpu.memory_space<hbm>> -> memref<10000xi32, #tpu.memory_space<hbm>>
      %dma_start3A_194 = tpu.memref_slice %arg4[%run_scoped3A_5, %mul3A_4] : memref<2x320000xi32, #tpu.memory_space<hbm>> -> memref<1x10000xi32, #tpu.memory_space<hbm>>
      %dma_start3A_195 = tpu.memref_squeeze %dma_start3A_194 : memref<1x10000xi32, #tpu.memory_space<hbm>> -> memref<10000xi32, #tpu.memory_space<hbm>>
      tpu.enqueue_dma source(%dma_start3A_195 : memref<10000xi32, #tpu.memory_space<hbm>>) target(%arg8 : memref<10000xi32, #tpu.memory_space<vmem>>) target_semaphore(%run_scoped3A_191 : memref<!tpu.dma_semaphore, #tpu.memory_space<semaphore_mem>>)
      %dma_wait3A = tpu.memref_slice %arg4[%run_scoped3A_5, %mul3A_4] : memref<2x320000xi32, #tpu.memory_space<hbm>> -> memref<1x10000xi32, #tpu.memory_space<hbm>>
      %dma_wait3A_196 = tpu.memref_squeeze %dma_wait3A : memref<1x10000xi32, #tpu.memory_space<hbm>> -> memref<10000xi32, #tpu.memory_space<hbm>>
      %dma_wait3A_197 = tpu.memref_slice %arg4[%run_scoped3A_5, %mul3A_4] : memref<2x320000xi32, #tpu.memory_space<hbm>> -> memref<1x10000xi32, #tpu.memory_space<hbm>>
      %dma_wait3A_198 = tpu.memref_squeeze %dma_wait3A_197 : memref<1x10000xi32, #tpu.memory_space<hbm>> -> memref<10000xi32, #tpu.memory_space<hbm>>
      tpu.wait_dma2 semaphore(%run_scoped3A_191 : memref<!tpu.dma_semaphore, #tpu.memory_space<semaphore_mem>>) src(%dma_wait3A_198 : memref<10000xi32, #tpu.memory_space<hbm>>) dst(%arg8 : memref<10000xi32, #tpu.memory_space<vmem>>)
      tpu.yield
    }) : () -> ()
    %scan3A = arith.constant 0 : i32
    %scan3A_6 = arith.constant 0 : i32
    %scan3A_7 = arith.constant 624 : i32
    %scan3A_8 = arith.addi %scan3A_6, %scan3A_7 : i32
    %scan3A_9 = arith.constant 1 : i32
    %scan3A_10 = scf.for %scan3A_191 = %scan3A_6 to %scan3A_8 step %scan3A_9 iter_args(%scan3A_192 = %scan3A) -> (i32)  : i32 {
      %broadcast_in_dim3A = arith.constant 0.000000e+00 : f32
      %broadcast_in_dim3A_193 = vector.broadcast %broadcast_in_dim3A : f32 to vector<16xf32>
      %swap3A = arith.index_cast %scan3A_191 : i32 to index
      %swap3A_194 = arith.constant 0 : index
      %swap3A_195 = tpu.vector_load %arg10[%swap3A, %swap3A_194] {strides = array<i32>} : memref<624x64xf32, #tpu.memory_space<vmem>>, vector<1x16xf32>,
      %swap3A_196 = vector.shape_cast %swap3A_195 : vector<1x16xf32> to vector<16xf32>
      %swap3A_197 = vector.shape_cast %broadcast_in_dim3A_193 : vector<16xf32> to vector<1x16xf32>
      tpu.vector_store %arg10[%swap3A, %swap3A_194], %swap3A_197 {strides = array<i32>} : memref<624x64xf32, #tpu.memory_space<vmem>>, vector<1x16xf32>,
      %broadcast_in_dim3A_198 = arith.constant 0.000000e+00 : f32
      %broadcast_in_dim3A_199 = vector.broadcast %broadcast_in_dim3A_198 : f32 to vector<16xf32>
      %swap3A_200 = arith.index_cast %scan3A_191 : i32 to index
      %swap3A_201 = arith.constant 16 : index
      %swap3A_202 = tpu.vector_load %arg10[%swap3A_200, %swap3A_201] {strides = array<i32>} : memref<624x64xf32, #tpu.memory_space<vmem>>, vector<1x16xf32>,
      %swap3A_203 = vector.shape_cast %swap3A_202 : vector<1x16xf32> to vector<16xf32>
      %swap3A_204 = vector.shape_cast %broadcast_in_dim3A_199 : vector<16xf32> to vector<1x16xf32>
      tpu.vector_store %arg10[%swap3A_200, %swap3A_201], %swap3A_204 {strides = array<i32>} : memref<624x64xf32, #tpu.memory_space<vmem>>, vector<1x16xf32>,
      %broadcast_in_dim3A_205 = arith.constant 0.000000e+00 : f32
      %broadcast_in_dim3A_206 = vector.broadcast %broadcast_in_dim3A_205 : f32 to vector<16xf32>
      %swap3A_207 = arith.index_cast %scan3A_191 : i32 to index
      %swap3A_208 = arith.constant 32 : index
      %swap3A_209 = tpu.vector_load %arg10[%swap3A_207, %swap3A_208] {strides = array<i32>} : memref<624x64xf32, #tpu.memory_space<vmem>>, vector<1x16xf32>,
      %swap3A_210 = vector.shape_cast %swap3A_209 : vector<1x16xf32> to vector<16xf32>
      %swap3A_211 = vector.shape_cast %broadcast_in_dim3A_206 : vector<16xf32> to vector<1x16xf32>
      tpu.vector_store %arg10[%swap3A_207, %swap3A_208], %swap3A_211 {strides = array<i32>} : memref<624x64xf32, #tpu.memory_space<vmem>>, vector<1x16xf32>,
      %broadcast_in_dim3A_212 = arith.constant 0.000000e+00 : f32
      %broadcast_in_dim3A_213 = vector.broadcast %broadcast_in_dim3A_212 : f32 to vector<16xf32>
      %swap3A_214 = arith.index_cast %scan3A_191 : i32 to index
      %swap3A_215 = arith.constant 48 : index
      %swap3A_216 = tpu.vector_load %arg10[%swap3A_214, %swap3A_215] {strides = array<i32>} : memref<624x64xf32, #tpu.memory_space<vmem>>, vector<1x16xf32>,
      %swap3A_217 = vector.shape_cast %swap3A_216 : vector<1x16xf32> to vector<16xf32>
      %swap3A_218 = vector.shape_cast %broadcast_in_dim3A_213 : vector<16xf32> to vector<1x16xf32>
      tpu.vector_store %arg10[%swap3A_214, %swap3A_215], %swap3A_218 {strides = array<i32>} : memref<624x64xf32, #tpu.memory_space<vmem>>, vector<1x16xf32>,
      %scan3A_219 = arith.constant 0 : i32
      scf.yield %scan3A_219 : i32
    }
    %scan3A_11 = arith.constant 624 : i32
    %dma_start3A = arith.constant 0 : i32
    %dma_start3A_12 = arith.constant 0 : i32
    %dma_start3A_13 = arith.constant 0 : i32
    %dma_start3A_14 = arith.constant 0 : i32
    %dma_start3A_15 = tpu.memref_slice %arg9[%dma_start3A, %dma_start3A_13, %dma_start3A_14] : memref<5x80x64xf32, #tpu.memory_space<vmem>> -> memref<1x80x64xf32, #tpu.memory_space<vmem>>
    %dma_start3A_16 = tpu.memref_squeeze %dma_start3A_15 : memref<1x80x64xf32, #tpu.memory_space<vmem>> -> memref<80x64xf32, #tpu.memory_space<vmem>>
    %dma_start3A_17 = arith.constant 0 : i32
    %dma_start3A_18 = tpu.memref_slice %arg7[%dma_start3A_17] : memref<10000xi32, #tpu.memory_space<vmem>> -> memref<80xi32, #tpu.memory_space<vmem>>
    %dma_start3A_19 = arith.constant 0 : i32
    %dma_start3A_20 = arith.constant 0 : i32
    %dma_start3A_21 = tpu.memref_slice %arg2[%dma_start3A_19, %dma_start3A_20] : memref<10000x64xf32, #tpu.memory_space<hbm>> -> memref<10000x64xf32, #tpu.memory_space<hbm>>
    %dma_start3A_22 = tpu.memref_slice %arg12[%dma_start3A_12] : memref<5x!tpu.dma_semaphore, #tpu.memory_space<semaphore_mem>> -> memref<1x!tpu.dma_semaphore, #tpu.memory_space<semaphore_mem>>
    %dma_start3A_23 = tpu.memref_squeeze %dma_start3A_22 : memref<1x!tpu.dma_semaphore, #tpu.memory_space<semaphore_mem>> -> memref<!tpu.dma_semaphore, #tpu.memory_space<semaphore_mem>>
    tpu.enqueue_indirect_dma source(%dma_start3A_21 : memref<10000x64xf32, #tpu.memory_space<hbm>>) target(%dma_start3A_16 : memref<80x64xf32, #tpu.memory_space<vmem>>) offsets(%dma_start3A_18 : memref<80xi32, #tpu.memory_space<vmem>>) semaphore(%dma_start3A_23 : memref<!tpu.dma_semaphore, #tpu.memory_space<semaphore_mem>>)
    %dma_start3A_24 = arith.constant 1 : i32
    %dma_start3A_25 = arith.constant 1 : i32
    %dma_start3A_26 = arith.constant 0 : i32
    %dma_start3A_27 = arith.constant 0 : i32
    %dma_start3A_28 = tpu.memref_slice %arg9[%dma_start3A_24, %dma_start3A_26, %dma_start3A_27] : memref<5x80x64xf32, #tpu.memory_space<vmem>> -> memref<1x80x64xf32, #tpu.memory_space<vmem>>
    %dma_start3A_29 = tpu.memref_squeeze %dma_start3A_28 : memref<1x80x64xf32, #tpu.memory_space<vmem>> -> memref<80x64xf32, #tpu.memory_space<vmem>>
    %dma_start3A_30 = arith.constant 80 : i32
    %dma_start3A_31 = tpu.memref_slice %arg7[%dma_start3A_30] : memref<10000xi32, #tpu.memory_space<vmem>> -> memref<80xi32, #tpu.memory_space<vmem>>
    %dma_start3A_32 = arith.constant 0 : i32
    %dma_start3A_33 = arith.constant 0 : i32
    %dma_start3A_34 = tpu.memref_slice %arg2[%dma_start3A_32, %dma_start3A_33] : memref<10000x64xf32, #tpu.memory_space<hbm>> -> memref<10000x64xf32, #tpu.memory_space<hbm>>
    %dma_start3A_35 = tpu.memref_slice %arg12[%dma_start3A_25] : memref<5x!tpu.dma_semaphore, #tpu.memory_space<semaphore_mem>> -> memref<1x!tpu.dma_semaphore, #tpu.memory_space<semaphore_mem>>
    %dma_start3A_36 = tpu.memref_squeeze %dma_start3A_35 : memref<1x!tpu.dma_semaphore, #tpu.memory_space<semaphore_mem>> -> memref<!tpu.dma_semaphore, #tpu.memory_space<semaphore_mem>>
    tpu.enqueue_indirect_dma source(%dma_start3A_34 : memref<10000x64xf32, #tpu.memory_space<hbm>>) target(%dma_start3A_29 : memref<80x64xf32, #tpu.memory_space<vmem>>) offsets(%dma_start3A_31 : memref<80xi32, #tpu.memory_space<vmem>>) semaphore(%dma_start3A_36 : memref<!tpu.dma_semaphore, #tpu.memory_space<semaphore_mem>>)
    %dma_start3A_37 = arith.constant 2 : i32
    %dma_start3A_38 = arith.constant 2 : i32
    %dma_start3A_39 = arith.constant 0 : i32
    %dma_start3A_40 = arith.constant 0 : i32
    %dma_start3A_41 = tpu.memref_slice %arg9[%dma_start3A_37, %dma_start3A_39, %dma_start3A_40] : memref<5x80x64xf32, #tpu.memory_space<vmem>> -> memref<1x80x64xf32, #tpu.memory_space<vmem>>
    %dma_start3A_42 = tpu.memref_squeeze %dma_start3A_41 : memref<1x80x64xf32, #tpu.memory_space<vmem>> -> memref<80x64xf32, #tpu.memory_space<vmem>>
    %dma_start3A_43 = arith.constant 160 : i32
    %dma_start3A_44 = tpu.memref_slice %arg7[%dma_start3A_43] : memref<10000xi32, #tpu.memory_space<vmem>> -> memref<80xi32, #tpu.memory_space<vmem>>
    %dma_start3A_45 = arith.constant 0 : i32
    %dma_start3A_46 = arith.constant 0 : i32
    %dma_start3A_47 = tpu.memref_slice %arg2[%dma_start3A_45, %dma_start3A_46] : memref<10000x64xf32, #tpu.memory_space<hbm>> -> memref<10000x64xf32, #tpu.memory_space<hbm>>
    %dma_start3A_48 = tpu.memref_slice %arg12[%dma_start3A_38] : memref<5x!tpu.dma_semaphore, #tpu.memory_space<semaphore_mem>> -> memref<1x!tpu.dma_semaphore, #tpu.memory_space<semaphore_mem>>
    %dma_start3A_49 = tpu.memref_squeeze %dma_start3A_48 : memref<1x!tpu.dma_semaphore, #tpu.memory_space<semaphore_mem>> -> memref<!tpu.dma_semaphore, #tpu.memory_space<semaphore_mem>>
    tpu.enqueue_indirect_dma source(%dma_start3A_47 : memref<10000x64xf32, #tpu.memory_space<hbm>>) target(%dma_start3A_42 : memref<80x64xf32, #tpu.memory_space<vmem>>) offsets(%dma_start3A_44 : memref<80xi32, #tpu.memory_space<vmem>>) semaphore(%dma_start3A_49 : memref<!tpu.dma_semaphore, #tpu.memory_space<semaphore_mem>>)
    %dma_start3A_50 = arith.constant 3 : i32
    %dma_start3A_51 = arith.constant 3 : i32
    %dma_start3A_52 = arith.constant 0 : i32
    %dma_start3A_53 = arith.constant 0 : i32
    %dma_start3A_54 = tpu.memref_slice %arg9[%dma_start3A_50, %dma_start3A_52, %dma_start3A_53] : memref<5x80x64xf32, #tpu.memory_space<vmem>> -> memref<1x80x64xf32, #tpu.memory_space<vmem>>
    %dma_start3A_55 = tpu.memref_squeeze %dma_start3A_54 : memref<1x80x64xf32, #tpu.memory_space<vmem>> -> memref<80x64xf32, #tpu.memory_space<vmem>>
    %dma_start3A_56 = arith.constant 240 : i32
    %dma_start3A_57 = tpu.memref_slice %arg7[%dma_start3A_56] : memref<10000xi32, #tpu.memory_space<vmem>> -> memref<80xi32, #tpu.memory_space<vmem>>
    %dma_start3A_58 = arith.constant 0 : i32
    %dma_start3A_59 = arith.constant 0 : i32
    %dma_start3A_60 = tpu.memref_slice %arg2[%dma_start3A_58, %dma_start3A_59] : memref<10000x64xf32, #tpu.memory_space<hbm>> -> memref<10000x64xf32, #tpu.memory_space<hbm>>
    %dma_start3A_61 = tpu.memref_slice %arg12[%dma_start3A_51] : memref<5x!tpu.dma_semaphore, #tpu.memory_space<semaphore_mem>> -> memref<1x!tpu.dma_semaphore, #tpu.memory_space<semaphore_mem>>
    %dma_start3A_62 = tpu.memref_squeeze %dma_start3A_61 : memref<1x!tpu.dma_semaphore, #tpu.memory_space<semaphore_mem>> -> memref<!tpu.dma_semaphore, #tpu.memory_space<semaphore_mem>>
    tpu.enqueue_indirect_dma source(%dma_start3A_60 : memref<10000x64xf32, #tpu.memory_space<hbm>>) target(%dma_start3A_55 : memref<80x64xf32, #tpu.memory_space<vmem>>) offsets(%dma_start3A_57 : memref<80xi32, #tpu.memory_space<vmem>>) semaphore(%dma_start3A_62 : memref<!tpu.dma_semaphore, #tpu.memory_space<semaphore_mem>>)
    %dma_start3A_63 = arith.constant 4 : i32
    %dma_start3A_64 = arith.constant 4 : i32
    %dma_start3A_65 = arith.constant 0 : i32
    %dma_start3A_66 = arith.constant 0 : i32
    %dma_start3A_67 = tpu.memref_slice %arg9[%dma_start3A_63, %dma_start3A_65, %dma_start3A_66] : memref<5x80x64xf32, #tpu.memory_space<vmem>> -> memref<1x80x64xf32, #tpu.memory_space<vmem>>
    %dma_start3A_68 = tpu.memref_squeeze %dma_start3A_67 : memref<1x80x64xf32, #tpu.memory_space<vmem>> -> memref<80x64xf32, #tpu.memory_space<vmem>>
    %dma_start3A_69 = arith.constant 320 : i32
    %dma_start3A_70 = tpu.memref_slice %arg7[%dma_start3A_69] : memref<10000xi32, #tpu.memory_space<vmem>> -> memref<80xi32, #tpu.memory_space<vmem>>
    %dma_start3A_71 = arith.constant 0 : i32
    %dma_start3A_72 = arith.constant 0 : i32
    %dma_start3A_73 = tpu.memref_slice %arg2[%dma_start3A_71, %dma_start3A_72] : memref<10000x64xf32, #tpu.memory_space<hbm>> -> memref<10000x64xf32, #tpu.memory_space<hbm>>
    %dma_start3A_74 = tpu.memref_slice %arg12[%dma_start3A_64] : memref<5x!tpu.dma_semaphore, #tpu.memory_space<semaphore_mem>> -> memref<1x!tpu.dma_semaphore, #tpu.memory_space<semaphore_mem>>
    %dma_start3A_75 = tpu.memref_squeeze %dma_start3A_74 : memref<1x!tpu.dma_semaphore, #tpu.memory_space<semaphore_mem>> -> memref<!tpu.dma_semaphore, #tpu.memory_space<semaphore_mem>>
    tpu.enqueue_indirect_dma source(%dma_start3A_73 : memref<10000x64xf32, #tpu.memory_space<hbm>>) target(%dma_start3A_68 : memref<80x64xf32, #tpu.memory_space<vmem>>) offsets(%dma_start3A_70 : memref<80xi32, #tpu.memory_space<vmem>>) semaphore(%dma_start3A_75 : memref<!tpu.dma_semaphore, #tpu.memory_space<semaphore_mem>>)
    %mul3A_76 = arith.constant 624 : i32
    %mul3A_77 = arith.muli %arg1, %mul3A_76 : i32
    "tpu.region"() ({
      %run_scoped3A_191 = tpu.sem_alloc : memref<!tpu.dma_semaphore, #tpu.memory_space<semaphore_mem>>
      %dma_start3A_192 = arith.constant 0 : i32
      %dma_start3A_193 = tpu.memref_slice %arg11[%mul3A_77, %dma_start3A_192] : memref<10000x64xf32, #tpu.memory_space<vmem_shared>> -> memref<624x64xf32, #tpu.memory_space<vmem_shared>>
      %dma_start3A_194 = arith.constant 0 : i32
      %dma_start3A_195 = tpu.memref_slice %arg11[%mul3A_77, %dma_start3A_194] : memref<10000x64xf32, #tpu.memory_space<vmem_shared>> -> memref<624x64xf32, #tpu.memory_space<vmem_shared>>
      tpu.enqueue_dma source(%arg10 : memref<624x64xf32, #tpu.memory_space<vmem>>) target(%dma_start3A_195 : memref<624x64xf32, #tpu.memory_space<vmem_shared>>) target_semaphore(%run_scoped3A_191 : memref<!tpu.dma_semaphore, #tpu.memory_space<semaphore_mem>>)
      %dma_wait3A = arith.constant 0 : i32
      %dma_wait3A_196 = tpu.memref_slice %arg11[%mul3A_77, %dma_wait3A] : memref<10000x64xf32, #tpu.memory_space<vmem_shared>> -> memref<624x64xf32, #tpu.memory_space<vmem_shared>>
      %dma_wait3A_197 = arith.constant 0 : i32
      %dma_wait3A_198 = tpu.memref_slice %arg11[%mul3A_77, %dma_wait3A_197] : memref<10000x64xf32, #tpu.memory_space<vmem_shared>> -> memref<624x64xf32, #tpu.memory_space<vmem_shared>>
      tpu.wait_dma2 semaphore(%run_scoped3A_191 : memref<!tpu.dma_semaphore, #tpu.memory_space<semaphore_mem>>) src(%arg10 : memref<624x64xf32, #tpu.memory_space<vmem>>) dst(%dma_wait3A_198 : memref<624x64xf32, #tpu.memory_space<vmem_shared>>)
      tpu.yield
    }) : () -> ()
    %eq3A = arith.constant 15 : i32
    %eq3A_78 = arith.cmpi eq, %arg1, %eq3A : i32
    %convert_element_type3A = arith.extui %eq3A_78 : i1 to i32
    %cond3A = arith.constant 0 : i32
    %cond3A_79 = arith.cmpi ne, %convert_element_type3A, %cond3A : i32
    scf.if %cond3A_79 {
      "tpu.region"() ({
        %run_scoped3A_191 = tpu.sem_alloc : memref<!tpu.dma_semaphore, #tpu.memory_space<semaphore_mem>>
        %dma_start3A_192 = arith.constant 0 : i32
        %dma_start3A_193 = arith.constant 0 : i32
        %dma_start3A_194 = tpu.memref_slice %arg10[%dma_start3A_192, %dma_start3A_193] : memref<624x64xf32, #tpu.memory_space<vmem>> -> memref<16x64xf32, #tpu.memory_space<vmem>>
        %dma_start3A_195 = arith.constant 9984 : i32
        %dma_start3A_196 = arith.constant 0 : i32
        %dma_start3A_197 = tpu.memref_slice %arg11[%dma_start3A_195, %dma_start3A_196] : memref<10000x64xf32, #tpu.memory_space<vmem_shared>> -> memref<16x64xf32, #tpu.memory_space<vmem_shared>>
        %dma_start3A_198 = arith.constant 9984 : i32
        %dma_start3A_199 = arith.constant 0 : i32
        %dma_start3A_200 = tpu.memref_slice %arg11[%dma_start3A_198, %dma_start3A_199] : memref<10000x64xf32, #tpu.memory_space<vmem_shared>> -> memref<16x64xf32, #tpu.memory_space<vmem_shared>>
        %dma_start3A_201 = arith.constant 0 : i32
        %dma_start3A_202 = arith.constant 0 : i32
        %dma_start3A_203 = tpu.memref_slice %arg10[%dma_start3A_201, %dma_start3A_202] : memref<624x64xf32, #tpu.memory_space<vmem>> -> memref<16x64xf32, #tpu.memory_space<vmem>>
        tpu.enqueue_dma source(%dma_start3A_203 : memref<16x64xf32, #tpu.memory_space<vmem>>) target(%dma_start3A_200 : memref<16x64xf32, #tpu.memory_space<vmem_shared>>) target_semaphore(%run_scoped3A_191 : memref<!tpu.dma_semaphore, #tpu.memory_space<semaphore_mem>>)
        %dma_wait3A = arith.constant 0 : i32
        %dma_wait3A_204 = arith.constant 0 : i32
        %dma_wait3A_205 = tpu.memref_slice %arg10[%dma_wait3A, %dma_wait3A_204] : memref<624x64xf32, #tpu.memory_space<vmem>> -> memref<16x64xf32, #tpu.memory_space<vmem>>
        %dma_wait3A_206 = arith.constant 9984 : i32
        %dma_wait3A_207 = arith.constant 0 : i32
        %dma_wait3A_208 = tpu.memref_slice %arg11[%dma_wait3A_206, %dma_wait3A_207] : memref<10000x64xf32, #tpu.memory_space<vmem_shared>> -> memref<16x64xf32, #tpu.memory_space<vmem_shared>>
        %dma_wait3A_209 = arith.constant 9984 : i32
        %dma_wait3A_210 = arith.constant 0 : i32
        %dma_wait3A_211 = tpu.memref_slice %arg11[%dma_wait3A_209, %dma_wait3A_210] : memref<10000x64xf32, #tpu.memory_space<vmem_shared>> -> memref<16x64xf32, #tpu.memory_space<vmem_shared>>
        %dma_wait3A_212 = arith.constant 0 : i32
        %dma_wait3A_213 = arith.constant 0 : i32
        %dma_wait3A_214 = tpu.memref_slice %arg10[%dma_wait3A_212, %dma_wait3A_213] : memref<624x64xf32, #tpu.memory_space<vmem>> -> memref<16x64xf32, #tpu.memory_space<vmem>>
        tpu.wait_dma2 semaphore(%run_scoped3A_191 : memref<!tpu.dma_semaphore, #tpu.memory_space<semaphore_mem>>) src(%dma_wait3A_214 : memref<16x64xf32, #tpu.memory_space<vmem>>) dst(%dma_wait3A_211 : memref<16x64xf32, #tpu.memory_space<vmem_shared>>)
        tpu.yield
      }) : () -> ()
    } else {
    }
    %barrier3A = arith.constant 0 : index
    tpu.barrier barrier_id(%barrier3A)
    %scan3A_80 = arith.constant 0 : i32
    %scan3A_81 = arith.constant 0 : i32
    %scan3A_82 = arith.constant 25 : i32
    %scan3A_83 = arith.addi %scan3A_81, %scan3A_82 : i32
    %scan3A_84 = arith.constant 1 : i32
    %scan3A_85 = scf.for %scan3A_191 = %scan3A_81 to %scan3A_83 step %scan3A_84 iter_args(%scan3A_192 = %scan3A_80) -> (i32)  : i32 {
      %mul3A_193 = arith.constant 5 : i32
      %mul3A_194 = arith.muli %scan3A_191, %mul3A_193 : i32
      %add3A_195 = arith.constant 0 : i32
      %add3A_196 = arith.addi %mul3A_194, %add3A_195 : i32
      %mul3A_197 = arith.constant 80 : i32
      %mul3A_198 = arith.muli %add3A_196, %mul3A_197 : i32
      %dma_wait3A = arith.constant 0 : i32
      %dma_wait3A_199 = arith.constant 0 : i32
      %dma_wait3A_200 = arith.constant 0 : i32
      %dma_wait3A_201 = arith.constant 0 : i32
      %dma_wait3A_202 = tpu.memref_slice %arg9[%dma_wait3A, %dma_wait3A_200, %dma_wait3A_201] : memref<5x80x64xf32, #tpu.memory_space<vmem>> -> memref<1x80x64xf32, #tpu.memory_space<vmem>>
      %dma_wait3A_203 = tpu.memref_squeeze %dma_wait3A_202 : memref<1x80x64xf32, #tpu.memory_space<vmem>> -> memref<80x64xf32, #tpu.memory_space<vmem>>
      %dma_wait3A_204 = tpu.memref_slice %arg7[%mul3A_198] : memref<10000xi32, #tpu.memory_space<vmem>> -> memref<80xi32, #tpu.memory_space<vmem>>
      %dma_wait3A_205 = arith.constant 0 : i32
      %dma_wait3A_206 = arith.constant 0 : i32
      %dma_wait3A_207 = tpu.memref_slice %arg2[%dma_wait3A_205, %dma_wait3A_206] : memref<10000x64xf32, #tpu.memory_space<hbm>> -> memref<10000x64xf32, #tpu.memory_space<hbm>>
      %dma_wait3A_208 = tpu.memref_slice %arg12[%dma_wait3A_199] : memref<5x!tpu.dma_semaphore, #tpu.memory_space<semaphore_mem>> -> memref<1x!tpu.dma_semaphore, #tpu.memory_space<semaphore_mem>>
      %dma_wait3A_209 = tpu.memref_squeeze %dma_wait3A_208 : memref<1x!tpu.dma_semaphore, #tpu.memory_space<semaphore_mem>> -> memref<!tpu.dma_semaphore, #tpu.memory_space<semaphore_mem>>
      tpu.wait_indirect_dma semaphore(%dma_wait3A_209 : memref<!tpu.dma_semaphore, #tpu.memory_space<semaphore_mem>>) src(%dma_wait3A_207 : memref<10000x64xf32, #tpu.memory_space<hbm>>) dst(%dma_wait3A_203 : memref<80x64xf32, #tpu.memory_space<vmem>>)
      %mul3A_210 = arith.constant 80 : i32
      %mul3A_211 = arith.muli %add3A_196, %mul3A_210 : i32
      %run_scoped3A_212 = arith.constant 0 : i32
      "tpu.region"() ({
        %run_scoped3A_332 = tpu.sem_alloc : memref<!tpu.dma_semaphore, #tpu.memory_space<semaphore_mem>>
        %dma_start3A_333 = arith.constant 0 : i32
        %dma_start3A_334 = arith.constant 0 : i32
        %dma_start3A_335 = tpu.memref_slice %arg9[%run_scoped3A_212, %dma_start3A_333, %dma_start3A_334] : memref<5x80x64xf32, #tpu.memory_space<vmem>> -> memref<1x80x64xf32, #tpu.memory_space<vmem>>
        %dma_start3A_336 = tpu.memref_squeeze %dma_start3A_335 : memref<1x80x64xf32, #tpu.memory_space<vmem>> -> memref<80x64xf32, #tpu.memory_space<vmem>>
        %dma_start3A_337 = tpu.memref_slice %arg8[%mul3A_211] : memref<10000xi32, #tpu.memory_space<vmem>> -> memref<80xi32, #tpu.memory_space<vmem>>
        %dma_start3A_338 = arith.constant 0 : i32
        %dma_start3A_339 = arith.constant 0 : i32
        %dma_start3A_340 = tpu.memref_slice %arg11[%dma_start3A_338, %dma_start3A_339] : memref<10000x64xf32, #tpu.memory_space<vmem_shared>> -> memref<10000x64xf32, #tpu.memory_space<vmem_shared>>
        tpu.enqueue_indirect_dma source(%dma_start3A_336 : memref<80x64xf32, #tpu.memory_space<vmem>>) target(%dma_start3A_340 : memref<10000x64xf32, #tpu.memory_space<vmem_shared>>) offsets(%dma_start3A_337 : memref<80xi32, #tpu.memory_space<vmem>>) semaphore(%run_scoped3A_332 : memref<!tpu.dma_semaphore, #tpu.memory_space<semaphore_mem>>) {add = true}
        %dma_wait3A_341 = arith.constant 0 : i32
        %dma_wait3A_342 = arith.constant 0 : i32
        %dma_wait3A_343 = tpu.memref_slice %arg9[%run_scoped3A_212, %dma_wait3A_341, %dma_wait3A_342] : memref<5x80x64xf32, #tpu.memory_space<vmem>> -> memref<1x80x64xf32, #tpu.memory_space<vmem>>
        %dma_wait3A_344 = tpu.memref_squeeze %dma_wait3A_343 : memref<1x80x64xf32, #tpu.memory_space<vmem>> -> memref<80x64xf32, #tpu.memory_space<vmem>>
        %dma_wait3A_345 = tpu.memref_slice %arg8[%mul3A_211] : memref<10000xi32, #tpu.memory_space<vmem>> -> memref<80xi32, #tpu.memory_space<vmem>>
        %dma_wait3A_346 = arith.constant 0 : i32
        %dma_wait3A_347 = arith.constant 0 : i32
        %dma_wait3A_348 = tpu.memref_slice %arg11[%dma_wait3A_346, %dma_wait3A_347] : memref<10000x64xf32, #tpu.memory_space<vmem_shared>> -> memref<10000x64xf32, #tpu.memory_space<vmem_shared>>
        tpu.wait_indirect_dma semaphore(%run_scoped3A_332 : memref<!tpu.dma_semaphore, #tpu.memory_space<semaphore_mem>>) src(%dma_wait3A_344 : memref<80x64xf32, #tpu.memory_space<vmem>>) dst(%dma_wait3A_348 : memref<10000x64xf32, #tpu.memory_space<vmem_shared>>)
        tpu.yield
      }) : () -> ()
      %add3A_213 = arith.constant 5 : i32
      %add3A_214 = arith.addi %add3A_196, %add3A_213 : i32
      %lt3A = arith.constant 125 : i32
      %lt3A_215 = arith.cmpi slt, %add3A_214, %lt3A : i32
      %convert_element_type3A_216 = arith.extui %lt3A_215 : i1 to i32
      %cond3A_217 = arith.constant 0 : i32
      %cond3A_218 = arith.cmpi ne, %convert_element_type3A_216, %cond3A_217 : i32
      scf.if %cond3A_218 {
        %mul3A_332 = arith.constant 80 : i32
        %mul3A_333 = arith.muli %add3A_214, %mul3A_332 : i32
        %dma_start3A_334 = arith.constant 0 : i32
        %dma_start3A_335 = arith.constant 0 : i32
        %dma_start3A_336 = arith.constant 0 : i32
        %dma_start3A_337 = arith.constant 0 : i32
        %dma_start3A_338 = tpu.memref_slice %arg9[%dma_start3A_334, %dma_start3A_336, %dma_start3A_337] : memref<5x80x64xf32, #tpu.memory_space<vmem>> -> memref<1x80x64xf32, #tpu.memory_space<vmem>>
        %dma_start3A_339 = tpu.memref_squeeze %dma_start3A_338 : memref<1x80x64xf32, #tpu.memory_space<vmem>> -> memref<80x64xf32, #tpu.memory_space<vmem>>
        %dma_start3A_340 = tpu.memref_slice %arg7[%mul3A_333] : memref<10000xi32, #tpu.memory_space<vmem>> -> memref<80xi32, #tpu.memory_space<vmem>>
        %dma_start3A_341 = arith.constant 0 : i32
        %dma_start3A_342 = arith.constant 0 : i32
        %dma_start3A_343 = tpu.memref_slice %arg2[%dma_start3A_341, %dma_start3A_342] : memref<10000x64xf32, #tpu.memory_space<hbm>> -> memref<10000x64xf32, #tpu.memory_space<hbm>>
        %dma_start3A_344 = tpu.memref_slice %arg12[%dma_start3A_335] : memref<5x!tpu.dma_semaphore, #tpu.memory_space<semaphore_mem>> -> memref<1x!tpu.dma_semaphore, #tpu.memory_space<semaphore_mem>>
        %dma_start3A_345 = tpu.memref_squeeze %dma_start3A_344 : memref<1x!tpu.dma_semaphore, #tpu.memory_space<semaphore_mem>> -> memref<!tpu.dma_semaphore, #tpu.memory_space<semaphore_mem>>
        tpu.enqueue_indirect_dma source(%dma_start3A_343 : memref<10000x64xf32, #tpu.memory_space<hbm>>) target(%dma_start3A_339 : memref<80x64xf32, #tpu.memory_space<vmem>>) offsets(%dma_start3A_340 : memref<80xi32, #tpu.memory_space<vmem>>) semaphore(%dma_start3A_345 : memref<!tpu.dma_semaphore, #tpu.memory_space<semaphore_mem>>)
      } else {
      }
      %mul3A_219 = arith.constant 5 : i32
      %mul3A_220 = arith.muli %scan3A_191, %mul3A_219 : i32
      %add3A_221 = arith.constant 1 : i32
      %add3A_222 = arith.addi %mul3A_220, %add3A_221 : i32
      %mul3A_223 = arith.constant 80 : i32
      %mul3A_224 = arith.muli %add3A_222, %mul3A_223 : i32
      %dma_wait3A_225 = arith.constant 1 : i32
      %dma_wait3A_226 = arith.constant 1 : i32
      %dma_wait3A_227 = arith.constant 0 : i32
      %dma_wait3A_228 = arith.constant 0 : i32
      %dma_wait3A_229 = tpu.memref_slice %arg9[%dma_wait3A_225, %dma_wait3A_227, %dma_wait3A_228] : memref<5x80x64xf32, #tpu.memory_space<vmem>> -> memref<1x80x64xf32, #tpu.memory_space<vmem>>
      %dma_wait3A_230 = tpu.memref_squeeze %dma_wait3A_229 : memref<1x80x64xf32, #tpu.memory_space<vmem>> -> memref<80x64xf32, #tpu.memory_space<vmem>>
      %dma_wait3A_231 = tpu.memref_slice %arg7[%mul3A_224] : memref<10000xi32, #tpu.memory_space<vmem>> -> memref<80xi32, #tpu.memory_space<vmem>>
      %dma_wait3A_232 = arith.constant 0 : i32
      %dma_wait3A_233 = arith.constant 0 : i32
      %dma_wait3A_234 = tpu.memref_slice %arg2[%dma_wait3A_232, %dma_wait3A_233] : memref<10000x64xf32, #tpu.memory_space<hbm>> -> memref<10000x64xf32, #tpu.memory_space<hbm>>
      %dma_wait3A_235 = tpu.memref_slice %arg12[%dma_wait3A_226] : memref<5x!tpu.dma_semaphore, #tpu.memory_space<semaphore_mem>> -> memref<1x!tpu.dma_semaphore, #tpu.memory_space<semaphore_mem>>
      %dma_wait3A_236 = tpu.memref_squeeze %dma_wait3A_235 : memref<1x!tpu.dma_semaphore, #tpu.memory_space<semaphore_mem>> -> memref<!tpu.dma_semaphore, #tpu.memory_space<semaphore_mem>>
      tpu.wait_indirect_dma semaphore(%dma_wait3A_236 : memref<!tpu.dma_semaphore, #tpu.memory_space<semaphore_mem>>) src(%dma_wait3A_234 : memref<10000x64xf32, #tpu.memory_space<hbm>>) dst(%dma_wait3A_230 : memref<80x64xf32, #tpu.memory_space<vmem>>)
      %mul3A_237 = arith.constant 80 : i32
      %mul3A_238 = arith.muli %add3A_222, %mul3A_237 : i32
      %run_scoped3A_239 = arith.constant 1 : i32
      "tpu.region"() ({
        %run_scoped3A_332 = tpu.sem_alloc : memref<!tpu.dma_semaphore, #tpu.memory_space<semaphore_mem>>
        %dma_start3A_333 = arith.constant 0 : i32
        %dma_start3A_334 = arith.constant 0 : i32
        %dma_start3A_335 = tpu.memref_slice %arg9[%run_scoped3A_239, %dma_start3A_333, %dma_start3A_334] : memref<5x80x64xf32, #tpu.memory_space<vmem>> -> memref<1x80x64xf32, #tpu.memory_space<vmem>>
        %dma_start3A_336 = tpu.memref_squeeze %dma_start3A_335 : memref<1x80x64xf32, #tpu.memory_space<vmem>> -> memref<80x64xf32, #tpu.memory_space<vmem>>
        %dma_start3A_337 = tpu.memref_slice %arg8[%mul3A_238] : memref<10000xi32, #tpu.memory_space<vmem>> -> memref<80xi32, #tpu.memory_space<vmem>>
        %dma_start3A_338 = arith.constant 0 : i32
        %dma_start3A_339 = arith.constant 0 : i32
        %dma_start3A_340 = tpu.memref_slice %arg11[%dma_start3A_338, %dma_start3A_339] : memref<10000x64xf32, #tpu.memory_space<vmem_shared>> -> memref<10000x64xf32, #tpu.memory_space<vmem_shared>>
        tpu.enqueue_indirect_dma source(%dma_start3A_336 : memref<80x64xf32, #tpu.memory_space<vmem>>) target(%dma_start3A_340 : memref<10000x64xf32, #tpu.memory_space<vmem_shared>>) offsets(%dma_start3A_337 : memref<80xi32, #tpu.memory_space<vmem>>) semaphore(%run_scoped3A_332 : memref<!tpu.dma_semaphore, #tpu.memory_space<semaphore_mem>>) {add = true}
        %dma_wait3A_341 = arith.constant 0 : i32
        %dma_wait3A_342 = arith.constant 0 : i32
        %dma_wait3A_343 = tpu.memref_slice %arg9[%run_scoped3A_239, %dma_wait3A_341, %dma_wait3A_342] : memref<5x80x64xf32, #tpu.memory_space<vmem>> -> memref<1x80x64xf32, #tpu.memory_space<vmem>>
        %dma_wait3A_344 = tpu.memref_squeeze %dma_wait3A_343 : memref<1x80x64xf32, #tpu.memory_space<vmem>> -> memref<80x64xf32, #tpu.memory_space<vmem>>
        %dma_wait3A_345 = tpu.memref_slice %arg8[%mul3A_238] : memref<10000xi32, #tpu.memory_space<vmem>> -> memref<80xi32, #tpu.memory_space<vmem>>
        %dma_wait3A_346 = arith.constant 0 : i32
        %dma_wait3A_347 = arith.constant 0 : i32
        %dma_wait3A_348 = tpu.memref_slice %arg11[%dma_wait3A_346, %dma_wait3A_347] : memref<10000x64xf32, #tpu.memory_space<vmem_shared>> -> memref<10000x64xf32, #tpu.memory_space<vmem_shared>>
        tpu.wait_indirect_dma semaphore(%run_scoped3A_332 : memref<!tpu.dma_semaphore, #tpu.memory_space<semaphore_mem>>) src(%dma_wait3A_344 : memref<80x64xf32, #tpu.memory_space<vmem>>) dst(%dma_wait3A_348 : memref<10000x64xf32, #tpu.memory_space<vmem_shared>>)
        tpu.yield
      }) : () -> ()
      %add3A_240 = arith.constant 5 : i32
      %add3A_241 = arith.addi %add3A_222, %add3A_240 : i32
      %lt3A_242 = arith.constant 125 : i32
      %lt3A_243 = arith.cmpi slt, %add3A_241, %lt3A_242 : i32
      %convert_element_type3A_244 = arith.extui %lt3A_243 : i1 to i32
      %cond3A_245 = arith.constant 0 : i32
      %cond3A_246 = arith.cmpi ne, %convert_element_type3A_244, %cond3A_245 : i32
      scf.if %cond3A_246 {
        %mul3A_332 = arith.constant 80 : i32
        %mul3A_333 = arith.muli %add3A_241, %mul3A_332 : i32
        %dma_start3A_334 = arith.constant 1 : i32
        %dma_start3A_335 = arith.constant 1 : i32
        %dma_start3A_336 = arith.constant 0 : i32
        %dma_start3A_337 = arith.constant 0 : i32
        %dma_start3A_338 = tpu.memref_slice %arg9[%dma_start3A_334, %dma_start3A_336, %dma_start3A_337] : memref<5x80x64xf32, #tpu.memory_space<vmem>> -> memref<1x80x64xf32, #tpu.memory_space<vmem>>
        %dma_start3A_339 = tpu.memref_squeeze %dma_start3A_338 : memref<1x80x64xf32, #tpu.memory_space<vmem>> -> memref<80x64xf32, #tpu.memory_space<vmem>>
        %dma_start3A_340 = tpu.memref_slice %arg7[%mul3A_333] : memref<10000xi32, #tpu.memory_space<vmem>> -> memref<80xi32, #tpu.memory_space<vmem>>
        %dma_start3A_341 = arith.constant 0 : i32
        %dma_start3A_342 = arith.constant 0 : i32
        %dma_start3A_343 = tpu.memref_slice %arg2[%dma_start3A_341, %dma_start3A_342] : memref<10000x64xf32, #tpu.memory_space<hbm>> -> memref<10000x64xf32, #tpu.memory_space<hbm>>
        %dma_start3A_344 = tpu.memref_slice %arg12[%dma_start3A_335] : memref<5x!tpu.dma_semaphore, #tpu.memory_space<semaphore_mem>> -> memref<1x!tpu.dma_semaphore, #tpu.memory_space<semaphore_mem>>
        %dma_start3A_345 = tpu.memref_squeeze %dma_start3A_344 : memref<1x!tpu.dma_semaphore, #tpu.memory_space<semaphore_mem>> -> memref<!tpu.dma_semaphore, #tpu.memory_space<semaphore_mem>>
        tpu.enqueue_indirect_dma source(%dma_start3A_343 : memref<10000x64xf32, #tpu.memory_space<hbm>>) target(%dma_start3A_339 : memref<80x64xf32, #tpu.memory_space<vmem>>) offsets(%dma_start3A_340 : memref<80xi32, #tpu.memory_space<vmem>>) semaphore(%dma_start3A_345 : memref<!tpu.dma_semaphore, #tpu.memory_space<semaphore_mem>>)
      } else {
      }
      %mul3A_247 = arith.constant 5 : i32
      %mul3A_248 = arith.muli %scan3A_191, %mul3A_247 : i32
      %add3A_249 = arith.constant 2 : i32
      %add3A_250 = arith.addi %mul3A_248, %add3A_249 : i32
      %mul3A_251 = arith.constant 80 : i32
      %mul3A_252 = arith.muli %add3A_250, %mul3A_251 : i32
      %dma_wait3A_253 = arith.constant 2 : i32
      %dma_wait3A_254 = arith.constant 2 : i32
      %dma_wait3A_255 = arith.constant 0 : i32
      %dma_wait3A_256 = arith.constant 0 : i32
      %dma_wait3A_257 = tpu.memref_slice %arg9[%dma_wait3A_253, %dma_wait3A_255, %dma_wait3A_256] : memref<5x80x64xf32, #tpu.memory_space<vmem>> -> memref<1x80x64xf32, #tpu.memory_space<vmem>>
      %dma_wait3A_258 = tpu.memref_squeeze %dma_wait3A_257 : memref<1x80x64xf32, #tpu.memory_space<vmem>> -> memref<80x64xf32, #tpu.memory_space<vmem>>
      %dma_wait3A_259 = tpu.memref_slice %arg7[%mul3A_252] : memref<10000xi32, #tpu.memory_space<vmem>> -> memref<80xi32, #tpu.memory_space<vmem>>
      %dma_wait3A_260 = arith.constant 0 : i32
      %dma_wait3A_261 = arith.constant 0 : i32
      %dma_wait3A_262 = tpu.memref_slice %arg2[%dma_wait3A_260, %dma_wait3A_261] : memref<10000x64xf32, #tpu.memory_space<hbm>> -> memref<10000x64xf32, #tpu.memory_space<hbm>>
      %dma_wait3A_263 = tpu.memref_slice %arg12[%dma_wait3A_254] : memref<5x!tpu.dma_semaphore, #tpu.memory_space<semaphore_mem>> -> memref<1x!tpu.dma_semaphore, #tpu.memory_space<semaphore_mem>>
      %dma_wait3A_264 = tpu.memref_squeeze %dma_wait3A_263 : memref<1x!tpu.dma_semaphore, #tpu.memory_space<semaphore_mem>> -> memref<!tpu.dma_semaphore, #tpu.memory_space<semaphore_mem>>
      tpu.wait_indirect_dma semaphore(%dma_wait3A_264 : memref<!tpu.dma_semaphore, #tpu.memory_space<semaphore_mem>>) src(%dma_wait3A_262 : memref<10000x64xf32, #tpu.memory_space<hbm>>) dst(%dma_wait3A_258 : memref<80x64xf32, #tpu.memory_space<vmem>>)
      %mul3A_265 = arith.constant 80 : i32
      %mul3A_266 = arith.muli %add3A_250, %mul3A_265 : i32
      %run_scoped3A_267 = arith.constant 2 : i32
      "tpu.region"() ({
        %run_scoped3A_332 = tpu.sem_alloc : memref<!tpu.dma_semaphore, #tpu.memory_space<semaphore_mem>>
        %dma_start3A_333 = arith.constant 0 : i32
        %dma_start3A_334 = arith.constant 0 : i32
        %dma_start3A_335 = tpu.memref_slice %arg9[%run_scoped3A_267, %dma_start3A_333, %dma_start3A_334] : memref<5x80x64xf32, #tpu.memory_space<vmem>> -> memref<1x80x64xf32, #tpu.memory_space<vmem>>
        %dma_start3A_336 = tpu.memref_squeeze %dma_start3A_335 : memref<1x80x64xf32, #tpu.memory_space<vmem>> -> memref<80x64xf32, #tpu.memory_space<vmem>>
        %dma_start3A_337 = tpu.memref_slice %arg8[%mul3A_266] : memref<10000xi32, #tpu.memory_space<vmem>> -> memref<80xi32, #tpu.memory_space<vmem>>
        %dma_start3A_338 = arith.constant 0 : i32
        %dma_start3A_339 = arith.constant 0 : i32
        %dma_start3A_340 = tpu.memref_slice %arg11[%dma_start3A_338, %dma_start3A_339] : memref<10000x64xf32, #tpu.memory_space<vmem_shared>> -> memref<10000x64xf32, #tpu.memory_space<vmem_shared>>
        tpu.enqueue_indirect_dma source(%dma_start3A_336 : memref<80x64xf32, #tpu.memory_space<vmem>>) target(%dma_start3A_340 : memref<10000x64xf32, #tpu.memory_space<vmem_shared>>) offsets(%dma_start3A_337 : memref<80xi32, #tpu.memory_space<vmem>>) semaphore(%run_scoped3A_332 : memref<!tpu.dma_semaphore, #tpu.memory_space<semaphore_mem>>) {add = true}
        %dma_wait3A_341 = arith.constant 0 : i32
        %dma_wait3A_342 = arith.constant 0 : i32
        %dma_wait3A_343 = tpu.memref_slice %arg9[%run_scoped3A_267, %dma_wait3A_341, %dma_wait3A_342] : memref<5x80x64xf32, #tpu.memory_space<vmem>> -> memref<1x80x64xf32, #tpu.memory_space<vmem>>
        %dma_wait3A_344 = tpu.memref_squeeze %dma_wait3A_343 : memref<1x80x64xf32, #tpu.memory_space<vmem>> -> memref<80x64xf32, #tpu.memory_space<vmem>>
        %dma_wait3A_345 = tpu.memref_slice %arg8[%mul3A_266] : memref<10000xi32, #tpu.memory_space<vmem>> -> memref<80xi32, #tpu.memory_space<vmem>>
        %dma_wait3A_346 = arith.constant 0 : i32
        %dma_wait3A_347 = arith.constant 0 : i32
        %dma_wait3A_348 = tpu.memref_slice %arg11[%dma_wait3A_346, %dma_wait3A_347] : memref<10000x64xf32, #tpu.memory_space<vmem_shared>> -> memref<10000x64xf32, #tpu.memory_space<vmem_shared>>
        tpu.wait_indirect_dma semaphore(%run_scoped3A_332 : memref<!tpu.dma_semaphore, #tpu.memory_space<semaphore_mem>>) src(%dma_wait3A_344 : memref<80x64xf32, #tpu.memory_space<vmem>>) dst(%dma_wait3A_348 : memref<10000x64xf32, #tpu.memory_space<vmem_shared>>)
        tpu.yield
      }) : () -> ()
      %add3A_268 = arith.constant 5 : i32
      %add3A_269 = arith.addi %add3A_250, %add3A_268 : i32
      %lt3A_270 = arith.constant 125 : i32
      %lt3A_271 = arith.cmpi slt, %add3A_269, %lt3A_270 : i32
      %convert_element_type3A_272 = arith.extui %lt3A_271 : i1 to i32
      %cond3A_273 = arith.constant 0 : i32
      %cond3A_274 = arith.cmpi ne, %convert_element_type3A_272, %cond3A_273 : i32
      scf.if %cond3A_274 {
        %mul3A_332 = arith.constant 80 : i32
        %mul3A_333 = arith.muli %add3A_269, %mul3A_332 : i32
        %dma_start3A_334 = arith.constant 2 : i32
        %dma_start3A_335 = arith.constant 2 : i32
        %dma_start3A_336 = arith.constant 0 : i32
        %dma_start3A_337 = arith.constant 0 : i32
        %dma_start3A_338 = tpu.memref_slice %arg9[%dma_start3A_334, %dma_start3A_336, %dma_start3A_337] : memref<5x80x64xf32, #tpu.memory_space<vmem>> -> memref<1x80x64xf32, #tpu.memory_space<vmem>>
        %dma_start3A_339 = tpu.memref_squeeze %dma_start3A_338 : memref<1x80x64xf32, #tpu.memory_space<vmem>> -> memref<80x64xf32, #tpu.memory_space<vmem>>
        %dma_start3A_340 = tpu.memref_slice %arg7[%mul3A_333] : memref<10000xi32, #tpu.memory_space<vmem>> -> memref<80xi32, #tpu.memory_space<vmem>>
        %dma_start3A_341 = arith.constant 0 : i32
        %dma_start3A_342 = arith.constant 0 : i32
        %dma_start3A_343 = tpu.memref_slice %arg2[%dma_start3A_341, %dma_start3A_342] : memref<10000x64xf32, #tpu.memory_space<hbm>> -> memref<10000x64xf32, #tpu.memory_space<hbm>>
        %dma_start3A_344 = tpu.memref_slice %arg12[%dma_start3A_335] : memref<5x!tpu.dma_semaphore, #tpu.memory_space<semaphore_mem>> -> memref<1x!tpu.dma_semaphore, #tpu.memory_space<semaphore_mem>>
        %dma_start3A_345 = tpu.memref_squeeze %dma_start3A_344 : memref<1x!tpu.dma_semaphore, #tpu.memory_space<semaphore_mem>> -> memref<!tpu.dma_semaphore, #tpu.memory_space<semaphore_mem>>
        tpu.enqueue_indirect_dma source(%dma_start3A_343 : memref<10000x64xf32, #tpu.memory_space<hbm>>) target(%dma_start3A_339 : memref<80x64xf32, #tpu.memory_space<vmem>>) offsets(%dma_start3A_340 : memref<80xi32, #tpu.memory_space<vmem>>) semaphore(%dma_start3A_345 : memref<!tpu.dma_semaphore, #tpu.memory_space<semaphore_mem>>)
      } else {
      }
      %mul3A_275 = arith.constant 5 : i32
      %mul3A_276 = arith.muli %scan3A_191, %mul3A_275 : i32
      %add3A_277 = arith.constant 3 : i32
      %add3A_278 = arith.addi %mul3A_276, %add3A_277 : i32
      %mul3A_279 = arith.constant 80 : i32
      %mul3A_280 = arith.muli %add3A_278, %mul3A_279 : i32
      %dma_wait3A_281 = arith.constant 3 : i32
      %dma_wait3A_282 = arith.constant 3 : i32
      %dma_wait3A_283 = arith.constant 0 : i32
      %dma_wait3A_284 = arith.constant 0 : i32
      %dma_wait3A_285 = tpu.memref_slice %arg9[%dma_wait3A_281, %dma_wait3A_283, %dma_wait3A_284] : memref<5x80x64xf32, #tpu.memory_space<vmem>> -> memref<1x80x64xf32, #tpu.memory_space<vmem>>
      %dma_wait3A_286 = tpu.memref_squeeze %dma_wait3A_285 : memref<1x80x64xf32, #tpu.memory_space<vmem>> -> memref<80x64xf32, #tpu.memory_space<vmem>>
      %dma_wait3A_287 = tpu.memref_slice %arg7[%mul3A_280] : memref<10000xi32, #tpu.memory_space<vmem>> -> memref<80xi32, #tpu.memory_space<vmem>>
      %dma_wait3A_288 = arith.constant 0 : i32
      %dma_wait3A_289 = arith.constant 0 : i32
      %dma_wait3A_290 = tpu.memref_slice %arg2[%dma_wait3A_288, %dma_wait3A_289] : memref<10000x64xf32, #tpu.memory_space<hbm>> -> memref<10000x64xf32, #tpu.memory_space<hbm>>
      %dma_wait3A_291 = tpu.memref_slice %arg12[%dma_wait3A_282] : memref<5x!tpu.dma_semaphore, #tpu.memory_space<semaphore_mem>> -> memref<1x!tpu.dma_semaphore, #tpu.memory_space<semaphore_mem>>
      %dma_wait3A_292 = tpu.memref_squeeze %dma_wait3A_291 : memref<1x!tpu.dma_semaphore, #tpu.memory_space<semaphore_mem>> -> memref<!tpu.dma_semaphore, #tpu.memory_space<semaphore_mem>>
      tpu.wait_indirect_dma semaphore(%dma_wait3A_292 : memref<!tpu.dma_semaphore, #tpu.memory_space<semaphore_mem>>) src(%dma_wait3A_290 : memref<10000x64xf32, #tpu.memory_space<hbm>>) dst(%dma_wait3A_286 : memref<80x64xf32, #tpu.memory_space<vmem>>)
      %mul3A_293 = arith.constant 80 : i32
      %mul3A_294 = arith.muli %add3A_278, %mul3A_293 : i32
      %run_scoped3A_295 = arith.constant 3 : i32
      "tpu.region"() ({
        %run_scoped3A_332 = tpu.sem_alloc : memref<!tpu.dma_semaphore, #tpu.memory_space<semaphore_mem>>
        %dma_start3A_333 = arith.constant 0 : i32
        %dma_start3A_334 = arith.constant 0 : i32
        %dma_start3A_335 = tpu.memref_slice %arg9[%run_scoped3A_295, %dma_start3A_333, %dma_start3A_334] : memref<5x80x64xf32, #tpu.memory_space<vmem>> -> memref<1x80x64xf32, #tpu.memory_space<vmem>>
        %dma_start3A_336 = tpu.memref_squeeze %dma_start3A_335 : memref<1x80x64xf32, #tpu.memory_space<vmem>> -> memref<80x64xf32, #tpu.memory_space<vmem>>
        %dma_start3A_337 = tpu.memref_slice %arg8[%mul3A_294] : memref<10000xi32, #tpu.memory_space<vmem>> -> memref<80xi32, #tpu.memory_space<vmem>>
        %dma_start3A_338 = arith.constant 0 : i32
        %dma_start3A_339 = arith.constant 0 : i32
        %dma_start3A_340 = tpu.memref_slice %arg11[%dma_start3A_338, %dma_start3A_339] : memref<10000x64xf32, #tpu.memory_space<vmem_shared>> -> memref<10000x64xf32, #tpu.memory_space<vmem_shared>>
        tpu.enqueue_indirect_dma source(%dma_start3A_336 : memref<80x64xf32, #tpu.memory_space<vmem>>) target(%dma_start3A_340 : memref<10000x64xf32, #tpu.memory_space<vmem_shared>>) offsets(%dma_start3A_337 : memref<80xi32, #tpu.memory_space<vmem>>) semaphore(%run_scoped3A_332 : memref<!tpu.dma_semaphore, #tpu.memory_space<semaphore_mem>>) {add = true}
        %dma_wait3A_341 = arith.constant 0 : i32
        %dma_wait3A_342 = arith.constant 0 : i32
        %dma_wait3A_343 = tpu.memref_slice %arg9[%run_scoped3A_295, %dma_wait3A_341, %dma_wait3A_342] : memref<5x80x64xf32, #tpu.memory_space<vmem>> -> memref<1x80x64xf32, #tpu.memory_space<vmem>>
        %dma_wait3A_344 = tpu.memref_squeeze %dma_wait3A_343 : memref<1x80x64xf32, #tpu.memory_space<vmem>> -> memref<80x64xf32, #tpu.memory_space<vmem>>
        %dma_wait3A_345 = tpu.memref_slice %arg8[%mul3A_294] : memref<10000xi32, #tpu.memory_space<vmem>> -> memref<80xi32, #tpu.memory_space<vmem>>
        %dma_wait3A_346 = arith.constant 0 : i32
        %dma_wait3A_347 = arith.constant 0 : i32
        %dma_wait3A_348 = tpu.memref_slice %arg11[%dma_wait3A_346, %dma_wait3A_347] : memref<10000x64xf32, #tpu.memory_space<vmem_shared>> -> memref<10000x64xf32, #tpu.memory_space<vmem_shared>>
        tpu.wait_indirect_dma semaphore(%run_scoped3A_332 : memref<!tpu.dma_semaphore, #tpu.memory_space<semaphore_mem>>) src(%dma_wait3A_344 : memref<80x64xf32, #tpu.memory_space<vmem>>) dst(%dma_wait3A_348 : memref<10000x64xf32, #tpu.memory_space<vmem_shared>>)
        tpu.yield
      }) : () -> ()
      %add3A_296 = arith.constant 5 : i32
      %add3A_297 = arith.addi %add3A_278, %add3A_296 : i32
      %lt3A_298 = arith.constant 125 : i32
      %lt3A_299 = arith.cmpi slt, %add3A_297, %lt3A_298 : i32
      %convert_element_type3A_300 = arith.extui %lt3A_299 : i1 to i32
      %cond3A_301 = arith.constant 0 : i32
      %cond3A_302 = arith.cmpi ne, %convert_element_type3A_300, %cond3A_301 : i32
      scf.if %cond3A_302 {
        %mul3A_332 = arith.constant 80 : i32
        %mul3A_333 = arith.muli %add3A_297, %mul3A_332 : i32
        %dma_start3A_334 = arith.constant 3 : i32
        %dma_start3A_335 = arith.constant 3 : i32
        %dma_start3A_336 = arith.constant 0 : i32
        %dma_start3A_337 = arith.constant 0 : i32
        %dma_start3A_338 = tpu.memref_slice %arg9[%dma_start3A_334, %dma_start3A_336, %dma_start3A_337] : memref<5x80x64xf32, #tpu.memory_space<vmem>> -> memref<1x80x64xf32, #tpu.memory_space<vmem>>
        %dma_start3A_339 = tpu.memref_squeeze %dma_start3A_338 : memref<1x80x64xf32, #tpu.memory_space<vmem>> -> memref<80x64xf32, #tpu.memory_space<vmem>>
        %dma_start3A_340 = tpu.memref_slice %arg7[%mul3A_333] : memref<10000xi32, #tpu.memory_space<vmem>> -> memref<80xi32, #tpu.memory_space<vmem>>
        %dma_start3A_341 = arith.constant 0 : i32
        %dma_start3A_342 = arith.constant 0 : i32
        %dma_start3A_343 = tpu.memref_slice %arg2[%dma_start3A_341, %dma_start3A_342] : memref<10000x64xf32, #tpu.memory_space<hbm>> -> memref<10000x64xf32, #tpu.memory_space<hbm>>
        %dma_start3A_344 = tpu.memref_slice %arg12[%dma_start3A_335] : memref<5x!tpu.dma_semaphore, #tpu.memory_space<semaphore_mem>> -> memref<1x!tpu.dma_semaphore, #tpu.memory_space<semaphore_mem>>
        %dma_start3A_345 = tpu.memref_squeeze %dma_start3A_344 : memref<1x!tpu.dma_semaphore, #tpu.memory_space<semaphore_mem>> -> memref<!tpu.dma_semaphore, #tpu.memory_space<semaphore_mem>>
        tpu.enqueue_indirect_dma source(%dma_start3A_343 : memref<10000x64xf32, #tpu.memory_space<hbm>>) target(%dma_start3A_339 : memref<80x64xf32, #tpu.memory_space<vmem>>) offsets(%dma_start3A_340 : memref<80xi32, #tpu.memory_space<vmem>>) semaphore(%dma_start3A_345 : memref<!tpu.dma_semaphore, #tpu.memory_space<semaphore_mem>>)
      } else {
      }
      %mul3A_303 = arith.constant 5 : i32
      %mul3A_304 = arith.muli %scan3A_191, %mul3A_303 : i32
      %add3A_305 = arith.constant 4 : i32
      %add3A_306 = arith.addi %mul3A_304, %add3A_305 : i32
      %mul3A_307 = arith.constant 80 : i32
      %mul3A_308 = arith.muli %add3A_306, %mul3A_307 : i32
      %dma_wait3A_309 = arith.constant 4 : i32
      %dma_wait3A_310 = arith.constant 4 : i32
      %dma_wait3A_311 = arith.constant 0 : i32
      %dma_wait3A_312 = arith.constant 0 : i32
      %dma_wait3A_313 = tpu.memref_slice %arg9[%dma_wait3A_309, %dma_wait3A_311, %dma_wait3A_312] : memref<5x80x64xf32, #tpu.memory_space<vmem>> -> memref<1x80x64xf32, #tpu.memory_space<vmem>>
      %dma_wait3A_314 = tpu.memref_squeeze %dma_wait3A_313 : memref<1x80x64xf32, #tpu.memory_space<vmem>> -> memref<80x64xf32, #tpu.memory_space<vmem>>
      %dma_wait3A_315 = tpu.memref_slice %arg7[%mul3A_308] : memref<10000xi32, #tpu.memory_space<vmem>> -> memref<80xi32, #tpu.memory_space<vmem>>
      %dma_wait3A_316 = arith.constant 0 : i32
      %dma_wait3A_317 = arith.constant 0 : i32
      %dma_wait3A_318 = tpu.memref_slice %arg2[%dma_wait3A_316, %dma_wait3A_317] : memref<10000x64xf32, #tpu.memory_space<hbm>> -> memref<10000x64xf32, #tpu.memory_space<hbm>>
      %dma_wait3A_319 = tpu.memref_slice %arg12[%dma_wait3A_310] : memref<5x!tpu.dma_semaphore, #tpu.memory_space<semaphore_mem>> -> memref<1x!tpu.dma_semaphore, #tpu.memory_space<semaphore_mem>>
      %dma_wait3A_320 = tpu.memref_squeeze %dma_wait3A_319 : memref<1x!tpu.dma_semaphore, #tpu.memory_space<semaphore_mem>> -> memref<!tpu.dma_semaphore, #tpu.memory_space<semaphore_mem>>
      tpu.wait_indirect_dma semaphore(%dma_wait3A_320 : memref<!tpu.dma_semaphore, #tpu.memory_space<semaphore_mem>>) src(%dma_wait3A_318 : memref<10000x64xf32, #tpu.memory_space<hbm>>) dst(%dma_wait3A_314 : memref<80x64xf32, #tpu.memory_space<vmem>>)
      %mul3A_321 = arith.constant 80 : i32
      %mul3A_322 = arith.muli %add3A_306, %mul3A_321 : i32
      %run_scoped3A_323 = arith.constant 4 : i32
      "tpu.region"() ({
        %run_scoped3A_332 = tpu.sem_alloc : memref<!tpu.dma_semaphore, #tpu.memory_space<semaphore_mem>>
        %dma_start3A_333 = arith.constant 0 : i32
        %dma_start3A_334 = arith.constant 0 : i32
        %dma_start3A_335 = tpu.memref_slice %arg9[%run_scoped3A_323, %dma_start3A_333, %dma_start3A_334] : memref<5x80x64xf32, #tpu.memory_space<vmem>> -> memref<1x80x64xf32, #tpu.memory_space<vmem>>
        %dma_start3A_336 = tpu.memref_squeeze %dma_start3A_335 : memref<1x80x64xf32, #tpu.memory_space<vmem>> -> memref<80x64xf32, #tpu.memory_space<vmem>>
        %dma_start3A_337 = tpu.memref_slice %arg8[%mul3A_322] : memref<10000xi32, #tpu.memory_space<vmem>> -> memref<80xi32, #tpu.memory_space<vmem>>
        %dma_start3A_338 = arith.constant 0 : i32
        %dma_start3A_339 = arith.constant 0 : i32
        %dma_start3A_340 = tpu.memref_slice %arg11[%dma_start3A_338, %dma_start3A_339] : memref<10000x64xf32, #tpu.memory_space<vmem_shared>> -> memref<10000x64xf32, #tpu.memory_space<vmem_shared>>
        tpu.enqueue_indirect_dma source(%dma_start3A_336 : memref<80x64xf32, #tpu.memory_space<vmem>>) target(%dma_start3A_340 : memref<10000x64xf32, #tpu.memory_space<vmem_shared>>) offsets(%dma_start3A_337 : memref<80xi32, #tpu.memory_space<vmem>>) semaphore(%run_scoped3A_332 : memref<!tpu.dma_semaphore, #tpu.memory_space<semaphore_mem>>) {add = true}
        %dma_wait3A_341 = arith.constant 0 : i32
        %dma_wait3A_342 = arith.constant 0 : i32
        %dma_wait3A_343 = tpu.memref_slice %arg9[%run_scoped3A_323, %dma_wait3A_341, %dma_wait3A_342] : memref<5x80x64xf32, #tpu.memory_space<vmem>> -> memref<1x80x64xf32, #tpu.memory_space<vmem>>
        %dma_wait3A_344 = tpu.memref_squeeze %dma_wait3A_343 : memref<1x80x64xf32, #tpu.memory_space<vmem>> -> memref<80x64xf32, #tpu.memory_space<vmem>>
        %dma_wait3A_345 = tpu.memref_slice %arg8[%mul3A_322] : memref<10000xi32, #tpu.memory_space<vmem>> -> memref<80xi32, #tpu.memory_space<vmem>>
        %dma_wait3A_346 = arith.constant 0 : i32
        %dma_wait3A_347 = arith.constant 0 : i32
        %dma_wait3A_348 = tpu.memref_slice %arg11[%dma_wait3A_346, %dma_wait3A_347] : memref<10000x64xf32, #tpu.memory_space<vmem_shared>> -> memref<10000x64xf32, #tpu.memory_space<vmem_shared>>
        tpu.wait_indirect_dma semaphore(%run_scoped3A_332 : memref<!tpu.dma_semaphore, #tpu.memory_space<semaphore_mem>>) src(%dma_wait3A_344 : memref<80x64xf32, #tpu.memory_space<vmem>>) dst(%dma_wait3A_348 : memref<10000x64xf32, #tpu.memory_space<vmem_shared>>)
        tpu.yield
      }) : () -> ()
      %add3A_324 = arith.constant 5 : i32
      %add3A_325 = arith.addi %add3A_306, %add3A_324 : i32
      %lt3A_326 = arith.constant 125 : i32
      %lt3A_327 = arith.cmpi slt, %add3A_325, %lt3A_326 : i32
      %convert_element_type3A_328 = arith.extui %lt3A_327 : i1 to i32
      %cond3A_329 = arith.constant 0 : i32
      %cond3A_330 = arith.cmpi ne, %convert_element_type3A_328, %cond3A_329 : i32
      scf.if %cond3A_330 {
        %mul3A_332 = arith.constant 80 : i32
        %mul3A_333 = arith.muli %add3A_325, %mul3A_332 : i32
        %dma_start3A_334 = arith.constant 4 : i32
        %dma_start3A_335 = arith.constant 4 : i32
        %dma_start3A_336 = arith.constant 0 : i32
        %dma_start3A_337 = arith.constant 0 : i32
        %dma_start3A_338 = tpu.memref_slice %arg9[%dma_start3A_334, %dma_start3A_336, %dma_start3A_337] : memref<5x80x64xf32, #tpu.memory_space<vmem>> -> memref<1x80x64xf32, #tpu.memory_space<vmem>>
        %dma_start3A_339 = tpu.memref_squeeze %dma_start3A_338 : memref<1x80x64xf32, #tpu.memory_space<vmem>> -> memref<80x64xf32, #tpu.memory_space<vmem>>
        %dma_start3A_340 = tpu.memref_slice %arg7[%mul3A_333] : memref<10000xi32, #tpu.memory_space<vmem>> -> memref<80xi32, #tpu.memory_space<vmem>>
        %dma_start3A_341 = arith.constant 0 : i32
        %dma_start3A_342 = arith.constant 0 : i32
        %dma_start3A_343 = tpu.memref_slice %arg2[%dma_start3A_341, %dma_start3A_342] : memref<10000x64xf32, #tpu.memory_space<hbm>> -> memref<10000x64xf32, #tpu.memory_space<hbm>>
        %dma_start3A_344 = tpu.memref_slice %arg12[%dma_start3A_335] : memref<5x!tpu.dma_semaphore, #tpu.memory_space<semaphore_mem>> -> memref<1x!tpu.dma_semaphore, #tpu.memory_space<semaphore_mem>>
        %dma_start3A_345 = tpu.memref_squeeze %dma_start3A_344 : memref<1x!tpu.dma_semaphore, #tpu.memory_space<semaphore_mem>> -> memref<!tpu.dma_semaphore, #tpu.memory_space<semaphore_mem>>
        tpu.enqueue_indirect_dma source(%dma_start3A_343 : memref<10000x64xf32, #tpu.memory_space<hbm>>) target(%dma_start3A_339 : memref<80x64xf32, #tpu.memory_space<vmem>>) offsets(%dma_start3A_340 : memref<80xi32, #tpu.memory_space<vmem>>) semaphore(%dma_start3A_345 : memref<!tpu.dma_semaphore, #tpu.memory_space<semaphore_mem>>)
      } else {
      }
      %scan3A_331 = arith.constant 0 : i32
      scf.yield %scan3A_331 : i32
    }
    %scan3A_86 = arith.constant 25 : i32
    %barrier3A_87 = arith.constant 0 : index
    tpu.barrier barrier_id(%barrier3A_87)
    %mul3A_88 = arith.constant 624 : i32
    %mul3A_89 = arith.muli %arg1, %mul3A_88 : i32
    %mul3A_90 = arith.constant 624 : i32
    %mul3A_91 = arith.muli %arg1, %mul3A_90 : i32
    %mul3A_92 = arith.constant 64 : i32
    %mul3A_93 = arith.muli %arg0, %mul3A_92 : i32
    "tpu.region"() ({
      %run_scoped3A_191 = tpu.sem_alloc : memref<!tpu.dma_semaphore, #tpu.memory_space<semaphore_mem>>
      %dma_start3A_192 = tpu.memref_slice %arg5[%mul3A_91, %mul3A_93] : memref<10000x128xf32, #tpu.memory_space<hbm>> -> memref<624x64xf32, #tpu.memory_space<hbm>>
      %dma_start3A_193 = arith.constant 0 : i32
      %dma_start3A_194 = tpu.memref_slice %arg11[%mul3A_89, %dma_start3A_193] : memref<10000x64xf32, #tpu.memory_space<vmem_shared>> -> memref<624x64xf32, #tpu.memory_space<vmem_shared>>
      tpu.enqueue_dma source(%dma_start3A_194 : memref<624x64xf32, #tpu.memory_space<vmem_shared>>) target(%dma_start3A_192 : memref<624x64xf32, #tpu.memory_space<hbm>>) target_semaphore(%run_scoped3A_191 : memref<!tpu.dma_semaphore, #tpu.memory_space<semaphore_mem>>)
      %dma_wait3A = tpu.memref_slice %arg5[%mul3A_91, %mul3A_93] : memref<10000x128xf32, #tpu.memory_space<hbm>> -> memref<624x64xf32, #tpu.memory_space<hbm>>
      %dma_wait3A_195 = arith.constant 0 : i32
      %dma_wait3A_196 = tpu.memref_slice %arg11[%mul3A_89, %dma_wait3A_195] : memref<10000x64xf32, #tpu.memory_space<vmem_shared>> -> memref<624x64xf32, #tpu.memory_space<vmem_shared>>
      tpu.wait_dma2 semaphore(%run_scoped3A_191 : memref<!tpu.dma_semaphore, #tpu.memory_space<semaphore_mem>>) src(%dma_wait3A_196 : memref<624x64xf32, #tpu.memory_space<vmem_shared>>) dst(%dma_wait3A : memref<624x64xf32, #tpu.memory_space<hbm>>)
      tpu.yield
    }) : () -> ()
    %eq3A_94 = arith.constant 15 : i32
    %eq3A_95 = arith.cmpi eq, %arg1, %eq3A_94 : i32
    %convert_element_type3A_96 = arith.extui %eq3A_95 : i1 to i32
    %cond3A_97 = arith.constant 0 : i32
    %cond3A_98 = arith.cmpi ne, %convert_element_type3A_96, %cond3A_97 : i32
    scf.if %cond3A_98 {
      %mul3A_191 = arith.constant 64 : i32
      %mul3A_192 = arith.muli %arg0, %mul3A_191 : i32
      "tpu.region"() ({
        %run_scoped3A_193 = tpu.sem_alloc : memref<!tpu.dma_semaphore, #tpu.memory_space<semaphore_mem>>
        %dma_start3A_194 = arith.constant 9984 : i32
        %dma_start3A_195 = tpu.memref_slice %arg5[%dma_start3A_194, %mul3A_192] : memref<10000x128xf32, #tpu.memory_space<hbm>> -> memref<16x64xf32, #tpu.memory_space<hbm>>
        %dma_start3A_196 = arith.constant 9984 : i32
        %dma_start3A_197 = arith.constant 0 : i32
        %dma_start3A_198 = tpu.memref_slice %arg11[%dma_start3A_196, %dma_start3A_197] : memref<10000x64xf32, #tpu.memory_space<vmem_shared>> -> memref<16x64xf32, #tpu.memory_space<vmem_shared>>
        tpu.enqueue_dma source(%dma_start3A_198 : memref<16x64xf32, #tpu.memory_space<vmem_shared>>) target(%dma_start3A_195 : memref<16x64xf32, #tpu.memory_space<hbm>>) target_semaphore(%run_scoped3A_193 : memref<!tpu.dma_semaphore, #tpu.memory_space<semaphore_mem>>)
        %dma_wait3A = arith.constant 9984 : i32
        %dma_wait3A_199 = tpu.memref_slice %arg5[%dma_wait3A, %mul3A_192] : memref<10000x128xf32, #tpu.memory_space<hbm>> -> memref<16x64xf32, #tpu.memory_space<hbm>>
        %dma_wait3A_200 = arith.constant 9984 : i32
        %dma_wait3A_201 = arith.constant 0 : i32
        %dma_wait3A_202 = tpu.memref_slice %arg11[%dma_wait3A_200, %dma_wait3A_201] : memref<10000x64xf32, #tpu.memory_space<vmem_shared>> -> memref<16x64xf32, #tpu.memory_space<vmem_shared>>
        tpu.wait_dma2 semaphore(%run_scoped3A_193 : memref<!tpu.dma_semaphore, #tpu.memory_space<semaphore_mem>>) src(%dma_wait3A_202 : memref<16x64xf32, #tpu.memory_space<vmem_shared>>) dst(%dma_wait3A_199 : memref<16x64xf32, #tpu.memory_space<hbm>>)
        tpu.yield
      }) : () -> ()
    } else {
    }
    %dma_start3A_99 = arith.constant 0 : i32
    %dma_start3A_100 = arith.constant 0 : i32
    %dma_start3A_101 = arith.constant 0 : i32
    %dma_start3A_102 = arith.constant 0 : i32
    %dma_start3A_103 = tpu.memref_slice %arg9[%dma_start3A_99, %dma_start3A_101, %dma_start3A_102] : memref<5x80x64xf32, #tpu.memory_space<vmem>> -> memref<1x80x64xf32, #tpu.memory_space<vmem>>
    %dma_start3A_104 = tpu.memref_squeeze %dma_start3A_103 : memref<1x80x64xf32, #tpu.memory_space<vmem>> -> memref<80x64xf32, #tpu.memory_space<vmem>>
    %dma_start3A_105 = arith.constant 0 : i32
    %dma_start3A_106 = tpu.memref_slice %arg7[%dma_start3A_105] : memref<10000xi32, #tpu.memory_space<vmem>> -> memref<80xi32, #tpu.memory_space<vmem>>
    %dma_start3A_107 = arith.constant 0 : i32
    %dma_start3A_108 = arith.constant 0 : i32
    %dma_start3A_109 = tpu.memref_slice %arg3[%dma_start3A_107, %dma_start3A_108] : memref<10000x64xf32, #tpu.memory_space<hbm>> -> memref<10000x64xf32, #tpu.memory_space<hbm>>
    %dma_start3A_110 = tpu.memref_slice %arg12[%dma_start3A_100] : memref<5x!tpu.dma_semaphore, #tpu.memory_space<semaphore_mem>> -> memref<1x!tpu.dma_semaphore, #tpu.memory_space<semaphore_mem>>
    %dma_start3A_111 = tpu.memref_squeeze %dma_start3A_110 : memref<1x!tpu.dma_semaphore, #tpu.memory_space<semaphore_mem>> -> memref<!tpu.dma_semaphore, #tpu.memory_space<semaphore_mem>>
    tpu.enqueue_indirect_dma source(%dma_start3A_109 : memref<10000x64xf32, #tpu.memory_space<hbm>>) target(%dma_start3A_104 : memref<80x64xf32, #tpu.memory_space<vmem>>) offsets(%dma_start3A_106 : memref<80xi32, #tpu.memory_space<vmem>>) semaphore(%dma_start3A_111 : memref<!tpu.dma_semaphore, #tpu.memory_space<semaphore_mem>>)
    %dma_start3A_112 = arith.constant 1 : i32
    %dma_start3A_113 = arith.constant 1 : i32
    %dma_start3A_114 = arith.constant 0 : i32
    %dma_start3A_115 = arith.constant 0 : i32
    %dma_start3A_116 = tpu.memref_slice %arg9[%dma_start3A_112, %dma_start3A_114, %dma_start3A_115] : memref<5x80x64xf32, #tpu.memory_space<vmem>> -> memref<1x80x64xf32, #tpu.memory_space<vmem>>
    %dma_start3A_117 = tpu.memref_squeeze %dma_start3A_116 : memref<1x80x64xf32, #tpu.memory_space<vmem>> -> memref<80x64xf32, #tpu.memory_space<vmem>>
    %dma_start3A_118 = arith.constant 80 : i32
    %dma_start3A_119 = tpu.memref_slice %arg7[%dma_start3A_118] : memref<10000xi32, #tpu.memory_space<vmem>> -> memref<80xi32, #tpu.memory_space<vmem>>
    %dma_start3A_120 = arith.constant 0 : i32
    %dma_start3A_121 = arith.constant 0 : i32
    %dma_start3A_122 = tpu.memref_slice %arg3[%dma_start3A_120, %dma_start3A_121] : memref<10000x64xf32, #tpu.memory_space<hbm>> -> memref<10000x64xf32, #tpu.memory_space<hbm>>
    %dma_start3A_123 = tpu.memref_slice %arg12[%dma_start3A_113] : memref<5x!tpu.dma_semaphore, #tpu.memory_space<semaphore_mem>> -> memref<1x!tpu.dma_semaphore, #tpu.memory_space<semaphore_mem>>
    %dma_start3A_124 = tpu.memref_squeeze %dma_start3A_123 : memref<1x!tpu.dma_semaphore, #tpu.memory_space<semaphore_mem>> -> memref<!tpu.dma_semaphore, #tpu.memory_space<semaphore_mem>>
    tpu.enqueue_indirect_dma source(%dma_start3A_122 : memref<10000x64xf32, #tpu.memory_space<hbm>>) target(%dma_start3A_117 : memref<80x64xf32, #tpu.memory_space<vmem>>) offsets(%dma_start3A_119 : memref<80xi32, #tpu.memory_space<vmem>>) semaphore(%dma_start3A_124 : memref<!tpu.dma_semaphore, #tpu.memory_space<semaphore_mem>>)
    %dma_start3A_125 = arith.constant 2 : i32
    %dma_start3A_126 = arith.constant 2 : i32
    %dma_start3A_127 = arith.constant 0 : i32
    %dma_start3A_128 = arith.constant 0 : i32
    %dma_start3A_129 = tpu.memref_slice %arg9[%dma_start3A_125, %dma_start3A_127, %dma_start3A_128] : memref<5x80x64xf32, #tpu.memory_space<vmem>> -> memref<1x80x64xf32, #tpu.memory_space<vmem>>
    %dma_start3A_130 = tpu.memref_squeeze %dma_start3A_129 : memref<1x80x64xf32, #tpu.memory_space<vmem>> -> memref<80x64xf32, #tpu.memory_space<vmem>>
    %dma_start3A_131 = arith.constant 160 : i32
    %dma_start3A_132 = tpu.memref_slice %arg7[%dma_start3A_131] : memref<10000xi32, #tpu.memory_space<vmem>> -> memref<80xi32, #tpu.memory_space<vmem>>
    %dma_start3A_133 = arith.constant 0 : i32
    %dma_start3A_134 = arith.constant 0 : i32
    %dma_start3A_135 = tpu.memref_slice %arg3[%dma_start3A_133, %dma_start3A_134] : memref<10000x64xf32, #tpu.memory_space<hbm>> -> memref<10000x64xf32, #tpu.memory_space<hbm>>
    %dma_start3A_136 = tpu.memref_slice %arg12[%dma_start3A_126] : memref<5x!tpu.dma_semaphore, #tpu.memory_space<semaphore_mem>> -> memref<1x!tpu.dma_semaphore, #tpu.memory_space<semaphore_mem>>
    %dma_start3A_137 = tpu.memref_squeeze %dma_start3A_136 : memref<1x!tpu.dma_semaphore, #tpu.memory_space<semaphore_mem>> -> memref<!tpu.dma_semaphore, #tpu.memory_space<semaphore_mem>>
    tpu.enqueue_indirect_dma source(%dma_start3A_135 : memref<10000x64xf32, #tpu.memory_space<hbm>>) target(%dma_start3A_130 : memref<80x64xf32, #tpu.memory_space<vmem>>) offsets(%dma_start3A_132 : memref<80xi32, #tpu.memory_space<vmem>>) semaphore(%dma_start3A_137 : memref<!tpu.dma_semaphore, #tpu.memory_space<semaphore_mem>>)
    %dma_start3A_138 = arith.constant 3 : i32
    %dma_start3A_139 = arith.constant 3 : i32
    %dma_start3A_140 = arith.constant 0 : i32
    %dma_start3A_141 = arith.constant 0 : i32
    %dma_start3A_142 = tpu.memref_slice %arg9[%dma_start3A_138, %dma_start3A_140, %dma_start3A_141] : memref<5x80x64xf32, #tpu.memory_space<vmem>> -> memref<1x80x64xf32, #tpu.memory_space<vmem>>
    %dma_start3A_143 = tpu.memref_squeeze %dma_start3A_142 : memref<1x80x64xf32, #tpu.memory_space<vmem>> -> memref<80x64xf32, #tpu.memory_space<vmem>>
    %dma_start3A_144 = arith.constant 240 : i32
    %dma_start3A_145 = tpu.memref_slice %arg7[%dma_start3A_144] : memref<10000xi32, #tpu.memory_space<vmem>> -> memref<80xi32, #tpu.memory_space<vmem>>
    %dma_start3A_146 = arith.constant 0 : i32
    %dma_start3A_147 = arith.constant 0 : i32
    %dma_start3A_148 = tpu.memref_slice %arg3[%dma_start3A_146, %dma_start3A_147] : memref<10000x64xf32, #tpu.memory_space<hbm>> -> memref<10000x64xf32, #tpu.memory_space<hbm>>
    %dma_start3A_149 = tpu.memref_slice %arg12[%dma_start3A_139] : memref<5x!tpu.dma_semaphore, #tpu.memory_space<semaphore_mem>> -> memref<1x!tpu.dma_semaphore, #tpu.memory_space<semaphore_mem>>
    %dma_start3A_150 = tpu.memref_squeeze %dma_start3A_149 : memref<1x!tpu.dma_semaphore, #tpu.memory_space<semaphore_mem>> -> memref<!tpu.dma_semaphore, #tpu.memory_space<semaphore_mem>>
    tpu.enqueue_indirect_dma source(%dma_start3A_148 : memref<10000x64xf32, #tpu.memory_space<hbm>>) target(%dma_start3A_143 : memref<80x64xf32, #tpu.memory_space<vmem>>) offsets(%dma_start3A_145 : memref<80xi32, #tpu.memory_space<vmem>>) semaphore(%dma_start3A_150 : memref<!tpu.dma_semaphore, #tpu.memory_space<semaphore_mem>>)
    %dma_start3A_151 = arith.constant 4 : i32
    %dma_start3A_152 = arith.constant 4 : i32
    %dma_start3A_153 = arith.constant 0 : i32
    %dma_start3A_154 = arith.constant 0 : i32
    %dma_start3A_155 = tpu.memref_slice %arg9[%dma_start3A_151, %dma_start3A_153, %dma_start3A_154] : memref<5x80x64xf32, #tpu.memory_space<vmem>> -> memref<1x80x64xf32, #tpu.memory_space<vmem>>
    %dma_start3A_156 = tpu.memref_squeeze %dma_start3A_155 : memref<1x80x64xf32, #tpu.memory_space<vmem>> -> memref<80x64xf32, #tpu.memory_space<vmem>>
    %dma_start3A_157 = arith.constant 320 : i32
    %dma_start3A_158 = tpu.memref_slice %arg7[%dma_start3A_157] : memref<10000xi32, #tpu.memory_space<vmem>> -> memref<80xi32, #tpu.memory_space<vmem>>
    %dma_start3A_159 = arith.constant 0 : i32
    %dma_start3A_160 = arith.constant 0 : i32
    %dma_start3A_161 = tpu.memref_slice %arg3[%dma_start3A_159, %dma_start3A_160] : memref<10000x64xf32, #tpu.memory_space<hbm>> -> memref<10000x64xf32, #tpu.memory_space<hbm>>
    %dma_start3A_162 = tpu.memref_slice %arg12[%dma_start3A_152] : memref<5x!tpu.dma_semaphore, #tpu.memory_space<semaphore_mem>> -> memref<1x!tpu.dma_semaphore, #tpu.memory_space<semaphore_mem>>
    %dma_start3A_163 = tpu.memref_squeeze %dma_start3A_162 : memref<1x!tpu.dma_semaphore, #tpu.memory_space<semaphore_mem>> -> memref<!tpu.dma_semaphore, #tpu.memory_space<semaphore_mem>>
    tpu.enqueue_indirect_dma source(%dma_start3A_161 : memref<10000x64xf32, #tpu.memory_space<hbm>>) target(%dma_start3A_156 : memref<80x64xf32, #tpu.memory_space<vmem>>) offsets(%dma_start3A_158 : memref<80xi32, #tpu.memory_space<vmem>>) semaphore(%dma_start3A_163 : memref<!tpu.dma_semaphore, #tpu.memory_space<semaphore_mem>>)
    %mul3A_164 = arith.constant 624 : i32
    %mul3A_165 = arith.muli %arg1, %mul3A_164 : i32
    "tpu.region"() ({
      %run_scoped3A_191 = tpu.sem_alloc : memref<!tpu.dma_semaphore, #tpu.memory_space<semaphore_mem>>
      %dma_start3A_192 = arith.constant 0 : i32
      %dma_start3A_193 = tpu.memref_slice %arg11[%mul3A_165, %dma_start3A_192] : memref<10000x64xf32, #tpu.memory_space<vmem_shared>> -> memref<624x64xf32, #tpu.memory_space<vmem_shared>>
      %dma_start3A_194 = arith.constant 0 : i32
      %dma_start3A_195 = tpu.memref_slice %arg11[%mul3A_165, %dma_start3A_194] : memref<10000x64xf32, #tpu.memory_space<vmem_shared>> -> memref<624x64xf32, #tpu.memory_space<vmem_shared>>
      tpu.enqueue_dma source(%arg10 : memref<624x64xf32, #tpu.memory_space<vmem>>) target(%dma_start3A_195 : memref<624x64xf32, #tpu.memory_space<vmem_shared>>) target_semaphore(%run_scoped3A_191 : memref<!tpu.dma_semaphore, #tpu.memory_space<semaphore_mem>>)
      %dma_wait3A = arith.constant 0 : i32
      %dma_wait3A_196 = tpu.memref_slice %arg11[%mul3A_165, %dma_wait3A] : memref<10000x64xf32, #tpu.memory_space<vmem_shared>> -> memref<624x64xf32, #tpu.memory_space<vmem_shared>>
      %dma_wait3A_197 = arith.constant 0 : i32
      %dma_wait3A_198 = tpu.memref_slice %arg11[%mul3A_165, %dma_wait3A_197] : memref<10000x64xf32, #tpu.memory_space<vmem_shared>> -> memref<624x64xf32, #tpu.memory_space<vmem_shared>>
      tpu.wait_dma2 semaphore(%run_scoped3A_191 : memref<!tpu.dma_semaphore, #tpu.memory_space<semaphore_mem>>) src(%arg10 : memref<624x64xf32, #tpu.memory_space<vmem>>) dst(%dma_wait3A_198 : memref<624x64xf32, #tpu.memory_space<vmem_shared>>)
      tpu.yield
    }) : () -> ()
    %eq3A_166 = arith.constant 15 : i32
    %eq3A_167 = arith.cmpi eq, %arg1, %eq3A_166 : i32
    %convert_element_type3A_168 = arith.extui %eq3A_167 : i1 to i32
    %cond3A_169 = arith.constant 0 : i32
    %cond3A_170 = arith.cmpi ne, %convert_element_type3A_168, %cond3A_169 : i32
    scf.if %cond3A_170 {
      "tpu.region"() ({
        %run_scoped3A_191 = tpu.sem_alloc : memref<!tpu.dma_semaphore, #tpu.memory_space<semaphore_mem>>
        %dma_start3A_192 = arith.constant 0 : i32
        %dma_start3A_193 = arith.constant 0 : i32
        %dma_start3A_194 = tpu.memref_slice %arg10[%dma_start3A_192, %dma_start3A_193] : memref<624x64xf32, #tpu.memory_space<vmem>> -> memref<16x64xf32, #tpu.memory_space<vmem>>
        %dma_start3A_195 = arith.constant 9984 : i32
        %dma_start3A_196 = arith.constant 0 : i32
        %dma_start3A_197 = tpu.memref_slice %arg11[%dma_start3A_195, %dma_start3A_196] : memref<10000x64xf32, #tpu.memory_space<vmem_shared>> -> memref<16x64xf32, #tpu.memory_space<vmem_shared>>
        %dma_start3A_198 = arith.constant 9984 : i32
        %dma_start3A_199 = arith.constant 0 : i32
        %dma_start3A_200 = tpu.memref_slice %arg11[%dma_start3A_198, %dma_start3A_199] : memref<10000x64xf32, #tpu.memory_space<vmem_shared>> -> memref<16x64xf32, #tpu.memory_space<vmem_shared>>
        %dma_start3A_201 = arith.constant 0 : i32
        %dma_start3A_202 = arith.constant 0 : i32
        %dma_start3A_203 = tpu.memref_slice %arg10[%dma_start3A_201, %dma_start3A_202] : memref<624x64xf32, #tpu.memory_space<vmem>> -> memref<16x64xf32, #tpu.memory_space<vmem>>
        tpu.enqueue_dma source(%dma_start3A_203 : memref<16x64xf32, #tpu.memory_space<vmem>>) target(%dma_start3A_200 : memref<16x64xf32, #tpu.memory_space<vmem_shared>>) target_semaphore(%run_scoped3A_191 : memref<!tpu.dma_semaphore, #tpu.memory_space<semaphore_mem>>)
        %dma_wait3A = arith.constant 0 : i32
        %dma_wait3A_204 = arith.constant 0 : i32
        %dma_wait3A_205 = tpu.memref_slice %arg10[%dma_wait3A, %dma_wait3A_204] : memref<624x64xf32, #tpu.memory_space<vmem>> -> memref<16x64xf32, #tpu.memory_space<vmem>>
        %dma_wait3A_206 = arith.constant 9984 : i32
        %dma_wait3A_207 = arith.constant 0 : i32
        %dma_wait3A_208 = tpu.memref_slice %arg11[%dma_wait3A_206, %dma_wait3A_207] : memref<10000x64xf32, #tpu.memory_space<vmem_shared>> -> memref<16x64xf32, #tpu.memory_space<vmem_shared>>
        %dma_wait3A_209 = arith.constant 9984 : i32
        %dma_wait3A_210 = arith.constant 0 : i32
        %dma_wait3A_211 = tpu.memref_slice %arg11[%dma_wait3A_209, %dma_wait3A_210] : memref<10000x64xf32, #tpu.memory_space<vmem_shared>> -> memref<16x64xf32, #tpu.memory_space<vmem_shared>>
        %dma_wait3A_212 = arith.constant 0 : i32
        %dma_wait3A_213 = arith.constant 0 : i32
        %dma_wait3A_214 = tpu.memref_slice %arg10[%dma_wait3A_212, %dma_wait3A_213] : memref<624x64xf32, #tpu.memory_space<vmem>> -> memref<16x64xf32, #tpu.memory_space<vmem>>
        tpu.wait_dma2 semaphore(%run_scoped3A_191 : memref<!tpu.dma_semaphore, #tpu.memory_space<semaphore_mem>>) src(%dma_wait3A_214 : memref<16x64xf32, #tpu.memory_space<vmem>>) dst(%dma_wait3A_211 : memref<16x64xf32, #tpu.memory_space<vmem_shared>>)
        tpu.yield
      }) : () -> ()
    } else {
    }
    %barrier3A_171 = arith.constant 0 : index
    tpu.barrier barrier_id(%barrier3A_171)
    %scan3A_172 = arith.constant 0 : i32
    %scan3A_173 = arith.constant 0 : i32
    %scan3A_174 = arith.constant 25 : i32
    %scan3A_175 = arith.addi %scan3A_173, %scan3A_174 : i32
    %scan3A_176 = arith.constant 1 : i32
    %scan3A_177 = scf.for %scan3A_191 = %scan3A_173 to %scan3A_175 step %scan3A_176 iter_args(%scan3A_192 = %scan3A_172) -> (i32)  : i32 {
      %mul3A_193 = arith.constant 5 : i32
      %mul3A_194 = arith.muli %scan3A_191, %mul3A_193 : i32
      %add3A_195 = arith.constant 0 : i32
      %add3A_196 = arith.addi %mul3A_194, %add3A_195 : i32
      %mul3A_197 = arith.constant 80 : i32
      %mul3A_198 = arith.muli %add3A_196, %mul3A_197 : i32
      %dma_wait3A = arith.constant 0 : i32
      %dma_wait3A_199 = arith.constant 0 : i32
      %dma_wait3A_200 = arith.constant 0 : i32
      %dma_wait3A_201 = arith.constant 0 : i32
      %dma_wait3A_202 = tpu.memref_slice %arg9[%dma_wait3A, %dma_wait3A_200, %dma_wait3A_201] : memref<5x80x64xf32, #tpu.memory_space<vmem>> -> memref<1x80x64xf32, #tpu.memory_space<vmem>>
      %dma_wait3A_203 = tpu.memref_squeeze %dma_wait3A_202 : memref<1x80x64xf32, #tpu.memory_space<vmem>> -> memref<80x64xf32, #tpu.memory_space<vmem>>
      %dma_wait3A_204 = tpu.memref_slice %arg7[%mul3A_198] : memref<10000xi32, #tpu.memory_space<vmem>> -> memref<80xi32, #tpu.memory_space<vmem>>
      %dma_wait3A_205 = arith.constant 0 : i32
      %dma_wait3A_206 = arith.constant 0 : i32
      %dma_wait3A_207 = tpu.memref_slice %arg3[%dma_wait3A_205, %dma_wait3A_206] : memref<10000x64xf32, #tpu.memory_space<hbm>> -> memref<10000x64xf32, #tpu.memory_space<hbm>>
      %dma_wait3A_208 = tpu.memref_slice %arg12[%dma_wait3A_199] : memref<5x!tpu.dma_semaphore, #tpu.memory_space<semaphore_mem>> -> memref<1x!tpu.dma_semaphore, #tpu.memory_space<semaphore_mem>>
      %dma_wait3A_209 = tpu.memref_squeeze %dma_wait3A_208 : memref<1x!tpu.dma_semaphore, #tpu.memory_space<semaphore_mem>> -> memref<!tpu.dma_semaphore, #tpu.memory_space<semaphore_mem>>
      tpu.wait_indirect_dma semaphore(%dma_wait3A_209 : memref<!tpu.dma_semaphore, #tpu.memory_space<semaphore_mem>>) src(%dma_wait3A_207 : memref<10000x64xf32, #tpu.memory_space<hbm>>) dst(%dma_wait3A_203 : memref<80x64xf32, #tpu.memory_space<vmem>>)
      %mul3A_210 = arith.constant 80 : i32
      %mul3A_211 = arith.muli %add3A_196, %mul3A_210 : i32
      %run_scoped3A_212 = arith.constant 0 : i32
      "tpu.region"() ({
        %run_scoped3A_332 = tpu.sem_alloc : memref<!tpu.dma_semaphore, #tpu.memory_space<semaphore_mem>>
        %dma_start3A_333 = arith.constant 0 : i32
        %dma_start3A_334 = arith.constant 0 : i32
        %dma_start3A_335 = tpu.memref_slice %arg9[%run_scoped3A_212, %dma_start3A_333, %dma_start3A_334] : memref<5x80x64xf32, #tpu.memory_space<vmem>> -> memref<1x80x64xf32, #tpu.memory_space<vmem>>
        %dma_start3A_336 = tpu.memref_squeeze %dma_start3A_335 : memref<1x80x64xf32, #tpu.memory_space<vmem>> -> memref<80x64xf32, #tpu.memory_space<vmem>>
        %dma_start3A_337 = tpu.memref_slice %arg8[%mul3A_211] : memref<10000xi32, #tpu.memory_space<vmem>> -> memref<80xi32, #tpu.memory_space<vmem>>
        %dma_start3A_338 = arith.constant 0 : i32
        %dma_start3A_339 = arith.constant 0 : i32
        %dma_start3A_340 = tpu.memref_slice %arg11[%dma_start3A_338, %dma_start3A_339] : memref<10000x64xf32, #tpu.memory_space<vmem_shared>> -> memref<10000x64xf32, #tpu.memory_space<vmem_shared>>
        tpu.enqueue_indirect_dma source(%dma_start3A_336 : memref<80x64xf32, #tpu.memory_space<vmem>>) target(%dma_start3A_340 : memref<10000x64xf32, #tpu.memory_space<vmem_shared>>) offsets(%dma_start3A_337 : memref<80xi32, #tpu.memory_space<vmem>>) semaphore(%run_scoped3A_332 : memref<!tpu.dma_semaphore, #tpu.memory_space<semaphore_mem>>) {add = true}
        %dma_wait3A_341 = arith.constant 0 : i32
        %dma_wait3A_342 = arith.constant 0 : i32
        %dma_wait3A_343 = tpu.memref_slice %arg9[%run_scoped3A_212, %dma_wait3A_341, %dma_wait3A_342] : memref<5x80x64xf32, #tpu.memory_space<vmem>> -> memref<1x80x64xf32, #tpu.memory_space<vmem>>
        %dma_wait3A_344 = tpu.memref_squeeze %dma_wait3A_343 : memref<1x80x64xf32, #tpu.memory_space<vmem>> -> memref<80x64xf32, #tpu.memory_space<vmem>>
        %dma_wait3A_345 = tpu.memref_slice %arg8[%mul3A_211] : memref<10000xi32, #tpu.memory_space<vmem>> -> memref<80xi32, #tpu.memory_space<vmem>>
        %dma_wait3A_346 = arith.constant 0 : i32
        %dma_wait3A_347 = arith.constant 0 : i32
        %dma_wait3A_348 = tpu.memref_slice %arg11[%dma_wait3A_346, %dma_wait3A_347] : memref<10000x64xf32, #tpu.memory_space<vmem_shared>> -> memref<10000x64xf32, #tpu.memory_space<vmem_shared>>
        tpu.wait_indirect_dma semaphore(%run_scoped3A_332 : memref<!tpu.dma_semaphore, #tpu.memory_space<semaphore_mem>>) src(%dma_wait3A_344 : memref<80x64xf32, #tpu.memory_space<vmem>>) dst(%dma_wait3A_348 : memref<10000x64xf32, #tpu.memory_space<vmem_shared>>)
        tpu.yield
      }) : () -> ()
      %add3A_213 = arith.constant 5 : i32
      %add3A_214 = arith.addi %add3A_196, %add3A_213 : i32
      %lt3A = arith.constant 125 : i32
      %lt3A_215 = arith.cmpi slt, %add3A_214, %lt3A : i32
      %convert_element_type3A_216 = arith.extui %lt3A_215 : i1 to i32
      %cond3A_217 = arith.constant 0 : i32
      %cond3A_218 = arith.cmpi ne, %convert_element_type3A_216, %cond3A_217 : i32
      scf.if %cond3A_218 {
        %mul3A_332 = arith.constant 80 : i32
        %mul3A_333 = arith.muli %add3A_214, %mul3A_332 : i32
        %dma_start3A_334 = arith.constant 0 : i32
        %dma_start3A_335 = arith.constant 0 : i32
        %dma_start3A_336 = arith.constant 0 : i32
        %dma_start3A_337 = arith.constant 0 : i32
        %dma_start3A_338 = tpu.memref_slice %arg9[%dma_start3A_334, %dma_start3A_336, %dma_start3A_337] : memref<5x80x64xf32, #tpu.memory_space<vmem>> -> memref<1x80x64xf32, #tpu.memory_space<vmem>>
        %dma_start3A_339 = tpu.memref_squeeze %dma_start3A_338 : memref<1x80x64xf32, #tpu.memory_space<vmem>> -> memref<80x64xf32, #tpu.memory_space<vmem>>
        %dma_start3A_340 = tpu.memref_slice %arg7[%mul3A_333] : memref<10000xi32, #tpu.memory_space<vmem>> -> memref<80xi32, #tpu.memory_space<vmem>>
        %dma_start3A_341 = arith.constant 0 : i32
        %dma_start3A_342 = arith.constant 0 : i32
        %dma_start3A_343 = tpu.memref_slice %arg3[%dma_start3A_341, %dma_start3A_342] : memref<10000x64xf32, #tpu.memory_space<hbm>> -> memref<10000x64xf32, #tpu.memory_space<hbm>>
        %dma_start3A_344 = tpu.memref_slice %arg12[%dma_start3A_335] : memref<5x!tpu.dma_semaphore, #tpu.memory_space<semaphore_mem>> -> memref<1x!tpu.dma_semaphore, #tpu.memory_space<semaphore_mem>>
        %dma_start3A_345 = tpu.memref_squeeze %dma_start3A_344 : memref<1x!tpu.dma_semaphore, #tpu.memory_space<semaphore_mem>> -> memref<!tpu.dma_semaphore, #tpu.memory_space<semaphore_mem>>
        tpu.enqueue_indirect_dma source(%dma_start3A_343 : memref<10000x64xf32, #tpu.memory_space<hbm>>) target(%dma_start3A_339 : memref<80x64xf32, #tpu.memory_space<vmem>>) offsets(%dma_start3A_340 : memref<80xi32, #tpu.memory_space<vmem>>) semaphore(%dma_start3A_345 : memref<!tpu.dma_semaphore, #tpu.memory_space<semaphore_mem>>)
      } else {
      }
      %mul3A_219 = arith.constant 5 : i32
      %mul3A_220 = arith.muli %scan3A_191, %mul3A_219 : i32
      %add3A_221 = arith.constant 1 : i32
      %add3A_222 = arith.addi %mul3A_220, %add3A_221 : i32
      %mul3A_223 = arith.constant 80 : i32
      %mul3A_224 = arith.muli %add3A_222, %mul3A_223 : i32
      %dma_wait3A_225 = arith.constant 1 : i32
      %dma_wait3A_226 = arith.constant 1 : i32
      %dma_wait3A_227 = arith.constant 0 : i32
      %dma_wait3A_228 = arith.constant 0 : i32
      %dma_wait3A_229 = tpu.memref_slice %arg9[%dma_wait3A_225, %dma_wait3A_227, %dma_wait3A_228] : memref<5x80x64xf32, #tpu.memory_space<vmem>> -> memref<1x80x64xf32, #tpu.memory_space<vmem>>
      %dma_wait3A_230 = tpu.memref_squeeze %dma_wait3A_229 : memref<1x80x64xf32, #tpu.memory_space<vmem>> -> memref<80x64xf32, #tpu.memory_space<vmem>>
      %dma_wait3A_231 = tpu.memref_slice %arg7[%mul3A_224] : memref<10000xi32, #tpu.memory_space<vmem>> -> memref<80xi32, #tpu.memory_space<vmem>>
      %dma_wait3A_232 = arith.constant 0 : i32
      %dma_wait3A_233 = arith.constant 0 : i32
      %dma_wait3A_234 = tpu.memref_slice %arg3[%dma_wait3A_232, %dma_wait3A_233] : memref<10000x64xf32, #tpu.memory_space<hbm>> -> memref<10000x64xf32, #tpu.memory_space<hbm>>
      %dma_wait3A_235 = tpu.memref_slice %arg12[%dma_wait3A_226] : memref<5x!tpu.dma_semaphore, #tpu.memory_space<semaphore_mem>> -> memref<1x!tpu.dma_semaphore, #tpu.memory_space<semaphore_mem>>
      %dma_wait3A_236 = tpu.memref_squeeze %dma_wait3A_235 : memref<1x!tpu.dma_semaphore, #tpu.memory_space<semaphore_mem>> -> memref<!tpu.dma_semaphore, #tpu.memory_space<semaphore_mem>>
      tpu.wait_indirect_dma semaphore(%dma_wait3A_236 : memref<!tpu.dma_semaphore, #tpu.memory_space<semaphore_mem>>) src(%dma_wait3A_234 : memref<10000x64xf32, #tpu.memory_space<hbm>>) dst(%dma_wait3A_230 : memref<80x64xf32, #tpu.memory_space<vmem>>)
      %mul3A_237 = arith.constant 80 : i32
      %mul3A_238 = arith.muli %add3A_222, %mul3A_237 : i32
      %run_scoped3A_239 = arith.constant 1 : i32
      "tpu.region"() ({
        %run_scoped3A_332 = tpu.sem_alloc : memref<!tpu.dma_semaphore, #tpu.memory_space<semaphore_mem>>
        %dma_start3A_333 = arith.constant 0 : i32
        %dma_start3A_334 = arith.constant 0 : i32
        %dma_start3A_335 = tpu.memref_slice %arg9[%run_scoped3A_239, %dma_start3A_333, %dma_start3A_334] : memref<5x80x64xf32, #tpu.memory_space<vmem>> -> memref<1x80x64xf32, #tpu.memory_space<vmem>>
        %dma_start3A_336 = tpu.memref_squeeze %dma_start3A_335 : memref<1x80x64xf32, #tpu.memory_space<vmem>> -> memref<80x64xf32, #tpu.memory_space<vmem>>
        %dma_start3A_337 = tpu.memref_slice %arg8[%mul3A_238] : memref<10000xi32, #tpu.memory_space<vmem>> -> memref<80xi32, #tpu.memory_space<vmem>>
        %dma_start3A_338 = arith.constant 0 : i32
        %dma_start3A_339 = arith.constant 0 : i32
        %dma_start3A_340 = tpu.memref_slice %arg11[%dma_start3A_338, %dma_start3A_339] : memref<10000x64xf32, #tpu.memory_space<vmem_shared>> -> memref<10000x64xf32, #tpu.memory_space<vmem_shared>>
        tpu.enqueue_indirect_dma source(%dma_start3A_336 : memref<80x64xf32, #tpu.memory_space<vmem>>) target(%dma_start3A_340 : memref<10000x64xf32, #tpu.memory_space<vmem_shared>>) offsets(%dma_start3A_337 : memref<80xi32, #tpu.memory_space<vmem>>) semaphore(%run_scoped3A_332 : memref<!tpu.dma_semaphore, #tpu.memory_space<semaphore_mem>>) {add = true}
        %dma_wait3A_341 = arith.constant 0 : i32
        %dma_wait3A_342 = arith.constant 0 : i32
        %dma_wait3A_343 = tpu.memref_slice %arg9[%run_scoped3A_239, %dma_wait3A_341, %dma_wait3A_342] : memref<5x80x64xf32, #tpu.memory_space<vmem>> -> memref<1x80x64xf32, #tpu.memory_space<vmem>>
        %dma_wait3A_344 = tpu.memref_squeeze %dma_wait3A_343 : memref<1x80x64xf32, #tpu.memory_space<vmem>> -> memref<80x64xf32, #tpu.memory_space<vmem>>
        %dma_wait3A_345 = tpu.memref_slice %arg8[%mul3A_238] : memref<10000xi32, #tpu.memory_space<vmem>> -> memref<80xi32, #tpu.memory_space<vmem>>
        %dma_wait3A_346 = arith.constant 0 : i32
        %dma_wait3A_347 = arith.constant 0 : i32
        %dma_wait3A_348 = tpu.memref_slice %arg11[%dma_wait3A_346, %dma_wait3A_347] : memref<10000x64xf32, #tpu.memory_space<vmem_shared>> -> memref<10000x64xf32, #tpu.memory_space<vmem_shared>>
        tpu.wait_indirect_dma semaphore(%run_scoped3A_332 : memref<!tpu.dma_semaphore, #tpu.memory_space<semaphore_mem>>) src(%dma_wait3A_344 : memref<80x64xf32, #tpu.memory_space<vmem>>) dst(%dma_wait3A_348 : memref<10000x64xf32, #tpu.memory_space<vmem_shared>>)
        tpu.yield
      }) : () -> ()
      %add3A_240 = arith.constant 5 : i32
      %add3A_241 = arith.addi %add3A_222, %add3A_240 : i32
      %lt3A_242 = arith.constant 125 : i32
      %lt3A_243 = arith.cmpi slt, %add3A_241, %lt3A_242 : i32
      %convert_element_type3A_244 = arith.extui %lt3A_243 : i1 to i32
      %cond3A_245 = arith.constant 0 : i32
      %cond3A_246 = arith.cmpi ne, %convert_element_type3A_244, %cond3A_245 : i32
      scf.if %cond3A_246 {
        %mul3A_332 = arith.constant 80 : i32
        %mul3A_333 = arith.muli %add3A_241, %mul3A_332 : i32
        %dma_start3A_334 = arith.constant 1 : i32
        %dma_start3A_335 = arith.constant 1 : i32
        %dma_start3A_336 = arith.constant 0 : i32
        %dma_start3A_337 = arith.constant 0 : i32
        %dma_start3A_338 = tpu.memref_slice %arg9[%dma_start3A_334, %dma_start3A_336, %dma_start3A_337] : memref<5x80x64xf32, #tpu.memory_space<vmem>> -> memref<1x80x64xf32, #tpu.memory_space<vmem>>
        %dma_start3A_339 = tpu.memref_squeeze %dma_start3A_338 : memref<1x80x64xf32, #tpu.memory_space<vmem>> -> memref<80x64xf32, #tpu.memory_space<vmem>>
        %dma_start3A_340 = tpu.memref_slice %arg7[%mul3A_333] : memref<10000xi32, #tpu.memory_space<vmem>> -> memref<80xi32, #tpu.memory_space<vmem>>
        %dma_start3A_341 = arith.constant 0 : i32
        %dma_start3A_342 = arith.constant 0 : i32
        %dma_start3A_343 = tpu.memref_slice %arg3[%dma_start3A_341, %dma_start3A_342] : memref<10000x64xf32, #tpu.memory_space<hbm>> -> memref<10000x64xf32, #tpu.memory_space<hbm>>
        %dma_start3A_344 = tpu.memref_slice %arg12[%dma_start3A_335] : memref<5x!tpu.dma_semaphore, #tpu.memory_space<semaphore_mem>> -> memref<1x!tpu.dma_semaphore, #tpu.memory_space<semaphore_mem>>
        %dma_start3A_345 = tpu.memref_squeeze %dma_start3A_344 : memref<1x!tpu.dma_semaphore, #tpu.memory_space<semaphore_mem>> -> memref<!tpu.dma_semaphore, #tpu.memory_space<semaphore_mem>>
        tpu.enqueue_indirect_dma source(%dma_start3A_343 : memref<10000x64xf32, #tpu.memory_space<hbm>>) target(%dma_start3A_339 : memref<80x64xf32, #tpu.memory_space<vmem>>) offsets(%dma_start3A_340 : memref<80xi32, #tpu.memory_space<vmem>>) semaphore(%dma_start3A_345 : memref<!tpu.dma_semaphore, #tpu.memory_space<semaphore_mem>>)
      } else {
      }
      %mul3A_247 = arith.constant 5 : i32
      %mul3A_248 = arith.muli %scan3A_191, %mul3A_247 : i32
      %add3A_249 = arith.constant 2 : i32
      %add3A_250 = arith.addi %mul3A_248, %add3A_249 : i32
      %mul3A_251 = arith.constant 80 : i32
      %mul3A_252 = arith.muli %add3A_250, %mul3A_251 : i32
      %dma_wait3A_253 = arith.constant 2 : i32
      %dma_wait3A_254 = arith.constant 2 : i32
      %dma_wait3A_255 = arith.constant 0 : i32
      %dma_wait3A_256 = arith.constant 0 : i32
      %dma_wait3A_257 = tpu.memref_slice %arg9[%dma_wait3A_253, %dma_wait3A_255, %dma_wait3A_256] : memref<5x80x64xf32, #tpu.memory_space<vmem>> -> memref<1x80x64xf32, #tpu.memory_space<vmem>>
      %dma_wait3A_258 = tpu.memref_squeeze %dma_wait3A_257 : memref<1x80x64xf32, #tpu.memory_space<vmem>> -> memref<80x64xf32, #tpu.memory_space<vmem>>
      %dma_wait3A_259 = tpu.memref_slice %arg7[%mul3A_252] : memref<10000xi32, #tpu.memory_space<vmem>> -> memref<80xi32, #tpu.memory_space<vmem>>
      %dma_wait3A_260 = arith.constant 0 : i32
      %dma_wait3A_261 = arith.constant 0 : i32
      %dma_wait3A_262 = tpu.memref_slice %arg3[%dma_wait3A_260, %dma_wait3A_261] : memref<10000x64xf32, #tpu.memory_space<hbm>> -> memref<10000x64xf32, #tpu.memory_space<hbm>>
      %dma_wait3A_263 = tpu.memref_slice %arg12[%dma_wait3A_254] : memref<5x!tpu.dma_semaphore, #tpu.memory_space<semaphore_mem>> -> memref<1x!tpu.dma_semaphore, #tpu.memory_space<semaphore_mem>>
      %dma_wait3A_264 = tpu.memref_squeeze %dma_wait3A_263 : memref<1x!tpu.dma_semaphore, #tpu.memory_space<semaphore_mem>> -> memref<!tpu.dma_semaphore, #tpu.memory_space<semaphore_mem>>
      tpu.wait_indirect_dma semaphore(%dma_wait3A_264 : memref<!tpu.dma_semaphore, #tpu.memory_space<semaphore_mem>>) src(%dma_wait3A_262 : memref<10000x64xf32, #tpu.memory_space<hbm>>) dst(%dma_wait3A_258 : memref<80x64xf32, #tpu.memory_space<vmem>>)
      %mul3A_265 = arith.constant 80 : i32
      %mul3A_266 = arith.muli %add3A_250, %mul3A_265 : i32
      %run_scoped3A_267 = arith.constant 2 : i32
      "tpu.region"() ({
        %run_scoped3A_332 = tpu.sem_alloc : memref<!tpu.dma_semaphore, #tpu.memory_space<semaphore_mem>>
        %dma_start3A_333 = arith.constant 0 : i32
        %dma_start3A_334 = arith.constant 0 : i32
        %dma_start3A_335 = tpu.memref_slice %arg9[%run_scoped3A_267, %dma_start3A_333, %dma_start3A_334] : memref<5x80x64xf32, #tpu.memory_space<vmem>> -> memref<1x80x64xf32, #tpu.memory_space<vmem>>
        %dma_start3A_336 = tpu.memref_squeeze %dma_start3A_335 : memref<1x80x64xf32, #tpu.memory_space<vmem>> -> memref<80x64xf32, #tpu.memory_space<vmem>>
        %dma_start3A_337 = tpu.memref_slice %arg8[%mul3A_266] : memref<10000xi32, #tpu.memory_space<vmem>> -> memref<80xi32, #tpu.memory_space<vmem>>
        %dma_start3A_338 = arith.constant 0 : i32
        %dma_start3A_339 = arith.constant 0 : i32
        %dma_start3A_340 = tpu.memref_slice %arg11[%dma_start3A_338, %dma_start3A_339] : memref<10000x64xf32, #tpu.memory_space<vmem_shared>> -> memref<10000x64xf32, #tpu.memory_space<vmem_shared>>
        tpu.enqueue_indirect_dma source(%dma_start3A_336 : memref<80x64xf32, #tpu.memory_space<vmem>>) target(%dma_start3A_340 : memref<10000x64xf32, #tpu.memory_space<vmem_shared>>) offsets(%dma_start3A_337 : memref<80xi32, #tpu.memory_space<vmem>>) semaphore(%run_scoped3A_332 : memref<!tpu.dma_semaphore, #tpu.memory_space<semaphore_mem>>) {add = true}
        %dma_wait3A_341 = arith.constant 0 : i32
        %dma_wait3A_342 = arith.constant 0 : i32
        %dma_wait3A_343 = tpu.memref_slice %arg9[%run_scoped3A_267, %dma_wait3A_341, %dma_wait3A_342] : memref<5x80x64xf32, #tpu.memory_space<vmem>> -> memref<1x80x64xf32, #tpu.memory_space<vmem>>
        %dma_wait3A_344 = tpu.memref_squeeze %dma_wait3A_343 : memref<1x80x64xf32, #tpu.memory_space<vmem>> -> memref<80x64xf32, #tpu.memory_space<vmem>>
        %dma_wait3A_345 = tpu.memref_slice %arg8[%mul3A_266] : memref<10000xi32, #tpu.memory_space<vmem>> -> memref<80xi32, #tpu.memory_space<vmem>>
        %dma_wait3A_346 = arith.constant 0 : i32
        %dma_wait3A_347 = arith.constant 0 : i32
        %dma_wait3A_348 = tpu.memref_slice %arg11[%dma_wait3A_346, %dma_wait3A_347] : memref<10000x64xf32, #tpu.memory_space<vmem_shared>> -> memref<10000x64xf32, #tpu.memory_space<vmem_shared>>
        tpu.wait_indirect_dma semaphore(%run_scoped3A_332 : memref<!tpu.dma_semaphore, #tpu.memory_space<semaphore_mem>>) src(%dma_wait3A_344 : memref<80x64xf32, #tpu.memory_space<vmem>>) dst(%dma_wait3A_348 : memref<10000x64xf32, #tpu.memory_space<vmem_shared>>)
        tpu.yield
      }) : () -> ()
      %add3A_268 = arith.constant 5 : i32
      %add3A_269 = arith.addi %add3A_250, %add3A_268 : i32
      %lt3A_270 = arith.constant 125 : i32
      %lt3A_271 = arith.cmpi slt, %add3A_269, %lt3A_270 : i32
      %convert_element_type3A_272 = arith.extui %lt3A_271 : i1 to i32
      %cond3A_273 = arith.constant 0 : i32
      %cond3A_274 = arith.cmpi ne, %convert_element_type3A_272, %cond3A_273 : i32
      scf.if %cond3A_274 {
        %mul3A_332 = arith.constant 80 : i32
        %mul3A_333 = arith.muli %add3A_269, %mul3A_332 : i32
        %dma_start3A_334 = arith.constant 2 : i32
        %dma_start3A_335 = arith.constant 2 : i32
        %dma_start3A_336 = arith.constant 0 : i32
        %dma_start3A_337 = arith.constant 0 : i32
        %dma_start3A_338 = tpu.memref_slice %arg9[%dma_start3A_334, %dma_start3A_336, %dma_start3A_337] : memref<5x80x64xf32, #tpu.memory_space<vmem>> -> memref<1x80x64xf32, #tpu.memory_space<vmem>>
        %dma_start3A_339 = tpu.memref_squeeze %dma_start3A_338 : memref<1x80x64xf32, #tpu.memory_space<vmem>> -> memref<80x64xf32, #tpu.memory_space<vmem>>
        %dma_start3A_340 = tpu.memref_slice %arg7[%mul3A_333] : memref<10000xi32, #tpu.memory_space<vmem>> -> memref<80xi32, #tpu.memory_space<vmem>>
        %dma_start3A_341 = arith.constant 0 : i32
        %dma_start3A_342 = arith.constant 0 : i32
        %dma_start3A_343 = tpu.memref_slice %arg3[%dma_start3A_341, %dma_start3A_342] : memref<10000x64xf32, #tpu.memory_space<hbm>> -> memref<10000x64xf32, #tpu.memory_space<hbm>>
        %dma_start3A_344 = tpu.memref_slice %arg12[%dma_start3A_335] : memref<5x!tpu.dma_semaphore, #tpu.memory_space<semaphore_mem>> -> memref<1x!tpu.dma_semaphore, #tpu.memory_space<semaphore_mem>>
        %dma_start3A_345 = tpu.memref_squeeze %dma_start3A_344 : memref<1x!tpu.dma_semaphore, #tpu.memory_space<semaphore_mem>> -> memref<!tpu.dma_semaphore, #tpu.memory_space<semaphore_mem>>
        tpu.enqueue_indirect_dma source(%dma_start3A_343 : memref<10000x64xf32, #tpu.memory_space<hbm>>) target(%dma_start3A_339 : memref<80x64xf32, #tpu.memory_space<vmem>>) offsets(%dma_start3A_340 : memref<80xi32, #tpu.memory_space<vmem>>) semaphore(%dma_start3A_345 : memref<!tpu.dma_semaphore, #tpu.memory_space<semaphore_mem>>)
      } else {
      }
      %mul3A_275 = arith.constant 5 : i32
      %mul3A_276 = arith.muli %scan3A_191, %mul3A_275 : i32
      %add3A_277 = arith.constant 3 : i32
      %add3A_278 = arith.addi %mul3A_276, %add3A_277 : i32
      %mul3A_279 = arith.constant 80 : i32
      %mul3A_280 = arith.muli %add3A_278, %mul3A_279 : i32
      %dma_wait3A_281 = arith.constant 3 : i32
      %dma_wait3A_282 = arith.constant 3 : i32
      %dma_wait3A_283 = arith.constant 0 : i32
      %dma_wait3A_284 = arith.constant 0 : i32
      %dma_wait3A_285 = tpu.memref_slice %arg9[%dma_wait3A_281, %dma_wait3A_283, %dma_wait3A_284] : memref<5x80x64xf32, #tpu.memory_space<vmem>> -> memref<1x80x64xf32, #tpu.memory_space<vmem>>
      %dma_wait3A_286 = tpu.memref_squeeze %dma_wait3A_285 : memref<1x80x64xf32, #tpu.memory_space<vmem>> -> memref<80x64xf32, #tpu.memory_space<vmem>>
      %dma_wait3A_287 = tpu.memref_slice %arg7[%mul3A_280] : memref<10000xi32, #tpu.memory_space<vmem>> -> memref<80xi32, #tpu.memory_space<vmem>>
      %dma_wait3A_288 = arith.constant 0 : i32
      %dma_wait3A_289 = arith.constant 0 : i32
      %dma_wait3A_290 = tpu.memref_slice %arg3[%dma_wait3A_288, %dma_wait3A_289] : memref<10000x64xf32, #tpu.memory_space<hbm>> -> memref<10000x64xf32, #tpu.memory_space<hbm>>
      %dma_wait3A_291 = tpu.memref_slice %arg12[%dma_wait3A_282] : memref<5x!tpu.dma_semaphore, #tpu.memory_space<semaphore_mem>> -> memref<1x!tpu.dma_semaphore, #tpu.memory_space<semaphore_mem>>
      %dma_wait3A_292 = tpu.memref_squeeze %dma_wait3A_291 : memref<1x!tpu.dma_semaphore, #tpu.memory_space<semaphore_mem>> -> memref<!tpu.dma_semaphore, #tpu.memory_space<semaphore_mem>>
      tpu.wait_indirect_dma semaphore(%dma_wait3A_292 : memref<!tpu.dma_semaphore, #tpu.memory_space<semaphore_mem>>) src(%dma_wait3A_290 : memref<10000x64xf32, #tpu.memory_space<hbm>>) dst(%dma_wait3A_286 : memref<80x64xf32, #tpu.memory_space<vmem>>)
      %mul3A_293 = arith.constant 80 : i32
      %mul3A_294 = arith.muli %add3A_278, %mul3A_293 : i32
      %run_scoped3A_295 = arith.constant 3 : i32
      "tpu.region"() ({
        %run_scoped3A_332 = tpu.sem_alloc : memref<!tpu.dma_semaphore, #tpu.memory_space<semaphore_mem>>
        %dma_start3A_333 = arith.constant 0 : i32
        %dma_start3A_334 = arith.constant 0 : i32
        %dma_start3A_335 = tpu.memref_slice %arg9[%run_scoped3A_295, %dma_start3A_333, %dma_start3A_334] : memref<5x80x64xf32, #tpu.memory_space<vmem>> -> memref<1x80x64xf32, #tpu.memory_space<vmem>>
        %dma_start3A_336 = tpu.memref_squeeze %dma_start3A_335 : memref<1x80x64xf32, #tpu.memory_space<vmem>> -> memref<80x64xf32, #tpu.memory_space<vmem>>
        %dma_start3A_337 = tpu.memref_slice %arg8[%mul3A_294] : memref<10000xi32, #tpu.memory_space<vmem>> -> memref<80xi32, #tpu.memory_space<vmem>>
        %dma_start3A_338 = arith.constant 0 : i32
        %dma_start3A_339 = arith.constant 0 : i32
        %dma_start3A_340 = tpu.memref_slice %arg11[%dma_start3A_338, %dma_start3A_339] : memref<10000x64xf32, #tpu.memory_space<vmem_shared>> -> memref<10000x64xf32, #tpu.memory_space<vmem_shared>>
        tpu.enqueue_indirect_dma source(%dma_start3A_336 : memref<80x64xf32, #tpu.memory_space<vmem>>) target(%dma_start3A_340 : memref<10000x64xf32, #tpu.memory_space<vmem_shared>>) offsets(%dma_start3A_337 : memref<80xi32, #tpu.memory_space<vmem>>) semaphore(%run_scoped3A_332 : memref<!tpu.dma_semaphore, #tpu.memory_space<semaphore_mem>>) {add = true}
        %dma_wait3A_341 = arith.constant 0 : i32
        %dma_wait3A_342 = arith.constant 0 : i32
        %dma_wait3A_343 = tpu.memref_slice %arg9[%run_scoped3A_295, %dma_wait3A_341, %dma_wait3A_342] : memref<5x80x64xf32, #tpu.memory_space<vmem>> -> memref<1x80x64xf32, #tpu.memory_space<vmem>>
        %dma_wait3A_344 = tpu.memref_squeeze %dma_wait3A_343 : memref<1x80x64xf32, #tpu.memory_space<vmem>> -> memref<80x64xf32, #tpu.memory_space<vmem>>
        %dma_wait3A_345 = tpu.memref_slice %arg8[%mul3A_294] : memref<10000xi32, #tpu.memory_space<vmem>> -> memref<80xi32, #tpu.memory_space<vmem>>
        %dma_wait3A_346 = arith.constant 0 : i32
        %dma_wait3A_347 = arith.constant 0 : i32
        %dma_wait3A_348 = tpu.memref_slice %arg11[%dma_wait3A_346, %dma_wait3A_347] : memref<10000x64xf32, #tpu.memory_space<vmem_shared>> -> memref<10000x64xf32, #tpu.memory_space<vmem_shared>>
        tpu.wait_indirect_dma semaphore(%run_scoped3A_332 : memref<!tpu.dma_semaphore, #tpu.memory_space<semaphore_mem>>) src(%dma_wait3A_344 : memref<80x64xf32, #tpu.memory_space<vmem>>) dst(%dma_wait3A_348 : memref<10000x64xf32, #tpu.memory_space<vmem_shared>>)
        tpu.yield
      }) : () -> ()
      %add3A_296 = arith.constant 5 : i32
      %add3A_297 = arith.addi %add3A_278, %add3A_296 : i32
      %lt3A_298 = arith.constant 125 : i32
      %lt3A_299 = arith.cmpi slt, %add3A_297, %lt3A_298 : i32
      %convert_element_type3A_300 = arith.extui %lt3A_299 : i1 to i32
      %cond3A_301 = arith.constant 0 : i32
      %cond3A_302 = arith.cmpi ne, %convert_element_type3A_300, %cond3A_301 : i32
      scf.if %cond3A_302 {
        %mul3A_332 = arith.constant 80 : i32
        %mul3A_333 = arith.muli %add3A_297, %mul3A_332 : i32
        %dma_start3A_334 = arith.constant 3 : i32
        %dma_start3A_335 = arith.constant 3 : i32
        %dma_start3A_336 = arith.constant 0 : i32
        %dma_start3A_337 = arith.constant 0 : i32
        %dma_start3A_338 = tpu.memref_slice %arg9[%dma_start3A_334, %dma_start3A_336, %dma_start3A_337] : memref<5x80x64xf32, #tpu.memory_space<vmem>> -> memref<1x80x64xf32, #tpu.memory_space<vmem>>
        %dma_start3A_339 = tpu.memref_squeeze %dma_start3A_338 : memref<1x80x64xf32, #tpu.memory_space<vmem>> -> memref<80x64xf32, #tpu.memory_space<vmem>>
        %dma_start3A_340 = tpu.memref_slice %arg7[%mul3A_333] : memref<10000xi32, #tpu.memory_space<vmem>> -> memref<80xi32, #tpu.memory_space<vmem>>
        %dma_start3A_341 = arith.constant 0 : i32
        %dma_start3A_342 = arith.constant 0 : i32
        %dma_start3A_343 = tpu.memref_slice %arg3[%dma_start3A_341, %dma_start3A_342] : memref<10000x64xf32, #tpu.memory_space<hbm>> -> memref<10000x64xf32, #tpu.memory_space<hbm>>
        %dma_start3A_344 = tpu.memref_slice %arg12[%dma_start3A_335] : memref<5x!tpu.dma_semaphore, #tpu.memory_space<semaphore_mem>> -> memref<1x!tpu.dma_semaphore, #tpu.memory_space<semaphore_mem>>
        %dma_start3A_345 = tpu.memref_squeeze %dma_start3A_344 : memref<1x!tpu.dma_semaphore, #tpu.memory_space<semaphore_mem>> -> memref<!tpu.dma_semaphore, #tpu.memory_space<semaphore_mem>>
        tpu.enqueue_indirect_dma source(%dma_start3A_343 : memref<10000x64xf32, #tpu.memory_space<hbm>>) target(%dma_start3A_339 : memref<80x64xf32, #tpu.memory_space<vmem>>) offsets(%dma_start3A_340 : memref<80xi32, #tpu.memory_space<vmem>>) semaphore(%dma_start3A_345 : memref<!tpu.dma_semaphore, #tpu.memory_space<semaphore_mem>>)
      } else {
      }
      %mul3A_303 = arith.constant 5 : i32
      %mul3A_304 = arith.muli %scan3A_191, %mul3A_303 : i32
      %add3A_305 = arith.constant 4 : i32
      %add3A_306 = arith.addi %mul3A_304, %add3A_305 : i32
      %mul3A_307 = arith.constant 80 : i32
      %mul3A_308 = arith.muli %add3A_306, %mul3A_307 : i32
      %dma_wait3A_309 = arith.constant 4 : i32
      %dma_wait3A_310 = arith.constant 4 : i32
      %dma_wait3A_311 = arith.constant 0 : i32
      %dma_wait3A_312 = arith.constant 0 : i32
      %dma_wait3A_313 = tpu.memref_slice %arg9[%dma_wait3A_309, %dma_wait3A_311, %dma_wait3A_312] : memref<5x80x64xf32, #tpu.memory_space<vmem>> -> memref<1x80x64xf32, #tpu.memory_space<vmem>>
      %dma_wait3A_314 = tpu.memref_squeeze %dma_wait3A_313 : memref<1x80x64xf32, #tpu.memory_space<vmem>> -> memref<80x64xf32, #tpu.memory_space<vmem>>
      %dma_wait3A_315 = tpu.memref_slice %arg7[%mul3A_308] : memref<10000xi32, #tpu.memory_space<vmem>> -> memref<80xi32, #tpu.memory_space<vmem>>
      %dma_wait3A_316 = arith.constant 0 : i32
      %dma_wait3A_317 = arith.constant 0 : i32
      %dma_wait3A_318 = tpu.memref_slice %arg3[%dma_wait3A_316, %dma_wait3A_317] : memref<10000x64xf32, #tpu.memory_space<hbm>> -> memref<10000x64xf32, #tpu.memory_space<hbm>>
      %dma_wait3A_319 = tpu.memref_slice %arg12[%dma_wait3A_310] : memref<5x!tpu.dma_semaphore, #tpu.memory_space<semaphore_mem>> -> memref<1x!tpu.dma_semaphore, #tpu.memory_space<semaphore_mem>>
      %dma_wait3A_320 = tpu.memref_squeeze %dma_wait3A_319 : memref<1x!tpu.dma_semaphore, #tpu.memory_space<semaphore_mem>> -> memref<!tpu.dma_semaphore, #tpu.memory_space<semaphore_mem>>
      tpu.wait_indirect_dma semaphore(%dma_wait3A_320 : memref<!tpu.dma_semaphore, #tpu.memory_space<semaphore_mem>>) src(%dma_wait3A_318 : memref<10000x64xf32, #tpu.memory_space<hbm>>) dst(%dma_wait3A_314 : memref<80x64xf32, #tpu.memory_space<vmem>>)
      %mul3A_321 = arith.constant 80 : i32
      %mul3A_322 = arith.muli %add3A_306, %mul3A_321 : i32
      %run_scoped3A_323 = arith.constant 4 : i32
      "tpu.region"() ({
        %run_scoped3A_332 = tpu.sem_alloc : memref<!tpu.dma_semaphore, #tpu.memory_space<semaphore_mem>>
        %dma_start3A_333 = arith.constant 0 : i32
        %dma_start3A_334 = arith.constant 0 : i32
        %dma_start3A_335 = tpu.memref_slice %arg9[%run_scoped3A_323, %dma_start3A_333, %dma_start3A_334] : memref<5x80x64xf32, #tpu.memory_space<vmem>> -> memref<1x80x64xf32, #tpu.memory_space<vmem>>
        %dma_start3A_336 = tpu.memref_squeeze %dma_start3A_335 : memref<1x80x64xf32, #tpu.memory_space<vmem>> -> memref<80x64xf32, #tpu.memory_space<vmem>>
        %dma_start3A_337 = tpu.memref_slice %arg8[%mul3A_322] : memref<10000xi32, #tpu.memory_space<vmem>> -> memref<80xi32, #tpu.memory_space<vmem>>
        %dma_start3A_338 = arith.constant 0 : i32
        %dma_start3A_339 = arith.constant 0 : i32
        %dma_start3A_340 = tpu.memref_slice %arg11[%dma_start3A_338, %dma_start3A_339] : memref<10000x64xf32, #tpu.memory_space<vmem_shared>> -> memref<10000x64xf32, #tpu.memory_space<vmem_shared>>
        tpu.enqueue_indirect_dma source(%dma_start3A_336 : memref<80x64xf32, #tpu.memory_space<vmem>>) target(%dma_start3A_340 : memref<10000x64xf32, #tpu.memory_space<vmem_shared>>) offsets(%dma_start3A_337 : memref<80xi32, #tpu.memory_space<vmem>>) semaphore(%run_scoped3A_332 : memref<!tpu.dma_semaphore, #tpu.memory_space<semaphore_mem>>) {add = true}
        %dma_wait3A_341 = arith.constant 0 : i32
        %dma_wait3A_342 = arith.constant 0 : i32
        %dma_wait3A_343 = tpu.memref_slice %arg9[%run_scoped3A_323, %dma_wait3A_341, %dma_wait3A_342] : memref<5x80x64xf32, #tpu.memory_space<vmem>> -> memref<1x80x64xf32, #tpu.memory_space<vmem>>
        %dma_wait3A_344 = tpu.memref_squeeze %dma_wait3A_343 : memref<1x80x64xf32, #tpu.memory_space<vmem>> -> memref<80x64xf32, #tpu.memory_space<vmem>>
        %dma_wait3A_345 = tpu.memref_slice %arg8[%mul3A_322] : memref<10000xi32, #tpu.memory_space<vmem>> -> memref<80xi32, #tpu.memory_space<vmem>>
        %dma_wait3A_346 = arith.constant 0 : i32
        %dma_wait3A_347 = arith.constant 0 : i32
        %dma_wait3A_348 = tpu.memref_slice %arg11[%dma_wait3A_346, %dma_wait3A_347] : memref<10000x64xf32, #tpu.memory_space<vmem_shared>> -> memref<10000x64xf32, #tpu.memory_space<vmem_shared>>
        tpu.wait_indirect_dma semaphore(%run_scoped3A_332 : memref<!tpu.dma_semaphore, #tpu.memory_space<semaphore_mem>>) src(%dma_wait3A_344 : memref<80x64xf32, #tpu.memory_space<vmem>>) dst(%dma_wait3A_348 : memref<10000x64xf32, #tpu.memory_space<vmem_shared>>)
        tpu.yield
      }) : () -> ()
      %add3A_324 = arith.constant 5 : i32
      %add3A_325 = arith.addi %add3A_306, %add3A_324 : i32
      %lt3A_326 = arith.constant 125 : i32
      %lt3A_327 = arith.cmpi slt, %add3A_325, %lt3A_326 : i32
      %convert_element_type3A_328 = arith.extui %lt3A_327 : i1 to i32
      %cond3A_329 = arith.constant 0 : i32
      %cond3A_330 = arith.cmpi ne, %convert_element_type3A_328, %cond3A_329 : i32
      scf.if %cond3A_330 {
        %mul3A_332 = arith.constant 80 : i32
        %mul3A_333 = arith.muli %add3A_325, %mul3A_332 : i32
        %dma_start3A_334 = arith.constant 4 : i32
        %dma_start3A_335 = arith.constant 4 : i32
        %dma_start3A_336 = arith.constant 0 : i32
        %dma_start3A_337 = arith.constant 0 : i32
        %dma_start3A_338 = tpu.memref_slice %arg9[%dma_start3A_334, %dma_start3A_336, %dma_start3A_337] : memref<5x80x64xf32, #tpu.memory_space<vmem>> -> memref<1x80x64xf32, #tpu.memory_space<vmem>>
        %dma_start3A_339 = tpu.memref_squeeze %dma_start3A_338 : memref<1x80x64xf32, #tpu.memory_space<vmem>> -> memref<80x64xf32, #tpu.memory_space<vmem>>
        %dma_start3A_340 = tpu.memref_slice %arg7[%mul3A_333] : memref<10000xi32, #tpu.memory_space<vmem>> -> memref<80xi32, #tpu.memory_space<vmem>>
        %dma_start3A_341 = arith.constant 0 : i32
        %dma_start3A_342 = arith.constant 0 : i32
        %dma_start3A_343 = tpu.memref_slice %arg3[%dma_start3A_341, %dma_start3A_342] : memref<10000x64xf32, #tpu.memory_space<hbm>> -> memref<10000x64xf32, #tpu.memory_space<hbm>>
        %dma_start3A_344 = tpu.memref_slice %arg12[%dma_start3A_335] : memref<5x!tpu.dma_semaphore, #tpu.memory_space<semaphore_mem>> -> memref<1x!tpu.dma_semaphore, #tpu.memory_space<semaphore_mem>>
        %dma_start3A_345 = tpu.memref_squeeze %dma_start3A_344 : memref<1x!tpu.dma_semaphore, #tpu.memory_space<semaphore_mem>> -> memref<!tpu.dma_semaphore, #tpu.memory_space<semaphore_mem>>
        tpu.enqueue_indirect_dma source(%dma_start3A_343 : memref<10000x64xf32, #tpu.memory_space<hbm>>) target(%dma_start3A_339 : memref<80x64xf32, #tpu.memory_space<vmem>>) offsets(%dma_start3A_340 : memref<80xi32, #tpu.memory_space<vmem>>) semaphore(%dma_start3A_345 : memref<!tpu.dma_semaphore, #tpu.memory_space<semaphore_mem>>)
      } else {
      }
      %scan3A_331 = arith.constant 0 : i32
      scf.yield %scan3A_331 : i32
    }
    %scan3A_178 = arith.constant 25 : i32
    %barrier3A_179 = arith.constant 0 : index
    tpu.barrier barrier_id(%barrier3A_179)
    %mul3A_180 = arith.constant 624 : i32
    %mul3A_181 = arith.muli %arg1, %mul3A_180 : i32
    %mul3A_182 = arith.constant 624 : i32
    %mul3A_183 = arith.muli %arg1, %mul3A_182 : i32
    %mul3A_184 = arith.constant 64 : i32
    %mul3A_185 = arith.muli %arg0, %mul3A_184 : i32
    "tpu.region"() ({
      %run_scoped3A_191 = tpu.sem_alloc : memref<!tpu.dma_semaphore, #tpu.memory_space<semaphore_mem>>
      %dma_start3A_192 = tpu.memref_slice %arg6[%mul3A_183, %mul3A_185] : memref<10000x128xf32, #tpu.memory_space<hbm>> -> memref<624x64xf32, #tpu.memory_space<hbm>>
      %dma_start3A_193 = arith.constant 0 : i32
      %dma_start3A_194 = tpu.memref_slice %arg11[%mul3A_181, %dma_start3A_193] : memref<10000x64xf32, #tpu.memory_space<vmem_shared>> -> memref<624x64xf32, #tpu.memory_space<vmem_shared>>
      tpu.enqueue_dma source(%dma_start3A_194 : memref<624x64xf32, #tpu.memory_space<vmem_shared>>) target(%dma_start3A_192 : memref<624x64xf32, #tpu.memory_space<hbm>>) target_semaphore(%run_scoped3A_191 : memref<!tpu.dma_semaphore, #tpu.memory_space<semaphore_mem>>)
      %dma_wait3A = tpu.memref_slice %arg6[%mul3A_183, %mul3A_185] : memref<10000x128xf32, #tpu.memory_space<hbm>> -> memref<624x64xf32, #tpu.memory_space<hbm>>
      %dma_wait3A_195 = arith.constant 0 : i32
      %dma_wait3A_196 = tpu.memref_slice %arg11[%mul3A_181, %dma_wait3A_195] : memref<10000x64xf32, #tpu.memory_space<vmem_shared>> -> memref<624x64xf32, #tpu.memory_space<vmem_shared>>
      tpu.wait_dma2 semaphore(%run_scoped3A_191 : memref<!tpu.dma_semaphore, #tpu.memory_space<semaphore_mem>>) src(%dma_wait3A_196 : memref<624x64xf32, #tpu.memory_space<vmem_shared>>) dst(%dma_wait3A : memref<624x64xf32, #tpu.memory_space<hbm>>)
      tpu.yield
    }) : () -> ()
    %eq3A_186 = arith.constant 15 : i32
    %eq3A_187 = arith.cmpi eq, %arg1, %eq3A_186 : i32
    %convert_element_type3A_188 = arith.extui %eq3A_187 : i1 to i32
    %cond3A_189 = arith.constant 0 : i32
    %cond3A_190 = arith.cmpi ne, %convert_element_type3A_188, %cond3A_189 : i32
    scf.if %cond3A_190 {
      %mul3A_191 = arith.constant 64 : i32
      %mul3A_192 = arith.muli %arg0, %mul3A_191 : i32
      "tpu.region"() ({
        %run_scoped3A_193 = tpu.sem_alloc : memref<!tpu.dma_semaphore, #tpu.memory_space<semaphore_mem>>
        %dma_start3A_194 = arith.constant 9984 : i32
        %dma_start3A_195 = tpu.memref_slice %arg6[%dma_start3A_194, %mul3A_192] : memref<10000x128xf32, #tpu.memory_space<hbm>> -> memref<16x64xf32, #tpu.memory_space<hbm>>
        %dma_start3A_196 = arith.constant 9984 : i32
        %dma_start3A_197 = arith.constant 0 : i32
        %dma_start3A_198 = tpu.memref_slice %arg11[%dma_start3A_196, %dma_start3A_197] : memref<10000x64xf32, #tpu.memory_space<vmem_shared>> -> memref<16x64xf32, #tpu.memory_space<vmem_shared>>
        tpu.enqueue_dma source(%dma_start3A_198 : memref<16x64xf32, #tpu.memory_space<vmem_shared>>) target(%dma_start3A_195 : memref<16x64xf32, #tpu.memory_space<hbm>>) target_semaphore(%run_scoped3A_193 : memref<!tpu.dma_semaphore, #tpu.memory_space<semaphore_mem>>)
        %dma_wait3A = arith.constant 9984 : i32
        %dma_wait3A_199 = tpu.memref_slice %arg6[%dma_wait3A, %mul3A_192] : memref<10000x128xf32, #tpu.memory_space<hbm>> -> memref<16x64xf32, #tpu.memory_space<hbm>>
        %dma_wait3A_200 = arith.constant 9984 : i32
        %dma_wait3A_201 = arith.constant 0 : i32
        %dma_wait3A_202 = tpu.memref_slice %arg11[%dma_wait3A_200, %dma_wait3A_201] : memref<10000x64xf32, #tpu.memory_space<vmem_shared>> -> memref<16x64xf32, #tpu.memory_space<vmem_shared>>
        tpu.wait_dma2 semaphore(%run_scoped3A_193 : memref<!tpu.dma_semaphore, #tpu.memory_space<semaphore_mem>>) src(%dma_wait3A_202 : memref<16x64xf32, #tpu.memory_space<vmem_shared>>) dst(%dma_wait3A_199 : memref<16x64xf32, #tpu.memory_space<hbm>>)
        tpu.yield
      }) : () -> ()
    } else {
    }
    return
  }
}

#map = affine_map<(d0, d1) -> (0, 0)>
module attributes {stable_mosaic.version = 14 : i64} {
  func.func @seg(%arg0: i32, %arg1: i32, %arg2: memref<10000x64xf32, #tpu.memory_space<hbm>>, %arg3: memref<2x320000xi32, #tpu.memory_space<hbm>>, %arg4: memref<10000x128xf32, #tpu.memory_space<hbm>>, %arg5: memref<10000xi32, #tpu.memory_space<vmem>>, %arg6: memref<10000xi32, #tpu.memory_space<vmem>>, %arg7: memref<5x80x64xf32, #tpu.memory_space<vmem>>, %arg8: memref<624x64xf32, #tpu.memory_space<vmem>>, %arg9: memref<10000x64xf32, #tpu.memory_space<vmem_shared>>, %arg10: memref<5x!tpu.dma_semaphore, #tpu.memory_space<semaphore_mem>>) attributes {dimension_semantics = [#tpu.dimension_semantics<core_parallel>, #tpu.dimension_semantics<subcore_parallel>], iteration_bounds = array<i64: 2, 16>, scalar_prefetch = 0 : i64, scratch_operands = 6 : i64, tpu.core_type = #tpu.core_type<sc_vector_subcore>, window_params = [{transform_indices = #map}, {transform_indices = #map}, {transform_indices = #map}]} {
    %mul3A = arith.constant 16 : i32
    %mul3A_0 = arith.muli %arg0, %mul3A : i32
    %add3A = arith.addi %mul3A_0, %arg1 : i32
    %mul3A_1 = arith.constant 10000 : i32
    %mul3A_2 = arith.muli %add3A, %mul3A_1 : i32
    %run_scoped3A = arith.constant 0 : i32
    "tpu.region"() ({
      %run_scoped3A_99 = tpu.sem_alloc : memref<!tpu.dma_semaphore, #tpu.memory_space<semaphore_mem>>
      %dma_start3A_100 = tpu.memref_slice %arg3[%run_scoped3A, %mul3A_2] : memref<2x320000xi32, #tpu.memory_space<hbm>> -> memref<1x10000xi32, #tpu.memory_space<hbm>>
      %dma_start3A_101 = tpu.memref_squeeze %dma_start3A_100 : memref<1x10000xi32, #tpu.memory_space<hbm>> -> memref<10000xi32, #tpu.memory_space<hbm>>
      %dma_start3A_102 = tpu.memref_slice %arg3[%run_scoped3A, %mul3A_2] : memref<2x320000xi32, #tpu.memory_space<hbm>> -> memref<1x10000xi32, #tpu.memory_space<hbm>>
      %dma_start3A_103 = tpu.memref_squeeze %dma_start3A_102 : memref<1x10000xi32, #tpu.memory_space<hbm>> -> memref<10000xi32, #tpu.memory_space<hbm>>
      tpu.enqueue_dma source(%dma_start3A_103 : memref<10000xi32, #tpu.memory_space<hbm>>) target(%arg5 : memref<10000xi32, #tpu.memory_space<vmem>>) target_semaphore(%run_scoped3A_99 : memref<!tpu.dma_semaphore, #tpu.memory_space<semaphore_mem>>)
      %dma_wait3A = tpu.memref_slice %arg3[%run_scoped3A, %mul3A_2] : memref<2x320000xi32, #tpu.memory_space<hbm>> -> memref<1x10000xi32, #tpu.memory_space<hbm>>
      %dma_wait3A_104 = tpu.memref_squeeze %dma_wait3A : memref<1x10000xi32, #tpu.memory_space<hbm>> -> memref<10000xi32, #tpu.memory_space<hbm>>
      %dma_wait3A_105 = tpu.memref_slice %arg3[%run_scoped3A, %mul3A_2] : memref<2x320000xi32, #tpu.memory_space<hbm>> -> memref<1x10000xi32, #tpu.memory_space<hbm>>
      %dma_wait3A_106 = tpu.memref_squeeze %dma_wait3A_105 : memref<1x10000xi32, #tpu.memory_space<hbm>> -> memref<10000xi32, #tpu.memory_space<hbm>>
      tpu.wait_dma2 semaphore(%run_scoped3A_99 : memref<!tpu.dma_semaphore, #tpu.memory_space<semaphore_mem>>) src(%dma_wait3A_106 : memref<10000xi32, #tpu.memory_space<hbm>>) dst(%arg5 : memref<10000xi32, #tpu.memory_space<vmem>>)
      tpu.yield
    }) : () -> ()
    %mul3A_3 = arith.constant 10000 : i32
    %mul3A_4 = arith.muli %add3A, %mul3A_3 : i32
    %run_scoped3A_5 = arith.constant 1 : i32
    "tpu.region"() ({
      %run_scoped3A_99 = tpu.sem_alloc : memref<!tpu.dma_semaphore, #tpu.memory_space<semaphore_mem>>
      %dma_start3A_100 = tpu.memref_slice %arg3[%run_scoped3A_5, %mul3A_4] : memref<2x320000xi32, #tpu.memory_space<hbm>> -> memref<1x10000xi32, #tpu.memory_space<hbm>>
      %dma_start3A_101 = tpu.memref_squeeze %dma_start3A_100 : memref<1x10000xi32, #tpu.memory_space<hbm>> -> memref<10000xi32, #tpu.memory_space<hbm>>
      %dma_start3A_102 = tpu.memref_slice %arg3[%run_scoped3A_5, %mul3A_4] : memref<2x320000xi32, #tpu.memory_space<hbm>> -> memref<1x10000xi32, #tpu.memory_space<hbm>>
      %dma_start3A_103 = tpu.memref_squeeze %dma_start3A_102 : memref<1x10000xi32, #tpu.memory_space<hbm>> -> memref<10000xi32, #tpu.memory_space<hbm>>
      tpu.enqueue_dma source(%dma_start3A_103 : memref<10000xi32, #tpu.memory_space<hbm>>) target(%arg6 : memref<10000xi32, #tpu.memory_space<vmem>>) target_semaphore(%run_scoped3A_99 : memref<!tpu.dma_semaphore, #tpu.memory_space<semaphore_mem>>)
      %dma_wait3A = tpu.memref_slice %arg3[%run_scoped3A_5, %mul3A_4] : memref<2x320000xi32, #tpu.memory_space<hbm>> -> memref<1x10000xi32, #tpu.memory_space<hbm>>
      %dma_wait3A_104 = tpu.memref_squeeze %dma_wait3A : memref<1x10000xi32, #tpu.memory_space<hbm>> -> memref<10000xi32, #tpu.memory_space<hbm>>
      %dma_wait3A_105 = tpu.memref_slice %arg3[%run_scoped3A_5, %mul3A_4] : memref<2x320000xi32, #tpu.memory_space<hbm>> -> memref<1x10000xi32, #tpu.memory_space<hbm>>
      %dma_wait3A_106 = tpu.memref_squeeze %dma_wait3A_105 : memref<1x10000xi32, #tpu.memory_space<hbm>> -> memref<10000xi32, #tpu.memory_space<hbm>>
      tpu.wait_dma2 semaphore(%run_scoped3A_99 : memref<!tpu.dma_semaphore, #tpu.memory_space<semaphore_mem>>) src(%dma_wait3A_106 : memref<10000xi32, #tpu.memory_space<hbm>>) dst(%arg6 : memref<10000xi32, #tpu.memory_space<vmem>>)
      tpu.yield
    }) : () -> ()
    %dma_start3A = arith.constant 0 : i32
    %dma_start3A_6 = arith.constant 0 : i32
    %dma_start3A_7 = arith.constant 0 : i32
    %dma_start3A_8 = arith.constant 0 : i32
    %dma_start3A_9 = tpu.memref_slice %arg7[%dma_start3A, %dma_start3A_7, %dma_start3A_8] : memref<5x80x64xf32, #tpu.memory_space<vmem>> -> memref<1x80x64xf32, #tpu.memory_space<vmem>>
    %dma_start3A_10 = tpu.memref_squeeze %dma_start3A_9 : memref<1x80x64xf32, #tpu.memory_space<vmem>> -> memref<80x64xf32, #tpu.memory_space<vmem>>
    %dma_start3A_11 = arith.constant 0 : i32
    %dma_start3A_12 = tpu.memref_slice %arg5[%dma_start3A_11] : memref<10000xi32, #tpu.memory_space<vmem>> -> memref<80xi32, #tpu.memory_space<vmem>>
    %dma_start3A_13 = arith.constant 0 : i32
    %dma_start3A_14 = arith.constant 0 : i32
    %dma_start3A_15 = tpu.memref_slice %arg2[%dma_start3A_13, %dma_start3A_14] : memref<10000x64xf32, #tpu.memory_space<hbm>> -> memref<10000x64xf32, #tpu.memory_space<hbm>>
    %dma_start3A_16 = tpu.memref_slice %arg10[%dma_start3A_6] : memref<5x!tpu.dma_semaphore, #tpu.memory_space<semaphore_mem>> -> memref<1x!tpu.dma_semaphore, #tpu.memory_space<semaphore_mem>>
    %dma_start3A_17 = tpu.memref_squeeze %dma_start3A_16 : memref<1x!tpu.dma_semaphore, #tpu.memory_space<semaphore_mem>> -> memref<!tpu.dma_semaphore, #tpu.memory_space<semaphore_mem>>
    tpu.enqueue_indirect_dma source(%dma_start3A_15 : memref<10000x64xf32, #tpu.memory_space<hbm>>) target(%dma_start3A_10 : memref<80x64xf32, #tpu.memory_space<vmem>>) offsets(%dma_start3A_12 : memref<80xi32, #tpu.memory_space<vmem>>) semaphore(%dma_start3A_17 : memref<!tpu.dma_semaphore, #tpu.memory_space<semaphore_mem>>)
    %dma_start3A_18 = arith.constant 1 : i32
    %dma_start3A_19 = arith.constant 1 : i32
    %dma_start3A_20 = arith.constant 0 : i32
    %dma_start3A_21 = arith.constant 0 : i32
    %dma_start3A_22 = tpu.memref_slice %arg7[%dma_start3A_18, %dma_start3A_20, %dma_start3A_21] : memref<5x80x64xf32, #tpu.memory_space<vmem>> -> memref<1x80x64xf32, #tpu.memory_space<vmem>>
    %dma_start3A_23 = tpu.memref_squeeze %dma_start3A_22 : memref<1x80x64xf32, #tpu.memory_space<vmem>> -> memref<80x64xf32, #tpu.memory_space<vmem>>
    %dma_start3A_24 = arith.constant 80 : i32
    %dma_start3A_25 = tpu.memref_slice %arg5[%dma_start3A_24] : memref<10000xi32, #tpu.memory_space<vmem>> -> memref<80xi32, #tpu.memory_space<vmem>>
    %dma_start3A_26 = arith.constant 0 : i32
    %dma_start3A_27 = arith.constant 0 : i32
    %dma_start3A_28 = tpu.memref_slice %arg2[%dma_start3A_26, %dma_start3A_27] : memref<10000x64xf32, #tpu.memory_space<hbm>> -> memref<10000x64xf32, #tpu.memory_space<hbm>>
    %dma_start3A_29 = tpu.memref_slice %arg10[%dma_start3A_19] : memref<5x!tpu.dma_semaphore, #tpu.memory_space<semaphore_mem>> -> memref<1x!tpu.dma_semaphore, #tpu.memory_space<semaphore_mem>>
    %dma_start3A_30 = tpu.memref_squeeze %dma_start3A_29 : memref<1x!tpu.dma_semaphore, #tpu.memory_space<semaphore_mem>> -> memref<!tpu.dma_semaphore, #tpu.memory_space<semaphore_mem>>
    tpu.enqueue_indirect_dma source(%dma_start3A_28 : memref<10000x64xf32, #tpu.memory_space<hbm>>) target(%dma_start3A_23 : memref<80x64xf32, #tpu.memory_space<vmem>>) offsets(%dma_start3A_25 : memref<80xi32, #tpu.memory_space<vmem>>) semaphore(%dma_start3A_30 : memref<!tpu.dma_semaphore, #tpu.memory_space<semaphore_mem>>)
    %dma_start3A_31 = arith.constant 2 : i32
    %dma_start3A_32 = arith.constant 2 : i32
    %dma_start3A_33 = arith.constant 0 : i32
    %dma_start3A_34 = arith.constant 0 : i32
    %dma_start3A_35 = tpu.memref_slice %arg7[%dma_start3A_31, %dma_start3A_33, %dma_start3A_34] : memref<5x80x64xf32, #tpu.memory_space<vmem>> -> memref<1x80x64xf32, #tpu.memory_space<vmem>>
    %dma_start3A_36 = tpu.memref_squeeze %dma_start3A_35 : memref<1x80x64xf32, #tpu.memory_space<vmem>> -> memref<80x64xf32, #tpu.memory_space<vmem>>
    %dma_start3A_37 = arith.constant 160 : i32
    %dma_start3A_38 = tpu.memref_slice %arg5[%dma_start3A_37] : memref<10000xi32, #tpu.memory_space<vmem>> -> memref<80xi32, #tpu.memory_space<vmem>>
    %dma_start3A_39 = arith.constant 0 : i32
    %dma_start3A_40 = arith.constant 0 : i32
    %dma_start3A_41 = tpu.memref_slice %arg2[%dma_start3A_39, %dma_start3A_40] : memref<10000x64xf32, #tpu.memory_space<hbm>> -> memref<10000x64xf32, #tpu.memory_space<hbm>>
    %dma_start3A_42 = tpu.memref_slice %arg10[%dma_start3A_32] : memref<5x!tpu.dma_semaphore, #tpu.memory_space<semaphore_mem>> -> memref<1x!tpu.dma_semaphore, #tpu.memory_space<semaphore_mem>>
    %dma_start3A_43 = tpu.memref_squeeze %dma_start3A_42 : memref<1x!tpu.dma_semaphore, #tpu.memory_space<semaphore_mem>> -> memref<!tpu.dma_semaphore, #tpu.memory_space<semaphore_mem>>
    tpu.enqueue_indirect_dma source(%dma_start3A_41 : memref<10000x64xf32, #tpu.memory_space<hbm>>) target(%dma_start3A_36 : memref<80x64xf32, #tpu.memory_space<vmem>>) offsets(%dma_start3A_38 : memref<80xi32, #tpu.memory_space<vmem>>) semaphore(%dma_start3A_43 : memref<!tpu.dma_semaphore, #tpu.memory_space<semaphore_mem>>)
    %dma_start3A_44 = arith.constant 3 : i32
    %dma_start3A_45 = arith.constant 3 : i32
    %dma_start3A_46 = arith.constant 0 : i32
    %dma_start3A_47 = arith.constant 0 : i32
    %dma_start3A_48 = tpu.memref_slice %arg7[%dma_start3A_44, %dma_start3A_46, %dma_start3A_47] : memref<5x80x64xf32, #tpu.memory_space<vmem>> -> memref<1x80x64xf32, #tpu.memory_space<vmem>>
    %dma_start3A_49 = tpu.memref_squeeze %dma_start3A_48 : memref<1x80x64xf32, #tpu.memory_space<vmem>> -> memref<80x64xf32, #tpu.memory_space<vmem>>
    %dma_start3A_50 = arith.constant 240 : i32
    %dma_start3A_51 = tpu.memref_slice %arg5[%dma_start3A_50] : memref<10000xi32, #tpu.memory_space<vmem>> -> memref<80xi32, #tpu.memory_space<vmem>>
    %dma_start3A_52 = arith.constant 0 : i32
    %dma_start3A_53 = arith.constant 0 : i32
    %dma_start3A_54 = tpu.memref_slice %arg2[%dma_start3A_52, %dma_start3A_53] : memref<10000x64xf32, #tpu.memory_space<hbm>> -> memref<10000x64xf32, #tpu.memory_space<hbm>>
    %dma_start3A_55 = tpu.memref_slice %arg10[%dma_start3A_45] : memref<5x!tpu.dma_semaphore, #tpu.memory_space<semaphore_mem>> -> memref<1x!tpu.dma_semaphore, #tpu.memory_space<semaphore_mem>>
    %dma_start3A_56 = tpu.memref_squeeze %dma_start3A_55 : memref<1x!tpu.dma_semaphore, #tpu.memory_space<semaphore_mem>> -> memref<!tpu.dma_semaphore, #tpu.memory_space<semaphore_mem>>
    tpu.enqueue_indirect_dma source(%dma_start3A_54 : memref<10000x64xf32, #tpu.memory_space<hbm>>) target(%dma_start3A_49 : memref<80x64xf32, #tpu.memory_space<vmem>>) offsets(%dma_start3A_51 : memref<80xi32, #tpu.memory_space<vmem>>) semaphore(%dma_start3A_56 : memref<!tpu.dma_semaphore, #tpu.memory_space<semaphore_mem>>)
    %dma_start3A_57 = arith.constant 4 : i32
    %dma_start3A_58 = arith.constant 4 : i32
    %dma_start3A_59 = arith.constant 0 : i32
    %dma_start3A_60 = arith.constant 0 : i32
    %dma_start3A_61 = tpu.memref_slice %arg7[%dma_start3A_57, %dma_start3A_59, %dma_start3A_60] : memref<5x80x64xf32, #tpu.memory_space<vmem>> -> memref<1x80x64xf32, #tpu.memory_space<vmem>>
    %dma_start3A_62 = tpu.memref_squeeze %dma_start3A_61 : memref<1x80x64xf32, #tpu.memory_space<vmem>> -> memref<80x64xf32, #tpu.memory_space<vmem>>
    %dma_start3A_63 = arith.constant 320 : i32
    %dma_start3A_64 = tpu.memref_slice %arg5[%dma_start3A_63] : memref<10000xi32, #tpu.memory_space<vmem>> -> memref<80xi32, #tpu.memory_space<vmem>>
    %dma_start3A_65 = arith.constant 0 : i32
    %dma_start3A_66 = arith.constant 0 : i32
    %dma_start3A_67 = tpu.memref_slice %arg2[%dma_start3A_65, %dma_start3A_66] : memref<10000x64xf32, #tpu.memory_space<hbm>> -> memref<10000x64xf32, #tpu.memory_space<hbm>>
    %dma_start3A_68 = tpu.memref_slice %arg10[%dma_start3A_58] : memref<5x!tpu.dma_semaphore, #tpu.memory_space<semaphore_mem>> -> memref<1x!tpu.dma_semaphore, #tpu.memory_space<semaphore_mem>>
    %dma_start3A_69 = tpu.memref_squeeze %dma_start3A_68 : memref<1x!tpu.dma_semaphore, #tpu.memory_space<semaphore_mem>> -> memref<!tpu.dma_semaphore, #tpu.memory_space<semaphore_mem>>
    tpu.enqueue_indirect_dma source(%dma_start3A_67 : memref<10000x64xf32, #tpu.memory_space<hbm>>) target(%dma_start3A_62 : memref<80x64xf32, #tpu.memory_space<vmem>>) offsets(%dma_start3A_64 : memref<80xi32, #tpu.memory_space<vmem>>) semaphore(%dma_start3A_69 : memref<!tpu.dma_semaphore, #tpu.memory_space<semaphore_mem>>)
    %scan3A = arith.constant 0 : i32
    %scan3A_70 = arith.constant 0 : i32
    %scan3A_71 = arith.constant 624 : i32
    %scan3A_72 = arith.addi %scan3A_70, %scan3A_71 : i32
    %scan3A_73 = arith.constant 1 : i32
    %scan3A_74 = scf.for %scan3A_99 = %scan3A_70 to %scan3A_72 step %scan3A_73 iter_args(%scan3A_100 = %scan3A) -> (i32)  : i32 {
      %broadcast_in_dim3A = arith.constant 0.000000e+00 : f32
      %broadcast_in_dim3A_101 = vector.broadcast %broadcast_in_dim3A : f32 to vector<16xf32>
      %swap3A = arith.index_cast %scan3A_99 : i32 to index
      %swap3A_102 = arith.constant 0 : index
      %swap3A_103 = tpu.vector_load %arg8[%swap3A, %swap3A_102] {strides = array<i32>} : memref<624x64xf32, #tpu.memory_space<vmem>>, vector<1x16xf32>,
      %swap3A_104 = vector.shape_cast %swap3A_103 : vector<1x16xf32> to vector<16xf32>
      %swap3A_105 = vector.shape_cast %broadcast_in_dim3A_101 : vector<16xf32> to vector<1x16xf32>
      tpu.vector_store %arg8[%swap3A, %swap3A_102], %swap3A_105 {strides = array<i32>} : memref<624x64xf32, #tpu.memory_space<vmem>>, vector<1x16xf32>,
      %broadcast_in_dim3A_106 = arith.constant 0.000000e+00 : f32
      %broadcast_in_dim3A_107 = vector.broadcast %broadcast_in_dim3A_106 : f32 to vector<16xf32>
      %swap3A_108 = arith.index_cast %scan3A_99 : i32 to index
      %swap3A_109 = arith.constant 16 : index
      %swap3A_110 = tpu.vector_load %arg8[%swap3A_108, %swap3A_109] {strides = array<i32>} : memref<624x64xf32, #tpu.memory_space<vmem>>, vector<1x16xf32>,
      %swap3A_111 = vector.shape_cast %swap3A_110 : vector<1x16xf32> to vector<16xf32>
      %swap3A_112 = vector.shape_cast %broadcast_in_dim3A_107 : vector<16xf32> to vector<1x16xf32>
      tpu.vector_store %arg8[%swap3A_108, %swap3A_109], %swap3A_112 {strides = array<i32>} : memref<624x64xf32, #tpu.memory_space<vmem>>, vector<1x16xf32>,
      %broadcast_in_dim3A_113 = arith.constant 0.000000e+00 : f32
      %broadcast_in_dim3A_114 = vector.broadcast %broadcast_in_dim3A_113 : f32 to vector<16xf32>
      %swap3A_115 = arith.index_cast %scan3A_99 : i32 to index
      %swap3A_116 = arith.constant 32 : index
      %swap3A_117 = tpu.vector_load %arg8[%swap3A_115, %swap3A_116] {strides = array<i32>} : memref<624x64xf32, #tpu.memory_space<vmem>>, vector<1x16xf32>,
      %swap3A_118 = vector.shape_cast %swap3A_117 : vector<1x16xf32> to vector<16xf32>
      %swap3A_119 = vector.shape_cast %broadcast_in_dim3A_114 : vector<16xf32> to vector<1x16xf32>
      tpu.vector_store %arg8[%swap3A_115, %swap3A_116], %swap3A_119 {strides = array<i32>} : memref<624x64xf32, #tpu.memory_space<vmem>>, vector<1x16xf32>,
      %broadcast_in_dim3A_120 = arith.constant 0.000000e+00 : f32
      %broadcast_in_dim3A_121 = vector.broadcast %broadcast_in_dim3A_120 : f32 to vector<16xf32>
      %swap3A_122 = arith.index_cast %scan3A_99 : i32 to index
      %swap3A_123 = arith.constant 48 : index
      %swap3A_124 = tpu.vector_load %arg8[%swap3A_122, %swap3A_123] {strides = array<i32>} : memref<624x64xf32, #tpu.memory_space<vmem>>, vector<1x16xf32>,
      %swap3A_125 = vector.shape_cast %swap3A_124 : vector<1x16xf32> to vector<16xf32>
      %swap3A_126 = vector.shape_cast %broadcast_in_dim3A_121 : vector<16xf32> to vector<1x16xf32>
      tpu.vector_store %arg8[%swap3A_122, %swap3A_123], %swap3A_126 {strides = array<i32>} : memref<624x64xf32, #tpu.memory_space<vmem>>, vector<1x16xf32>,
      %scan3A_127 = arith.constant 0 : i32
      scf.yield %scan3A_127 : i32
    }
    %scan3A_75 = arith.constant 624 : i32
    %mul3A_76 = arith.constant 624 : i32
    %mul3A_77 = arith.muli %arg1, %mul3A_76 : i32
    "tpu.region"() ({
      %run_scoped3A_99 = tpu.sem_alloc : memref<!tpu.dma_semaphore, #tpu.memory_space<semaphore_mem>>
      %dma_start3A_100 = arith.constant 0 : i32
      %dma_start3A_101 = tpu.memref_slice %arg9[%mul3A_77, %dma_start3A_100] : memref<10000x64xf32, #tpu.memory_space<vmem_shared>> -> memref<624x64xf32, #tpu.memory_space<vmem_shared>>
      %dma_start3A_102 = arith.constant 0 : i32
      %dma_start3A_103 = tpu.memref_slice %arg9[%mul3A_77, %dma_start3A_102] : memref<10000x64xf32, #tpu.memory_space<vmem_shared>> -> memref<624x64xf32, #tpu.memory_space<vmem_shared>>
      tpu.enqueue_dma source(%arg8 : memref<624x64xf32, #tpu.memory_space<vmem>>) target(%dma_start3A_103 : memref<624x64xf32, #tpu.memory_space<vmem_shared>>) target_semaphore(%run_scoped3A_99 : memref<!tpu.dma_semaphore, #tpu.memory_space<semaphore_mem>>)
      %dma_wait3A = arith.constant 0 : i32
      %dma_wait3A_104 = tpu.memref_slice %arg9[%mul3A_77, %dma_wait3A] : memref<10000x64xf32, #tpu.memory_space<vmem_shared>> -> memref<624x64xf32, #tpu.memory_space<vmem_shared>>
      %dma_wait3A_105 = arith.constant 0 : i32
      %dma_wait3A_106 = tpu.memref_slice %arg9[%mul3A_77, %dma_wait3A_105] : memref<10000x64xf32, #tpu.memory_space<vmem_shared>> -> memref<624x64xf32, #tpu.memory_space<vmem_shared>>
      tpu.wait_dma2 semaphore(%run_scoped3A_99 : memref<!tpu.dma_semaphore, #tpu.memory_space<semaphore_mem>>) src(%arg8 : memref<624x64xf32, #tpu.memory_space<vmem>>) dst(%dma_wait3A_106 : memref<624x64xf32, #tpu.memory_space<vmem_shared>>)
      tpu.yield
    }) : () -> ()
    %eq3A = arith.constant 15 : i32
    %eq3A_78 = arith.cmpi eq, %arg1, %eq3A : i32
    %convert_element_type3A = arith.extui %eq3A_78 : i1 to i32
    %cond3A = arith.constant 0 : i32
    %cond3A_79 = arith.cmpi ne, %convert_element_type3A, %cond3A : i32
    scf.if %cond3A_79 {
      "tpu.region"() ({
        %run_scoped3A_99 = tpu.sem_alloc : memref<!tpu.dma_semaphore, #tpu.memory_space<semaphore_mem>>
        %dma_start3A_100 = arith.constant 0 : i32
        %dma_start3A_101 = arith.constant 0 : i32
        %dma_start3A_102 = tpu.memref_slice %arg8[%dma_start3A_100, %dma_start3A_101] : memref<624x64xf32, #tpu.memory_space<vmem>> -> memref<16x64xf32, #tpu.memory_space<vmem>>
        %dma_start3A_103 = arith.constant 9984 : i32
        %dma_start3A_104 = arith.constant 0 : i32
        %dma_start3A_105 = tpu.memref_slice %arg9[%dma_start3A_103, %dma_start3A_104] : memref<10000x64xf32, #tpu.memory_space<vmem_shared>> -> memref<16x64xf32, #tpu.memory_space<vmem_shared>>
        %dma_start3A_106 = arith.constant 9984 : i32
        %dma_start3A_107 = arith.constant 0 : i32
        %dma_start3A_108 = tpu.memref_slice %arg9[%dma_start3A_106, %dma_start3A_107] : memref<10000x64xf32, #tpu.memory_space<vmem_shared>> -> memref<16x64xf32, #tpu.memory_space<vmem_shared>>
        %dma_start3A_109 = arith.constant 0 : i32
        %dma_start3A_110 = arith.constant 0 : i32
        %dma_start3A_111 = tpu.memref_slice %arg8[%dma_start3A_109, %dma_start3A_110] : memref<624x64xf32, #tpu.memory_space<vmem>> -> memref<16x64xf32, #tpu.memory_space<vmem>>
        tpu.enqueue_dma source(%dma_start3A_111 : memref<16x64xf32, #tpu.memory_space<vmem>>) target(%dma_start3A_108 : memref<16x64xf32, #tpu.memory_space<vmem_shared>>) target_semaphore(%run_scoped3A_99 : memref<!tpu.dma_semaphore, #tpu.memory_space<semaphore_mem>>)
        %dma_wait3A = arith.constant 0 : i32
        %dma_wait3A_112 = arith.constant 0 : i32
        %dma_wait3A_113 = tpu.memref_slice %arg8[%dma_wait3A, %dma_wait3A_112] : memref<624x64xf32, #tpu.memory_space<vmem>> -> memref<16x64xf32, #tpu.memory_space<vmem>>
        %dma_wait3A_114 = arith.constant 9984 : i32
        %dma_wait3A_115 = arith.constant 0 : i32
        %dma_wait3A_116 = tpu.memref_slice %arg9[%dma_wait3A_114, %dma_wait3A_115] : memref<10000x64xf32, #tpu.memory_space<vmem_shared>> -> memref<16x64xf32, #tpu.memory_space<vmem_shared>>
        %dma_wait3A_117 = arith.constant 9984 : i32
        %dma_wait3A_118 = arith.constant 0 : i32
        %dma_wait3A_119 = tpu.memref_slice %arg9[%dma_wait3A_117, %dma_wait3A_118] : memref<10000x64xf32, #tpu.memory_space<vmem_shared>> -> memref<16x64xf32, #tpu.memory_space<vmem_shared>>
        %dma_wait3A_120 = arith.constant 0 : i32
        %dma_wait3A_121 = arith.constant 0 : i32
        %dma_wait3A_122 = tpu.memref_slice %arg8[%dma_wait3A_120, %dma_wait3A_121] : memref<624x64xf32, #tpu.memory_space<vmem>> -> memref<16x64xf32, #tpu.memory_space<vmem>>
        tpu.wait_dma2 semaphore(%run_scoped3A_99 : memref<!tpu.dma_semaphore, #tpu.memory_space<semaphore_mem>>) src(%dma_wait3A_122 : memref<16x64xf32, #tpu.memory_space<vmem>>) dst(%dma_wait3A_119 : memref<16x64xf32, #tpu.memory_space<vmem_shared>>)
        tpu.yield
      }) : () -> ()
    } else {
    }
    %barrier3A = arith.constant 0 : index
    tpu.barrier barrier_id(%barrier3A)
    %scan3A_80 = arith.constant 0 : i32
    %scan3A_81 = arith.constant 0 : i32
    %scan3A_82 = arith.constant 25 : i32
    %scan3A_83 = arith.addi %scan3A_81, %scan3A_82 : i32
    %scan3A_84 = arith.constant 1 : i32
    %scan3A_85 = scf.for %scan3A_99 = %scan3A_81 to %scan3A_83 step %scan3A_84 iter_args(%scan3A_100 = %scan3A_80) -> (i32)  : i32 {
      %mul3A_101 = arith.constant 5 : i32
      %mul3A_102 = arith.muli %scan3A_99, %mul3A_101 : i32
      %add3A_103 = arith.constant 0 : i32
      %add3A_104 = arith.addi %mul3A_102, %add3A_103 : i32
      %mul3A_105 = arith.constant 80 : i32
      %mul3A_106 = arith.muli %add3A_104, %mul3A_105 : i32
      %dma_wait3A = arith.constant 0 : i32
      %dma_wait3A_107 = arith.constant 0 : i32
      %dma_wait3A_108 = arith.constant 0 : i32
      %dma_wait3A_109 = arith.constant 0 : i32
      %dma_wait3A_110 = tpu.memref_slice %arg7[%dma_wait3A, %dma_wait3A_108, %dma_wait3A_109] : memref<5x80x64xf32, #tpu.memory_space<vmem>> -> memref<1x80x64xf32, #tpu.memory_space<vmem>>
      %dma_wait3A_111 = tpu.memref_squeeze %dma_wait3A_110 : memref<1x80x64xf32, #tpu.memory_space<vmem>> -> memref<80x64xf32, #tpu.memory_space<vmem>>
      %dma_wait3A_112 = tpu.memref_slice %arg5[%mul3A_106] : memref<10000xi32, #tpu.memory_space<vmem>> -> memref<80xi32, #tpu.memory_space<vmem>>
      %dma_wait3A_113 = arith.constant 0 : i32
      %dma_wait3A_114 = arith.constant 0 : i32
      %dma_wait3A_115 = tpu.memref_slice %arg2[%dma_wait3A_113, %dma_wait3A_114] : memref<10000x64xf32, #tpu.memory_space<hbm>> -> memref<10000x64xf32, #tpu.memory_space<hbm>>
      %dma_wait3A_116 = tpu.memref_slice %arg10[%dma_wait3A_107] : memref<5x!tpu.dma_semaphore, #tpu.memory_space<semaphore_mem>> -> memref<1x!tpu.dma_semaphore, #tpu.memory_space<semaphore_mem>>
      %dma_wait3A_117 = tpu.memref_squeeze %dma_wait3A_116 : memref<1x!tpu.dma_semaphore, #tpu.memory_space<semaphore_mem>> -> memref<!tpu.dma_semaphore, #tpu.memory_space<semaphore_mem>>
      tpu.wait_indirect_dma semaphore(%dma_wait3A_117 : memref<!tpu.dma_semaphore, #tpu.memory_space<semaphore_mem>>) src(%dma_wait3A_115 : memref<10000x64xf32, #tpu.memory_space<hbm>>) dst(%dma_wait3A_111 : memref<80x64xf32, #tpu.memory_space<vmem>>)
      %mul3A_118 = arith.constant 80 : i32
      %mul3A_119 = arith.muli %add3A_104, %mul3A_118 : i32
      %run_scoped3A_120 = arith.constant 0 : i32
      "tpu.region"() ({
        %run_scoped3A_240 = tpu.sem_alloc : memref<!tpu.dma_semaphore, #tpu.memory_space<semaphore_mem>>
        %dma_start3A_241 = arith.constant 0 : i32
        %dma_start3A_242 = arith.constant 0 : i32
        %dma_start3A_243 = tpu.memref_slice %arg7[%run_scoped3A_120, %dma_start3A_241, %dma_start3A_242] : memref<5x80x64xf32, #tpu.memory_space<vmem>> -> memref<1x80x64xf32, #tpu.memory_space<vmem>>
        %dma_start3A_244 = tpu.memref_squeeze %dma_start3A_243 : memref<1x80x64xf32, #tpu.memory_space<vmem>> -> memref<80x64xf32, #tpu.memory_space<vmem>>
        %dma_start3A_245 = tpu.memref_slice %arg6[%mul3A_119] : memref<10000xi32, #tpu.memory_space<vmem>> -> memref<80xi32, #tpu.memory_space<vmem>>
        %dma_start3A_246 = arith.constant 0 : i32
        %dma_start3A_247 = arith.constant 0 : i32
        %dma_start3A_248 = tpu.memref_slice %arg9[%dma_start3A_246, %dma_start3A_247] : memref<10000x64xf32, #tpu.memory_space<vmem_shared>> -> memref<10000x64xf32, #tpu.memory_space<vmem_shared>>
        tpu.enqueue_indirect_dma source(%dma_start3A_244 : memref<80x64xf32, #tpu.memory_space<vmem>>) target(%dma_start3A_248 : memref<10000x64xf32, #tpu.memory_space<vmem_shared>>) offsets(%dma_start3A_245 : memref<80xi32, #tpu.memory_space<vmem>>) semaphore(%run_scoped3A_240 : memref<!tpu.dma_semaphore, #tpu.memory_space<semaphore_mem>>) {add = true}
        %dma_wait3A_249 = arith.constant 0 : i32
        %dma_wait3A_250 = arith.constant 0 : i32
        %dma_wait3A_251 = tpu.memref_slice %arg7[%run_scoped3A_120, %dma_wait3A_249, %dma_wait3A_250] : memref<5x80x64xf32, #tpu.memory_space<vmem>> -> memref<1x80x64xf32, #tpu.memory_space<vmem>>
        %dma_wait3A_252 = tpu.memref_squeeze %dma_wait3A_251 : memref<1x80x64xf32, #tpu.memory_space<vmem>> -> memref<80x64xf32, #tpu.memory_space<vmem>>
        %dma_wait3A_253 = tpu.memref_slice %arg6[%mul3A_119] : memref<10000xi32, #tpu.memory_space<vmem>> -> memref<80xi32, #tpu.memory_space<vmem>>
        %dma_wait3A_254 = arith.constant 0 : i32
        %dma_wait3A_255 = arith.constant 0 : i32
        %dma_wait3A_256 = tpu.memref_slice %arg9[%dma_wait3A_254, %dma_wait3A_255] : memref<10000x64xf32, #tpu.memory_space<vmem_shared>> -> memref<10000x64xf32, #tpu.memory_space<vmem_shared>>
        tpu.wait_indirect_dma semaphore(%run_scoped3A_240 : memref<!tpu.dma_semaphore, #tpu.memory_space<semaphore_mem>>) src(%dma_wait3A_252 : memref<80x64xf32, #tpu.memory_space<vmem>>) dst(%dma_wait3A_256 : memref<10000x64xf32, #tpu.memory_space<vmem_shared>>)
        tpu.yield
      }) : () -> ()
      %add3A_121 = arith.constant 5 : i32
      %add3A_122 = arith.addi %add3A_104, %add3A_121 : i32
      %lt3A = arith.constant 125 : i32
      %lt3A_123 = arith.cmpi slt, %add3A_122, %lt3A : i32
      %convert_element_type3A_124 = arith.extui %lt3A_123 : i1 to i32
      %cond3A_125 = arith.constant 0 : i32
      %cond3A_126 = arith.cmpi ne, %convert_element_type3A_124, %cond3A_125 : i32
      scf.if %cond3A_126 {
        %mul3A_240 = arith.constant 80 : i32
        %mul3A_241 = arith.muli %add3A_122, %mul3A_240 : i32
        %dma_start3A_242 = arith.constant 0 : i32
        %dma_start3A_243 = arith.constant 0 : i32
        %dma_start3A_244 = arith.constant 0 : i32
        %dma_start3A_245 = arith.constant 0 : i32
        %dma_start3A_246 = tpu.memref_slice %arg7[%dma_start3A_242, %dma_start3A_244, %dma_start3A_245] : memref<5x80x64xf32, #tpu.memory_space<vmem>> -> memref<1x80x64xf32, #tpu.memory_space<vmem>>
        %dma_start3A_247 = tpu.memref_squeeze %dma_start3A_246 : memref<1x80x64xf32, #tpu.memory_space<vmem>> -> memref<80x64xf32, #tpu.memory_space<vmem>>
        %dma_start3A_248 = tpu.memref_slice %arg5[%mul3A_241] : memref<10000xi32, #tpu.memory_space<vmem>> -> memref<80xi32, #tpu.memory_space<vmem>>
        %dma_start3A_249 = arith.constant 0 : i32
        %dma_start3A_250 = arith.constant 0 : i32
        %dma_start3A_251 = tpu.memref_slice %arg2[%dma_start3A_249, %dma_start3A_250] : memref<10000x64xf32, #tpu.memory_space<hbm>> -> memref<10000x64xf32, #tpu.memory_space<hbm>>
        %dma_start3A_252 = tpu.memref_slice %arg10[%dma_start3A_243] : memref<5x!tpu.dma_semaphore, #tpu.memory_space<semaphore_mem>> -> memref<1x!tpu.dma_semaphore, #tpu.memory_space<semaphore_mem>>
        %dma_start3A_253 = tpu.memref_squeeze %dma_start3A_252 : memref<1x!tpu.dma_semaphore, #tpu.memory_space<semaphore_mem>> -> memref<!tpu.dma_semaphore, #tpu.memory_space<semaphore_mem>>
        tpu.enqueue_indirect_dma source(%dma_start3A_251 : memref<10000x64xf32, #tpu.memory_space<hbm>>) target(%dma_start3A_247 : memref<80x64xf32, #tpu.memory_space<vmem>>) offsets(%dma_start3A_248 : memref<80xi32, #tpu.memory_space<vmem>>) semaphore(%dma_start3A_253 : memref<!tpu.dma_semaphore, #tpu.memory_space<semaphore_mem>>)
      } else {
      }
      %mul3A_127 = arith.constant 5 : i32
      %mul3A_128 = arith.muli %scan3A_99, %mul3A_127 : i32
      %add3A_129 = arith.constant 1 : i32
      %add3A_130 = arith.addi %mul3A_128, %add3A_129 : i32
      %mul3A_131 = arith.constant 80 : i32
      %mul3A_132 = arith.muli %add3A_130, %mul3A_131 : i32
      %dma_wait3A_133 = arith.constant 1 : i32
      %dma_wait3A_134 = arith.constant 1 : i32
      %dma_wait3A_135 = arith.constant 0 : i32
      %dma_wait3A_136 = arith.constant 0 : i32
      %dma_wait3A_137 = tpu.memref_slice %arg7[%dma_wait3A_133, %dma_wait3A_135, %dma_wait3A_136] : memref<5x80x64xf32, #tpu.memory_space<vmem>> -> memref<1x80x64xf32, #tpu.memory_space<vmem>>
      %dma_wait3A_138 = tpu.memref_squeeze %dma_wait3A_137 : memref<1x80x64xf32, #tpu.memory_space<vmem>> -> memref<80x64xf32, #tpu.memory_space<vmem>>
      %dma_wait3A_139 = tpu.memref_slice %arg5[%mul3A_132] : memref<10000xi32, #tpu.memory_space<vmem>> -> memref<80xi32, #tpu.memory_space<vmem>>
      %dma_wait3A_140 = arith.constant 0 : i32
      %dma_wait3A_141 = arith.constant 0 : i32
      %dma_wait3A_142 = tpu.memref_slice %arg2[%dma_wait3A_140, %dma_wait3A_141] : memref<10000x64xf32, #tpu.memory_space<hbm>> -> memref<10000x64xf32, #tpu.memory_space<hbm>>
      %dma_wait3A_143 = tpu.memref_slice %arg10[%dma_wait3A_134] : memref<5x!tpu.dma_semaphore, #tpu.memory_space<semaphore_mem>> -> memref<1x!tpu.dma_semaphore, #tpu.memory_space<semaphore_mem>>
      %dma_wait3A_144 = tpu.memref_squeeze %dma_wait3A_143 : memref<1x!tpu.dma_semaphore, #tpu.memory_space<semaphore_mem>> -> memref<!tpu.dma_semaphore, #tpu.memory_space<semaphore_mem>>
      tpu.wait_indirect_dma semaphore(%dma_wait3A_144 : memref<!tpu.dma_semaphore, #tpu.memory_space<semaphore_mem>>) src(%dma_wait3A_142 : memref<10000x64xf32, #tpu.memory_space<hbm>>) dst(%dma_wait3A_138 : memref<80x64xf32, #tpu.memory_space<vmem>>)
      %mul3A_145 = arith.constant 80 : i32
      %mul3A_146 = arith.muli %add3A_130, %mul3A_145 : i32
      %run_scoped3A_147 = arith.constant 1 : i32
      "tpu.region"() ({
        %run_scoped3A_240 = tpu.sem_alloc : memref<!tpu.dma_semaphore, #tpu.memory_space<semaphore_mem>>
        %dma_start3A_241 = arith.constant 0 : i32
        %dma_start3A_242 = arith.constant 0 : i32
        %dma_start3A_243 = tpu.memref_slice %arg7[%run_scoped3A_147, %dma_start3A_241, %dma_start3A_242] : memref<5x80x64xf32, #tpu.memory_space<vmem>> -> memref<1x80x64xf32, #tpu.memory_space<vmem>>
        %dma_start3A_244 = tpu.memref_squeeze %dma_start3A_243 : memref<1x80x64xf32, #tpu.memory_space<vmem>> -> memref<80x64xf32, #tpu.memory_space<vmem>>
        %dma_start3A_245 = tpu.memref_slice %arg6[%mul3A_146] : memref<10000xi32, #tpu.memory_space<vmem>> -> memref<80xi32, #tpu.memory_space<vmem>>
        %dma_start3A_246 = arith.constant 0 : i32
        %dma_start3A_247 = arith.constant 0 : i32
        %dma_start3A_248 = tpu.memref_slice %arg9[%dma_start3A_246, %dma_start3A_247] : memref<10000x64xf32, #tpu.memory_space<vmem_shared>> -> memref<10000x64xf32, #tpu.memory_space<vmem_shared>>
        tpu.enqueue_indirect_dma source(%dma_start3A_244 : memref<80x64xf32, #tpu.memory_space<vmem>>) target(%dma_start3A_248 : memref<10000x64xf32, #tpu.memory_space<vmem_shared>>) offsets(%dma_start3A_245 : memref<80xi32, #tpu.memory_space<vmem>>) semaphore(%run_scoped3A_240 : memref<!tpu.dma_semaphore, #tpu.memory_space<semaphore_mem>>) {add = true}
        %dma_wait3A_249 = arith.constant 0 : i32
        %dma_wait3A_250 = arith.constant 0 : i32
        %dma_wait3A_251 = tpu.memref_slice %arg7[%run_scoped3A_147, %dma_wait3A_249, %dma_wait3A_250] : memref<5x80x64xf32, #tpu.memory_space<vmem>> -> memref<1x80x64xf32, #tpu.memory_space<vmem>>
        %dma_wait3A_252 = tpu.memref_squeeze %dma_wait3A_251 : memref<1x80x64xf32, #tpu.memory_space<vmem>> -> memref<80x64xf32, #tpu.memory_space<vmem>>
        %dma_wait3A_253 = tpu.memref_slice %arg6[%mul3A_146] : memref<10000xi32, #tpu.memory_space<vmem>> -> memref<80xi32, #tpu.memory_space<vmem>>
        %dma_wait3A_254 = arith.constant 0 : i32
        %dma_wait3A_255 = arith.constant 0 : i32
        %dma_wait3A_256 = tpu.memref_slice %arg9[%dma_wait3A_254, %dma_wait3A_255] : memref<10000x64xf32, #tpu.memory_space<vmem_shared>> -> memref<10000x64xf32, #tpu.memory_space<vmem_shared>>
        tpu.wait_indirect_dma semaphore(%run_scoped3A_240 : memref<!tpu.dma_semaphore, #tpu.memory_space<semaphore_mem>>) src(%dma_wait3A_252 : memref<80x64xf32, #tpu.memory_space<vmem>>) dst(%dma_wait3A_256 : memref<10000x64xf32, #tpu.memory_space<vmem_shared>>)
        tpu.yield
      }) : () -> ()
      %add3A_148 = arith.constant 5 : i32
      %add3A_149 = arith.addi %add3A_130, %add3A_148 : i32
      %lt3A_150 = arith.constant 125 : i32
      %lt3A_151 = arith.cmpi slt, %add3A_149, %lt3A_150 : i32
      %convert_element_type3A_152 = arith.extui %lt3A_151 : i1 to i32
      %cond3A_153 = arith.constant 0 : i32
      %cond3A_154 = arith.cmpi ne, %convert_element_type3A_152, %cond3A_153 : i32
      scf.if %cond3A_154 {
        %mul3A_240 = arith.constant 80 : i32
        %mul3A_241 = arith.muli %add3A_149, %mul3A_240 : i32
        %dma_start3A_242 = arith.constant 1 : i32
        %dma_start3A_243 = arith.constant 1 : i32
        %dma_start3A_244 = arith.constant 0 : i32
        %dma_start3A_245 = arith.constant 0 : i32
        %dma_start3A_246 = tpu.memref_slice %arg7[%dma_start3A_242, %dma_start3A_244, %dma_start3A_245] : memref<5x80x64xf32, #tpu.memory_space<vmem>> -> memref<1x80x64xf32, #tpu.memory_space<vmem>>
        %dma_start3A_247 = tpu.memref_squeeze %dma_start3A_246 : memref<1x80x64xf32, #tpu.memory_space<vmem>> -> memref<80x64xf32, #tpu.memory_space<vmem>>
        %dma_start3A_248 = tpu.memref_slice %arg5[%mul3A_241] : memref<10000xi32, #tpu.memory_space<vmem>> -> memref<80xi32, #tpu.memory_space<vmem>>
        %dma_start3A_249 = arith.constant 0 : i32
        %dma_start3A_250 = arith.constant 0 : i32
        %dma_start3A_251 = tpu.memref_slice %arg2[%dma_start3A_249, %dma_start3A_250] : memref<10000x64xf32, #tpu.memory_space<hbm>> -> memref<10000x64xf32, #tpu.memory_space<hbm>>
        %dma_start3A_252 = tpu.memref_slice %arg10[%dma_start3A_243] : memref<5x!tpu.dma_semaphore, #tpu.memory_space<semaphore_mem>> -> memref<1x!tpu.dma_semaphore, #tpu.memory_space<semaphore_mem>>
        %dma_start3A_253 = tpu.memref_squeeze %dma_start3A_252 : memref<1x!tpu.dma_semaphore, #tpu.memory_space<semaphore_mem>> -> memref<!tpu.dma_semaphore, #tpu.memory_space<semaphore_mem>>
        tpu.enqueue_indirect_dma source(%dma_start3A_251 : memref<10000x64xf32, #tpu.memory_space<hbm>>) target(%dma_start3A_247 : memref<80x64xf32, #tpu.memory_space<vmem>>) offsets(%dma_start3A_248 : memref<80xi32, #tpu.memory_space<vmem>>) semaphore(%dma_start3A_253 : memref<!tpu.dma_semaphore, #tpu.memory_space<semaphore_mem>>)
      } else {
      }
      %mul3A_155 = arith.constant 5 : i32
      %mul3A_156 = arith.muli %scan3A_99, %mul3A_155 : i32
      %add3A_157 = arith.constant 2 : i32
      %add3A_158 = arith.addi %mul3A_156, %add3A_157 : i32
      %mul3A_159 = arith.constant 80 : i32
      %mul3A_160 = arith.muli %add3A_158, %mul3A_159 : i32
      %dma_wait3A_161 = arith.constant 2 : i32
      %dma_wait3A_162 = arith.constant 2 : i32
      %dma_wait3A_163 = arith.constant 0 : i32
      %dma_wait3A_164 = arith.constant 0 : i32
      %dma_wait3A_165 = tpu.memref_slice %arg7[%dma_wait3A_161, %dma_wait3A_163, %dma_wait3A_164] : memref<5x80x64xf32, #tpu.memory_space<vmem>> -> memref<1x80x64xf32, #tpu.memory_space<vmem>>
      %dma_wait3A_166 = tpu.memref_squeeze %dma_wait3A_165 : memref<1x80x64xf32, #tpu.memory_space<vmem>> -> memref<80x64xf32, #tpu.memory_space<vmem>>
      %dma_wait3A_167 = tpu.memref_slice %arg5[%mul3A_160] : memref<10000xi32, #tpu.memory_space<vmem>> -> memref<80xi32, #tpu.memory_space<vmem>>
      %dma_wait3A_168 = arith.constant 0 : i32
      %dma_wait3A_169 = arith.constant 0 : i32
      %dma_wait3A_170 = tpu.memref_slice %arg2[%dma_wait3A_168, %dma_wait3A_169] : memref<10000x64xf32, #tpu.memory_space<hbm>> -> memref<10000x64xf32, #tpu.memory_space<hbm>>
      %dma_wait3A_171 = tpu.memref_slice %arg10[%dma_wait3A_162] : memref<5x!tpu.dma_semaphore, #tpu.memory_space<semaphore_mem>> -> memref<1x!tpu.dma_semaphore, #tpu.memory_space<semaphore_mem>>
      %dma_wait3A_172 = tpu.memref_squeeze %dma_wait3A_171 : memref<1x!tpu.dma_semaphore, #tpu.memory_space<semaphore_mem>> -> memref<!tpu.dma_semaphore, #tpu.memory_space<semaphore_mem>>
      tpu.wait_indirect_dma semaphore(%dma_wait3A_172 : memref<!tpu.dma_semaphore, #tpu.memory_space<semaphore_mem>>) src(%dma_wait3A_170 : memref<10000x64xf32, #tpu.memory_space<hbm>>) dst(%dma_wait3A_166 : memref<80x64xf32, #tpu.memory_space<vmem>>)
      %mul3A_173 = arith.constant 80 : i32
      %mul3A_174 = arith.muli %add3A_158, %mul3A_173 : i32
      %run_scoped3A_175 = arith.constant 2 : i32
      "tpu.region"() ({
        %run_scoped3A_240 = tpu.sem_alloc : memref<!tpu.dma_semaphore, #tpu.memory_space<semaphore_mem>>
        %dma_start3A_241 = arith.constant 0 : i32
        %dma_start3A_242 = arith.constant 0 : i32
        %dma_start3A_243 = tpu.memref_slice %arg7[%run_scoped3A_175, %dma_start3A_241, %dma_start3A_242] : memref<5x80x64xf32, #tpu.memory_space<vmem>> -> memref<1x80x64xf32, #tpu.memory_space<vmem>>
        %dma_start3A_244 = tpu.memref_squeeze %dma_start3A_243 : memref<1x80x64xf32, #tpu.memory_space<vmem>> -> memref<80x64xf32, #tpu.memory_space<vmem>>
        %dma_start3A_245 = tpu.memref_slice %arg6[%mul3A_174] : memref<10000xi32, #tpu.memory_space<vmem>> -> memref<80xi32, #tpu.memory_space<vmem>>
        %dma_start3A_246 = arith.constant 0 : i32
        %dma_start3A_247 = arith.constant 0 : i32
        %dma_start3A_248 = tpu.memref_slice %arg9[%dma_start3A_246, %dma_start3A_247] : memref<10000x64xf32, #tpu.memory_space<vmem_shared>> -> memref<10000x64xf32, #tpu.memory_space<vmem_shared>>
        tpu.enqueue_indirect_dma source(%dma_start3A_244 : memref<80x64xf32, #tpu.memory_space<vmem>>) target(%dma_start3A_248 : memref<10000x64xf32, #tpu.memory_space<vmem_shared>>) offsets(%dma_start3A_245 : memref<80xi32, #tpu.memory_space<vmem>>) semaphore(%run_scoped3A_240 : memref<!tpu.dma_semaphore, #tpu.memory_space<semaphore_mem>>) {add = true}
        %dma_wait3A_249 = arith.constant 0 : i32
        %dma_wait3A_250 = arith.constant 0 : i32
        %dma_wait3A_251 = tpu.memref_slice %arg7[%run_scoped3A_175, %dma_wait3A_249, %dma_wait3A_250] : memref<5x80x64xf32, #tpu.memory_space<vmem>> -> memref<1x80x64xf32, #tpu.memory_space<vmem>>
        %dma_wait3A_252 = tpu.memref_squeeze %dma_wait3A_251 : memref<1x80x64xf32, #tpu.memory_space<vmem>> -> memref<80x64xf32, #tpu.memory_space<vmem>>
        %dma_wait3A_253 = tpu.memref_slice %arg6[%mul3A_174] : memref<10000xi32, #tpu.memory_space<vmem>> -> memref<80xi32, #tpu.memory_space<vmem>>
        %dma_wait3A_254 = arith.constant 0 : i32
        %dma_wait3A_255 = arith.constant 0 : i32
        %dma_wait3A_256 = tpu.memref_slice %arg9[%dma_wait3A_254, %dma_wait3A_255] : memref<10000x64xf32, #tpu.memory_space<vmem_shared>> -> memref<10000x64xf32, #tpu.memory_space<vmem_shared>>
        tpu.wait_indirect_dma semaphore(%run_scoped3A_240 : memref<!tpu.dma_semaphore, #tpu.memory_space<semaphore_mem>>) src(%dma_wait3A_252 : memref<80x64xf32, #tpu.memory_space<vmem>>) dst(%dma_wait3A_256 : memref<10000x64xf32, #tpu.memory_space<vmem_shared>>)
        tpu.yield
      }) : () -> ()
      %add3A_176 = arith.constant 5 : i32
      %add3A_177 = arith.addi %add3A_158, %add3A_176 : i32
      %lt3A_178 = arith.constant 125 : i32
      %lt3A_179 = arith.cmpi slt, %add3A_177, %lt3A_178 : i32
      %convert_element_type3A_180 = arith.extui %lt3A_179 : i1 to i32
      %cond3A_181 = arith.constant 0 : i32
      %cond3A_182 = arith.cmpi ne, %convert_element_type3A_180, %cond3A_181 : i32
      scf.if %cond3A_182 {
        %mul3A_240 = arith.constant 80 : i32
        %mul3A_241 = arith.muli %add3A_177, %mul3A_240 : i32
        %dma_start3A_242 = arith.constant 2 : i32
        %dma_start3A_243 = arith.constant 2 : i32
        %dma_start3A_244 = arith.constant 0 : i32
        %dma_start3A_245 = arith.constant 0 : i32
        %dma_start3A_246 = tpu.memref_slice %arg7[%dma_start3A_242, %dma_start3A_244, %dma_start3A_245] : memref<5x80x64xf32, #tpu.memory_space<vmem>> -> memref<1x80x64xf32, #tpu.memory_space<vmem>>
        %dma_start3A_247 = tpu.memref_squeeze %dma_start3A_246 : memref<1x80x64xf32, #tpu.memory_space<vmem>> -> memref<80x64xf32, #tpu.memory_space<vmem>>
        %dma_start3A_248 = tpu.memref_slice %arg5[%mul3A_241] : memref<10000xi32, #tpu.memory_space<vmem>> -> memref<80xi32, #tpu.memory_space<vmem>>
        %dma_start3A_249 = arith.constant 0 : i32
        %dma_start3A_250 = arith.constant 0 : i32
        %dma_start3A_251 = tpu.memref_slice %arg2[%dma_start3A_249, %dma_start3A_250] : memref<10000x64xf32, #tpu.memory_space<hbm>> -> memref<10000x64xf32, #tpu.memory_space<hbm>>
        %dma_start3A_252 = tpu.memref_slice %arg10[%dma_start3A_243] : memref<5x!tpu.dma_semaphore, #tpu.memory_space<semaphore_mem>> -> memref<1x!tpu.dma_semaphore, #tpu.memory_space<semaphore_mem>>
        %dma_start3A_253 = tpu.memref_squeeze %dma_start3A_252 : memref<1x!tpu.dma_semaphore, #tpu.memory_space<semaphore_mem>> -> memref<!tpu.dma_semaphore, #tpu.memory_space<semaphore_mem>>
        tpu.enqueue_indirect_dma source(%dma_start3A_251 : memref<10000x64xf32, #tpu.memory_space<hbm>>) target(%dma_start3A_247 : memref<80x64xf32, #tpu.memory_space<vmem>>) offsets(%dma_start3A_248 : memref<80xi32, #tpu.memory_space<vmem>>) semaphore(%dma_start3A_253 : memref<!tpu.dma_semaphore, #tpu.memory_space<semaphore_mem>>)
      } else {
      }
      %mul3A_183 = arith.constant 5 : i32
      %mul3A_184 = arith.muli %scan3A_99, %mul3A_183 : i32
      %add3A_185 = arith.constant 3 : i32
      %add3A_186 = arith.addi %mul3A_184, %add3A_185 : i32
      %mul3A_187 = arith.constant 80 : i32
      %mul3A_188 = arith.muli %add3A_186, %mul3A_187 : i32
      %dma_wait3A_189 = arith.constant 3 : i32
      %dma_wait3A_190 = arith.constant 3 : i32
      %dma_wait3A_191 = arith.constant 0 : i32
      %dma_wait3A_192 = arith.constant 0 : i32
      %dma_wait3A_193 = tpu.memref_slice %arg7[%dma_wait3A_189, %dma_wait3A_191, %dma_wait3A_192] : memref<5x80x64xf32, #tpu.memory_space<vmem>> -> memref<1x80x64xf32, #tpu.memory_space<vmem>>
      %dma_wait3A_194 = tpu.memref_squeeze %dma_wait3A_193 : memref<1x80x64xf32, #tpu.memory_space<vmem>> -> memref<80x64xf32, #tpu.memory_space<vmem>>
      %dma_wait3A_195 = tpu.memref_slice %arg5[%mul3A_188] : memref<10000xi32, #tpu.memory_space<vmem>> -> memref<80xi32, #tpu.memory_space<vmem>>
      %dma_wait3A_196 = arith.constant 0 : i32
      %dma_wait3A_197 = arith.constant 0 : i32
      %dma_wait3A_198 = tpu.memref_slice %arg2[%dma_wait3A_196, %dma_wait3A_197] : memref<10000x64xf32, #tpu.memory_space<hbm>> -> memref<10000x64xf32, #tpu.memory_space<hbm>>
      %dma_wait3A_199 = tpu.memref_slice %arg10[%dma_wait3A_190] : memref<5x!tpu.dma_semaphore, #tpu.memory_space<semaphore_mem>> -> memref<1x!tpu.dma_semaphore, #tpu.memory_space<semaphore_mem>>
      %dma_wait3A_200 = tpu.memref_squeeze %dma_wait3A_199 : memref<1x!tpu.dma_semaphore, #tpu.memory_space<semaphore_mem>> -> memref<!tpu.dma_semaphore, #tpu.memory_space<semaphore_mem>>
      tpu.wait_indirect_dma semaphore(%dma_wait3A_200 : memref<!tpu.dma_semaphore, #tpu.memory_space<semaphore_mem>>) src(%dma_wait3A_198 : memref<10000x64xf32, #tpu.memory_space<hbm>>) dst(%dma_wait3A_194 : memref<80x64xf32, #tpu.memory_space<vmem>>)
      %mul3A_201 = arith.constant 80 : i32
      %mul3A_202 = arith.muli %add3A_186, %mul3A_201 : i32
      %run_scoped3A_203 = arith.constant 3 : i32
      "tpu.region"() ({
        %run_scoped3A_240 = tpu.sem_alloc : memref<!tpu.dma_semaphore, #tpu.memory_space<semaphore_mem>>
        %dma_start3A_241 = arith.constant 0 : i32
        %dma_start3A_242 = arith.constant 0 : i32
        %dma_start3A_243 = tpu.memref_slice %arg7[%run_scoped3A_203, %dma_start3A_241, %dma_start3A_242] : memref<5x80x64xf32, #tpu.memory_space<vmem>> -> memref<1x80x64xf32, #tpu.memory_space<vmem>>
        %dma_start3A_244 = tpu.memref_squeeze %dma_start3A_243 : memref<1x80x64xf32, #tpu.memory_space<vmem>> -> memref<80x64xf32, #tpu.memory_space<vmem>>
        %dma_start3A_245 = tpu.memref_slice %arg6[%mul3A_202] : memref<10000xi32, #tpu.memory_space<vmem>> -> memref<80xi32, #tpu.memory_space<vmem>>
        %dma_start3A_246 = arith.constant 0 : i32
        %dma_start3A_247 = arith.constant 0 : i32
        %dma_start3A_248 = tpu.memref_slice %arg9[%dma_start3A_246, %dma_start3A_247] : memref<10000x64xf32, #tpu.memory_space<vmem_shared>> -> memref<10000x64xf32, #tpu.memory_space<vmem_shared>>
        tpu.enqueue_indirect_dma source(%dma_start3A_244 : memref<80x64xf32, #tpu.memory_space<vmem>>) target(%dma_start3A_248 : memref<10000x64xf32, #tpu.memory_space<vmem_shared>>) offsets(%dma_start3A_245 : memref<80xi32, #tpu.memory_space<vmem>>) semaphore(%run_scoped3A_240 : memref<!tpu.dma_semaphore, #tpu.memory_space<semaphore_mem>>) {add = true}
        %dma_wait3A_249 = arith.constant 0 : i32
        %dma_wait3A_250 = arith.constant 0 : i32
        %dma_wait3A_251 = tpu.memref_slice %arg7[%run_scoped3A_203, %dma_wait3A_249, %dma_wait3A_250] : memref<5x80x64xf32, #tpu.memory_space<vmem>> -> memref<1x80x64xf32, #tpu.memory_space<vmem>>
        %dma_wait3A_252 = tpu.memref_squeeze %dma_wait3A_251 : memref<1x80x64xf32, #tpu.memory_space<vmem>> -> memref<80x64xf32, #tpu.memory_space<vmem>>
        %dma_wait3A_253 = tpu.memref_slice %arg6[%mul3A_202] : memref<10000xi32, #tpu.memory_space<vmem>> -> memref<80xi32, #tpu.memory_space<vmem>>
        %dma_wait3A_254 = arith.constant 0 : i32
        %dma_wait3A_255 = arith.constant 0 : i32
        %dma_wait3A_256 = tpu.memref_slice %arg9[%dma_wait3A_254, %dma_wait3A_255] : memref<10000x64xf32, #tpu.memory_space<vmem_shared>> -> memref<10000x64xf32, #tpu.memory_space<vmem_shared>>
        tpu.wait_indirect_dma semaphore(%run_scoped3A_240 : memref<!tpu.dma_semaphore, #tpu.memory_space<semaphore_mem>>) src(%dma_wait3A_252 : memref<80x64xf32, #tpu.memory_space<vmem>>) dst(%dma_wait3A_256 : memref<10000x64xf32, #tpu.memory_space<vmem_shared>>)
        tpu.yield
      }) : () -> ()
      %add3A_204 = arith.constant 5 : i32
      %add3A_205 = arith.addi %add3A_186, %add3A_204 : i32
      %lt3A_206 = arith.constant 125 : i32
      %lt3A_207 = arith.cmpi slt, %add3A_205, %lt3A_206 : i32
      %convert_element_type3A_208 = arith.extui %lt3A_207 : i1 to i32
      %cond3A_209 = arith.constant 0 : i32
      %cond3A_210 = arith.cmpi ne, %convert_element_type3A_208, %cond3A_209 : i32
      scf.if %cond3A_210 {
        %mul3A_240 = arith.constant 80 : i32
        %mul3A_241 = arith.muli %add3A_205, %mul3A_240 : i32
        %dma_start3A_242 = arith.constant 3 : i32
        %dma_start3A_243 = arith.constant 3 : i32
        %dma_start3A_244 = arith.constant 0 : i32
        %dma_start3A_245 = arith.constant 0 : i32
        %dma_start3A_246 = tpu.memref_slice %arg7[%dma_start3A_242, %dma_start3A_244, %dma_start3A_245] : memref<5x80x64xf32, #tpu.memory_space<vmem>> -> memref<1x80x64xf32, #tpu.memory_space<vmem>>
        %dma_start3A_247 = tpu.memref_squeeze %dma_start3A_246 : memref<1x80x64xf32, #tpu.memory_space<vmem>> -> memref<80x64xf32, #tpu.memory_space<vmem>>
        %dma_start3A_248 = tpu.memref_slice %arg5[%mul3A_241] : memref<10000xi32, #tpu.memory_space<vmem>> -> memref<80xi32, #tpu.memory_space<vmem>>
        %dma_start3A_249 = arith.constant 0 : i32
        %dma_start3A_250 = arith.constant 0 : i32
        %dma_start3A_251 = tpu.memref_slice %arg2[%dma_start3A_249, %dma_start3A_250] : memref<10000x64xf32, #tpu.memory_space<hbm>> -> memref<10000x64xf32, #tpu.memory_space<hbm>>
        %dma_start3A_252 = tpu.memref_slice %arg10[%dma_start3A_243] : memref<5x!tpu.dma_semaphore, #tpu.memory_space<semaphore_mem>> -> memref<1x!tpu.dma_semaphore, #tpu.memory_space<semaphore_mem>>
        %dma_start3A_253 = tpu.memref_squeeze %dma_start3A_252 : memref<1x!tpu.dma_semaphore, #tpu.memory_space<semaphore_mem>> -> memref<!tpu.dma_semaphore, #tpu.memory_space<semaphore_mem>>
        tpu.enqueue_indirect_dma source(%dma_start3A_251 : memref<10000x64xf32, #tpu.memory_space<hbm>>) target(%dma_start3A_247 : memref<80x64xf32, #tpu.memory_space<vmem>>) offsets(%dma_start3A_248 : memref<80xi32, #tpu.memory_space<vmem>>) semaphore(%dma_start3A_253 : memref<!tpu.dma_semaphore, #tpu.memory_space<semaphore_mem>>)
      } else {
      }
      %mul3A_211 = arith.constant 5 : i32
      %mul3A_212 = arith.muli %scan3A_99, %mul3A_211 : i32
      %add3A_213 = arith.constant 4 : i32
      %add3A_214 = arith.addi %mul3A_212, %add3A_213 : i32
      %mul3A_215 = arith.constant 80 : i32
      %mul3A_216 = arith.muli %add3A_214, %mul3A_215 : i32
      %dma_wait3A_217 = arith.constant 4 : i32
      %dma_wait3A_218 = arith.constant 4 : i32
      %dma_wait3A_219 = arith.constant 0 : i32
      %dma_wait3A_220 = arith.constant 0 : i32
      %dma_wait3A_221 = tpu.memref_slice %arg7[%dma_wait3A_217, %dma_wait3A_219, %dma_wait3A_220] : memref<5x80x64xf32, #tpu.memory_space<vmem>> -> memref<1x80x64xf32, #tpu.memory_space<vmem>>
      %dma_wait3A_222 = tpu.memref_squeeze %dma_wait3A_221 : memref<1x80x64xf32, #tpu.memory_space<vmem>> -> memref<80x64xf32, #tpu.memory_space<vmem>>
      %dma_wait3A_223 = tpu.memref_slice %arg5[%mul3A_216] : memref<10000xi32, #tpu.memory_space<vmem>> -> memref<80xi32, #tpu.memory_space<vmem>>
      %dma_wait3A_224 = arith.constant 0 : i32
      %dma_wait3A_225 = arith.constant 0 : i32
      %dma_wait3A_226 = tpu.memref_slice %arg2[%dma_wait3A_224, %dma_wait3A_225] : memref<10000x64xf32, #tpu.memory_space<hbm>> -> memref<10000x64xf32, #tpu.memory_space<hbm>>
      %dma_wait3A_227 = tpu.memref_slice %arg10[%dma_wait3A_218] : memref<5x!tpu.dma_semaphore, #tpu.memory_space<semaphore_mem>> -> memref<1x!tpu.dma_semaphore, #tpu.memory_space<semaphore_mem>>
      %dma_wait3A_228 = tpu.memref_squeeze %dma_wait3A_227 : memref<1x!tpu.dma_semaphore, #tpu.memory_space<semaphore_mem>> -> memref<!tpu.dma_semaphore, #tpu.memory_space<semaphore_mem>>
      tpu.wait_indirect_dma semaphore(%dma_wait3A_228 : memref<!tpu.dma_semaphore, #tpu.memory_space<semaphore_mem>>) src(%dma_wait3A_226 : memref<10000x64xf32, #tpu.memory_space<hbm>>) dst(%dma_wait3A_222 : memref<80x64xf32, #tpu.memory_space<vmem>>)
      %mul3A_229 = arith.constant 80 : i32
      %mul3A_230 = arith.muli %add3A_214, %mul3A_229 : i32
      %run_scoped3A_231 = arith.constant 4 : i32
      "tpu.region"() ({
        %run_scoped3A_240 = tpu.sem_alloc : memref<!tpu.dma_semaphore, #tpu.memory_space<semaphore_mem>>
        %dma_start3A_241 = arith.constant 0 : i32
        %dma_start3A_242 = arith.constant 0 : i32
        %dma_start3A_243 = tpu.memref_slice %arg7[%run_scoped3A_231, %dma_start3A_241, %dma_start3A_242] : memref<5x80x64xf32, #tpu.memory_space<vmem>> -> memref<1x80x64xf32, #tpu.memory_space<vmem>>
        %dma_start3A_244 = tpu.memref_squeeze %dma_start3A_243 : memref<1x80x64xf32, #tpu.memory_space<vmem>> -> memref<80x64xf32, #tpu.memory_space<vmem>>
        %dma_start3A_245 = tpu.memref_slice %arg6[%mul3A_230] : memref<10000xi32, #tpu.memory_space<vmem>> -> memref<80xi32, #tpu.memory_space<vmem>>
        %dma_start3A_246 = arith.constant 0 : i32
        %dma_start3A_247 = arith.constant 0 : i32
        %dma_start3A_248 = tpu.memref_slice %arg9[%dma_start3A_246, %dma_start3A_247] : memref<10000x64xf32, #tpu.memory_space<vmem_shared>> -> memref<10000x64xf32, #tpu.memory_space<vmem_shared>>
        tpu.enqueue_indirect_dma source(%dma_start3A_244 : memref<80x64xf32, #tpu.memory_space<vmem>>) target(%dma_start3A_248 : memref<10000x64xf32, #tpu.memory_space<vmem_shared>>) offsets(%dma_start3A_245 : memref<80xi32, #tpu.memory_space<vmem>>) semaphore(%run_scoped3A_240 : memref<!tpu.dma_semaphore, #tpu.memory_space<semaphore_mem>>) {add = true}
        %dma_wait3A_249 = arith.constant 0 : i32
        %dma_wait3A_250 = arith.constant 0 : i32
        %dma_wait3A_251 = tpu.memref_slice %arg7[%run_scoped3A_231, %dma_wait3A_249, %dma_wait3A_250] : memref<5x80x64xf32, #tpu.memory_space<vmem>> -> memref<1x80x64xf32, #tpu.memory_space<vmem>>
        %dma_wait3A_252 = tpu.memref_squeeze %dma_wait3A_251 : memref<1x80x64xf32, #tpu.memory_space<vmem>> -> memref<80x64xf32, #tpu.memory_space<vmem>>
        %dma_wait3A_253 = tpu.memref_slice %arg6[%mul3A_230] : memref<10000xi32, #tpu.memory_space<vmem>> -> memref<80xi32, #tpu.memory_space<vmem>>
        %dma_wait3A_254 = arith.constant 0 : i32
        %dma_wait3A_255 = arith.constant 0 : i32
        %dma_wait3A_256 = tpu.memref_slice %arg9[%dma_wait3A_254, %dma_wait3A_255] : memref<10000x64xf32, #tpu.memory_space<vmem_shared>> -> memref<10000x64xf32, #tpu.memory_space<vmem_shared>>
        tpu.wait_indirect_dma semaphore(%run_scoped3A_240 : memref<!tpu.dma_semaphore, #tpu.memory_space<semaphore_mem>>) src(%dma_wait3A_252 : memref<80x64xf32, #tpu.memory_space<vmem>>) dst(%dma_wait3A_256 : memref<10000x64xf32, #tpu.memory_space<vmem_shared>>)
        tpu.yield
      }) : () -> ()
      %add3A_232 = arith.constant 5 : i32
      %add3A_233 = arith.addi %add3A_214, %add3A_232 : i32
      %lt3A_234 = arith.constant 125 : i32
      %lt3A_235 = arith.cmpi slt, %add3A_233, %lt3A_234 : i32
      %convert_element_type3A_236 = arith.extui %lt3A_235 : i1 to i32
      %cond3A_237 = arith.constant 0 : i32
      %cond3A_238 = arith.cmpi ne, %convert_element_type3A_236, %cond3A_237 : i32
      scf.if %cond3A_238 {
        %mul3A_240 = arith.constant 80 : i32
        %mul3A_241 = arith.muli %add3A_233, %mul3A_240 : i32
        %dma_start3A_242 = arith.constant 4 : i32
        %dma_start3A_243 = arith.constant 4 : i32
        %dma_start3A_244 = arith.constant 0 : i32
        %dma_start3A_245 = arith.constant 0 : i32
        %dma_start3A_246 = tpu.memref_slice %arg7[%dma_start3A_242, %dma_start3A_244, %dma_start3A_245] : memref<5x80x64xf32, #tpu.memory_space<vmem>> -> memref<1x80x64xf32, #tpu.memory_space<vmem>>
        %dma_start3A_247 = tpu.memref_squeeze %dma_start3A_246 : memref<1x80x64xf32, #tpu.memory_space<vmem>> -> memref<80x64xf32, #tpu.memory_space<vmem>>
        %dma_start3A_248 = tpu.memref_slice %arg5[%mul3A_241] : memref<10000xi32, #tpu.memory_space<vmem>> -> memref<80xi32, #tpu.memory_space<vmem>>
        %dma_start3A_249 = arith.constant 0 : i32
        %dma_start3A_250 = arith.constant 0 : i32
        %dma_start3A_251 = tpu.memref_slice %arg2[%dma_start3A_249, %dma_start3A_250] : memref<10000x64xf32, #tpu.memory_space<hbm>> -> memref<10000x64xf32, #tpu.memory_space<hbm>>
        %dma_start3A_252 = tpu.memref_slice %arg10[%dma_start3A_243] : memref<5x!tpu.dma_semaphore, #tpu.memory_space<semaphore_mem>> -> memref<1x!tpu.dma_semaphore, #tpu.memory_space<semaphore_mem>>
        %dma_start3A_253 = tpu.memref_squeeze %dma_start3A_252 : memref<1x!tpu.dma_semaphore, #tpu.memory_space<semaphore_mem>> -> memref<!tpu.dma_semaphore, #tpu.memory_space<semaphore_mem>>
        tpu.enqueue_indirect_dma source(%dma_start3A_251 : memref<10000x64xf32, #tpu.memory_space<hbm>>) target(%dma_start3A_247 : memref<80x64xf32, #tpu.memory_space<vmem>>) offsets(%dma_start3A_248 : memref<80xi32, #tpu.memory_space<vmem>>) semaphore(%dma_start3A_253 : memref<!tpu.dma_semaphore, #tpu.memory_space<semaphore_mem>>)
      } else {
      }
      %scan3A_239 = arith.constant 0 : i32
      scf.yield %scan3A_239 : i32
    }
    %scan3A_86 = arith.constant 25 : i32
    %barrier3A_87 = arith.constant 0 : index
    tpu.barrier barrier_id(%barrier3A_87)
    %mul3A_88 = arith.constant 624 : i32
    %mul3A_89 = arith.muli %arg1, %mul3A_88 : i32
    %mul3A_90 = arith.constant 624 : i32
    %mul3A_91 = arith.muli %arg1, %mul3A_90 : i32
    %mul3A_92 = arith.constant 64 : i32
    %mul3A_93 = arith.muli %arg0, %mul3A_92 : i32
    "tpu.region"() ({
      %run_scoped3A_99 = tpu.sem_alloc : memref<!tpu.dma_semaphore, #tpu.memory_space<semaphore_mem>>
      %dma_start3A_100 = tpu.memref_slice %arg4[%mul3A_91, %mul3A_93] : memref<10000x128xf32, #tpu.memory_space<hbm>> -> memref<624x64xf32, #tpu.memory_space<hbm>>
      %dma_start3A_101 = arith.constant 0 : i32
      %dma_start3A_102 = tpu.memref_slice %arg9[%mul3A_89, %dma_start3A_101] : memref<10000x64xf32, #tpu.memory_space<vmem_shared>> -> memref<624x64xf32, #tpu.memory_space<vmem_shared>>
      tpu.enqueue_dma source(%dma_start3A_102 : memref<624x64xf32, #tpu.memory_space<vmem_shared>>) target(%dma_start3A_100 : memref<624x64xf32, #tpu.memory_space<hbm>>) target_semaphore(%run_scoped3A_99 : memref<!tpu.dma_semaphore, #tpu.memory_space<semaphore_mem>>)
      %dma_wait3A = tpu.memref_slice %arg4[%mul3A_91, %mul3A_93] : memref<10000x128xf32, #tpu.memory_space<hbm>> -> memref<624x64xf32, #tpu.memory_space<hbm>>
      %dma_wait3A_103 = arith.constant 0 : i32
      %dma_wait3A_104 = tpu.memref_slice %arg9[%mul3A_89, %dma_wait3A_103] : memref<10000x64xf32, #tpu.memory_space<vmem_shared>> -> memref<624x64xf32, #tpu.memory_space<vmem_shared>>
      tpu.wait_dma2 semaphore(%run_scoped3A_99 : memref<!tpu.dma_semaphore, #tpu.memory_space<semaphore_mem>>) src(%dma_wait3A_104 : memref<624x64xf32, #tpu.memory_space<vmem_shared>>) dst(%dma_wait3A : memref<624x64xf32, #tpu.memory_space<hbm>>)
      tpu.yield
    }) : () -> ()
    %eq3A_94 = arith.constant 15 : i32
    %eq3A_95 = arith.cmpi eq, %arg1, %eq3A_94 : i32
    %convert_element_type3A_96 = arith.extui %eq3A_95 : i1 to i32
    %cond3A_97 = arith.constant 0 : i32
    %cond3A_98 = arith.cmpi ne, %convert_element_type3A_96, %cond3A_97 : i32
    scf.if %cond3A_98 {
      %mul3A_99 = arith.constant 64 : i32
      %mul3A_100 = arith.muli %arg0, %mul3A_99 : i32
      "tpu.region"() ({
        %run_scoped3A_101 = tpu.sem_alloc : memref<!tpu.dma_semaphore, #tpu.memory_space<semaphore_mem>>
        %dma_start3A_102 = arith.constant 9984 : i32
        %dma_start3A_103 = tpu.memref_slice %arg4[%dma_start3A_102, %mul3A_100] : memref<10000x128xf32, #tpu.memory_space<hbm>> -> memref<16x64xf32, #tpu.memory_space<hbm>>
        %dma_start3A_104 = arith.constant 9984 : i32
        %dma_start3A_105 = arith.constant 0 : i32
        %dma_start3A_106 = tpu.memref_slice %arg9[%dma_start3A_104, %dma_start3A_105] : memref<10000x64xf32, #tpu.memory_space<vmem_shared>> -> memref<16x64xf32, #tpu.memory_space<vmem_shared>>
        tpu.enqueue_dma source(%dma_start3A_106 : memref<16x64xf32, #tpu.memory_space<vmem_shared>>) target(%dma_start3A_103 : memref<16x64xf32, #tpu.memory_space<hbm>>) target_semaphore(%run_scoped3A_101 : memref<!tpu.dma_semaphore, #tpu.memory_space<semaphore_mem>>)
        %dma_wait3A = arith.constant 9984 : i32
        %dma_wait3A_107 = tpu.memref_slice %arg4[%dma_wait3A, %mul3A_100] : memref<10000x128xf32, #tpu.memory_space<hbm>> -> memref<16x64xf32, #tpu.memory_space<hbm>>
        %dma_wait3A_108 = arith.constant 9984 : i32
        %dma_wait3A_109 = arith.constant 0 : i32
        %dma_wait3A_110 = tpu.memref_slice %arg9[%dma_wait3A_108, %dma_wait3A_109] : memref<10000x64xf32, #tpu.memory_space<vmem_shared>> -> memref<16x64xf32, #tpu.memory_space<vmem_shared>>
        tpu.wait_dma2 semaphore(%run_scoped3A_101 : memref<!tpu.dma_semaphore, #tpu.memory_space<semaphore_mem>>) src(%dma_wait3A_110 : memref<16x64xf32, #tpu.memory_space<vmem_shared>>) dst(%dma_wait3A_107 : memref<16x64xf32, #tpu.memory_space<hbm>>)
        tpu.yield
      }) : () -> ()
    } else {
    }
    return
  }
}

module attributes {stable_mosaic.version = 14 : i64} {
  func.func @_mm1_body(%arg0: i32, %arg1: memref<1x2000x16xf32, #tpu.memory_space<vmem>>, %arg2: memref<1x2000x16xf32, #tpu.memory_space<vmem>>, %arg3: memref<8x64xf32, #tpu.memory_space<vmem>>, %arg4: memref<1x64xf32, #tpu.memory_space<vmem>>, %arg5: memref<2000x64xf32, #tpu.memory_space<vmem>>) attributes {dimension_semantics = [#tpu.dimension_semantics<arbitrary>], iteration_bounds = array<i64: 5>, scalar_prefetch = 0 : i64, scratch_operands = 0 : i64, tpu.core_type = #tpu.core_type<tc>, window_params = [{transform_indices = @transform_0, window_bounds = array<i64: 1, 2000, 16>}, {transform_indices = @transform_1, window_bounds = array<i64: 1, 2000, 16>}, {pipeline_mode = #tpu.pipeline_mode<synchronous>, transform_indices = @transform_2, window_bounds = array<i64: 8, 64>}, {pipeline_mode = #tpu.pipeline_mode<synchronous>, transform_indices = @transform_3, window_bounds = array<i64: 1, 64>}, {transform_indices = @transform_4, window_bounds = array<i64: 2000, 64>}]} {
    %get3A = arith.constant 0 : index
    %get3A_0 = arith.constant 0 : index
    %get3A_1 = arith.constant 0 : index
    %get3A_2 = vector.load %arg1[%get3A, %get3A_0, %get3A_1] : memref<1x2000x16xf32, #tpu.memory_space<vmem>>, vector<1x2000x16xf32>
    %get3A_3 = vector.shape_cast %get3A_2 : vector<1x2000x16xf32> to vector<2000x16xf32>
    %get3A_4 = arith.constant 0 : index
    %get3A_5 = arith.constant 0 : index
    %get3A_6 = arith.constant 0 : index
    %get3A_7 = vector.load %arg2[%get3A_4, %get3A_5, %get3A_6] : memref<1x2000x16xf32, #tpu.memory_space<vmem>>, vector<1x2000x16xf32>
    %get3A_8 = vector.shape_cast %get3A_7 : vector<1x2000x16xf32> to vector<2000x16xf32>
    %add3A = arith.addf %get3A_3, %get3A_8 : vector<2000x16xf32>
    %slice3A = vector.extract_strided_slice %add3A {offsets = [0, 0], sizes = [2000, 8], strides = [1, 1]} : vector<2000x16xf32> to vector<2000x8xf32>
    %get3A_9 = arith.constant 0 : index
    %get3A_10 = arith.constant 0 : index
    %get3A_11 = vector.load %arg3[%get3A_9, %get3A_10] : memref<8x64xf32, #tpu.memory_space<vmem>>, vector<8x64xf32>
    %dot_general3A = arith.constant dense<0.000000e+00> : vector<2000x64xf32>
    %dot_general3A_12 = tpu.matmul %slice3A, %get3A_11, %dot_general3A {dimension_numbers = #tpu.dot_dimension_numbers<[1], [0], [0], [1], [0, 0, 1, 1], [], []>, transpose_lhs_hint = false} : vector<2000x8xf32>, vector<8x64xf32>, vector<2000x64xf32> -> vector<2000x64xf32>
    %get3A_13 = arith.constant 0 : index
    %get3A_14 = arith.constant 0 : index
    %get3A_15 = vector.load %arg4[%get3A_13, %get3A_14] : memref<1x64xf32, #tpu.memory_space<vmem>>, vector<1x64xf32>
    %add3A_16 = vector.broadcast %get3A_15 : vector<1x64xf32> to vector<2000x64xf32>
    %add3A_17 = arith.addf %dot_general3A_12, %add3A_16 : vector<2000x64xf32>
    %max3A = arith.constant 0.000000e+00 : f32
    %max3A_18 = vector.broadcast %max3A : f32 to vector<2000x64xf32>
    %max3A_19 = arith.maximumf %add3A_17, %max3A_18 : vector<2000x64xf32>
    %swap3A = arith.constant 0 : index
    %swap3A_20 = arith.constant 0 : index
    %swap3A_21 = vector.load %arg5[%swap3A, %swap3A_20] : memref<2000x64xf32, #tpu.memory_space<vmem>>, vector<2000x64xf32>
    tpu.vector_store %arg5[%swap3A, %swap3A_20], %max3A_19 {strides = array<i32>} : memref<2000x64xf32, #tpu.memory_space<vmem>>, vector<2000x64xf32>,
    return
  }
  func.func @transform_0(%arg0: i32) -> (i32, i32, i32) {
    %c0_i32 = arith.constant 0 : i32
    %c0_i32_0 = arith.constant 0 : i32
    %c0_i32_1 = arith.constant 0 : i32
    return %c0_i32, %arg0, %c0_i32_0 : i32, i32, i32
  }
  func.func @transform_1(%arg0: i32) -> (i32, i32, i32) {
    %c1_i32 = arith.constant 1 : i32
    %c0_i32 = arith.constant 0 : i32
    %c0_i32_0 = arith.constant 0 : i32
    return %c1_i32, %arg0, %c0_i32 : i32, i32, i32
  }
  func.func @transform_2(%arg0: i32) -> (i32, i32) {
    %c0_i32 = arith.constant 0 : i32
    %c0_i32_0 = arith.constant 0 : i32
    %c0_i32_1 = arith.constant 0 : i32
    return %c0_i32, %c0_i32_0 : i32, i32
  }
  func.func @transform_3(%arg0: i32) -> (i32, i32) {
    %c0_i32 = arith.constant 0 : i32
    %c0_i32_0 = arith.constant 0 : i32
    %c0_i32_1 = arith.constant 0 : i32
    return %c0_i32, %c0_i32_0 : i32, i32
  }
  func.func @transform_4(%arg0: i32) -> (i32, i32) {
    %c0_i32 = arith.constant 0 : i32
    %c0_i32_0 = arith.constant 0 : i32
    return %arg0, %c0_i32 : i32, i32
  }
}

module attributes {stable_mosaic.version = 14 : i64} {
  func.func @_mm2_body(%arg0: i32, %arg1: memref<2000x128xf32, #tpu.memory_space<vmem>>, %arg2: memref<1x2000x16xf32, #tpu.memory_space<vmem>>, %arg3: memref<1x2000x16xf32, #tpu.memory_space<vmem>>, %arg4: memref<72x128xf32, #tpu.memory_space<vmem>>, %arg5: memref<1x128xf32, #tpu.memory_space<vmem>>, %arg6: memref<2000x64xf32, #tpu.memory_space<vmem>>, %arg7: memref<2000x64xf32, #tpu.memory_space<vmem>>) attributes {dimension_semantics = [#tpu.dimension_semantics<arbitrary>], iteration_bounds = array<i64: 5>, scalar_prefetch = 0 : i64, scratch_operands = 0 : i64, tpu.core_type = #tpu.core_type<tc>, window_params = [{transform_indices = @transform_0, window_bounds = array<i64: 2000, 128>}, {transform_indices = @transform_1, window_bounds = array<i64: 1, 2000, 16>}, {transform_indices = @transform_2, window_bounds = array<i64: 1, 2000, 16>}, {pipeline_mode = #tpu.pipeline_mode<synchronous>, transform_indices = @transform_3, window_bounds = array<i64: 72, 128>}, {pipeline_mode = #tpu.pipeline_mode<synchronous>, transform_indices = @transform_4, window_bounds = array<i64: 1, 128>}, {transform_indices = @transform_5, window_bounds = array<i64: 2000, 64>}, {transform_indices = @transform_6, window_bounds = array<i64: 2000, 64>}]} {
    %get3A = arith.constant 0 : index
    %get3A_0 = arith.constant 0 : index
    %get3A_1 = vector.load %arg1[%get3A, %get3A_0] : memref<2000x128xf32, #tpu.memory_space<vmem>>, vector<2000x128xf32>
    %slice3A = vector.extract_strided_slice %get3A_1 {offsets = [0, 0], sizes = [2000, 64], strides = [1, 1]} : vector<2000x128xf32> to vector<2000x64xf32>
    %slice3A_2 = vector.extract_strided_slice %get3A_1 {offsets = [0, 64], sizes = [2000, 64], strides = [1, 1]} : vector<2000x128xf32> to vector<2000x64xf32>
    %add3A = arith.addf %slice3A, %slice3A_2 : vector<2000x64xf32>
    %get3A_3 = arith.constant 0 : index
    %get3A_4 = arith.constant 0 : index
    %get3A_5 = arith.constant 0 : index
    %get3A_6 = vector.load %arg2[%get3A_3, %get3A_4, %get3A_5] : memref<1x2000x16xf32, #tpu.memory_space<vmem>>, vector<1x2000x16xf32>
    %get3A_7 = vector.shape_cast %get3A_6 : vector<1x2000x16xf32> to vector<2000x16xf32>
    %get3A_8 = arith.constant 0 : index
    %get3A_9 = arith.constant 0 : index
    %get3A_10 = arith.constant 0 : index
    %get3A_11 = vector.load %arg3[%get3A_8, %get3A_9, %get3A_10] : memref<1x2000x16xf32, #tpu.memory_space<vmem>>, vector<1x2000x16xf32>
    %get3A_12 = vector.shape_cast %get3A_11 : vector<1x2000x16xf32> to vector<2000x16xf32>
    %add3A_13 = arith.addf %get3A_7, %get3A_12 : vector<2000x16xf32>
    %slice3A_14 = vector.extract_strided_slice %add3A_13 {offsets = [0, 0], sizes = [2000, 8], strides = [1, 1]} : vector<2000x16xf32> to vector<2000x8xf32>
    %get3A_15 = arith.constant 0 : index
    %get3A_16 = arith.constant 0 : index
    %get3A_17 = vector.load %arg4[%get3A_15, %get3A_16] : memref<72x128xf32, #tpu.memory_space<vmem>>, vector<64x128xf32>
    %dot_general3A = arith.constant dense<0.000000e+00> : vector<2000x128xf32>
    %dot_general3A_18 = tpu.matmul %add3A, %get3A_17, %dot_general3A {dimension_numbers = #tpu.dot_dimension_numbers<[1], [0], [0], [1], [0, 0, 1, 1], [], []>, transpose_lhs_hint = false} : vector<2000x64xf32>, vector<64x128xf32>, vector<2000x128xf32> -> vector<2000x128xf32>
    %get3A_19 = arith.constant 64 : index
    %get3A_20 = arith.constant 0 : index
    %get3A_21 = vector.load %arg4[%get3A_19, %get3A_20] : memref<72x128xf32, #tpu.memory_space<vmem>>, vector<8x128xf32>
    %dot_general3A_22 = arith.constant dense<0.000000e+00> : vector<2000x128xf32>
    %dot_general3A_23 = tpu.matmul %slice3A_14, %get3A_21, %dot_general3A_22 {dimension_numbers = #tpu.dot_dimension_numbers<[1], [0], [0], [1], [0, 0, 1, 1], [], []>, transpose_lhs_hint = false} : vector<2000x8xf32>, vector<8x128xf32>, vector<2000x128xf32> -> vector<2000x128xf32>
    %add3A_24 = arith.addf %dot_general3A_18, %dot_general3A_23 : vector<2000x128xf32>
    %get3A_25 = arith.constant 0 : index
    %get3A_26 = arith.constant 0 : index
    %get3A_27 = vector.load %arg5[%get3A_25, %get3A_26] : memref<1x128xf32, #tpu.memory_space<vmem>>, vector<1x128xf32>
    %add3A_28 = vector.broadcast %get3A_27 : vector<1x128xf32> to vector<2000x128xf32>
    %add3A_29 = arith.addf %add3A_24, %add3A_28 : vector<2000x128xf32>
    %max3A = arith.constant 0.000000e+00 : f32
    %max3A_30 = vector.broadcast %max3A : f32 to vector<2000x128xf32>
    %max3A_31 = arith.maximumf %add3A_29, %max3A_30 : vector<2000x128xf32>
    %slice3A_32 = vector.extract_strided_slice %max3A_31 {offsets = [0, 0], sizes = [2000, 64], strides = [1, 1]} : vector<2000x128xf32> to vector<2000x64xf32>
    %swap3A = arith.constant 0 : index
    %swap3A_33 = arith.constant 0 : index
    %swap3A_34 = vector.load %arg6[%swap3A, %swap3A_33] : memref<2000x64xf32, #tpu.memory_space<vmem>>, vector<2000x64xf32>
    tpu.vector_store %arg6[%swap3A, %swap3A_33], %slice3A_32 {strides = array<i32>} : memref<2000x64xf32, #tpu.memory_space<vmem>>, vector<2000x64xf32>,
    %slice3A_35 = vector.extract_strided_slice %max3A_31 {offsets = [0, 64], sizes = [2000, 64], strides = [1, 1]} : vector<2000x128xf32> to vector<2000x64xf32>
    %swap3A_36 = arith.constant 0 : index
    %swap3A_37 = arith.constant 0 : index
    %swap3A_38 = vector.load %arg7[%swap3A_36, %swap3A_37] : memref<2000x64xf32, #tpu.memory_space<vmem>>, vector<2000x64xf32>
    tpu.vector_store %arg7[%swap3A_36, %swap3A_37], %slice3A_35 {strides = array<i32>} : memref<2000x64xf32, #tpu.memory_space<vmem>>, vector<2000x64xf32>,
    return
  }
  func.func @transform_0(%arg0: i32) -> (i32, i32) {
    %c0_i32 = arith.constant 0 : i32
    %c0_i32_0 = arith.constant 0 : i32
    return %arg0, %c0_i32 : i32, i32
  }
  func.func @transform_1(%arg0: i32) -> (i32, i32, i32) {
    %c0_i32 = arith.constant 0 : i32
    %c0_i32_0 = arith.constant 0 : i32
    %c0_i32_1 = arith.constant 0 : i32
    return %c0_i32, %arg0, %c0_i32_0 : i32, i32, i32
  }
  func.func @transform_2(%arg0: i32) -> (i32, i32, i32) {
    %c1_i32 = arith.constant 1 : i32
    %c0_i32 = arith.constant 0 : i32
    %c0_i32_0 = arith.constant 0 : i32
    return %c1_i32, %arg0, %c0_i32 : i32, i32, i32
  }
  func.func @transform_3(%arg0: i32) -> (i32, i32) {
    %c0_i32 = arith.constant 0 : i32
    %c0_i32_0 = arith.constant 0 : i32
    %c0_i32_1 = arith.constant 0 : i32
    return %c0_i32, %c0_i32_0 : i32, i32
  }
  func.func @transform_4(%arg0: i32) -> (i32, i32) {
    %c0_i32 = arith.constant 0 : i32
    %c0_i32_0 = arith.constant 0 : i32
    %c0_i32_1 = arith.constant 0 : i32
    return %c0_i32, %c0_i32_0 : i32, i32
  }
  func.func @transform_5(%arg0: i32) -> (i32, i32) {
    %c0_i32 = arith.constant 0 : i32
    %c0_i32_0 = arith.constant 0 : i32
    return %arg0, %c0_i32 : i32, i32
  }
  func.func @transform_6(%arg0: i32) -> (i32, i32) {
    %c0_i32 = arith.constant 0 : i32
    %c0_i32_0 = arith.constant 0 : i32
    return %arg0, %c0_i32 : i32, i32
  }
}

module attributes {stable_mosaic.version = 14 : i64} {
  func.func @_mm3pool_body(%arg0: i32, %arg1: memref<2000x128xf32, #tpu.memory_space<vmem>>, %arg2: memref<1x2000x16xf32, #tpu.memory_space<vmem>>, %arg3: memref<1x2000x16xf32, #tpu.memory_space<vmem>>, %arg4: memref<2000x128xf32, #tpu.memory_space<vmem>>, %arg5: memref<2000x128xf32, #tpu.memory_space<vmem>>, %arg6: memref<1x1x2000xi32, #tpu.memory_space<vmem>>, %arg7: memref<208x256xf32, #tpu.memory_space<vmem>>, %arg8: memref<1x256xf32, #tpu.memory_space<vmem>>, %arg9: memref<8x256xf32, #tpu.memory_space<vmem>>) attributes {dimension_semantics = [#tpu.dimension_semantics<arbitrary>], iteration_bounds = array<i64: 5>, scalar_prefetch = 0 : i64, scratch_operands = 0 : i64, tpu.core_type = #tpu.core_type<tc>, window_params = [{transform_indices = @transform_0, window_bounds = array<i64: 2000, 128>}, {transform_indices = @transform_1, window_bounds = array<i64: 1, 2000, 16>}, {transform_indices = @transform_2, window_bounds = array<i64: 1, 2000, 16>}, {transform_indices = @transform_3, window_bounds = array<i64: 2000, 128>}, {transform_indices = @transform_4, window_bounds = array<i64: 2000, 128>}, {transform_indices = @transform_5, window_bounds = array<i64: 1, 1, 2000>}, {pipeline_mode = #tpu.pipeline_mode<synchronous>, transform_indices = @transform_6, window_bounds = array<i64: 208, 256>}, {pipeline_mode = #tpu.pipeline_mode<synchronous>, transform_indices = @transform_7, window_bounds = array<i64: 1, 256>}, {pipeline_mode = #tpu.pipeline_mode<synchronous>, transform_indices = @transform_8, window_bounds = array<i64: 8, 256>}]} {
    %get3A = arith.constant 0 : index
    %get3A_0 = arith.constant 0 : index
    %get3A_1 = vector.load %arg1[%get3A, %get3A_0] : memref<2000x128xf32, #tpu.memory_space<vmem>>, vector<2000x128xf32>
    %slice3A = vector.extract_strided_slice %get3A_1 {offsets = [0, 0], sizes = [2000, 64], strides = [1, 1]} : vector<2000x128xf32> to vector<2000x64xf32>
    %slice3A_2 = vector.extract_strided_slice %get3A_1 {offsets = [0, 64], sizes = [2000, 64], strides = [1, 1]} : vector<2000x128xf32> to vector<2000x64xf32>
    %add3A = arith.addf %slice3A, %slice3A_2 : vector<2000x64xf32>
    %get3A_3 = arith.constant 0 : index
    %get3A_4 = arith.constant 0 : index
    %get3A_5 = arith.constant 0 : index
    %get3A_6 = vector.load %arg2[%get3A_3, %get3A_4, %get3A_5] : memref<1x2000x16xf32, #tpu.memory_space<vmem>>, vector<1x2000x16xf32>
    %get3A_7 = vector.shape_cast %get3A_6 : vector<1x2000x16xf32> to vector<2000x16xf32>
    %get3A_8 = arith.constant 0 : index
    %get3A_9 = arith.constant 0 : index
    %get3A_10 = arith.constant 0 : index
    %get3A_11 = vector.load %arg3[%get3A_8, %get3A_9, %get3A_10] : memref<1x2000x16xf32, #tpu.memory_space<vmem>>, vector<1x2000x16xf32>
    %get3A_12 = vector.shape_cast %get3A_11 : vector<1x2000x16xf32> to vector<2000x16xf32>
    %add3A_13 = arith.addf %get3A_7, %get3A_12 : vector<2000x16xf32>
    %slice3A_14 = vector.extract_strided_slice %add3A_13 {offsets = [0, 0], sizes = [2000, 8], strides = [1, 1]} : vector<2000x16xf32> to vector<2000x8xf32>
    %get3A_15 = arith.constant 0 : index
    %get3A_16 = arith.constant 0 : index
    %get3A_17 = vector.load %arg4[%get3A_15, %get3A_16] : memref<2000x128xf32, #tpu.memory_space<vmem>>, vector<2000x128xf32>
    %slice3A_18 = vector.extract_strided_slice %get3A_17 {offsets = [0, 0], sizes = [2000, 64], strides = [1, 1]} : vector<2000x128xf32> to vector<2000x64xf32>
    %slice3A_19 = vector.extract_strided_slice %get3A_17 {offsets = [0, 64], sizes = [2000, 64], strides = [1, 1]} : vector<2000x128xf32> to vector<2000x64xf32>
    %add3A_20 = arith.addf %slice3A_18, %slice3A_19 : vector<2000x64xf32>
    %get3A_21 = arith.constant 0 : index
    %get3A_22 = arith.constant 0 : index
    %get3A_23 = vector.load %arg5[%get3A_21, %get3A_22] : memref<2000x128xf32, #tpu.memory_space<vmem>>, vector<2000x128xf32>
    %slice3A_24 = vector.extract_strided_slice %get3A_23 {offsets = [0, 0], sizes = [2000, 64], strides = [1, 1]} : vector<2000x128xf32> to vector<2000x64xf32>
    %slice3A_25 = vector.extract_strided_slice %get3A_23 {offsets = [0, 64], sizes = [2000, 64], strides = [1, 1]} : vector<2000x128xf32> to vector<2000x64xf32>
    %add3A_26 = arith.addf %slice3A_24, %slice3A_25 : vector<2000x64xf32>
    %get3A_27 = arith.constant 0 : index
    %get3A_28 = arith.constant 0 : index
    %get3A_29 = vector.load %arg7[%get3A_27, %get3A_28] : memref<208x256xf32, #tpu.memory_space<vmem>>, vector<208x256xf32>
    %slice3A_30 = vector.extract_strided_slice %get3A_29 {offsets = [0, 0], sizes = [64, 256], strides = [1, 1]} : vector<208x256xf32> to vector<64x256xf32>
    %dot_general3A = arith.constant dense<0.000000e+00> : vector<2000x256xf32>
    %dot_general3A_31 = tpu.matmul %add3A, %slice3A_30, %dot_general3A {dimension_numbers = #tpu.dot_dimension_numbers<[1], [0], [0], [1], [0, 0, 1, 1], [], []>, transpose_lhs_hint = false} : vector<2000x64xf32>, vector<64x256xf32>, vector<2000x256xf32> -> vector<2000x256xf32>
    %slice3A_32 = vector.extract_strided_slice %get3A_29 {offsets = [64, 0], sizes = [8, 256], strides = [1, 1]} : vector<208x256xf32> to vector<8x256xf32>
    %slice3A_33 = vector.extract_strided_slice %get3A_29 {offsets = [200, 0], sizes = [8, 256], strides = [1, 1]} : vector<208x256xf32> to vector<8x256xf32>
    %add3A_34 = arith.addf %slice3A_32, %slice3A_33 : vector<8x256xf32>
    %dot_general3A_35 = arith.constant dense<0.000000e+00> : vector<2000x256xf32>
    %dot_general3A_36 = tpu.matmul %slice3A_14, %add3A_34, %dot_general3A_35 {dimension_numbers = #tpu.dot_dimension_numbers<[1], [0], [0], [1], [0, 0, 1, 1], [], []>, transpose_lhs_hint = false} : vector<2000x8xf32>, vector<8x256xf32>, vector<2000x256xf32> -> vector<2000x256xf32>
    %add3A_37 = arith.addf %dot_general3A_31, %dot_general3A_36 : vector<2000x256xf32>
    %slice3A_38 = vector.extract_strided_slice %get3A_29 {offsets = [72, 0], sizes = [64, 256], strides = [1, 1]} : vector<208x256xf32> to vector<64x256xf32>
    %dot_general3A_39 = arith.constant dense<0.000000e+00> : vector<2000x256xf32>
    %dot_general3A_40 = tpu.matmul %add3A_20, %slice3A_38, %dot_general3A_39 {dimension_numbers = #tpu.dot_dimension_numbers<[1], [0], [0], [1], [0, 0, 1, 1], [], []>, transpose_lhs_hint = false} : vector<2000x64xf32>, vector<64x256xf32>, vector<2000x256xf32> -> vector<2000x256xf32>
    %add3A_41 = arith.addf %add3A_37, %dot_general3A_40 : vector<2000x256xf32>
    %slice3A_42 = vector.extract_strided_slice %get3A_29 {offsets = [136, 0], sizes = [64, 256], strides = [1, 1]} : vector<208x256xf32> to vector<64x256xf32>
    %dot_general3A_43 = arith.constant dense<0.000000e+00> : vector<2000x256xf32>
    %dot_general3A_44 = tpu.matmul %add3A_26, %slice3A_42, %dot_general3A_43 {dimension_numbers = #tpu.dot_dimension_numbers<[1], [0], [0], [1], [0, 0, 1, 1], [], []>, transpose_lhs_hint = false} : vector<2000x64xf32>, vector<64x256xf32>, vector<2000x256xf32> -> vector<2000x256xf32>
    %add3A_45 = arith.addf %add3A_41, %dot_general3A_44 : vector<2000x256xf32>
    %get3A_46 = arith.constant 0 : index
    %get3A_47 = arith.constant 0 : index
    %get3A_48 = vector.load %arg8[%get3A_46, %get3A_47] : memref<1x256xf32, #tpu.memory_space<vmem>>, vector<1x256xf32>
    %add3A_49 = vector.broadcast %get3A_48 : vector<1x256xf32> to vector<2000x256xf32>
    %add3A_50 = arith.addf %add3A_45, %add3A_49 : vector<2000x256xf32>
    %max3A = arith.constant 0.000000e+00 : f32
    %max3A_51 = vector.broadcast %max3A : f32 to vector<2000x256xf32>
    %max3A_52 = arith.maximumf %add3A_50, %max3A_51 : vector<2000x256xf32>
    %get3A_53 = arith.constant 0 : index
    %get3A_54 = arith.constant 0 : index
    %get3A_55 = arith.constant 0 : index
    %get3A_56 = vector.load %arg6[%get3A_53, %get3A_54, %get3A_55] : memref<1x1x2000xi32, #tpu.memory_space<vmem>>, vector<1x1x2000xi32>
    %get3A_57 = vector.shape_cast %get3A_56 : vector<1x1x2000xi32> to vector<2000xi32>
    %broadcast_in_dim3A = vector.shape_cast %get3A_57 : vector<2000xi32> to vector<2000x1xi32>
    %eq3A = arith.constant 0 : i32
    %eq3A_58 = vector.broadcast %eq3A : i32 to vector<2000x1xi32>
    %eq3A_59 = arith.cmpi eq, %broadcast_in_dim3A, %eq3A_58 : vector<2000x1xi32>
    %jit3A = arith.constant 0xFF800000 : f32
    %broadcast_in_dim3A_60 = vector.shape_cast %eq3A_59 : vector<2000x1xi1> to vector<2000x1xi1>
    %broadcast_in_dim3A_61 = vector.broadcast %broadcast_in_dim3A_60 : vector<2000x1xi1> to vector<2000x256xi1>
    %broadcast_in_dim3A_62 = vector.broadcast %jit3A : f32 to vector<2000x256xf32>
    %select_n3A = arith.select %broadcast_in_dim3A_61, %max3A_52, %broadcast_in_dim3A_62 : vector<2000x256xi1>, vector<2000x256xf32>
    %reduce_max3A = arith.constant dense<0xFF800000> : vector<256xf32>
    %reduce_max3A_63 = vector.multi_reduction <maximumf>, %select_n3A, %reduce_max3A [0] : vector<2000x256xf32> to vector<256xf32>
    %eq3A_64 = arith.constant 1 : i32
    %eq3A_65 = vector.broadcast %eq3A_64 : i32 to vector<2000x1xi32>
    %eq3A_66 = arith.cmpi eq, %broadcast_in_dim3A, %eq3A_65 : vector<2000x1xi32>
    %jit3A_67 = arith.constant 0xFF800000 : f32
    %broadcast_in_dim3A_68 = vector.shape_cast %eq3A_66 : vector<2000x1xi1> to vector<2000x1xi1>
    %broadcast_in_dim3A_69 = vector.broadcast %broadcast_in_dim3A_68 : vector<2000x1xi1> to vector<2000x256xi1>
    %broadcast_in_dim3A_70 = vector.broadcast %jit3A_67 : f32 to vector<2000x256xf32>
    %select_n3A_71 = arith.select %broadcast_in_dim3A_69, %max3A_52, %broadcast_in_dim3A_70 : vector<2000x256xi1>, vector<2000x256xf32>
    %reduce_max3A_72 = arith.constant dense<0xFF800000> : vector<256xf32>
    %reduce_max3A_73 = vector.multi_reduction <maximumf>, %select_n3A_71, %reduce_max3A_72 [0] : vector<2000x256xf32> to vector<256xf32>
    %eq3A_74 = arith.constant 2 : i32
    %eq3A_75 = vector.broadcast %eq3A_74 : i32 to vector<2000x1xi32>
    %eq3A_76 = arith.cmpi eq, %broadcast_in_dim3A, %eq3A_75 : vector<2000x1xi32>
    %jit3A_77 = arith.constant 0xFF800000 : f32
    %broadcast_in_dim3A_78 = vector.shape_cast %eq3A_76 : vector<2000x1xi1> to vector<2000x1xi1>
    %broadcast_in_dim3A_79 = vector.broadcast %broadcast_in_dim3A_78 : vector<2000x1xi1> to vector<2000x256xi1>
    %broadcast_in_dim3A_80 = vector.broadcast %jit3A_77 : f32 to vector<2000x256xf32>
    %select_n3A_81 = arith.select %broadcast_in_dim3A_79, %max3A_52, %broadcast_in_dim3A_80 : vector<2000x256xi1>, vector<2000x256xf32>
    %reduce_max3A_82 = arith.constant dense<0xFF800000> : vector<256xf32>
    %reduce_max3A_83 = vector.multi_reduction <maximumf>, %select_n3A_81, %reduce_max3A_82 [0] : vector<2000x256xf32> to vector<256xf32>
    %eq3A_84 = arith.constant 3 : i32
    %eq3A_85 = vector.broadcast %eq3A_84 : i32 to vector<2000x1xi32>
    %eq3A_86 = arith.cmpi eq, %broadcast_in_dim3A, %eq3A_85 : vector<2000x1xi32>
    %jit3A_87 = arith.constant 0xFF800000 : f32
    %broadcast_in_dim3A_88 = vector.shape_cast %eq3A_86 : vector<2000x1xi1> to vector<2000x1xi1>
    %broadcast_in_dim3A_89 = vector.broadcast %broadcast_in_dim3A_88 : vector<2000x1xi1> to vector<2000x256xi1>
    %broadcast_in_dim3A_90 = vector.broadcast %jit3A_87 : f32 to vector<2000x256xf32>
    %select_n3A_91 = arith.select %broadcast_in_dim3A_89, %max3A_52, %broadcast_in_dim3A_90 : vector<2000x256xi1>, vector<2000x256xf32>
    %reduce_max3A_92 = arith.constant dense<0xFF800000> : vector<256xf32>
    %reduce_max3A_93 = vector.multi_reduction <maximumf>, %select_n3A_91, %reduce_max3A_92 [0] : vector<2000x256xf32> to vector<256xf32>
    %eq3A_94 = arith.constant 4 : i32
    %eq3A_95 = vector.broadcast %eq3A_94 : i32 to vector<2000x1xi32>
    %eq3A_96 = arith.cmpi eq, %broadcast_in_dim3A, %eq3A_95 : vector<2000x1xi32>
    %jit3A_97 = arith.constant 0xFF800000 : f32
    %broadcast_in_dim3A_98 = vector.shape_cast %eq3A_96 : vector<2000x1xi1> to vector<2000x1xi1>
    %broadcast_in_dim3A_99 = vector.broadcast %broadcast_in_dim3A_98 : vector<2000x1xi1> to vector<2000x256xi1>
    %broadcast_in_dim3A_100 = vector.broadcast %jit3A_97 : f32 to vector<2000x256xf32>
    %select_n3A_101 = arith.select %broadcast_in_dim3A_99, %max3A_52, %broadcast_in_dim3A_100 : vector<2000x256xi1>, vector<2000x256xf32>
    %reduce_max3A_102 = arith.constant dense<0xFF800000> : vector<256xf32>
    %reduce_max3A_103 = vector.multi_reduction <maximumf>, %select_n3A_101, %reduce_max3A_102 [0] : vector<2000x256xf32> to vector<256xf32>
    %eq3A_104 = arith.constant 5 : i32
    %eq3A_105 = vector.broadcast %eq3A_104 : i32 to vector<2000x1xi32>
    %eq3A_106 = arith.cmpi eq, %broadcast_in_dim3A, %eq3A_105 : vector<2000x1xi32>
    %jit3A_107 = arith.constant 0xFF800000 : f32
    %broadcast_in_dim3A_108 = vector.shape_cast %eq3A_106 : vector<2000x1xi1> to vector<2000x1xi1>
    %broadcast_in_dim3A_109 = vector.broadcast %broadcast_in_dim3A_108 : vector<2000x1xi1> to vector<2000x256xi1>
    %broadcast_in_dim3A_110 = vector.broadcast %jit3A_107 : f32 to vector<2000x256xf32>
    %select_n3A_111 = arith.select %broadcast_in_dim3A_109, %max3A_52, %broadcast_in_dim3A_110 : vector<2000x256xi1>, vector<2000x256xf32>
    %reduce_max3A_112 = arith.constant dense<0xFF800000> : vector<256xf32>
    %reduce_max3A_113 = vector.multi_reduction <maximumf>, %select_n3A_111, %reduce_max3A_112 [0] : vector<2000x256xf32> to vector<256xf32>
    %eq3A_114 = arith.constant 6 : i32
    %eq3A_115 = vector.broadcast %eq3A_114 : i32 to vector<2000x1xi32>
    %eq3A_116 = arith.cmpi eq, %broadcast_in_dim3A, %eq3A_115 : vector<2000x1xi32>
    %jit3A_117 = arith.constant 0xFF800000 : f32
    %broadcast_in_dim3A_118 = vector.shape_cast %eq3A_116 : vector<2000x1xi1> to vector<2000x1xi1>
    %broadcast_in_dim3A_119 = vector.broadcast %broadcast_in_dim3A_118 : vector<2000x1xi1> to vector<2000x256xi1>
    %broadcast_in_dim3A_120 = vector.broadcast %jit3A_117 : f32 to vector<2000x256xf32>
    %select_n3A_121 = arith.select %broadcast_in_dim3A_119, %max3A_52, %broadcast_in_dim3A_120 : vector<2000x256xi1>, vector<2000x256xf32>
    %reduce_max3A_122 = arith.constant dense<0xFF800000> : vector<256xf32>
    %reduce_max3A_123 = vector.multi_reduction <maximumf>, %select_n3A_121, %reduce_max3A_122 [0] : vector<2000x256xf32> to vector<256xf32>
    %eq3A_124 = arith.constant 7 : i32
    %eq3A_125 = vector.broadcast %eq3A_124 : i32 to vector<2000x1xi32>
    %eq3A_126 = arith.cmpi eq, %broadcast_in_dim3A, %eq3A_125 : vector<2000x1xi32>
    %jit3A_127 = arith.constant 0xFF800000 : f32
    %broadcast_in_dim3A_128 = vector.shape_cast %eq3A_126 : vector<2000x1xi1> to vector<2000x1xi1>
    %broadcast_in_dim3A_129 = vector.broadcast %broadcast_in_dim3A_128 : vector<2000x1xi1> to vector<2000x256xi1>
    %broadcast_in_dim3A_130 = vector.broadcast %jit3A_127 : f32 to vector<2000x256xf32>
    %select_n3A_131 = arith.select %broadcast_in_dim3A_129, %max3A_52, %broadcast_in_dim3A_130 : vector<2000x256xi1>, vector<2000x256xf32>
    %reduce_max3A_132 = arith.constant dense<0xFF800000> : vector<256xf32>
    %reduce_max3A_133 = vector.multi_reduction <maximumf>, %select_n3A_131, %reduce_max3A_132 [0] : vector<2000x256xf32> to vector<256xf32>
    %stack3A = vector.shape_cast %reduce_max3A_63 : vector<256xf32> to vector<1x256xf32>
    %stack3A_134 = vector.shape_cast %reduce_max3A_73 : vector<256xf32> to vector<1x256xf32>
    %stack3A_135 = vector.shape_cast %reduce_max3A_83 : vector<256xf32> to vector<1x256xf32>
    %stack3A_136 = vector.shape_cast %reduce_max3A_93 : vector<256xf32> to vector<1x256xf32>
    %stack3A_137 = vector.shape_cast %reduce_max3A_103 : vector<256xf32> to vector<1x256xf32>
    %stack3A_138 = vector.shape_cast %reduce_max3A_113 : vector<256xf32> to vector<1x256xf32>
    %stack3A_139 = vector.shape_cast %reduce_max3A_123 : vector<256xf32> to vector<1x256xf32>
    %stack3A_140 = vector.shape_cast %reduce_max3A_133 : vector<256xf32> to vector<1x256xf32>
    %stack3A_141 = tpu.concatenate %stack3A, %stack3A_134, %stack3A_135, %stack3A_136, %stack3A_137, %stack3A_138, %stack3A_139, %stack3A_140 in 0 : vector<1x256xf32>, vector<1x256xf32>, vector<1x256xf32>, vector<1x256xf32>, vector<1x256xf32>, vector<1x256xf32>, vector<1x256xf32>, vector<1x256xf32> -> vector<8x256xf32>
    %eq3A_142 = arith.constant 0 : i32
    %eq3A_143 = arith.cmpi eq, %arg0, %eq3A_142 : i32
    %convert_element_type3A = arith.extui %eq3A_143 : i1 to i32
    %cond3A = arith.constant 0xFF800000 : f32
    %cond3A_144 = arith.constant 0 : i32
    %cond3A_145 = arith.cmpi ne, %convert_element_type3A, %cond3A_144 : i32
    scf.if %cond3A_145 {
      %broadcast_in_dim3A_152 = vector.broadcast %cond3A : f32 to vector<8x256xf32>
      %swap3A_153 = arith.constant 0 : index
      %swap3A_154 = arith.constant 0 : index
      %swap3A_155 = vector.load %arg9[%swap3A_153, %swap3A_154] : memref<8x256xf32, #tpu.memory_space<vmem>>, vector<8x256xf32>
      tpu.vector_store %arg9[%swap3A_153, %swap3A_154], %broadcast_in_dim3A_152 {strides = array<i32>} : memref<8x256xf32, #tpu.memory_space<vmem>>, vector<8x256xf32>,
    } else {
    }
    %get3A_146 = arith.constant 0 : index
    %get3A_147 = arith.constant 0 : index
    %get3A_148 = vector.load %arg9[%get3A_146, %get3A_147] : memref<8x256xf32, #tpu.memory_space<vmem>>, vector<8x256xf32>
    %max3A_149 = arith.maximumf %get3A_148, %stack3A_141 : vector<8x256xf32>
    %swap3A = arith.constant 0 : index
    %swap3A_150 = arith.constant 0 : index
    %swap3A_151 = vector.load %arg9[%swap3A, %swap3A_150] : memref<8x256xf32, #tpu.memory_space<vmem>>, vector<8x256xf32>
    tpu.vector_store %arg9[%swap3A, %swap3A_150], %max3A_149 {strides = array<i32>} : memref<8x256xf32, #tpu.memory_space<vmem>>, vector<8x256xf32>,
    return
  }
  func.func @transform_0(%arg0: i32) -> (i32, i32) {
    %c0_i32 = arith.constant 0 : i32
    %c0_i32_0 = arith.constant 0 : i32
    return %arg0, %c0_i32 : i32, i32
  }
  func.func @transform_1(%arg0: i32) -> (i32, i32, i32) {
    %c0_i32 = arith.constant 0 : i32
    %c0_i32_0 = arith.constant 0 : i32
    %c0_i32_1 = arith.constant 0 : i32
    return %c0_i32, %arg0, %c0_i32_0 : i32, i32, i32
  }
  func.func @transform_2(%arg0: i32) -> (i32, i32, i32) {
    %c1_i32 = arith.constant 1 : i32
    %c0_i32 = arith.constant 0 : i32
    %c0_i32_0 = arith.constant 0 : i32
    return %c1_i32, %arg0, %c0_i32 : i32, i32, i32
  }
  func.func @transform_3(%arg0: i32) -> (i32, i32) {
    %c0_i32 = arith.constant 0 : i32
    %c0_i32_0 = arith.constant 0 : i32
    return %arg0, %c0_i32 : i32, i32
  }
  func.func @transform_4(%arg0: i32) -> (i32, i32) {
    %c0_i32 = arith.constant 0 : i32
    %c0_i32_0 = arith.constant 0 : i32
    return %arg0, %c0_i32 : i32, i32
  }
  func.func @transform_5(%arg0: i32) -> (i32, i32, i32) {
    %c0_i32 = arith.constant 0 : i32
    %c0_i32_0 = arith.constant 0 : i32
    %c0_i32_1 = arith.constant 0 : i32
    return %arg0, %c0_i32, %c0_i32_0 : i32, i32, i32
  }
  func.func @transform_6(%arg0: i32) -> (i32, i32) {
    %c0_i32 = arith.constant 0 : i32
    %c0_i32_0 = arith.constant 0 : i32
    %c0_i32_1 = arith.constant 0 : i32
    return %c0_i32, %c0_i32_0 : i32, i32
  }
  func.func @transform_7(%arg0: i32) -> (i32, i32) {
    %c0_i32 = arith.constant 0 : i32
    %c0_i32_0 = arith.constant 0 : i32
    %c0_i32_1 = arith.constant 0 : i32
    return %c0_i32, %c0_i32_0 : i32, i32
  }
  func.func @transform_8(%arg0: i32) -> (i32, i32) {
    %c0_i32 = arith.constant 0 : i32
    %c0_i32_0 = arith.constant 0 : i32
    %c0_i32_1 = arith.constant 0 : i32
    return %c0_i32, %c0_i32_0 : i32, i32
  }
}

module attributes {stable_mosaic.version = 14 : i64} {
  func.func @_head_body(%arg0: i32, %arg1: memref<8x256xf32, #tpu.memory_space<vmem>>, %arg2: memref<256x10xf32, #tpu.memory_space<vmem>>, %arg3: memref<1x10xf32, #tpu.memory_space<vmem>>, %arg4: memref<8x10xf32, #tpu.memory_space<vmem>>, %arg5: memref<8x10xf32, #tpu.memory_space<vmem>>) attributes {dimension_semantics = [#tpu.dimension_semantics<arbitrary>], iteration_bounds = array<i64: 1>, scalar_prefetch = 0 : i64, scratch_operands = 0 : i64, tpu.core_type = #tpu.core_type<tc>, window_params = [{pipeline_mode = #tpu.pipeline_mode<synchronous>, transform_indices = @transform_0, window_bounds = array<i64: 8, 256>}, {pipeline_mode = #tpu.pipeline_mode<synchronous>, transform_indices = @transform_1, window_bounds = array<i64: 256, 10>}, {pipeline_mode = #tpu.pipeline_mode<synchronous>, transform_indices = @transform_2, window_bounds = array<i64: 1, 10>}, {pipeline_mode = #tpu.pipeline_mode<synchronous>, transform_indices = @transform_3, window_bounds = array<i64: 8, 10>}, {pipeline_mode = #tpu.pipeline_mode<synchronous>, transform_indices = @transform_4, window_bounds = array<i64: 8, 10>}]} {
    %get3A = arith.constant 0 : index
    %get3A_0 = arith.constant 0 : index
    %get3A_1 = vector.load %arg1[%get3A, %get3A_0] : memref<8x256xf32, #tpu.memory_space<vmem>>, vector<8x256xf32>
    %get3A_2 = arith.constant 0 : index
    %get3A_3 = arith.constant 0 : index
    %get3A_4 = vector.load %arg2[%get3A_2, %get3A_3] : memref<256x10xf32, #tpu.memory_space<vmem>>, vector<256x10xf32>
    %dot_general3A = arith.constant dense<0.000000e+00> : vector<8x10xf32>
    %dot_general3A_5 = tpu.matmul %get3A_1, %get3A_4, %dot_general3A {dimension_numbers = #tpu.dot_dimension_numbers<[1], [0], [0], [1], [0, 0, 1, 1], [], []>, transpose_lhs_hint = false} : vector<8x256xf32>, vector<256x10xf32>, vector<8x10xf32> -> vector<8x10xf32>
    %get3A_6 = arith.constant 0 : index
    %get3A_7 = arith.constant 0 : index
    %get3A_8 = vector.load %arg3[%get3A_6, %get3A_7] : memref<1x10xf32, #tpu.memory_space<vmem>>, vector<1x10xf32>
    %add3A = vector.broadcast %get3A_8 : vector<1x10xf32> to vector<8x10xf32>
    %add3A_9 = arith.addf %dot_general3A_5, %add3A : vector<8x10xf32>
    %reduce_max3A = arith.constant dense<0xFF800000> : vector<8xf32>
    %reduce_max3A_10 = vector.multi_reduction <maximumf>, %add3A_9, %reduce_max3A [1] : vector<8x10xf32> to vector<8xf32>
    %broadcast_in_dim3A = vector.shape_cast %reduce_max3A_10 : vector<8xf32> to vector<8x1xf32>
    %sub3A = vector.broadcast %broadcast_in_dim3A : vector<8x1xf32> to vector<8x10xf32>
    %sub3A_11 = arith.subf %add3A_9, %sub3A : vector<8x10xf32>
    %exp3A = math.exp %sub3A_11 : vector<8x10xf32>
    %reduce_sum3A = arith.constant dense<0.000000e+00> : vector<8xf32>
    %reduce_sum3A_12 = vector.multi_reduction <add>, %exp3A, %reduce_sum3A [1] : vector<8x10xf32> to vector<8xf32>
    %broadcast_in_dim3A_13 = vector.shape_cast %reduce_sum3A_12 : vector<8xf32> to vector<8x1xf32>
    %log3A = math.log %broadcast_in_dim3A_13 : vector<8x1xf32>
    %add3A_14 = arith.addf %log3A, %broadcast_in_dim3A : vector<8x1xf32>
    %sub3A_15 = vector.broadcast %add3A_14 : vector<8x1xf32> to vector<8x10xf32>
    %sub3A_16 = arith.subf %add3A_9, %sub3A_15 : vector<8x10xf32>
    %swap3A = arith.constant 0 : index
    %swap3A_17 = arith.constant 0 : index
    %swap3A_18 = vector.load %arg4[%swap3A, %swap3A_17] : memref<8x10xf32, #tpu.memory_space<vmem>>, vector<8x10xf32>
    tpu.vector_store %arg4[%swap3A, %swap3A_17], %sub3A_16 {strides = array<i32>} : memref<8x10xf32, #tpu.memory_space<vmem>>, vector<8x10xf32>,
    %exp3A_19 = math.exp %sub3A_16 : vector<8x10xf32>
    %swap3A_20 = arith.constant 0 : index
    %swap3A_21 = arith.constant 0 : index
    %swap3A_22 = vector.load %arg5[%swap3A_20, %swap3A_21] : memref<8x10xf32, #tpu.memory_space<vmem>>, vector<8x10xf32>
    tpu.vector_store %arg5[%swap3A_20, %swap3A_21], %exp3A_19 {strides = array<i32>} : memref<8x10xf32, #tpu.memory_space<vmem>>, vector<8x10xf32>,
    return
  }
  func.func @transform_0(%arg0: i32) -> (i32, i32) {
    %c0_i32 = arith.constant 0 : i32
    %c0_i32_0 = arith.constant 0 : i32
    %c0_i32_1 = arith.constant 0 : i32
    return %c0_i32, %c0_i32_0 : i32, i32
  }
  func.func @transform_1(%arg0: i32) -> (i32, i32) {
    %c0_i32 = arith.constant 0 : i32
    %c0_i32_0 = arith.constant 0 : i32
    %c0_i32_1 = arith.constant 0 : i32
    return %c0_i32, %c0_i32_0 : i32, i32
  }
  func.func @transform_2(%arg0: i32) -> (i32, i32) {
    %c0_i32 = arith.constant 0 : i32
    %c0_i32_0 = arith.constant 0 : i32
    %c0_i32_1 = arith.constant 0 : i32
    return %c0_i32, %c0_i32_0 : i32, i32
  }
  func.func @transform_3(%arg0: i32) -> (i32, i32) {
    %c0_i32 = arith.constant 0 : i32
    %c0_i32_0 = arith.constant 0 : i32
    %c0_i32_1 = arith.constant 0 : i32
    return %c0_i32, %c0_i32_0 : i32, i32
  }
  func.func @transform_4(%arg0: i32) -> (i32, i32) {
    %c0_i32 = arith.constant 0 : i32
    %c0_i32_0 = arith.constant 0 : i32
    %c0_i32_1 = arith.constant 0 : i32
    return %c0_i32, %c0_i32_0 : i32, i32
  }
}

</mosaic_0001>

<sc_bundles>
// kernel: kernel.12.cloned.1.call-start
scs
__scs_entry_jumppad:
0x0: {  	(pc) =	sbr.rel $0x88, $3  }
0x1: {  	(tag) =	ssettag $0x0;
	lr =	simm.s32 $0x1  }
0x2: {  	[smem:$0x3F94] =	sst lr;
	_ =	strace $0xD0000000  }
0x3: {  	_ = 	snop  }
0x4: {  	_ = 	snop  }
0x5: {  	_ = 	snop  }
0x6: {  	_ = 	snop  }
0x7: {  	_ = 	snop  }
__scs_overlays_trampoline_lowered:
0x8: {  	[smem:$0x3FA3] =	sst s0  }
0x9: {  	[smem:$0x3FA4] =	sst s1  }
0xa: {  	[smem:$0x3FA5] =	sst s2  }
0xb: {  	[smem:$0x3FA6] =	sst s3  }
0xc: {  	[smem:$0x3FA7] =	sst s4  }
0xd: {  	[smem:$0x3FA8] =	sst s5  }
0xe: {  	[smem:$0x3FA9] =	sst s6  }
0xf: {  	[smem:$0x3FAA] =	sst s7  }
0x10: {  	[smem:$0x3FAB] =	sst s8  }
0x11: {  	[smem:$0x3FAC] =	sst s9;
	s0 =	simm.s32 @!p0 $0x0  }
0x12: {  	s1 =	sld [smem:$0x3F92];
	s0 =	simm.s32 @p0 $0x1  }
0x13: {  	[smem:$0x3FAD] =	sst s0;
	s0 =	simm.s32 @!p1 $0x0  }
0x14: {  	s2 =	sld [smem:$0x3F91];
	s0 =	simm.s32 @p1 $0x1  }
0x15: {  	[smem:$0x3FAE] =	sst s0;
	s0 =	simm.s32 @!p2 $0x0  }
0x16: {  	s3 =	sld [smem:$0x3FDB];
	s0 =	simm.s32 @p2 $0x1  }
0x17: {  	s4 =	simm.s32 $0x1BF5;
	[smem:$0x3FB0] =	sst s0  }
0x18: {  	s0 =	sld [smem:$0x3F93];
	_ =	swait.ge [sflag:s4], $0x0  }
0x19: {  	s7 =	sld [smem:$0x3F94]  }
0x1a: {  	s8 =	sadd.s32 $0xFFFFE003, lr  }
0x1b: {  	s9 =	sadd.s32 $0xFFFFFEF7, lr;
	s5 =	simm.s32 $0xFFFFFFFF;
	p2 =	slt.u32 s8, $0xFFFFF086  }
0x1c: {  	p1 =	slt.u32 s9, $0xF7A;
	s5 =	simm.s32 @!p2 $0x0  }
0x1d: {  	s5 =	simm.s32 @p1 $0x1;
	p0 =	seq.s32 s7, s2  }
0x1e: {  	s7 =	smul.u32 @!p0 $0xF7A, s2;
	p2 =	seq.s32 @!p0 s5, $0x0  }
0x1f: {  	s9 =	smul.u32 $0xF7A, s1;
	s8 =	simm.s32 @!p0 $0x1BF5;
	p2 =	por !p2, p0  }
0x20: {  	[sflag:s8] =	ssyncset.s32 @!p0 $0xFFFFF086;
	s6 =	sadd.s32 @!p0 s3, s7;
	s7 =	simm.s32 @!p0 $0x108  }
0x21: {  	s3 =	sadd.s32 s3, s9;
	s6 =	sadd.s32 @!p0 $0x88, s6;
	s7 =	simm.s32 @p2 $0x1082  }
0x22: {  	[simem:s7], [sflag:s8] =	dma.local @!p0 [hbm:s6], $0xF7A  }
0x23: {  	s9 =	sor.u32 $0xD0000000, s2;
	s6 =	simm.s32 $0x108;
	_ =	swait.ge @!p0 [sflag:s8], $0x0  }
0x24: {  	s3 =	sadd.s32 $0x88, s3;
	s6 =	simm.s32 @!p1 $0x1082;
	[sflag:s4] =	ssyncset.s32 $0xFFFFF086  }
0x25: {  	[simem:s6], [sflag:s4] =	dma.local [hbm:s3], $0xF7A  }
0x26: {  	[smem:$0x3F94] =	sst s1;
	(tag) =	ssettag s2;
	_ =	strace s9  }
0x27: {  	s1 =	sld [smem:$0x3FA4]  }
0x28: {  	s2 =	sld [smem:$0x3FA5]  }
0x29: {  	s4 =	sld [smem:$0x3FA7]  }
0x2a: {  	p0 =	seq.s32 s5, $0x0;
	s5 =	sld [smem:$0x3FA8]  }
0x2b: {  	s6 =	sld [smem:$0x3FA9]  }
0x2c: {  	s7 =	sld [smem:$0x3FAA]  }
0x2d: {  	s3 =	simm.s32 $0x108;
	s8 =	sld [smem:$0x3FAB]  }
0x2e: {  	s3 =	simm.s32 @!p0 $0x1082;
	s9 =	sld [smem:$0x3FAC]  }
0x2f: {  	lr =	sadd.s32 s0, s3;
	s0 =	sld [smem:$0x3FA3]  }
0x30: {  	s3 =	sld [smem:$0x3FA6]  }
0x31: {  	[smem:$0x3FAF] =	sst s10  }
0x32: {  	s10 =	sld [smem:$0x3FAD];
	_ =	sdelay $0x3  }
0x33: {  	p0 =	seq.s32 s10, $0x1;
	s10 =	sld [smem:$0x3FAF];
	_ =	sdelay $0x3  }
0x34: {  	[smem:$0x3FAF] =	sst s10  }
0x35: {  	s10 =	sld [smem:$0x3FAE];
	_ =	sdelay $0x3  }
0x36: {  	p1 =	seq.s32 s10, $0x1;
	s10 =	sld [smem:$0x3FAF];
	_ =	sdelay $0x3  }
0x37: {  	[smem:$0x3FAF] =	sst s10  }
0x38: {  	s10 =	sld [smem:$0x3FB0]  }
0x39: {  	_ = 	snop;
	(pc) =	sbr.ind lr, $3  }
0x3a: {  	_ = 	snop  }
0x3b: {  	_ = 	snop  }
0x3c: {  	p2 =	seq.s32 s10, $0x1;
	s10 =	sld [smem:$0x3FAF]  }
0x3d: {  	_ =	shalt  }
0x3e: {  	_ =	shalt  }
0x3f: {  	_ =	shalt  }
0x40: {  	_ =	shalt  }
0x41: {  	_ =	shalt  }
0x42: {  	_ =	shalt  }
0x43: {  	_ =	shalt  }
0x44: {  	_ =	shalt  }
0x45: {  	_ =	shalt  }
0x46: {  	_ =	shalt  }
0x47: {  	_ =	shalt  }
0x48: {  	_ =	shalt  }
0x49: {  	_ =	shalt  }
0x4a: {  	_ =	shalt  }
0x4b: {  	_ =	shalt  }
0x4c: {  	_ =	shalt  }
0x4d: {  	_ =	shalt  }
0x4e: {  	_ =	shalt  }
0x4f: {  	_ =	shalt  }
0x50: {  	_ =	shalt  }
0x51: {  	_ =	shalt  }
0x52: {  	_ =	shalt  }
0x53: {  	_ =	shalt  }
0x54: {  	_ =	shalt  }
0x55: {  	_ =	shalt  }
0x56: {  	_ =	shalt  }
0x57: {  	_ =	shalt  }
0x58: {  	_ =	shalt  }
0x59: {  	_ =	shalt  }
0x5a: {  	_ =	shalt  }
0x5b: {  	_ =	shalt  }
0x5c: {  	_ =	shalt  }
0x5d: {  	_ =	shalt  }
0x5e: {  	_ =	shalt  }
0x5f: {  	_ =	shalt  }
0x60: {  	_ =	shalt  }
0x61: {  	_ =	shalt  }
0x62: {  	_ =	shalt  }
0x63: {  	_ =	shalt  }
0x64: {  	_ =	shalt  }
0x65: {  	_ =	shalt  }
0x66: {  	_ =	shalt  }
0x67: {  	_ =	shalt  }
0x68: {  	_ =	shalt  }
0x69: {  	_ =	shalt  }
0x6a: {  	_ =	shalt  }
0x6b: {  	_ =	shalt  }
0x6c: {  	_ =	shalt  }
0x6d: {  	_ =	shalt  }
0x6e: {  	_ =	shalt  }
0x6f: {  	_ =	shalt  }
0x70: {  	_ =	shalt  }
0x71: {  	_ =	shalt  }
0x72: {  	_ =	shalt  }
0x73: {  	_ =	shalt  }
0x74: {  	_ =	shalt  }
0x75: {  	_ =	shalt  }
0x76: {  	_ =	shalt  }
0x77: {  	_ =	shalt  }
0x78: {  	_ =	shalt  }
0x79: {  	_ =	shalt  }
0x7a: {  	_ =	shalt  }
0x7b: {  	_ =	shalt  }
0x7c: {  	_ =	shalt  }
0x7d: {  	_ =	shalt  }
0x7e: {  	_ =	shalt  }
0x7f: {  	_ =	shalt  }
0x80: {  	_ =	shalt  }
0x81: {  	_ =	shalt  }
0x82: {  	_ =	shalt  }
0x83: {  	_ =	shalt  }
0x84: {  	_ =	shalt  }
0x85: {  	_ =	shalt  }
0x86: {  	_ =	shalt  }
0x87: {  	_ =	shalt  }
.Lfunc_end0:
.L_simem_size_0:
called_computation.1_lowered:
.L_overlay_start_0:
0x88: {  	s2 =	sld [smem:$0x3FD9]  }
0x89: {  	s3 =	sld [smem:$0x3FFE];
	_ =	sdelay $0x1  }
0x8a: {  	s1 =	srdreg.scid  }
0x8b: {  	s0 =	sand.u32 $0x1, s1  }
0x8c: {  	s16 =	sshll.u32 s0, $0xA;
	s2 =	sadd.s32 s3, s2  }
0x8d: {  	s2 =	sadd.s32 s2, s16  }
0x8e: {  	[smem:$0x3FBB] =	sst s2  }
0x8f: {  	_ = 	snop  }
0x90: {  	(tm) =	ssettm $0x1  }
0x91: {  	s17 =	sld [smem:$0x3FFB];
	_ =	sdelay $0x3  }
0x92: {  	_ =	strace s17  }
0x93: {  	s2 =	sld [smem:$0x3FFC];
	_ =	sdelay $0x3  }
0x94: {  	_ =	strace s2  }
0x95: {  	s2 =	sld [smem:$0x3FFD];
	_ =	sdelay $0x3  }
0x96: {  	_ =	strace s2  }
0x97: {  	_ =	strace $0x8FFFFFFF  }
0x98: {  	s18 =	sld [smem:$0x3FDB];
	_ =	sdelay $0x1  }
0x99: {  	s19 =	simm.s32 $_scs_section_size  }
0x9a: {  	s4 =	simm.s32 $_size__tile_overlayer_lowered;
	s5 =	simm.s32 $_tile_overlayer_lowered  }
0x9b: {  	s22 =	simm.s32 $0x1BFF;
	s21 =	sshll.u32 s5, $0x1;
	s2 =	sadd.s32 s19, s18  }
0x9c: {  	s6 =	simm.s32 $0x0;
	s20 =	sshll.u32 s4, $0x1;
	s4 =	sadd.s32 s21, s2  }
0x9d: {  	[timem:s6], [sflag:s22] =	dma.local [hbm:s4], s20  }
0x9e: {  	_ =	swait.ge [sflag:s22], s20  }
0x9f: {  	s3 =	ssub.s32 $0x0, s20;
	[sflag:s22] =	ssyncset.done $0x0  }
0xa0: {  	[sflag:s22] =	ssyncadd.s32 s3;
	_ =	sdelay $0x1  }
0xa1: {  	s23 =	simm.s32 $0x1B8B  }
0xa2: {  	_ =	swait.ge [sflag:s23], $0x1  }
0xa3: {  	[sflag:s23] =	ssyncset.done $0x0  }
0xa4: {  	s25 =	simm.s32 $0x1B8E;
	s24 =	sld [smem:$0x3FFE];
	[sflag:s23] =	ssyncadd.s32 $0xFFFFFFFF  }
0xa5: {  	s26 =	simm.s32 $execute0_lowered;
	[smem:$0x3FD2] =	sst s25  }
0xa6: {  	s4 =	sshll.u32 s26, $0x1;
	_ =	strace $0x80000049;
	[dreg:$0x1] =	wrdreg $0xFFFFFFFF  }
0xa7: {  	s28 =	simm.s32 $_size_execute0_lowered;
	s2 =	sadd.s32 s2, s4;
	[dreg:$0x0] =	wrdreg $0x0  }
0xa8: {  	s4 =	sshll.u32 s28, $0x1;
	[dreg:$0x2] =	wrdreg s2  }
0xa9: {  	[dreg:$0x3] =	wrdreg s4  }
0xaa: {  	[dreg:$0x4] =	wrdreg $0xC0  }
0xab: {  	_ =	task [dreg:s6], $0x5FFFF  }
0xac: {  	[dreg:$0x1] =	wrdreg $0xFFFFFFFF  }
0xad: {  	[dreg:$0x0] =	wrdreg $0x60  }
0xae: {  	[dreg:$0x2] =	wrdreg s24  }
0xaf: {  	[dreg:$0x3] =	wrdreg $0x14E200  }
0xb0: {  	[dreg:$0x4] =	wrdreg $0x9  }
0xb1: {  	_ =	task.clear_ibuf [dreg:s6], $0x5FFFF;
	_ =	strace $0x90000049  }
0xb2: {  	s29 =	simm.s32 $0x9;
	_ =	strace $0x8000004B  }
0xb3: {  	_ =	swait.ge [sflag:s29], $0x1  }
0xb4: {  	[sflag:s29] =	ssyncadd.s32 $0xFFFFFFFF  }
0xb5: {  	_ =	strace $0x9000004B  }
0xb6: {  	_ =	sfence  }
0xb7: {  	s30 =	sld [smem:$0x0];
	_ =	sdelay $0x2  }
0xb8: {  	s31 =	sshll.u32 s1, $0xD;
	s1 =	sshrl.u32 s1, $0x2  }
0xb9: {  	s3 =	sand.u32 $0x4000, s31;
	s1 =	sadd.s32 s1, s30  }
0xba: {  	s0 =	sor.u32 s3, s0;
	s1 =	sshll.u32 s1, $0x11  }
0xbb: {  	s0 =	sor.u32 s1, s0  }
0xbc: {  	s0 =	sadd.s32 $0x8F2B, s0  }
0xbd: {  	[sflag:s0] =	ssyncadd.remote.s32 $0x1  }
0xbe: {  	_ =	sfence.sel $0xFFFF  }
0xbf: {  	[dreg:$0x0] =	wrdreg $0xFFFFFFFF;
	(pc) =	sbr.abs _section_cstart, $3  }
0xc0: {  	[dreg:$0x1] =	wrdreg $0xFFFFFFFF  }
0xc1: {  	_ =	task.clear_ibuf [dreg:s6], $0x2FFFF;
	_ =	strace $0x9FFFFFFF  }
0xc2: {  	(tm) =	ssettm $0x7FFFFFFF  }
0xc3: {  	_ =	shalt  }
tec
execute0_lowered:
.L_overlay_start_1:
0x0: {  	(tag) =	ssettag $0x1  }
0x1: {  	s0 =	srdreg.scid;
	s1 =	rddreg [dreg:$0x0]  }
0x2: {  	s2 =	rddreg [dreg:$0x1];
	s13 =	stileid.u32;
	s3 =	simm.s32 $0x0  }
0x3: {  	s12 =	simm.s32 $0x6;
	s14 =	simm.s32 $0x50;
	s15 =	simm.s32 $0x4E20  }
0x4: {  	s16 =	simm.s32 $0x6220;
	s18 =	simm.s32 $0x7620;
	s20 =	simm.s32 $0x8A20  }
0x5: {  	s22 =	simm.s32 $0x9E20;
	s24 =	simm.s32 $0x1;
	s25 =	simm.s32 $0x2  }
0x6: {  	s26 =	simm.s32 $0x3;
	s28 =	simm.s32 $0x4;
	s29 =	simm.s32 $0x5  }
0x7: {  	s17 =	simm.s32 $0x4DD0;
	s19 =	simm.s32 $0x10;
	s21 =	simm.s32 $0x8  }
0x8: {  	s0 =	sand.u32 $0x1, s0;
	[smem:$0x7FF] =	sst s3;
	s8 =	smul.u32 $0x27000, s13  }
0x9: {  	s9 =	smul.u32 $0x13800, s13;
	p0 =	sne.s32 s13, $0xF;
	s4 =	sshll.u32 s0, $0x4  }
0xa: {  	_ =	strace $0x8000004A;
	s6 =	ssub.s32 $0x2, s0;
	s4 =	sor.u32 s13, s4  }
0xb: {  	s31 =	sshll.u32 s0, $0x6;
	s0 =	sshll.u32 s0, $0x3;
	s5 =	smul.u32 $0x2710, s4  }
0xc: {  	s30 =	sshrl.u32 s6, $0x1;
	s8 =	sshrl.u32 s8, $0x2;
	s9 =	sor.u32 s31, s9  }
0xd: {  	s4 =	sadd.s32 $0x64E00, s1;
	s11 =	ssub.s32 s6, s30;
	s5 =	sshrl.u32 s5, $0x3  }
0xe: {  	s9 =	sshrl.u32 s9, $0x3;
	s11 =	smax.u32 s11, $0x1;
	s7 =	sadd.s32 s5, s1  }
0xf: {  	s1 =	sadd.s32 $0x78800, s1;
	s5 =	sadd.s32 $0x3200, s7;
	s6 =	sadd.s32 $0xCE40, s7  }
0x10: {  	s7 =	sadd.s32 s8, s2;
	s0 =	sadd.s32 s0, s1;
	s8 =	sadd.s32 $0x9C000, s2  }
0x11: {  	v0 =	vimm.f32 $0.0e+00;
	s9 =	sadd.s32 s1, s9;
	s1 =	simm.s32 $0x0;
	s10 =	sadd.s32 $0x27000, s0  }
.LBB2_1:
0x12: {  	[tilespmem:s3], [sflag:$0x6] =	stream.linear.gather [hbm4b:s5+s3], $0x2710, $0x38;
	[tilespmem:$0x1EA60] =	vst v63  }
0x13: {  	_ =	swait.ge [sflag:s12], $0x2710  }
0x14: {  	[sflag:s12] =	ssyncset.done $0x0  }
0x15: {  	s0 =	simm.s32 $0x2710;
	[sflag:s12] =	ssyncadd.s32 $0xFFFFD8F0  }
0x16: {  	[tilespmem:s0], [sflag:$0x6] =	stream.linear.gather [hbm4b:s6+s3], $0x2710, $0x38;
	[tilespmem:$0x1EA60] =	vst v63  }
0x17: {  	_ =	swait.ge [sflag:s12], $0x2710  }
0x18: {  	[sflag:s12] =	ssyncset.done $0x0  }
0x19: {  	[sflag:s12] =	ssyncadd.s32 $0xFFFFD8F0  }
0x1a: {  	[tilespmem:s15], [sflag:$0x1] =	stream.indirect.gather [hbm4b:s4+s14], $0x40, s3, s14, $0xb8;
	[tilespmem:$0x1EA60] =	vst v63  }
0x1b: {  	_ = 	snop  }
0x1c: {  	[tilespmem:s16], [sflag:$0x2] =	stream.indirect.gather [hbm4b:s4+s14], $0x40, s14, s14, $0xb8;
	[tilespmem:$0x1EA60] =	vst v63  }
0x1d: {  	s13 =	simm.s32 $0xA0  }
0x1e: {  	[tilespmem:s18], [sflag:$0x3] =	stream.indirect.gather [hbm4b:s4+s14], $0x40, s13, s14, $0xb8;
	[tilespmem:$0x1EA60] =	vst v63  }
0x1f: {  	s23 =	simm.s32 $0xF0  }
0x20: {  	[tilespmem:s20], [sflag:$0x4] =	stream.indirect.gather [hbm4b:s4+s14], $0x40, s23, s14, $0xb8;
	[tilespmem:$0x1EA60] =	vst v63  }
0x21: {  	s31 =	simm.s32 $0x140;
	s30 =	simm.s32 $0x100;
	s23 =	simm.s32 $0x0  }
0x22: {  	[tilespmem:s22], [sflag:$0x5] =	stream.indirect.gather [hbm4b:s4+s14], $0x40, s31, s14, $0xb8;
	[tilespmem:$0x1EA60] =	vst v63  }
.LBB2_2:
0x23: {  	p1 =	sne.s32 s30, $0x26F00;
	[tilespmem:s23+$0xB250] =	vst v0;
	s31 =	smov.u32 s30;
	s30 =	sadd.s32 $0x100, s30  }
.Ltmp0:
0x24: {  	[tilespmem:s23+$0xB240] =	vst v0;
	(pc) =	sbr.rel @p1 .LBB2_2-.Ltmp0, $3  }
0x25: {  	[tilespmem:s23+$0xB220] =	vst v0  }
0x26: {  	[tilespmem:s23+$0xB230] =	vst v0;
	_ =	sdelay $0x1  }
0x27: {  	s23 =	sshra.s32 s31, $0x2  }
0x28: {  	[tilespmem:s23+$0xB250] =	vst v0  }
0x29: {  	[tilespmem:s23+$0xB240] =	vst v0  }
0x2a: {  	[tilespmem:s23+$0xB220] =	vst v0  }
0x2b: {  	[tilespmem:s23+$0xB230] =	vst v0;
	s0 =	simm.s32 $0xB220  }
0x2c: {  	[spmem:s7] =	stream.linear.scatter [tilespmem:s0], [sflag:$0x6], $0x9C00, $0x38;
	[tilespmem:$0x1EA60] =	vst v63  }
0x2d: {  	_ =	swait.ge [sflag:s12], $0x9C00  }
0x2e: {  	[sflag:s12] =	ssyncset.done $0x0  }
0x2f: {  	s23 =	simm.s32 @!p0 $0xB220;
	[sflag:s12] =	ssyncadd.s32 $0xFFFF6400  }
0x30: {  	[spmem:s8] =	stream.linear.scatter @!p0 [tilespmem:s23], [sflag:$0x6], $0x400, $0x38;
	[tilespmem:$0x1EA60] =	vst v63  }
0x31: {  	s23 =	simm.s32 @!p0 $0x6  }
0x32: {  	_ =	swait.ge @!p0 [sflag:s23], $0x400  }
0x33: {  	[sflag:s23] =	ssyncset.done @!p0 $0x0  }
0x34: {  	[sflag:s23] =	ssyncadd.s32 @!p0 $0xFFFFFC00  }
0x35: {  	[bflag:$0x0] =	sbarrier.arrive $0xFFFF  }
0x36: {  	_ =	swait.ge [sflag:s24], $0x1400  }
0x37: {  	[sflag:s24] =	ssyncset.done $0x0  }
0x38: {  	s0 =	simm.s32 $0x2710;
	[sflag:s24] =	ssyncadd.s32 $0xFFFFEC00  }
0x39: {  	[spmem:s2] =	stream.indirect.scatter.add.f32 [tilespmem:s15], [sflag:$0x6], $0x40, s0, s14, $0xb8;
	[tilespmem:$0x1EA60] =	vst v63  }
0x3a: {  	_ =	swait.ge [sflag:s12], $0x1400  }
0x3b: {  	[sflag:s12] =	ssyncset.done $0x0  }
0x3c: {  	s13 =	simm.s32 $0x190;
	[sflag:s12] =	ssyncadd.s32 $0xFFFFEC00  }
0x3d: {  	[tilespmem:s15], [sflag:$0x1] =	stream.indirect.gather [hbm4b:s4+s14], $0x40, s13, s14, $0xb8;
	[tilespmem:$0x1EA60] =	vst v63  }
0x3e: {  	_ =	swait.ge [sflag:s25], $0x1400  }
0x3f: {  	[sflag:s25] =	ssyncset.done $0x0  }
0x40: {  	s31 =	simm.s32 $0x2760;
	[sflag:s25] =	ssyncadd.s32 $0xFFFFEC00  }
0x41: {  	[spmem:s2] =	stream.indirect.scatter.add.f32 [tilespmem:s16], [sflag:$0x6], $0x40, s31, s14, $0xb8;
	[tilespmem:$0x1EA60] =	vst v63  }
0x42: {  	_ =	swait.ge [sflag:s12], $0x1400  }
0x43: {  	[sflag:s12] =	ssyncset.done $0x0  }
0x44: {  	s0 =	simm.s32 $0x1E0;
	[sflag:s12] =	ssyncadd.s32 $0xFFFFEC00  }
0x45: {  	[tilespmem:s16], [sflag:$0x2] =	stream.indirect.gather [hbm4b:s4+s14], $0x40, s0, s14, $0xb8;
	[tilespmem:$0x1EA60] =	vst v63  }
0x46: {  	_ =	swait.ge [sflag:s26], $0x1400  }
0x47: {  	[sflag:s26] =	ssyncset.done $0x0  }
0x48: {  	s13 =	simm.s32 $0x27B0;
	[sflag:s26] =	ssyncadd.s32 $0xFFFFEC00  }
0x49: {  	[spmem:s2] =	stream.indirect.scatter.add.f32 [tilespmem:s18], [sflag:$0x6], $0x40, s13, s14, $0xb8;
	[tilespmem:$0x1EA60] =	vst v63  }
0x4a: {  	_ =	swait.ge [sflag:s12], $0x1400  }
0x4b: {  	[sflag:s12] =	ssyncset.done $0x0  }
0x4c: {  	s31 =	simm.s32 $0x230;
	[sflag:s12] =	ssyncadd.s32 $0xFFFFEC00  }
0x4d: {  	[tilespmem:s18], [sflag:$0x3] =	stream.indirect.gather [hbm4b:s4+s14], $0x40, s31, s14, $0xb8;
	[tilespmem:$0x1EA60] =	vst v63  }
0x4e: {  	_ =	swait.ge [sflag:s28], $0x1400  }
0x4f: {  	[sflag:s28] =	ssyncset.done $0x0  }
0x50: {  	s0 =	simm.s32 $0x2800;
	[sflag:s28] =	ssyncadd.s32 $0xFFFFEC00  }
0x51: {  	[spmem:s2] =	stream.indirect.scatter.add.f32 [tilespmem:s20], [sflag:$0x6], $0x40, s0, s14, $0xb8;
	[tilespmem:$0x1EA60] =	vst v63  }
0x52: {  	_ =	swait.ge [sflag:s12], $0x1400  }
0x53: {  	[sflag:s12] =	ssyncset.done $0x0  }
0x54: {  	s13 =	simm.s32 $0x280;
	[sflag:s12] =	ssyncadd.s32 $0xFFFFEC00  }
0x55: {  	[tilespmem:s20], [sflag:$0x4] =	stream.indirect.gather [hbm4b:s4+s14], $0x40, s13, s14, $0xb8;
	[tilespmem:$0x1EA60] =	vst v63  }
0x56: {  	_ =	swait.ge [sflag:s29], $0x1400  }
0x57: {  	[sflag:s29] =	ssyncset.done $0x0  }
0x58: {  	s31 =	simm.s32 $0x2850;
	[sflag:s29] =	ssyncadd.s32 $0xFFFFEC00  }
0x59: {  	[spmem:s2] =	stream.indirect.scatter.add.f32 [tilespmem:s22], [sflag:$0x6], $0x40, s31, s14, $0xb8;
	[tilespmem:$0x1EA60] =	vst v63  }
0x5a: {  	_ =	swait.ge [sflag:s12], $0x1400  }
0x5b: {  	[sflag:s12] =	ssyncset.done $0x0  }
0x5c: {  	s30 =	simm.s32 $0x2D0;
	s23 =	simm.s32 $0x640;
	[sflag:s12] =	ssyncadd.s32 $0xFFFFEC00  }
.LBB2_4:
0x5d: {  	[tilespmem:s22], [sflag:$0x5] =	stream.indirect.gather [hbm4b:s4+s14], $0x40, s30, s14, $0xb8;
	[tilespmem:$0x1EA60] =	vst v63  }
0x5e: {  	s30 =	smov.u32 s23  }
0x5f: {  	p1 =	sne.s32 s23, $0x8FC0;
	s23 =	sadd.s32 $0x640, s23;
	_ =	swait.ge [sflag:s24], $0x1400  }
0x60: {  	s30 =	sshra.s32 s30, $0x2;
	[sflag:s24] =	ssyncset.done $0x0  }
0x61: {  	s31 =	sadd.s32 $0x2710, s30;
	[sflag:s24] =	ssyncadd.s32 $0xFFFFEC00  }
0x62: {  	[spmem:s2] =	stream.indirect.scatter.add.f32 [tilespmem:s15], [sflag:$0x6], $0x40, s31, s14, $0xb8;
	[tilespmem:$0x1EA60] =	vst v63  }
0x63: {  	_ =	swait.ge [sflag:s12], $0x1400  }
0x64: {  	[sflag:s12] =	ssyncset.done $0x0  }
0x65: {  	s31 =	sadd.s32 $0x190, s30;
	[sflag:s12] =	ssyncadd.s32 $0xFFFFEC00  }
0x66: {  	[tilespmem:s15], [sflag:$0x1] =	stream.indirect.gather [hbm4b:s4+s14], $0x40, s31, s14, $0xb8;
	[tilespmem:$0x1EA60] =	vst v63  }
0x67: {  	_ =	swait.ge [sflag:s25], $0x1400  }
0x68: {  	[sflag:s25] =	ssyncset.done $0x0  }
0x69: {  	s31 =	sadd.s32 $0x2760, s30;
	[sflag:s25] =	ssyncadd.s32 $0xFFFFEC00  }
0x6a: {  	[spmem:s2] =	stream.indirect.scatter.add.f32 [tilespmem:s16], [sflag:$0x6], $0x40, s31, s14, $0xb8;
	[tilespmem:$0x1EA60] =	vst v63  }
0x6b: {  	_ =	swait.ge [sflag:s12], $0x1400  }
0x6c: {  	[sflag:s12] =	ssyncset.done $0x0  }
0x6d: {  	s31 =	sadd.s32 $0x1E0, s30;
	[sflag:s12] =	ssyncadd.s32 $0xFFFFEC00  }
0x6e: {  	[tilespmem:s16], [sflag:$0x2] =	stream.indirect.gather [hbm4b:s4+s14], $0x40, s31, s14, $0xb8;
	[tilespmem:$0x1EA60] =	vst v63  }
0x6f: {  	_ =	swait.ge [sflag:s26], $0x1400  }
0x70: {  	[sflag:s26] =	ssyncset.done $0x0  }
0x71: {  	s31 =	sadd.s32 $0x27B0, s30;
	[sflag:s26] =	ssyncadd.s32 $0xFFFFEC00  }
0x72: {  	[spmem:s2] =	stream.indirect.scatter.add.f32 [tilespmem:s18], [sflag:$0x6], $0x40, s31, s14, $0xb8;
	[tilespmem:$0x1EA60] =	vst v63  }
0x73: {  	_ =	swait.ge [sflag:s12], $0x1400  }
0x74: {  	[sflag:s12] =	ssyncset.done $0x0  }
0x75: {  	s31 =	sadd.s32 $0x230, s30;
	[sflag:s12] =	ssyncadd.s32 $0xFFFFEC00  }
0x76: {  	[tilespmem:s18], [sflag:$0x3] =	stream.indirect.gather [hbm4b:s4+s14], $0x40, s31, s14, $0xb8;
	[tilespmem:$0x1EA60] =	vst v63  }
0x77: {  	_ =	swait.ge [sflag:s28], $0x1400  }
0x78: {  	[sflag:s28] =	ssyncset.done $0x0  }
0x79: {  	s31 =	sadd.s32 $0x2800, s30;
	[sflag:s28] =	ssyncadd.s32 $0xFFFFEC00  }
0x7a: {  	[spmem:s2] =	stream.indirect.scatter.add.f32 [tilespmem:s20], [sflag:$0x6], $0x40, s31, s14, $0xb8;
	[tilespmem:$0x1EA60] =	vst v63  }
0x7b: {  	_ =	swait.ge [sflag:s12], $0x1400  }
0x7c: {  	[sflag:s12] =	ssyncset.done $0x0  }
0x7d: {  	s31 =	sadd.s32 $0x280, s30;
	[sflag:s12] =	ssyncadd.s32 $0xFFFFEC00  }
0x7e: {  	[tilespmem:s20], [sflag:$0x4] =	stream.indirect.gather [hbm4b:s4+s14], $0x40, s31, s14, $0xb8;
	[tilespmem:$0x1EA60] =	vst v63  }
0x7f: {  	_ =	swait.ge [sflag:s29], $0x1400  }
0x80: {  	[sflag:s29] =	ssyncset.done $0x0  }
.Ltmp1:
0x81: {  	s31 =	sadd.s32 $0x2850, s30;
	[sflag:s29] =	ssyncadd.s32 $0xFFFFEC00;
	(pc) =	sbr.rel @p1 .LBB2_4-.Ltmp1, $4  }
0x82: {  	[spmem:s2] =	stream.indirect.scatter.add.f32 [tilespmem:s22], [sflag:$0x6], $0x40, s31, s14, $0xb8;
	[tilespmem:$0x1EA60] =	vst v63  }
0x83: {  	_ =	swait.ge [sflag:s12], $0x1400  }
0x84: {  	[sflag:s12] =	ssyncset.done $0x0  }
0x85: {  	s30 =	sadd.s32 $0x2D0, s30;
	[sflag:s12] =	ssyncadd.s32 $0xFFFFEC00  }
0x86: {  	[tilespmem:s22], [sflag:$0x5] =	stream.indirect.gather [hbm4b:s4+s14], $0x40, s30, s14, $0xb8;
	[tilespmem:$0x1EA60] =	vst v63  }
0x87: {  	_ =	swait.ge [sflag:s24], $0x1400  }
0x88: {  	[sflag:s24] =	ssyncset.done $0x0  }
0x89: {  	s0 =	simm.s32 $0x4C90;
	[sflag:s24] =	ssyncadd.s32 $0xFFFFEC00  }
0x8a: {  	[spmem:s2] =	stream.indirect.scatter.add.f32 [tilespmem:s15], [sflag:$0x6], $0x40, s0, s14, $0xb8;
	[tilespmem:$0x1EA60] =	vst v63  }
0x8b: {  	_ =	swait.ge [sflag:s12], $0x1400  }
0x8c: {  	[sflag:s12] =	ssyncset.done $0x0  }
0x8d: {  	[sflag:s12] =	ssyncadd.s32 $0xFFFFEC00  }
0x8e: {  	_ =	swait.ge [sflag:s25], $0x1400  }
0x8f: {  	[sflag:s25] =	ssyncset.done $0x0  }
0x90: {  	s31 =	simm.s32 $0x4CE0;
	[sflag:s25] =	ssyncadd.s32 $0xFFFFEC00  }
0x91: {  	[spmem:s2] =	stream.indirect.scatter.add.f32 [tilespmem:s16], [sflag:$0x6], $0x40, s31, s14, $0xb8;
	[tilespmem:$0x1EA60] =	vst v63  }
0x92: {  	_ =	swait.ge [sflag:s12], $0x1400  }
0x93: {  	[sflag:s12] =	ssyncset.done $0x0  }
0x94: {  	[sflag:s12] =	ssyncadd.s32 $0xFFFFEC00  }
0x95: {  	_ =	swait.ge [sflag:s26], $0x1400  }
0x96: {  	[sflag:s26] =	ssyncset.done $0x0  }
0x97: {  	s13 =	simm.s32 $0x4D30;
	[sflag:s26] =	ssyncadd.s32 $0xFFFFEC00  }
0x98: {  	[spmem:s2] =	stream.indirect.scatter.add.f32 [tilespmem:s18], [sflag:$0x6], $0x40, s13, s14, $0xb8;
	[tilespmem:$0x1EA60] =	vst v63  }
0x99: {  	_ =	swait.ge [sflag:s12], $0x1400  }
0x9a: {  	[sflag:s12] =	ssyncset.done $0x0  }
0x9b: {  	[sflag:s12] =	ssyncadd.s32 $0xFFFFEC00  }
0x9c: {  	_ =	swait.ge [sflag:s28], $0x1400  }
0x9d: {  	[sflag:s28] =	ssyncset.done $0x0  }
0x9e: {  	s23 =	simm.s32 $0x4D80;
	[sflag:s28] =	ssyncadd.s32 $0xFFFFEC00  }
0x9f: {  	[spmem:s2] =	stream.indirect.scatter.add.f32 [tilespmem:s20], [sflag:$0x6], $0x40, s23, s14, $0xb8;
	[tilespmem:$0x1EA60] =	vst v63  }
0xa0: {  	_ =	swait.ge [sflag:s12], $0x1400  }
0xa1: {  	[sflag:s12] =	ssyncset.done $0x0  }
0xa2: {  	[sflag:s12] =	ssyncadd.s32 $0xFFFFEC00  }
0xa3: {  	_ =	swait.ge [sflag:s29], $0x1400  }
0xa4: {  	[sflag:s29] =	ssyncset.done $0x0  }
0xa5: {  	[sflag:s29] =	ssyncadd.s32 $0xFFFFEC00  }
0xa6: {  	[spmem:s2] =	stream.indirect.scatter.add.f32 [tilespmem:s22], [sflag:$0x6], $0x40, s17, s14, $0xb8;
	[tilespmem:$0x1EA60] =	vst v63  }
0xa7: {  	_ =	swait.ge [sflag:s12], $0x1400  }
0xa8: {  	s30 =	stileid.u32;
	[sflag:s12] =	ssyncset.done $0x0  }
0xa9: {  	s1 =	sadd.s32 $0x1, s1;
	s23 =	sshll.u32 s30, $0x6;
	[sflag:s12] =	ssyncadd.s32 $0xFFFFEC00  }
0xaa: {  	s31 =	sshrl.u32 s7, $0x3;
	s23 =	sor.u32 $0x1C06, s23;
	[bflag:$0x0] =	sbarrier.arrive $0xFFFF  }
0xab: {  	[hbm:s9@s19], [sflag:s23] =	dma.strided [spmem:s31@s21], $0x1380, s24, $0x8   }
0xac: {  	p1 =	sne.s32 s1, s11;
	_ =	swait.ge [sflag:s12], $0x1380  }
0xad: {  	s0 =	simm.s32 @!p0 $0x10;
	s13 =	simm.s32 @!p0 $0x8;
	[sflag:s12] =	ssyncset.done $0x0  }
0xae: {  	s30 =	sshrl.u32 @!p0 s8, $0x3;
	s31 =	simm.s32 @!p0 $0x1;
	[sflag:s12] =	ssyncadd.s32 $0xFFFFEC80  }
0xaf: {  	[hbm:s10@s0], [sflag:s23] =	dma.strided @!p0 [spmem:s30@s13], $0x80, s31, $0x8   }
.Ltmp2:
0xb0: {  	_ = 	snop;
	(pc) =	sbr.rel @p1 .LBB2_1-.Ltmp2, $4  }
0xb1: {  	s0 =	simm.s32 @!p0 $0x6  }
0xb2: {  	_ =	swait.ge @!p0 [sflag:s0], $0x80  }
0xb3: {  	[sflag:s0] =	ssyncset.done @!p0 $0x0  }
0xb4: {  	[sflag:s0] =	ssyncadd.s32 @!p0 $0xFFFFFF80  }
0xb5: {  	_ =	sfence.sel $0x180000  }
0xb6: {  	[bflag:$0x0] =	sbarrier.arrive $0xFFFF  }
0xb7: {  	_ =	strace $0x9000004A  }
0xb8: {  	s0 =	stileid.u32;
	[bflag:$0x2] =	sbarrier.arrive $0xFFFF  }
0xb9: {  	p0 =	sne.s32 s0, $0x0;
	s0 =	rddreg [dreg:$0x2]  }
0xba: {  	s0 =	sadd.s32 @!p0 $0x100000, s0  }
0xbb: {  	[sflag:s0] =	ssyncadd.tile.s32 @!p0 $0x1;
	_ =	shalt  }
.Lfunc_end2:
_tile_overlayer_lowered:
.L_overlay_start_2:
0xbc: {  	(tag) =	ssettag $0x2  }
0xbd: {  	s0 =	rddreg [dreg:$0x0];
	s2 =	stileid.u32  }
0xbe: {  	s1 =	rddreg [dreg:$0x1];
	p0 =	sne.s32 s2, $0x0  }
0xbf: {  	s3 =	rddreg [dreg:$0x2];
	[bflag:$0x3] =	sbarrier.arrive $0xFFFF;
	s2 =	simm.s32 @!p0 $0x1C06  }
0xc0: {  	[timem:s3], [sflag:s2] =	dma.local @!p0 [hbm:s0], s1  }
0xc1: {  	s0 =	simm.s32 @!p0 $0x6  }
0xc2: {  	_ =	swait.ge @!p0 [sflag:s0], s1  }
0xc3: {  	s1 =	ssub.s32 @!p0 $0x0, s1;
	[sflag:s0] =	ssyncset.done @!p0 $0x0  }
0xc4: {  	[sflag:s0] =	ssyncadd.s32 @!p0 s1  }
0xc5: {  	[bflag:$0x3] =	sbarrier.arrive $0xFFFF  }
0xc6: {  	_ =	shalt  }

// kernel: kernel.15.cloned.1.call-start
scs
__scs_entry_jumppad:
0x0: {  	(pc) =	sbr.rel $0x88, $3  }
0x1: {  	(tag) =	ssettag $0x0;
	lr =	simm.s32 $0x1  }
0x2: {  	[smem:$0x3F94] =	sst lr;
	_ =	strace $0xD0000000  }
0x3: {  	_ = 	snop  }
0x4: {  	_ = 	snop  }
0x5: {  	_ = 	snop  }
0x6: {  	_ = 	snop  }
0x7: {  	_ = 	snop  }
__scs_overlays_trampoline_lowered:
0x8: {  	[smem:$0x3FA3] =	sst s0  }
0x9: {  	[smem:$0x3FA4] =	sst s1  }
0xa: {  	[smem:$0x3FA5] =	sst s2  }
0xb: {  	[smem:$0x3FA6] =	sst s3  }
0xc: {  	[smem:$0x3FA7] =	sst s4  }
0xd: {  	[smem:$0x3FA8] =	sst s5  }
0xe: {  	[smem:$0x3FA9] =	sst s6  }
0xf: {  	[smem:$0x3FAA] =	sst s7  }
0x10: {  	[smem:$0x3FAB] =	sst s8  }
0x11: {  	[smem:$0x3FAC] =	sst s9;
	s0 =	simm.s32 @!p0 $0x0  }
0x12: {  	s1 =	sld [smem:$0x3F92];
	s0 =	simm.s32 @p0 $0x1  }
0x13: {  	[smem:$0x3FAD] =	sst s0;
	s0 =	simm.s32 @!p1 $0x0  }
0x14: {  	s2 =	sld [smem:$0x3F91];
	s0 =	simm.s32 @p1 $0x1  }
0x15: {  	[smem:$0x3FAE] =	sst s0;
	s0 =	simm.s32 @!p2 $0x0  }
0x16: {  	s3 =	sld [smem:$0x3FDB];
	s0 =	simm.s32 @p2 $0x1  }
0x17: {  	s4 =	simm.s32 $0x1BF5;
	[smem:$0x3FB0] =	sst s0  }
0x18: {  	s0 =	sld [smem:$0x3F93];
	_ =	swait.ge [sflag:s4], $0x0  }
0x19: {  	s7 =	sld [smem:$0x3F94]  }
0x1a: {  	s8 =	sadd.s32 $0xFFFFE003, lr  }
0x1b: {  	s9 =	sadd.s32 $0xFFFFFEF7, lr;
	s5 =	simm.s32 $0xFFFFFFFF;
	p2 =	slt.u32 s8, $0xFFFFF086  }
0x1c: {  	p1 =	slt.u32 s9, $0xF7A;
	s5 =	simm.s32 @!p2 $0x0  }
0x1d: {  	s5 =	simm.s32 @p1 $0x1;
	p0 =	seq.s32 s7, s2  }
0x1e: {  	s7 =	smul.u32 @!p0 $0xF7A, s2;
	p2 =	seq.s32 @!p0 s5, $0x0  }
0x1f: {  	s9 =	smul.u32 $0xF7A, s1;
	s8 =	simm.s32 @!p0 $0x1BF5;
	p2 =	por !p2, p0  }
0x20: {  	[sflag:s8] =	ssyncset.s32 @!p0 $0xFFFFF086;
	s6 =	sadd.s32 @!p0 s3, s7;
	s7 =	simm.s32 @!p0 $0x108  }
0x21: {  	s3 =	sadd.s32 s3, s9;
	s6 =	sadd.s32 @!p0 $0x88, s6;
	s7 =	simm.s32 @p2 $0x1082  }
0x22: {  	[simem:s7], [sflag:s8] =	dma.local @!p0 [hbm:s6], $0xF7A  }
0x23: {  	s9 =	sor.u32 $0xD0000000, s2;
	s6 =	simm.s32 $0x108;
	_ =	swait.ge @!p0 [sflag:s8], $0x0  }
0x24: {  	s3 =	sadd.s32 $0x88, s3;
	s6 =	simm.s32 @!p1 $0x1082;
	[sflag:s4] =	ssyncset.s32 $0xFFFFF086  }
0x25: {  	[simem:s6], [sflag:s4] =	dma.local [hbm:s3], $0xF7A  }
0x26: {  	[smem:$0x3F94] =	sst s1;
	(tag) =	ssettag s2;
	_ =	strace s9  }
0x27: {  	s1 =	sld [smem:$0x3FA4]  }
0x28: {  	s2 =	sld [smem:$0x3FA5]  }
0x29: {  	s4 =	sld [smem:$0x3FA7]  }
0x2a: {  	p0 =	seq.s32 s5, $0x0;
	s5 =	sld [smem:$0x3FA8]  }
0x2b: {  	s6 =	sld [smem:$0x3FA9]  }
0x2c: {  	s7 =	sld [smem:$0x3FAA]  }
0x2d: {  	s3 =	simm.s32 $0x108;
	s8 =	sld [smem:$0x3FAB]  }
0x2e: {  	s3 =	simm.s32 @!p0 $0x1082;
	s9 =	sld [smem:$0x3FAC]  }
0x2f: {  	lr =	sadd.s32 s0, s3;
	s0 =	sld [smem:$0x3FA3]  }
0x30: {  	s3 =	sld [smem:$0x3FA6]  }
0x31: {  	[smem:$0x3FAF] =	sst s10  }
0x32: {  	s10 =	sld [smem:$0x3FAD];
	_ =	sdelay $0x3  }
0x33: {  	p0 =	seq.s32 s10, $0x1;
	s10 =	sld [smem:$0x3FAF];
	_ =	sdelay $0x3  }
0x34: {  	[smem:$0x3FAF] =	sst s10  }
0x35: {  	s10 =	sld [smem:$0x3FAE];
	_ =	sdelay $0x3  }
0x36: {  	p1 =	seq.s32 s10, $0x1;
	s10 =	sld [smem:$0x3FAF];
	_ =	sdelay $0x3  }
0x37: {  	[smem:$0x3FAF] =	sst s10  }
0x38: {  	s10 =	sld [smem:$0x3FB0]  }
0x39: {  	_ = 	snop;
	(pc) =	sbr.ind lr, $3  }
0x3a: {  	_ = 	snop  }
0x3b: {  	_ = 	snop  }
0x3c: {  	p2 =	seq.s32 s10, $0x1;
	s10 =	sld [smem:$0x3FAF]  }
0x3d: {  	_ =	shalt  }
0x3e: {  	_ =	shalt  }
0x3f: {  	_ =	shalt  }
0x40: {  	_ =	shalt  }
0x41: {  	_ =	shalt  }
0x42: {  	_ =	shalt  }
0x43: {  	_ =	shalt  }
0x44: {  	_ =	shalt  }
0x45: {  	_ =	shalt  }
0x46: {  	_ =	shalt  }
0x47: {  	_ =	shalt  }
0x48: {  	_ =	shalt  }
0x49: {  	_ =	shalt  }
0x4a: {  	_ =	shalt  }
0x4b: {  	_ =	shalt  }
0x4c: {  	_ =	shalt  }
0x4d: {  	_ =	shalt  }
0x4e: {  	_ =	shalt  }
0x4f: {  	_ =	shalt  }
0x50: {  	_ =	shalt  }
0x51: {  	_ =	shalt  }
0x52: {  	_ =	shalt  }
0x53: {  	_ =	shalt  }
0x54: {  	_ =	shalt  }
0x55: {  	_ =	shalt  }
0x56: {  	_ =	shalt  }
0x57: {  	_ =	shalt  }
0x58: {  	_ =	shalt  }
0x59: {  	_ =	shalt  }
0x5a: {  	_ =	shalt  }
0x5b: {  	_ =	shalt  }
0x5c: {  	_ =	shalt  }
0x5d: {  	_ =	shalt  }
0x5e: {  	_ =	shalt  }
0x5f: {  	_ =	shalt  }
0x60: {  	_ =	shalt  }
0x61: {  	_ =	shalt  }
0x62: {  	_ =	shalt  }
0x63: {  	_ =	shalt  }
0x64: {  	_ =	shalt  }
0x65: {  	_ =	shalt  }
0x66: {  	_ =	shalt  }
0x67: {  	_ =	shalt  }
0x68: {  	_ =	shalt  }
0x69: {  	_ =	shalt  }
0x6a: {  	_ =	shalt  }
0x6b: {  	_ =	shalt  }
0x6c: {  	_ =	shalt  }
0x6d: {  	_ =	shalt  }
0x6e: {  	_ =	shalt  }
0x6f: {  	_ =	shalt  }
0x70: {  	_ =	shalt  }
0x71: {  	_ =	shalt  }
0x72: {  	_ =	shalt  }
0x73: {  	_ =	shalt  }
0x74: {  	_ =	shalt  }
0x75: {  	_ =	shalt  }
0x76: {  	_ =	shalt  }
0x77: {  	_ =	shalt  }
0x78: {  	_ =	shalt  }
0x79: {  	_ =	shalt  }
0x7a: {  	_ =	shalt  }
0x7b: {  	_ =	shalt  }
0x7c: {  	_ =	shalt  }
0x7d: {  	_ =	shalt  }
0x7e: {  	_ =	shalt  }
0x7f: {  	_ =	shalt  }
0x80: {  	_ =	shalt  }
0x81: {  	_ =	shalt  }
0x82: {  	_ =	shalt  }
0x83: {  	_ =	shalt  }
0x84: {  	_ =	shalt  }
0x85: {  	_ =	shalt  }
0x86: {  	_ =	shalt  }
0x87: {  	_ =	shalt  }
.Lfunc_end0:
.L_simem_size_0:
called_computation.2_lowered:
.L_overlay_start_0:
0x88: {  	s2 =	sld [smem:$0x3FD9]  }
0x89: {  	s3 =	sld [smem:$0x3FFE];
	_ =	sdelay $0x1  }
0x8a: {  	s1 =	srdreg.scid  }
0x8b: {  	s0 =	sand.u32 $0x1, s1  }
0x8c: {  	s16 =	sshll.u32 s0, $0xA;
	s2 =	sadd.s32 s3, s2  }
0x8d: {  	s2 =	sadd.s32 s2, s16  }
0x8e: {  	[smem:$0x3FBB] =	sst s2  }
0x8f: {  	_ = 	snop  }
0x90: {  	(tm) =	ssettm $0x1  }
0x91: {  	s17 =	sld [smem:$0x3FFB];
	_ =	sdelay $0x3  }
0x92: {  	_ =	strace s17  }
0x93: {  	s2 =	sld [smem:$0x3FFC];
	_ =	sdelay $0x3  }
0x94: {  	_ =	strace s2  }
0x95: {  	s2 =	sld [smem:$0x3FFD];
	_ =	sdelay $0x3  }
0x96: {  	_ =	strace s2  }
0x97: {  	_ =	strace $0x8FFFFFFF  }
0x98: {  	s18 =	sld [smem:$0x3FDB];
	_ =	sdelay $0x1  }
0x99: {  	s19 =	simm.s32 $_scs_section_size  }
0x9a: {  	s4 =	simm.s32 $_size__tile_overlayer_lowered;
	s5 =	simm.s32 $_tile_overlayer_lowered  }
0x9b: {  	s22 =	simm.s32 $0x1BFF;
	s21 =	sshll.u32 s5, $0x1;
	s2 =	sadd.s32 s19, s18  }
0x9c: {  	s6 =	simm.s32 $0x0;
	s20 =	sshll.u32 s4, $0x1;
	s4 =	sadd.s32 s21, s2  }
0x9d: {  	[timem:s6], [sflag:s22] =	dma.local [hbm:s4], s20  }
0x9e: {  	_ =	swait.ge [sflag:s22], s20  }
0x9f: {  	s3 =	ssub.s32 $0x0, s20;
	[sflag:s22] =	ssyncset.done $0x0  }
0xa0: {  	[sflag:s22] =	ssyncadd.s32 s3;
	_ =	sdelay $0x1  }
0xa1: {  	s23 =	simm.s32 $0x1B8B  }
0xa2: {  	_ =	swait.ge [sflag:s23], $0x1  }
0xa3: {  	[sflag:s23] =	ssyncset.done $0x0  }
0xa4: {  	s25 =	simm.s32 $0x1B8E;
	s24 =	sld [smem:$0x3FFE];
	[sflag:s23] =	ssyncadd.s32 $0xFFFFFFFF  }
0xa5: {  	s26 =	simm.s32 $execute0_lowered;
	[smem:$0x3FD2] =	sst s25  }
0xa6: {  	s4 =	sshll.u32 s26, $0x1;
	_ =	strace $0x8000004C;
	[dreg:$0x1] =	wrdreg $0xFFFFFFFF  }
0xa7: {  	s28 =	simm.s32 $_size_execute0_lowered;
	s2 =	sadd.s32 s2, s4;
	[dreg:$0x0] =	wrdreg $0x0  }
0xa8: {  	s4 =	sshll.u32 s28, $0x1;
	[dreg:$0x2] =	wrdreg s2  }
0xa9: {  	[dreg:$0x3] =	wrdreg s4  }
0xaa: {  	[dreg:$0x4] =	wrdreg $0xC0  }
0xab: {  	_ =	task [dreg:s6], $0x5FFFF  }
0xac: {  	[dreg:$0x1] =	wrdreg $0xFFFFFFFF  }
0xad: {  	[dreg:$0x0] =	wrdreg $0x60  }
0xae: {  	[dreg:$0x2] =	wrdreg s24  }
0xaf: {  	[dreg:$0x3] =	wrdreg $0x14E200  }
0xb0: {  	[dreg:$0x4] =	wrdreg $0x9  }
0xb1: {  	_ =	task.clear_ibuf [dreg:s6], $0x5FFFF;
	_ =	strace $0x9000004C  }
0xb2: {  	s29 =	simm.s32 $0x9;
	_ =	strace $0x8000004E  }
0xb3: {  	_ =	swait.ge [sflag:s29], $0x1  }
0xb4: {  	[sflag:s29] =	ssyncadd.s32 $0xFFFFFFFF  }
0xb5: {  	_ =	strace $0x9000004E  }
0xb6: {  	_ =	sfence  }
0xb7: {  	s30 =	sld [smem:$0x0];
	_ =	sdelay $0x2  }
0xb8: {  	s31 =	sshll.u32 s1, $0xD;
	s1 =	sshrl.u32 s1, $0x2  }
0xb9: {  	s3 =	sand.u32 $0x4000, s31;
	s1 =	sadd.s32 s1, s30  }
0xba: {  	s0 =	sor.u32 s3, s0;
	s1 =	sshll.u32 s1, $0x11  }
0xbb: {  	s0 =	sor.u32 s1, s0  }
0xbc: {  	s0 =	sadd.s32 $0x8F2B, s0  }
0xbd: {  	[sflag:s0] =	ssyncadd.remote.s32 $0x1  }
0xbe: {  	_ =	sfence.sel $0xFFFF  }
0xbf: {  	[dreg:$0x0] =	wrdreg $0xFFFFFFFF;
	(pc) =	sbr.abs _section_cstart, $3  }
0xc0: {  	[dreg:$0x1] =	wrdreg $0xFFFFFFFF  }
0xc1: {  	_ =	task.clear_ibuf [dreg:s6], $0x2FFFF;
	_ =	strace $0x9FFFFFFF  }
0xc2: {  	(tm) =	ssettm $0x7FFFFFFF  }
0xc3: {  	_ =	shalt  }
tec
execute0_lowered:
.L_overlay_start_1:
0x0: {  	(tag) =	ssettag $0x1  }
0x1: {  	s0 =	srdreg.scid;
	s1 =	rddreg [dreg:$0x0]  }
0x2: {  	s12 =	stileid.u32;
	s2 =	rddreg [dreg:$0x1];
	s15 =	simm.s32 $0x6  }
0x3: {  	s17 =	simm.s32 $0x50;
	s18 =	simm.s32 $0x4E20;
	s19 =	simm.s32 $0x6220  }
0x4: {  	s28 =	simm.s32 $0x1;
	s29 =	simm.s32 $0x2;
	s30 =	simm.s32 $0x3  }
0x5: {  	s31 =	simm.s32 $0x4;
	s20 =	simm.s32 $0x4C90;
	s9 =	smul.u32 $0x27000, s12  }
0x6: {  	s0 =	sand.u32 $0x1, s0;
	s10 =	sadd.s32 $0x8C200, s1;
	s11 =	smul.u32 $0x13800, s12  }
0x7: {  	p0 =	sne.s32 s12, $0xF;
	s3 =	sshll.u32 s0, $0x4;
	s7 =	ssub.s32 $0x2, s0  }
0x8: {  	s23 =	sshll.u32 s0, $0x6;
	s0 =	sshll.u32 s0, $0x3;
	s4 =	sor.u32 s12, s3  }
0x9: {  	s3 =	simm.s32 $0x0;
	s8 =	sshrl.u32 s7, $0x1;
	s22 =	sshrl.u32 s9, $0x2  }
0xa: {  	s24 =	sor.u32 s23, s11;
	s9 =	sadd.s32 $0x9C000, s2;
	s23 =	simm.s32 $0x8A20  }
0xb: {  	s5 =	smul.u32 $0x2710, s4;
	[smem:$0x7FF] =	sst s3;
	s4 =	sadd.s32 $0x78800, s1  }
0xc: {  	s7 =	ssub.s32 s7, s8;
	s8 =	sadd.s32 s22, s2;
	s22 =	simm.s32 $0x4D30  }
0xd: {  	_ =	strace $0x8000004D;
	s26 =	smax.u32 s7, $0x1;
	s6 =	sshrl.u32 s5, $0x3  }
0xe: {  	s7 =	simm.s32 $0x0;
	s5 =	sadd.s32 $0x64E00, s1;
	s6 =	sadd.s32 s6, s1  }
0xf: {  	[dreg:$0x9] =	wrdreg s26;
	s26 =	simm.s32 $0x4DD0;
	s21 =	sadd.s32 $0x3200, s6  }
0x10: {  	s1 =	sadd.s32 $0xB3400, s1;
	s6 =	sadd.s32 $0xCE40, s6;
	[dreg:$0x3] =	wrdreg s21  }
0x11: {  	[dreg:$0x4] =	wrdreg s6;
	s6 =	sshrl.u32 s24, $0x3;
	s21 =	simm.s32 $0x7620  }
0x12: {  	s24 =	simm.s32 $0x4D80;
	s25 =	sadd.s32 s10, s6;
	s10 =	sadd.s32 s0, s10  }
0x13: {  	s0 =	sadd.s32 s0, s1;
	s1 =	sadd.s32 s1, s6;
	[dreg:$0x5] =	wrdreg s25  }
0x14: {  	s6 =	simm.s32 $0x8;
	s10 =	sadd.s32 $0x27000, s10;
	[dreg:$0x7] =	wrdreg s1  }
0x15: {  	s0 =	sadd.s32 $0x27000, s0;
	s25 =	simm.s32 $0x9E20;
	[dreg:$0x6] =	wrdreg s10  }
0x16: {  	v0 =	vimm.f32 $0.0e+00;
	s1 =	simm.s32 $0x5;
	[dreg:$0x8] =	wrdreg s0;
	s0 =	simm.s32 $0x10  }
.LBB2_1:
0x17: {  	s10 =	rddreg [dreg:$0x3]  }
0x18: {  	[tilespmem:s3], [sflag:$0x6] =	stream.linear.gather [hbm4b:s10+s3], $0x2710, $0x38;
	[tilespmem:$0x1EA60] =	vst v63  }
0x19: {  	_ =	swait.ge [sflag:s15], $0x2710  }
0x1a: {  	[sflag:s15] =	ssyncset.done $0x0  }
0x1b: {  	s11 =	simm.s32 $0x2710;
	s16 =	rddreg [dreg:$0x4];
	[sflag:s15] =	ssyncadd.s32 $0xFFFFD8F0  }
0x1c: {  	[tilespmem:s11], [sflag:$0x6] =	stream.linear.gather [hbm4b:s16+s3], $0x2710, $0x38;
	[tilespmem:$0x1EA60] =	vst v63  }
0x1d: {  	_ =	swait.ge [sflag:s15], $0x2710  }
0x1e: {  	[sflag:s15] =	ssyncset.done $0x0  }
0x1f: {  	s10 =	simm.s32 $0x0;
	s11 =	simm.s32 $0x100;
	[sflag:s15] =	ssyncadd.s32 $0xFFFFD8F0  }
.LBB2_2:
0x20: {  	p1 =	sne.s32 s11, $0x26F00;
	[tilespmem:s10+$0xB250] =	vst v0;
	s12 =	smov.u32 s11;
	s11 =	sadd.s32 $0x100, s11  }
.Ltmp0:
0x21: {  	[tilespmem:s10+$0xB240] =	vst v0;
	(pc) =	sbr.rel @p1 .LBB2_2-.Ltmp0, $3  }
0x22: {  	[tilespmem:s10+$0xB220] =	vst v0  }
0x23: {  	[tilespmem:s10+$0xB230] =	vst v0;
	_ =	sdelay $0x1  }
0x24: {  	s10 =	sshra.s32 s12, $0x2  }
0x25: {  	[tilespmem:s10+$0xB250] =	vst v0  }
0x26: {  	[tilespmem:s10+$0xB240] =	vst v0  }
0x27: {  	[tilespmem:s10+$0xB220] =	vst v0  }
0x28: {  	[tilespmem:s10+$0xB230] =	vst v0  }
0x29: {  	[tilespmem:s18], [sflag:$0x1] =	stream.indirect.gather [hbm4b:s4+s17], $0x40, s3, s17, $0xb8;
	[tilespmem:$0x1EA60] =	vst v63  }
0x2a: {  	_ = 	snop  }
0x2b: {  	[tilespmem:s19], [sflag:$0x2] =	stream.indirect.gather [hbm4b:s4+s17], $0x40, s17, s17, $0xb8;
	[tilespmem:$0x1EA60] =	vst v63  }
0x2c: {  	s13 =	simm.s32 $0xA0  }
0x2d: {  	[tilespmem:s21], [sflag:$0x3] =	stream.indirect.gather [hbm4b:s4+s17], $0x40, s13, s17, $0xb8;
	[tilespmem:$0x1EA60] =	vst v63  }
0x2e: {  	s14 =	simm.s32 $0xF0  }
0x2f: {  	[tilespmem:s23], [sflag:$0x4] =	stream.indirect.gather [hbm4b:s4+s17], $0x40, s14, s17, $0xb8;
	[tilespmem:$0x1EA60] =	vst v63  }
0x30: {  	s16 =	simm.s32 $0x140  }
0x31: {  	[tilespmem:s25], [sflag:$0x5] =	stream.indirect.gather [hbm4b:s4+s17], $0x40, s16, s17, $0xb8;
	[tilespmem:$0x1EA60] =	vst v63  }
0x32: {  	s11 =	simm.s32 $0xB220  }
0x33: {  	[spmem:s8] =	stream.linear.scatter [tilespmem:s11], [sflag:$0x6], $0x9C00, $0x38;
	[tilespmem:$0x1EA60] =	vst v63  }
0x34: {  	_ =	swait.ge [sflag:s15], $0x9C00  }
0x35: {  	[sflag:s15] =	ssyncset.done $0x0  }
0x36: {  	s10 =	simm.s32 @!p0 $0xB220;
	[sflag:s15] =	ssyncadd.s32 $0xFFFF6400  }
0x37: {  	[spmem:s9] =	stream.linear.scatter @!p0 [tilespmem:s10], [sflag:$0x6], $0x400, $0x38;
	[tilespmem:$0x1EA60] =	vst v63  }
0x38: {  	s10 =	simm.s32 @!p0 $0x6  }
0x39: {  	_ =	swait.ge @!p0 [sflag:s10], $0x400  }
0x3a: {  	[sflag:s10] =	ssyncset.done @!p0 $0x0  }
0x3b: {  	[sflag:s10] =	ssyncadd.s32 @!p0 $0xFFFFFC00  }
0x3c: {  	[bflag:$0x0] =	sbarrier.arrive $0xFFFF  }
0x3d: {  	_ =	swait.ge [sflag:s28], $0x1400  }
0x3e: {  	[sflag:s28] =	ssyncset.done $0x0  }
0x3f: {  	s12 =	simm.s32 $0x2710;
	[sflag:s28] =	ssyncadd.s32 $0xFFFFEC00  }
0x40: {  	[spmem:s2] =	stream.indirect.scatter.add.f32 [tilespmem:s18], [sflag:$0x6], $0x40, s12, s17, $0xb8;
	[tilespmem:$0x1EA60] =	vst v63  }
0x41: {  	_ =	swait.ge [sflag:s15], $0x1400  }
0x42: {  	[sflag:s15] =	ssyncset.done $0x0  }
0x43: {  	s13 =	simm.s32 $0x190;
	[sflag:s15] =	ssyncadd.s32 $0xFFFFEC00  }
0x44: {  	[tilespmem:s18], [sflag:$0x1] =	stream.indirect.gather [hbm4b:s4+s17], $0x40, s13, s17, $0xb8;
	[tilespmem:$0x1EA60] =	vst v63  }
0x45: {  	_ =	swait.ge [sflag:s29], $0x1400  }
0x46: {  	[sflag:s29] =	ssyncset.done $0x0  }
0x47: {  	s14 =	simm.s32 $0x2760;
	[sflag:s29] =	ssyncadd.s32 $0xFFFFEC00  }
0x48: {  	[spmem:s2] =	stream.indirect.scatter.add.f32 [tilespmem:s19], [sflag:$0x6], $0x40, s14, s17, $0xb8;
	[tilespmem:$0x1EA60] =	vst v63  }
0x49: {  	_ =	swait.ge [sflag:s15], $0x1400  }
0x4a: {  	[sflag:s15] =	ssyncset.done $0x0  }
0x4b: {  	s16 =	simm.s32 $0x1E0;
	[sflag:s15] =	ssyncadd.s32 $0xFFFFEC00  }
0x4c: {  	[tilespmem:s19], [sflag:$0x2] =	stream.indirect.gather [hbm4b:s4+s17], $0x40, s16, s17, $0xb8;
	[tilespmem:$0x1EA60] =	vst v63  }
0x4d: {  	_ =	swait.ge [sflag:s30], $0x1400  }
0x4e: {  	[sflag:s30] =	ssyncset.done $0x0  }
0x4f: {  	s11 =	simm.s32 $0x27B0;
	[sflag:s30] =	ssyncadd.s32 $0xFFFFEC00  }
0x50: {  	[spmem:s2] =	stream.indirect.scatter.add.f32 [tilespmem:s21], [sflag:$0x6], $0x40, s11, s17, $0xb8;
	[tilespmem:$0x1EA60] =	vst v63  }
0x51: {  	_ =	swait.ge [sflag:s15], $0x1400  }
0x52: {  	[sflag:s15] =	ssyncset.done $0x0  }
0x53: {  	s12 =	simm.s32 $0x230;
	[sflag:s15] =	ssyncadd.s32 $0xFFFFEC00  }
0x54: {  	[tilespmem:s21], [sflag:$0x3] =	stream.indirect.gather [hbm4b:s4+s17], $0x40, s12, s17, $0xb8;
	[tilespmem:$0x1EA60] =	vst v63  }
0x55: {  	_ =	swait.ge [sflag:s31], $0x1400  }
0x56: {  	[sflag:s31] =	ssyncset.done $0x0  }
0x57: {  	s13 =	simm.s32 $0x2800;
	[sflag:s31] =	ssyncadd.s32 $0xFFFFEC00  }
0x58: {  	[spmem:s2] =	stream.indirect.scatter.add.f32 [tilespmem:s23], [sflag:$0x6], $0x40, s13, s17, $0xb8;
	[tilespmem:$0x1EA60] =	vst v63  }
0x59: {  	_ =	swait.ge [sflag:s15], $0x1400  }
0x5a: {  	[sflag:s15] =	ssyncset.done $0x0  }
0x5b: {  	s14 =	simm.s32 $0x280;
	[sflag:s15] =	ssyncadd.s32 $0xFFFFEC00  }
0x5c: {  	[tilespmem:s23], [sflag:$0x4] =	stream.indirect.gather [hbm4b:s4+s17], $0x40, s14, s17, $0xb8;
	[tilespmem:$0x1EA60] =	vst v63  }
0x5d: {  	_ =	swait.ge [sflag:s1], $0x1400  }
0x5e: {  	[sflag:s1] =	ssyncset.done $0x0  }
0x5f: {  	s16 =	simm.s32 $0x2850;
	[sflag:s1] =	ssyncadd.s32 $0xFFFFEC00  }
0x60: {  	[spmem:s2] =	stream.indirect.scatter.add.f32 [tilespmem:s25], [sflag:$0x6], $0x40, s16, s17, $0xb8;
	[tilespmem:$0x1EA60] =	vst v63  }
0x61: {  	_ =	swait.ge [sflag:s15], $0x1400  }
0x62: {  	[sflag:s15] =	ssyncset.done $0x0  }
0x63: {  	s10 =	simm.s32 $0x640;
	s11 =	simm.s32 $0x2D0;
	[sflag:s15] =	ssyncadd.s32 $0xFFFFEC00  }
.LBB2_4:
0x64: {  	[tilespmem:s25], [sflag:$0x5] =	stream.indirect.gather [hbm4b:s4+s17], $0x40, s11, s17, $0xb8;
	[tilespmem:$0x1EA60] =	vst v63  }
0x65: {  	s11 =	smov.u32 s10  }
0x66: {  	p1 =	sne.s32 s10, $0x8FC0;
	s10 =	sadd.s32 $0x640, s10;
	_ =	swait.ge [sflag:s28], $0x1400  }
0x67: {  	s11 =	sshra.s32 s11, $0x2;
	[sflag:s28] =	ssyncset.done $0x0  }
0x68: {  	s12 =	sadd.s32 $0x2710, s11;
	[sflag:s28] =	ssyncadd.s32 $0xFFFFEC00  }
0x69: {  	[spmem:s2] =	stream.indirect.scatter.add.f32 [tilespmem:s18], [sflag:$0x6], $0x40, s12, s17, $0xb8;
	[tilespmem:$0x1EA60] =	vst v63  }
0x6a: {  	_ =	swait.ge [sflag:s15], $0x1400  }
0x6b: {  	[sflag:s15] =	ssyncset.done $0x0  }
0x6c: {  	s12 =	sadd.s32 $0x190, s11;
	[sflag:s15] =	ssyncadd.s32 $0xFFFFEC00  }
0x6d: {  	[tilespmem:s18], [sflag:$0x1] =	stream.indirect.gather [hbm4b:s4+s17], $0x40, s12, s17, $0xb8;
	[tilespmem:$0x1EA60] =	vst v63  }
0x6e: {  	_ =	swait.ge [sflag:s29], $0x1400  }
0x6f: {  	[sflag:s29] =	ssyncset.done $0x0  }
0x70: {  	s12 =	sadd.s32 $0x2760, s11;
	[sflag:s29] =	ssyncadd.s32 $0xFFFFEC00  }
0x71: {  	[spmem:s2] =	stream.indirect.scatter.add.f32 [tilespmem:s19], [sflag:$0x6], $0x40, s12, s17, $0xb8;
	[tilespmem:$0x1EA60] =	vst v63  }
0x72: {  	_ =	swait.ge [sflag:s15], $0x1400  }
0x73: {  	[sflag:s15] =	ssyncset.done $0x0  }
0x74: {  	s12 =	sadd.s32 $0x1E0, s11;
	[sflag:s15] =	ssyncadd.s32 $0xFFFFEC00  }
0x75: {  	[tilespmem:s19], [sflag:$0x2] =	stream.indirect.gather [hbm4b:s4+s17], $0x40, s12, s17, $0xb8;
	[tilespmem:$0x1EA60] =	vst v63  }
0x76: {  	_ =	swait.ge [sflag:s30], $0x1400  }
0x77: {  	[sflag:s30] =	ssyncset.done $0x0  }
0x78: {  	s12 =	sadd.s32 $0x27B0, s11;
	[sflag:s30] =	ssyncadd.s32 $0xFFFFEC00  }
0x79: {  	[spmem:s2] =	stream.indirect.scatter.add.f32 [tilespmem:s21], [sflag:$0x6], $0x40, s12, s17, $0xb8;
	[tilespmem:$0x1EA60] =	vst v63  }
0x7a: {  	_ =	swait.ge [sflag:s15], $0x1400  }
0x7b: {  	[sflag:s15] =	ssyncset.done $0x0  }
0x7c: {  	s12 =	sadd.s32 $0x230, s11;
	[sflag:s15] =	ssyncadd.s32 $0xFFFFEC00  }
0x7d: {  	[tilespmem:s21], [sflag:$0x3] =	stream.indirect.gather [hbm4b:s4+s17], $0x40, s12, s17, $0xb8;
	[tilespmem:$0x1EA60] =	vst v63  }
0x7e: {  	_ =	swait.ge [sflag:s31], $0x1400  }
0x7f: {  	[sflag:s31] =	ssyncset.done $0x0  }
0x80: {  	s12 =	sadd.s32 $0x2800, s11;
	[sflag:s31] =	ssyncadd.s32 $0xFFFFEC00  }
0x81: {  	[spmem:s2] =	stream.indirect.scatter.add.f32 [tilespmem:s23], [sflag:$0x6], $0x40, s12, s17, $0xb8;
	[tilespmem:$0x1EA60] =	vst v63  }
0x82: {  	_ =	swait.ge [sflag:s15], $0x1400  }
0x83: {  	[sflag:s15] =	ssyncset.done $0x0  }
0x84: {  	s12 =	sadd.s32 $0x280, s11;
	[sflag:s15] =	ssyncadd.s32 $0xFFFFEC00  }
0x85: {  	[tilespmem:s23], [sflag:$0x4] =	stream.indirect.gather [hbm4b:s4+s17], $0x40, s12, s17, $0xb8;
	[tilespmem:$0x1EA60] =	vst v63  }
0x86: {  	_ =	swait.ge [sflag:s1], $0x1400  }
0x87: {  	[sflag:s1] =	ssyncset.done $0x0  }
.Ltmp1:
0x88: {  	s12 =	sadd.s32 $0x2850, s11;
	[sflag:s1] =	ssyncadd.s32 $0xFFFFEC00;
	(pc) =	sbr.rel @p1 .LBB2_4-.Ltmp1, $4  }
0x89: {  	[spmem:s2] =	stream.indirect.scatter.add.f32 [tilespmem:s25], [sflag:$0x6], $0x40, s12, s17, $0xb8;
	[tilespmem:$0x1EA60] =	vst v63  }
0x8a: {  	_ =	swait.ge [sflag:s15], $0x1400  }
0x8b: {  	[sflag:s15] =	ssyncset.done $0x0  }
0x8c: {  	s11 =	sadd.s32 $0x2D0, s11;
	[sflag:s15] =	ssyncadd.s32 $0xFFFFEC00  }
0x8d: {  	[tilespmem:s25], [sflag:$0x5] =	stream.indirect.gather [hbm4b:s4+s17], $0x40, s11, s17, $0xb8;
	[tilespmem:$0x1EA60] =	vst v63  }
0x8e: {  	_ =	swait.ge [sflag:s28], $0x1400  }
0x8f: {  	[sflag:s28] =	ssyncset.done $0x0  }
0x90: {  	[sflag:s28] =	ssyncadd.s32 $0xFFFFEC00  }
0x91: {  	[spmem:s2] =	stream.indirect.scatter.add.f32 [tilespmem:s18], [sflag:$0x6], $0x40, s20, s17, $0xb8;
	[tilespmem:$0x1EA60] =	vst v63  }
0x92: {  	_ =	swait.ge [sflag:s15], $0x1400  }
0x93: {  	[sflag:s15] =	ssyncset.done $0x0  }
0x94: {  	[sflag:s15] =	ssyncadd.s32 $0xFFFFEC00  }
0x95: {  	_ =	swait.ge [sflag:s29], $0x1400  }
0x96: {  	[sflag:s29] =	ssyncset.done $0x0  }
0x97: {  	s10 =	simm.s32 $0x4CE0;
	[sflag:s29] =	ssyncadd.s32 $0xFFFFEC00  }
0x98: {  	[spmem:s2] =	stream.indirect.scatter.add.f32 [tilespmem:s19], [sflag:$0x6], $0x40, s10, s17, $0xb8;
	[tilespmem:$0x1EA60] =	vst v63  }
0x99: {  	_ =	swait.ge [sflag:s15], $0x1400  }
0x9a: {  	[sflag:s15] =	ssyncset.done $0x0  }
0x9b: {  	[sflag:s15] =	ssyncadd.s32 $0xFFFFEC00  }
0x9c: {  	_ =	swait.ge [sflag:s30], $0x1400  }
0x9d: {  	[sflag:s30] =	ssyncset.done $0x0  }
0x9e: {  	[sflag:s30] =	ssyncadd.s32 $0xFFFFEC00  }
0x9f: {  	[spmem:s2] =	stream.indirect.scatter.add.f32 [tilespmem:s21], [sflag:$0x6], $0x40, s22, s17, $0xb8;
	[tilespmem:$0x1EA60] =	vst v63  }
0xa0: {  	_ =	swait.ge [sflag:s15], $0x1400  }
0xa1: {  	[sflag:s15] =	ssyncset.done $0x0  }
0xa2: {  	[sflag:s15] =	ssyncadd.s32 $0xFFFFEC00  }
0xa3: {  	_ =	swait.ge [sflag:s31], $0x1400  }
0xa4: {  	[sflag:s31] =	ssyncset.done $0x0  }
0xa5: {  	[sflag:s31] =	ssyncadd.s32 $0xFFFFEC00  }
0xa6: {  	[spmem:s2] =	stream.indirect.scatter.add.f32 [tilespmem:s23], [sflag:$0x6], $0x40, s24, s17, $0xb8;
	[tilespmem:$0x1EA60] =	vst v63  }
0xa7: {  	_ =	swait.ge [sflag:s15], $0x1400  }
0xa8: {  	[sflag:s15] =	ssyncset.done $0x0  }
0xa9: {  	[sflag:s15] =	ssyncadd.s32 $0xFFFFEC00  }
0xaa: {  	_ =	swait.ge [sflag:s1], $0x1400  }
0xab: {  	[sflag:s1] =	ssyncset.done $0x0  }
0xac: {  	[sflag:s1] =	ssyncadd.s32 $0xFFFFEC00  }
0xad: {  	[spmem:s2] =	stream.indirect.scatter.add.f32 [tilespmem:s25], [sflag:$0x6], $0x40, s26, s17, $0xb8;
	[tilespmem:$0x1EA60] =	vst v63  }
0xae: {  	_ =	swait.ge [sflag:s15], $0x1400  }
0xaf: {  	[sflag:s15] =	ssyncset.done $0x0  }
0xb0: {  	s13 =	stileid.u32;
	[sflag:s15] =	ssyncadd.s32 $0xFFFFEC00  }
0xb1: {  	s10 =	sshll.u32 s13, $0x6;
	[bflag:$0x0] =	sbarrier.arrive $0xFFFF  }
0xb2: {  	s11 =	sshrl.u32 s8, $0x3;
	s10 =	sor.u32 $0x1C06, s10;
	s12 =	rddreg [dreg:$0x5]  }
0xb3: {  	[hbm:s12@s0], [sflag:s10] =	dma.strided [spmem:s11@s6], $0x1380, s28, $0x8   }
0xb4: {  	_ =	swait.ge [sflag:s15], $0x1380  }
0xb5: {  	s14 =	simm.s32 @p0 $0x4E20;
	[sflag:s15] =	ssyncset.done $0x0  }
0xb6: {  	s13 =	simm.s32 @p0 $0x0;
	s12 =	simm.s32 @p0 $0x50;
	[sflag:s15] =	ssyncadd.s32 $0xFFFFEC80  }
0xb7: {  	[tilespmem:s14], [sflag:$0x1] =	stream.indirect.gather @p0 [hbm4b:s5+s12], $0x40, s13, s12, $0xb8;
	[tilespmem:$0x1EA60] =	vst v63  }
0xb8: {  	s13 =	simm.s32 @p0 $0x6220  }
0xb9: {  	[tilespmem:s13], [sflag:$0x2] =	stream.indirect.gather @p0 [hbm4b:s5+s12], $0x40, s12, s12, $0xb8;
	[tilespmem:$0x1EA60] =	vst v63  }
0xba: {  	s14 =	simm.s32 @p0 $0x7620;
	s13 =	simm.s32 @p0 $0xA0  }
0xbb: {  	[tilespmem:s14], [sflag:$0x3] =	stream.indirect.gather @p0 [hbm4b:s5+s12], $0x40, s13, s12, $0xb8;
	[tilespmem:$0x1EA60] =	vst v63  }
0xbc: {  	s13 =	simm.s32 @p0 $0xF0;
	s14 =	simm.s32 @p0 $0x8A20  }
0xbd: {  	[tilespmem:s14], [sflag:$0x4] =	stream.indirect.gather @p0 [hbm4b:s5+s12], $0x40, s13, s12, $0xb8;
	[tilespmem:$0x1EA60] =	vst v63  }
0xbe: {  	s13 =	simm.s32 @p0 $0x140;
	s14 =	simm.s32 @p0 $0x9E20  }
0xbf: {  	[tilespmem:s14], [sflag:$0x5] =	stream.indirect.gather @p0 [hbm4b:s5+s12], $0x40, s13, s12, $0xb8;
	[tilespmem:$0x1EA60] =	vst v63  }
0xc0: {  	s12 =	simm.s32 @p0 $0xB220  }
0xc1: {  	[spmem:s8] =	stream.linear.scatter @p0 [tilespmem:s12], [sflag:$0x6], $0x9C00, $0x38;
	[tilespmem:$0x1EA60] =	vst v63  }
0xc2: {  	s12 =	simm.s32 @p0 $0x6  }
0xc3: {  	s16 =	simm.s32 @!p0 $0x8;
	_ =	swait.ge @p0 [sflag:s12], $0x9C00  }
0xc4: {  	s13 =	simm.s32 @!p0 $0x1;
	s14 =	simm.s32 @!p0 $0x10;
	[sflag:s12] =	ssyncset.done @p0 $0x0  }
0xc5: {  	s20 =	rddreg [dreg:$0x6];
	[sflag:s12] =	ssyncadd.s32 @p0 $0xFFFF6400;
	s12 =	sshrl.u32 @!p0 s9, $0x3  }
0xc6: {  	[hbm:s20@s14], [sflag:s10] =	dma.strided @!p0 [spmem:s12@s16], $0x80, s13, $0x8   }
0xc7: {  	s13 =	simm.s32 @!p0 $0x6  }
0xc8: {  	_ =	swait.ge @!p0 [sflag:s13], $0x80  }
0xc9: {  	s14 =	simm.s32 @!p0 $0x50;
	[sflag:s13] =	ssyncset.done @!p0 $0x0  }
0xca: {  	s16 =	simm.s32 @!p0 $0x0;
	s20 =	simm.s32 @!p0 $0x4E20;
	[sflag:s13] =	ssyncadd.s32 @!p0 $0xFFFFFF80  }
0xcb: {  	[tilespmem:s20], [sflag:$0x1] =	stream.indirect.gather @!p0 [hbm4b:s5+s14], $0x40, s16, s14, $0xb8;
	[tilespmem:$0x1EA60] =	vst v63  }
0xcc: {  	s16 =	simm.s32 @!p0 $0x6220  }
0xcd: {  	[tilespmem:s16], [sflag:$0x2] =	stream.indirect.gather @!p0 [hbm4b:s5+s14], $0x40, s14, s14, $0xb8;
	[tilespmem:$0x1EA60] =	vst v63  }
0xce: {  	s20 =	simm.s32 @!p0 $0x7620;
	s16 =	simm.s32 @!p0 $0xA0  }
0xcf: {  	[tilespmem:s20], [sflag:$0x3] =	stream.indirect.gather @!p0 [hbm4b:s5+s14], $0x40, s16, s14, $0xb8;
	[tilespmem:$0x1EA60] =	vst v63  }
0xd0: {  	s16 =	simm.s32 @!p0 $0xF0;
	s20 =	simm.s32 @!p0 $0x8A20  }
0xd1: {  	[tilespmem:s20], [sflag:$0x4] =	stream.indirect.gather @!p0 [hbm4b:s5+s14], $0x40, s16, s14, $0xb8;
	[tilespmem:$0x1EA60] =	vst v63  }
0xd2: {  	s16 =	simm.s32 @!p0 $0x140;
	s20 =	simm.s32 @!p0 $0x9E20  }
0xd3: {  	[tilespmem:s20], [sflag:$0x5] =	stream.indirect.gather @!p0 [hbm4b:s5+s14], $0x40, s16, s14, $0xb8;
	[tilespmem:$0x1EA60] =	vst v63  }
0xd4: {  	s14 =	simm.s32 @!p0 $0xB220  }
0xd5: {  	[spmem:s8] =	stream.linear.scatter @!p0 [tilespmem:s14], [sflag:$0x6], $0x9C00, $0x38;
	[tilespmem:$0x1EA60] =	vst v63  }
0xd6: {  	_ =	swait.ge @!p0 [sflag:s13], $0x9C00  }
0xd7: {  	[sflag:s13] =	ssyncset.done @!p0 $0x0  }
0xd8: {  	[sflag:s13] =	ssyncadd.s32 @!p0 $0xFFFF6400  }
0xd9: {  	[spmem:s9] =	stream.linear.scatter @!p0 [tilespmem:s14], [sflag:$0x6], $0x400, $0x38;
	[tilespmem:$0x1EA60] =	vst v63  }
0xda: {  	_ =	swait.ge @!p0 [sflag:s13], $0x400  }
0xdb: {  	[sflag:s13] =	ssyncset.done @!p0 $0x0  }
0xdc: {  	[sflag:s13] =	ssyncadd.s32 @!p0 $0xFFFFFC00  }
0xdd: {  	[bflag:$0x0] =	sbarrier.arrive $0xFFFF  }
0xde: {  	_ =	swait.ge [sflag:s28], $0x1400  }
0xdf: {  	[sflag:s28] =	ssyncset.done $0x0  }
0xe0: {  	s14 =	simm.s32 $0x2710;
	[sflag:s28] =	ssyncadd.s32 $0xFFFFEC00  }
0xe1: {  	[spmem:s2] =	stream.indirect.scatter.add.f32 [tilespmem:s18], [sflag:$0x6], $0x40, s14, s17, $0xb8;
	[tilespmem:$0x1EA60] =	vst v63  }
0xe2: {  	_ =	swait.ge [sflag:s15], $0x1400  }
0xe3: {  	[sflag:s15] =	ssyncset.done $0x0  }
0xe4: {  	s16 =	simm.s32 $0x190;
	[sflag:s15] =	ssyncadd.s32 $0xFFFFEC00  }
0xe5: {  	[tilespmem:s18], [sflag:$0x1] =	stream.indirect.gather [hbm4b:s5+s17], $0x40, s16, s17, $0xb8;
	[tilespmem:$0x1EA60] =	vst v63  }
0xe6: {  	_ =	swait.ge [sflag:s29], $0x1400  }
0xe7: {  	[sflag:s29] =	ssyncset.done $0x0  }
0xe8: {  	s20 =	simm.s32 $0x2760;
	[sflag:s29] =	ssyncadd.s32 $0xFFFFEC00  }
0xe9: {  	[spmem:s2] =	stream.indirect.scatter.add.f32 [tilespmem:s19], [sflag:$0x6], $0x40, s20, s17, $0xb8;
	[tilespmem:$0x1EA60] =	vst v63  }
0xea: {  	_ =	swait.ge [sflag:s15], $0x1400  }
0xeb: {  	[sflag:s15] =	ssyncset.done $0x0  }
0xec: {  	s14 =	simm.s32 $0x1E0;
	[sflag:s15] =	ssyncadd.s32 $0xFFFFEC00  }
0xed: {  	[tilespmem:s19], [sflag:$0x2] =	stream.indirect.gather [hbm4b:s5+s17], $0x40, s14, s17, $0xb8;
	[tilespmem:$0x1EA60] =	vst v63  }
0xee: {  	_ =	swait.ge [sflag:s30], $0x1400  }
0xef: {  	[sflag:s30] =	ssyncset.done $0x0  }
0xf0: {  	s16 =	simm.s32 $0x27B0;
	[sflag:s30] =	ssyncadd.s32 $0xFFFFEC00  }
0xf1: {  	[spmem:s2] =	stream.indirect.scatter.add.f32 [tilespmem:s21], [sflag:$0x6], $0x40, s16, s17, $0xb8;
	[tilespmem:$0x1EA60] =	vst v63  }
0xf2: {  	_ =	swait.ge [sflag:s15], $0x1400  }
0xf3: {  	[sflag:s15] =	ssyncset.done $0x0  }
0xf4: {  	s20 =	simm.s32 $0x230;
	[sflag:s15] =	ssyncadd.s32 $0xFFFFEC00  }
0xf5: {  	[tilespmem:s21], [sflag:$0x3] =	stream.indirect.gather [hbm4b:s5+s17], $0x40, s20, s17, $0xb8;
	[tilespmem:$0x1EA60] =	vst v63  }
0xf6: {  	_ =	swait.ge [sflag:s31], $0x1400  }
0xf7: {  	[sflag:s31] =	ssyncset.done $0x0  }
0xf8: {  	s14 =	simm.s32 $0x2800;
	[sflag:s31] =	ssyncadd.s32 $0xFFFFEC00  }
0xf9: {  	[spmem:s2] =	stream.indirect.scatter.add.f32 [tilespmem:s23], [sflag:$0x6], $0x40, s14, s17, $0xb8;
	[tilespmem:$0x1EA60] =	vst v63  }
0xfa: {  	_ =	swait.ge [sflag:s15], $0x1400  }
0xfb: {  	[sflag:s15] =	ssyncset.done $0x0  }
0xfc: {  	s16 =	simm.s32 $0x280;
	[sflag:s15] =	ssyncadd.s32 $0xFFFFEC00  }
0xfd: {  	[tilespmem:s23], [sflag:$0x4] =	stream.indirect.gather [hbm4b:s5+s17], $0x40, s16, s17, $0xb8;
	[tilespmem:$0x1EA60] =	vst v63  }
0xfe: {  	_ =	swait.ge [sflag:s1], $0x1400  }
0xff: {  	[sflag:s1] =	ssyncset.done $0x0  }
0x100: {  	s20 =	simm.s32 $0x2850;
	[sflag:s1] =	ssyncadd.s32 $0xFFFFEC00  }
0x101: {  	[spmem:s2] =	stream.indirect.scatter.add.f32 [tilespmem:s25], [sflag:$0x6], $0x40, s20, s17, $0xb8;
	[tilespmem:$0x1EA60] =	vst v63  }
0x102: {  	_ =	swait.ge [sflag:s15], $0x1400  }
0x103: {  	[sflag:s15] =	ssyncset.done $0x0  }
0x104: {  	s13 =	simm.s32 $0x640;
	s14 =	simm.s32 $0x2D0;
	[sflag:s15] =	ssyncadd.s32 $0xFFFFEC00  }
.LBB2_6:
0x105: {  	[tilespmem:s25], [sflag:$0x5] =	stream.indirect.gather [hbm4b:s5+s17], $0x40, s14, s17, $0xb8;
	[tilespmem:$0x1EA60] =	vst v63  }
0x106: {  	s14 =	smov.u32 s13  }
0x107: {  	p1 =	sne.s32 s13, $0x8FC0;
	s13 =	sadd.s32 $0x640, s13;
	_ =	swait.ge [sflag:s28], $0x1400  }
0x108: {  	s14 =	sshra.s32 s14, $0x2;
	[sflag:s28] =	ssyncset.done $0x0  }
0x109: {  	s16 =	sadd.s32 $0x2710, s14;
	[sflag:s28] =	ssyncadd.s32 $0xFFFFEC00  }
0x10a: {  	[spmem:s2] =	stream.indirect.scatter.add.f32 [tilespmem:s18], [sflag:$0x6], $0x40, s16, s17, $0xb8;
	[tilespmem:$0x1EA60] =	vst v63  }
0x10b: {  	_ =	swait.ge [sflag:s15], $0x1400  }
0x10c: {  	[sflag:s15] =	ssyncset.done $0x0  }
0x10d: {  	s16 =	sadd.s32 $0x190, s14;
	[sflag:s15] =	ssyncadd.s32 $0xFFFFEC00  }
0x10e: {  	[tilespmem:s18], [sflag:$0x1] =	stream.indirect.gather [hbm4b:s5+s17], $0x40, s16, s17, $0xb8;
	[tilespmem:$0x1EA60] =	vst v63  }
0x10f: {  	_ =	swait.ge [sflag:s29], $0x1400  }
0x110: {  	[sflag:s29] =	ssyncset.done $0x0  }
0x111: {  	s16 =	sadd.s32 $0x2760, s14;
	[sflag:s29] =	ssyncadd.s32 $0xFFFFEC00  }
0x112: {  	[spmem:s2] =	stream.indirect.scatter.add.f32 [tilespmem:s19], [sflag:$0x6], $0x40, s16, s17, $0xb8;
	[tilespmem:$0x1EA60] =	vst v63  }
0x113: {  	_ =	swait.ge [sflag:s15], $0x1400  }
0x114: {  	[sflag:s15] =	ssyncset.done $0x0  }
0x115: {  	s16 =	sadd.s32 $0x1E0, s14;
	[sflag:s15] =	ssyncadd.s32 $0xFFFFEC00  }
0x116: {  	[tilespmem:s19], [sflag:$0x2] =	stream.indirect.gather [hbm4b:s5+s17], $0x40, s16, s17, $0xb8;
	[tilespmem:$0x1EA60] =	vst v63  }
0x117: {  	_ =	swait.ge [sflag:s30], $0x1400  }
0x118: {  	[sflag:s30] =	ssyncset.done $0x0  }
0x119: {  	s16 =	sadd.s32 $0x27B0, s14;
	[sflag:s30] =	ssyncadd.s32 $0xFFFFEC00  }
0x11a: {  	[spmem:s2] =	stream.indirect.scatter.add.f32 [tilespmem:s21], [sflag:$0x6], $0x40, s16, s17, $0xb8;
	[tilespmem:$0x1EA60] =	vst v63  }
0x11b: {  	_ =	swait.ge [sflag:s15], $0x1400  }
0x11c: {  	[sflag:s15] =	ssyncset.done $0x0  }
0x11d: {  	s16 =	sadd.s32 $0x230, s14;
	[sflag:s15] =	ssyncadd.s32 $0xFFFFEC00  }
0x11e: {  	[tilespmem:s21], [sflag:$0x3] =	stream.indirect.gather [hbm4b:s5+s17], $0x40, s16, s17, $0xb8;
	[tilespmem:$0x1EA60] =	vst v63  }
0x11f: {  	_ =	swait.ge [sflag:s31], $0x1400  }
0x120: {  	[sflag:s31] =	ssyncset.done $0x0  }
0x121: {  	s16 =	sadd.s32 $0x2800, s14;
	[sflag:s31] =	ssyncadd.s32 $0xFFFFEC00  }
0x122: {  	[spmem:s2] =	stream.indirect.scatter.add.f32 [tilespmem:s23], [sflag:$0x6], $0x40, s16, s17, $0xb8;
	[tilespmem:$0x1EA60] =	vst v63  }
0x123: {  	_ =	swait.ge [sflag:s15], $0x1400  }
0x124: {  	[sflag:s15] =	ssyncset.done $0x0  }
0x125: {  	s16 =	sadd.s32 $0x280, s14;
	[sflag:s15] =	ssyncadd.s32 $0xFFFFEC00  }
0x126: {  	[tilespmem:s23], [sflag:$0x4] =	stream.indirect.gather [hbm4b:s5+s17], $0x40, s16, s17, $0xb8;
	[tilespmem:$0x1EA60] =	vst v63  }
0x127: {  	_ =	swait.ge [sflag:s1], $0x1400  }
0x128: {  	[sflag:s1] =	ssyncset.done $0x0  }
.Ltmp2:
0x129: {  	s16 =	sadd.s32 $0x2850, s14;
	[sflag:s1] =	ssyncadd.s32 $0xFFFFEC00;
	(pc) =	sbr.rel @p1 .LBB2_6-.Ltmp2, $4  }
0x12a: {  	[spmem:s2] =	stream.indirect.scatter.add.f32 [tilespmem:s25], [sflag:$0x6], $0x40, s16, s17, $0xb8;
	[tilespmem:$0x1EA60] =	vst v63  }
0x12b: {  	_ =	swait.ge [sflag:s15], $0x1400  }
0x12c: {  	[sflag:s15] =	ssyncset.done $0x0  }
0x12d: {  	s14 =	sadd.s32 $0x2D0, s14;
	[sflag:s15] =	ssyncadd.s32 $0xFFFFEC00  }
0x12e: {  	[tilespmem:s25], [sflag:$0x5] =	stream.indirect.gather [hbm4b:s5+s17], $0x40, s14, s17, $0xb8;
	[tilespmem:$0x1EA60] =	vst v63  }
0x12f: {  	_ =	swait.ge [sflag:s28], $0x1400  }
0x130: {  	[sflag:s28] =	ssyncset.done $0x0  }
0x131: {  	s20 =	simm.s32 $0x4C90;
	[sflag:s28] =	ssyncadd.s32 $0xFFFFEC00  }
0x132: {  	[spmem:s2] =	stream.indirect.scatter.add.f32 [tilespmem:s18], [sflag:$0x6], $0x40, s20, s17, $0xb8;
	[tilespmem:$0x1EA60] =	vst v63  }
0x133: {  	_ =	swait.ge [sflag:s15], $0x1400  }
0x134: {  	[sflag:s15] =	ssyncset.done $0x0  }
0x135: {  	[sflag:s15] =	ssyncadd.s32 $0xFFFFEC00  }
0x136: {  	_ =	swait.ge [sflag:s29], $0x1400  }
0x137: {  	[sflag:s29] =	ssyncset.done $0x0  }
0x138: {  	s13 =	simm.s32 $0x4CE0;
	[sflag:s29] =	ssyncadd.s32 $0xFFFFEC00  }
0x139: {  	[spmem:s2] =	stream.indirect.scatter.add.f32 [tilespmem:s19], [sflag:$0x6], $0x40, s13, s17, $0xb8;
	[tilespmem:$0x1EA60] =	vst v63  }
0x13a: {  	_ =	swait.ge [sflag:s15], $0x1400  }
0x13b: {  	[sflag:s15] =	ssyncset.done $0x0  }
0x13c: {  	[sflag:s15] =	ssyncadd.s32 $0xFFFFEC00  }
0x13d: {  	_ =	swait.ge [sflag:s30], $0x1400  }
0x13e: {  	[sflag:s30] =	ssyncset.done $0x0  }
0x13f: {  	[sflag:s30] =	ssyncadd.s32 $0xFFFFEC00  }
0x140: {  	[spmem:s2] =	stream.indirect.scatter.add.f32 [tilespmem:s21], [sflag:$0x6], $0x40, s22, s17, $0xb8;
	[tilespmem:$0x1EA60] =	vst v63  }
0x141: {  	_ =	swait.ge [sflag:s15], $0x1400  }
0x142: {  	[sflag:s15] =	ssyncset.done $0x0  }
0x143: {  	[sflag:s15] =	ssyncadd.s32 $0xFFFFEC00  }
0x144: {  	_ =	swait.ge [sflag:s31], $0x1400  }
0x145: {  	[sflag:s31] =	ssyncset.done $0x0  }
0x146: {  	[sflag:s31] =	ssyncadd.s32 $0xFFFFEC00  }
0x147: {  	[spmem:s2] =	stream.indirect.scatter.add.f32 [tilespmem:s23], [sflag:$0x6], $0x40, s24, s17, $0xb8;
	[tilespmem:$0x1EA60] =	vst v63  }
0x148: {  	_ =	swait.ge [sflag:s15], $0x1400  }
0x149: {  	[sflag:s15] =	ssyncset.done $0x0  }
0x14a: {  	[sflag:s15] =	ssyncadd.s32 $0xFFFFEC00  }
0x14b: {  	_ =	swait.ge [sflag:s1], $0x1400  }
0x14c: {  	[sflag:s1] =	ssyncset.done $0x0  }
0x14d: {  	[sflag:s1] =	ssyncadd.s32 $0xFFFFEC00  }
0x14e: {  	[spmem:s2] =	stream.indirect.scatter.add.f32 [tilespmem:s25], [sflag:$0x6], $0x40, s26, s17, $0xb8;
	[tilespmem:$0x1EA60] =	vst v63  }
0x14f: {  	_ =	swait.ge [sflag:s15], $0x1400  }
0x150: {  	[sflag:s15] =	ssyncset.done $0x0  }
0x151: {  	[sflag:s15] =	ssyncadd.s32 $0xFFFFEC00  }
0x152: {  	[bflag:$0x0] =	sbarrier.arrive $0xFFFF  }
0x153: {  	s14 =	rddreg [dreg:$0x7]  }
0x154: {  	[hbm:s14@s0], [sflag:s10] =	dma.strided [spmem:s11@s6], $0x1380, s28, $0x8   }
0x155: {  	_ =	swait.ge [sflag:s15], $0x1380  }
0x156: {  	s13 =	simm.s32 @!p0 $0x10;
	s11 =	simm.s32 @!p0 $0x1;
	[sflag:s15] =	ssyncset.done $0x0  }
0x157: {  	s14 =	simm.s32 @!p0 $0x8;
	s16 =	rddreg [dreg:$0x8];
	[sflag:s15] =	ssyncadd.s32 $0xFFFFEC80  }
0x158: {  	[hbm:s16@s13], [sflag:s10] =	dma.strided @!p0 [spmem:s12@s14], $0x80, s11, $0x8   }
0x159: {  	s10 =	simm.s32 @!p0 $0x6  }
0x15a: {  	_ =	swait.ge @!p0 [sflag:s10], $0x80  }
0x15b: {  	s7 =	sadd.s32 $0x1, s7;
	s16 =	rddreg [dreg:$0x9]  }
0x15c: {  	p1 =	sne.s32 s7, s16  }
.Ltmp3:
0x15d: {  	_ = 	snop;
	(pc) =	sbr.rel @p1 .LBB2_1-.Ltmp3, $3  }
0x15e: {  	_ =	sdelay $0x1  }
0x15f: {  	[sflag:s10] =	ssyncset.done @!p0 $0x0  }
0x160: {  	[sflag:s10] =	ssyncadd.s32 @!p0 $0xFFFFFF80  }
0x161: {  	_ =	sfence.sel $0x180000  }
0x162: {  	[bflag:$0x0] =	sbarrier.arrive $0xFFFF  }
0x163: {  	_ =	strace $0x9000004D  }
0x164: {  	s0 =	stileid.u32;
	[bflag:$0x2] =	sbarrier.arrive $0xFFFF  }
0x165: {  	p0 =	sne.s32 s0, $0x0;
	s0 =	rddreg [dreg:$0x2]  }
0x166: {  	s0 =	sadd.s32 @!p0 $0x100000, s0  }
0x167: {  	[sflag:s0] =	ssyncadd.tile.s32 @!p0 $0x1;
	_ =	shalt  }
.Lfunc_end2:
_tile_overlayer_lowered:
.L_overlay_start_2:
0x168: {  	(tag) =	ssettag $0x2  }
0x169: {  	s0 =	rddreg [dreg:$0x0];
	s2 =	stileid.u32  }
0x16a: {  	s1 =	rddreg [dreg:$0x1];
	p0 =	sne.s32 s2, $0x0  }
0x16b: {  	s3 =	rddreg [dreg:$0x2];
	[bflag:$0x3] =	sbarrier.arrive $0xFFFF;
	s2 =	simm.s32 @!p0 $0x1C06  }
0x16c: {  	[timem:s3], [sflag:s2] =	dma.local @!p0 [hbm:s0], s1  }
0x16d: {  	s0 =	simm.s32 @!p0 $0x6  }
0x16e: {  	_ =	swait.ge @!p0 [sflag:s0], s1  }
0x16f: {  	s1 =	ssub.s32 @!p0 $0x0, s1;
	[sflag:s0] =	ssyncset.done @!p0 $0x0  }
0x170: {  	[sflag:s0] =	ssyncadd.s32 @!p0 s1  }
0x171: {  	[bflag:$0x3] =	sbarrier.arrive $0xFFFF  }
0x172: {  	_ =	shalt  }

// kernel: kernel.9.cloned.1.call-start
scs
__scs_entry_jumppad:
0x0: {  	(pc) =	sbr.rel $0x88, $3  }
0x1: {  	(tag) =	ssettag $0x0;
	lr =	simm.s32 $0x1  }
0x2: {  	[smem:$0x3F94] =	sst lr;
	_ =	strace $0xD0000000  }
0x3: {  	_ = 	snop  }
0x4: {  	_ = 	snop  }
0x5: {  	_ = 	snop  }
0x6: {  	_ = 	snop  }
0x7: {  	_ = 	snop  }
__scs_overlays_trampoline_lowered:
0x8: {  	[smem:$0x3FA3] =	sst s0  }
0x9: {  	[smem:$0x3FA4] =	sst s1  }
0xa: {  	[smem:$0x3FA5] =	sst s2  }
0xb: {  	[smem:$0x3FA6] =	sst s3  }
0xc: {  	[smem:$0x3FA7] =	sst s4  }
0xd: {  	[smem:$0x3FA8] =	sst s5  }
0xe: {  	[smem:$0x3FA9] =	sst s6  }
0xf: {  	[smem:$0x3FAA] =	sst s7  }
0x10: {  	[smem:$0x3FAB] =	sst s8  }
0x11: {  	[smem:$0x3FAC] =	sst s9;
	s0 =	simm.s32 @!p0 $0x0  }
0x12: {  	s1 =	sld [smem:$0x3F92];
	s0 =	simm.s32 @p0 $0x1  }
0x13: {  	[smem:$0x3FAD] =	sst s0;
	s0 =	simm.s32 @!p1 $0x0  }
0x14: {  	s2 =	sld [smem:$0x3F91];
	s0 =	simm.s32 @p1 $0x1  }
0x15: {  	[smem:$0x3FAE] =	sst s0;
	s0 =	simm.s32 @!p2 $0x0  }
0x16: {  	s3 =	sld [smem:$0x3FDB];
	s0 =	simm.s32 @p2 $0x1  }
0x17: {  	s4 =	simm.s32 $0x1BF5;
	[smem:$0x3FB0] =	sst s0  }
0x18: {  	s0 =	sld [smem:$0x3F93];
	_ =	swait.ge [sflag:s4], $0x0  }
0x19: {  	s7 =	sld [smem:$0x3F94]  }
0x1a: {  	s8 =	sadd.s32 $0xFFFFE003, lr  }
0x1b: {  	s9 =	sadd.s32 $0xFFFFFEF7, lr;
	s5 =	simm.s32 $0xFFFFFFFF;
	p2 =	slt.u32 s8, $0xFFFFF086  }
0x1c: {  	p1 =	slt.u32 s9, $0xF7A;
	s5 =	simm.s32 @!p2 $0x0  }
0x1d: {  	s5 =	simm.s32 @p1 $0x1;
	p0 =	seq.s32 s7, s2  }
0x1e: {  	s7 =	smul.u32 @!p0 $0xF7A, s2;
	p2 =	seq.s32 @!p0 s5, $0x0  }
0x1f: {  	s9 =	smul.u32 $0xF7A, s1;
	s8 =	simm.s32 @!p0 $0x1BF5;
	p2 =	por !p2, p0  }
0x20: {  	[sflag:s8] =	ssyncset.s32 @!p0 $0xFFFFF086;
	s6 =	sadd.s32 @!p0 s3, s7;
	s7 =	simm.s32 @!p0 $0x108  }
0x21: {  	s3 =	sadd.s32 s3, s9;
	s6 =	sadd.s32 @!p0 $0x88, s6;
	s7 =	simm.s32 @p2 $0x1082  }
0x22: {  	[simem:s7], [sflag:s8] =	dma.local @!p0 [hbm:s6], $0xF7A  }
0x23: {  	s9 =	sor.u32 $0xD0000000, s2;
	s6 =	simm.s32 $0x108;
	_ =	swait.ge @!p0 [sflag:s8], $0x0  }
0x24: {  	s3 =	sadd.s32 $0x88, s3;
	s6 =	simm.s32 @!p1 $0x1082;
	[sflag:s4] =	ssyncset.s32 $0xFFFFF086  }
0x25: {  	[simem:s6], [sflag:s4] =	dma.local [hbm:s3], $0xF7A  }
0x26: {  	[smem:$0x3F94] =	sst s1;
	(tag) =	ssettag s2;
	_ =	strace s9  }
0x27: {  	s1 =	sld [smem:$0x3FA4]  }
0x28: {  	s2 =	sld [smem:$0x3FA5]  }
0x29: {  	s4 =	sld [smem:$0x3FA7]  }
0x2a: {  	p0 =	seq.s32 s5, $0x0;
	s5 =	sld [smem:$0x3FA8]  }
0x2b: {  	s6 =	sld [smem:$0x3FA9]  }
0x2c: {  	s7 =	sld [smem:$0x3FAA]  }
0x2d: {  	s3 =	simm.s32 $0x108;
	s8 =	sld [smem:$0x3FAB]  }
0x2e: {  	s3 =	simm.s32 @!p0 $0x1082;
	s9 =	sld [smem:$0x3FAC]  }
0x2f: {  	lr =	sadd.s32 s0, s3;
	s0 =	sld [smem:$0x3FA3]  }
0x30: {  	s3 =	sld [smem:$0x3FA6]  }
0x31: {  	[smem:$0x3FAF] =	sst s10  }
0x32: {  	s10 =	sld [smem:$0x3FAD];
	_ =	sdelay $0x3  }
0x33: {  	p0 =	seq.s32 s10, $0x1;
	s10 =	sld [smem:$0x3FAF];
	_ =	sdelay $0x3  }
0x34: {  	[smem:$0x3FAF] =	sst s10  }
0x35: {  	s10 =	sld [smem:$0x3FAE];
	_ =	sdelay $0x3  }
0x36: {  	p1 =	seq.s32 s10, $0x1;
	s10 =	sld [smem:$0x3FAF];
	_ =	sdelay $0x3  }
0x37: {  	[smem:$0x3FAF] =	sst s10  }
0x38: {  	s10 =	sld [smem:$0x3FB0]  }
0x39: {  	_ = 	snop;
	(pc) =	sbr.ind lr, $3  }
0x3a: {  	_ = 	snop  }
0x3b: {  	_ = 	snop  }
0x3c: {  	p2 =	seq.s32 s10, $0x1;
	s10 =	sld [smem:$0x3FAF]  }
0x3d: {  	_ =	shalt  }
0x3e: {  	_ =	shalt  }
0x3f: {  	_ =	shalt  }
0x40: {  	_ =	shalt  }
0x41: {  	_ =	shalt  }
0x42: {  	_ =	shalt  }
0x43: {  	_ =	shalt  }
0x44: {  	_ =	shalt  }
0x45: {  	_ =	shalt  }
0x46: {  	_ =	shalt  }
0x47: {  	_ =	shalt  }
0x48: {  	_ =	shalt  }
0x49: {  	_ =	shalt  }
0x4a: {  	_ =	shalt  }
0x4b: {  	_ =	shalt  }
0x4c: {  	_ =	shalt  }
0x4d: {  	_ =	shalt  }
0x4e: {  	_ =	shalt  }
0x4f: {  	_ =	shalt  }
0x50: {  	_ =	shalt  }
0x51: {  	_ =	shalt  }
0x52: {  	_ =	shalt  }
0x53: {  	_ =	shalt  }
0x54: {  	_ =	shalt  }
0x55: {  	_ =	shalt  }
0x56: {  	_ =	shalt  }
0x57: {  	_ =	shalt  }
0x58: {  	_ =	shalt  }
0x59: {  	_ =	shalt  }
0x5a: {  	_ =	shalt  }
0x5b: {  	_ =	shalt  }
0x5c: {  	_ =	shalt  }
0x5d: {  	_ =	shalt  }
0x5e: {  	_ =	shalt  }
0x5f: {  	_ =	shalt  }
0x60: {  	_ =	shalt  }
0x61: {  	_ =	shalt  }
0x62: {  	_ =	shalt  }
0x63: {  	_ =	shalt  }
0x64: {  	_ =	shalt  }
0x65: {  	_ =	shalt  }
0x66: {  	_ =	shalt  }
0x67: {  	_ =	shalt  }
0x68: {  	_ =	shalt  }
0x69: {  	_ =	shalt  }
0x6a: {  	_ =	shalt  }
0x6b: {  	_ =	shalt  }
0x6c: {  	_ =	shalt  }
0x6d: {  	_ =	shalt  }
0x6e: {  	_ =	shalt  }
0x6f: {  	_ =	shalt  }
0x70: {  	_ =	shalt  }
0x71: {  	_ =	shalt  }
0x72: {  	_ =	shalt  }
0x73: {  	_ =	shalt  }
0x74: {  	_ =	shalt  }
0x75: {  	_ =	shalt  }
0x76: {  	_ =	shalt  }
0x77: {  	_ =	shalt  }
0x78: {  	_ =	shalt  }
0x79: {  	_ =	shalt  }
0x7a: {  	_ =	shalt  }
0x7b: {  	_ =	shalt  }
0x7c: {  	_ =	shalt  }
0x7d: {  	_ =	shalt  }
0x7e: {  	_ =	shalt  }
0x7f: {  	_ =	shalt  }
0x80: {  	_ =	shalt  }
0x81: {  	_ =	shalt  }
0x82: {  	_ =	shalt  }
0x83: {  	_ =	shalt  }
0x84: {  	_ =	shalt  }
0x85: {  	_ =	shalt  }
0x86: {  	_ =	shalt  }
0x87: {  	_ =	shalt  }
.Lfunc_end0:
.L_simem_size_0:
called_computation_lowered:
.L_overlay_start_0:
0x88: {  	s2 =	sld [smem:$0x3FD9]  }
0x89: {  	s3 =	sld [smem:$0x3FFE];
	_ =	sdelay $0x1  }
0x8a: {  	s1 =	srdreg.scid  }
0x8b: {  	s0 =	sand.u32 $0x1, s1  }
0x8c: {  	s16 =	sshll.u32 s0, $0xA;
	s2 =	sadd.s32 s3, s2  }
0x8d: {  	s2 =	sadd.s32 s2, s16  }
0x8e: {  	[smem:$0x3FBB] =	sst s2  }
0x8f: {  	_ = 	snop  }
0x90: {  	(tm) =	ssettm $0x1  }
0x91: {  	s17 =	sld [smem:$0x3FFB];
	_ =	sdelay $0x3  }
0x92: {  	_ =	strace s17  }
0x93: {  	s2 =	sld [smem:$0x3FFC];
	_ =	sdelay $0x3  }
0x94: {  	_ =	strace s2  }
0x95: {  	s2 =	sld [smem:$0x3FFD];
	_ =	sdelay $0x3  }
0x96: {  	_ =	strace s2  }
0x97: {  	_ =	strace $0x8FFFFFFF  }
0x98: {  	s18 =	sld [smem:$0x3FDB];
	_ =	sdelay $0x1  }
0x99: {  	s19 =	simm.s32 $_scs_section_size  }
0x9a: {  	s4 =	simm.s32 $_size__tile_overlayer_lowered;
	s5 =	simm.s32 $_tile_overlayer_lowered  }
0x9b: {  	s22 =	simm.s32 $0x1BFF;
	s21 =	sshll.u32 s5, $0x1;
	s2 =	sadd.s32 s19, s18  }
0x9c: {  	s6 =	simm.s32 $0x0;
	s20 =	sshll.u32 s4, $0x1;
	s4 =	sadd.s32 s21, s2  }
0x9d: {  	[timem:s6], [sflag:s22] =	dma.local [hbm:s4], s20  }
0x9e: {  	_ =	swait.ge [sflag:s22], s20  }
0x9f: {  	s3 =	ssub.s32 $0x0, s20;
	[sflag:s22] =	ssyncset.done $0x0  }
0xa0: {  	[sflag:s22] =	ssyncadd.s32 s3;
	_ =	sdelay $0x1  }
0xa1: {  	s23 =	simm.s32 $0x1B8B  }
0xa2: {  	_ =	swait.ge [sflag:s23], $0x1  }
0xa3: {  	[sflag:s23] =	ssyncset.done $0x0  }
0xa4: {  	s25 =	simm.s32 $0x1B8E;
	s24 =	sld [smem:$0x3FFE];
	[sflag:s23] =	ssyncadd.s32 $0xFFFFFFFF  }
0xa5: {  	s26 =	simm.s32 $execute0_lowered;
	[smem:$0x3FD2] =	sst s25  }
0xa6: {  	s4 =	sshll.u32 s26, $0x1;
	_ =	strace $0x80000046;
	[dreg:$0x1] =	wrdreg $0xFFFFFFFF  }
0xa7: {  	s28 =	simm.s32 $_size_execute0_lowered;
	s2 =	sadd.s32 s2, s4;
	[dreg:$0x0] =	wrdreg $0x0  }
0xa8: {  	s4 =	sshll.u32 s28, $0x1;
	[dreg:$0x2] =	wrdreg s2  }
0xa9: {  	[dreg:$0x3] =	wrdreg s4  }
0xaa: {  	[dreg:$0x4] =	wrdreg $0xC0  }
0xab: {  	_ =	task [dreg:s6], $0x5FFFF  }
0xac: {  	[dreg:$0x1] =	wrdreg $0xFFFFFFFF  }
0xad: {  	[dreg:$0x0] =	wrdreg $0x60  }
0xae: {  	[dreg:$0x2] =	wrdreg s24  }
0xaf: {  	[dreg:$0x3] =	wrdreg $0x8E200  }
0xb0: {  	[dreg:$0x4] =	wrdreg $0x9  }
0xb1: {  	_ =	task.clear_ibuf [dreg:s6], $0x5FFFF;
	_ =	strace $0x90000046  }
0xb2: {  	s29 =	simm.s32 $0x9;
	_ =	strace $0x80000048  }
0xb3: {  	_ =	swait.ge [sflag:s29], $0x1  }
0xb4: {  	[sflag:s29] =	ssyncadd.s32 $0xFFFFFFFF  }
0xb5: {  	_ =	strace $0x90000048  }
0xb6: {  	_ =	sfence  }
0xb7: {  	s30 =	sld [smem:$0x0];
	_ =	sdelay $0x2  }
0xb8: {  	s31 =	sshll.u32 s1, $0xD;
	s1 =	sshrl.u32 s1, $0x2  }
0xb9: {  	s3 =	sand.u32 $0x4000, s31;
	s1 =	sadd.s32 s1, s30  }
0xba: {  	s0 =	sor.u32 s3, s0;
	s1 =	sshll.u32 s1, $0x11  }
0xbb: {  	s0 =	sor.u32 s1, s0  }
0xbc: {  	s0 =	sadd.s32 $0x8F2B, s0  }
0xbd: {  	[sflag:s0] =	ssyncadd.remote.s32 $0x1  }
0xbe: {  	_ =	sfence.sel $0xFFFF  }
0xbf: {  	[dreg:$0x0] =	wrdreg $0xFFFFFFFF;
	(pc) =	sbr.abs _section_cstart, $3  }
0xc0: {  	[dreg:$0x1] =	wrdreg $0xFFFFFFFF  }
0xc1: {  	_ =	task.clear_ibuf [dreg:s6], $0x2FFFF;
	_ =	strace $0x9FFFFFFF  }
0xc2: {  	(tm) =	ssettm $0x7FFFFFFF  }
0xc3: {  	_ =	shalt  }
tec
execute0_lowered:
.L_overlay_start_1:
0x0: {  	(tag) =	ssettag $0x1  }
0x1: {  	s0 =	srdreg.scid;
	s1 =	rddreg [dreg:$0x0]  }
0x2: {  	s13 =	stileid.u32;
	s2 =	rddreg [dreg:$0x1];
	s12 =	simm.s32 $0x6  }
0x3: {  	s14 =	simm.s32 $0x50;
	s15 =	simm.s32 $0x4E20;
	s16 =	simm.s32 $0x5320  }
0x4: {  	s18 =	simm.s32 $0x5820;
	s20 =	simm.s32 $0x5D20;
	s22 =	simm.s32 $0x6220  }
0x5: {  	s24 =	simm.s32 $0x1;
	s25 =	simm.s32 $0x2;
	s28 =	simm.s32 $0x4  }
0x6: {  	s29 =	simm.s32 $0x5;
	s30 =	simm.s32 $0x4C90;
	s31 =	simm.s32 $0x4CE0  }
0x7: {  	s17 =	simm.s32 $0x0;
	s0 =	sand.u32 $0x1, s0;
	s8 =	smul.u32 $0x2700, s13  }
0x8: {  	p0 =	sne.s32 s13, $0xF;
	s3 =	sshll.u32 s0, $0x4;
	s26 =	ssub.s32 $0x2, s0  }
0x9: {  	s0 =	smul.u32 $0x27100, s0;
	s4 =	sor.u32 s13, s3;
	s3 =	simm.s32 $0x0  }
0xa: {  	s7 =	sshrl.u32 s26, $0x1;
	s13 =	simm.s32 $0x4D80;
	s5 =	smul.u32 $0x2710, s4  }
0xb: {  	[smem:$0x7FF] =	sst s3;
	s4 =	sadd.s32 $0x16C00, s1;
	s11 =	ssub.s32 s26, s7  }
0xc: {  	s7 =	sadd.s32 s8, s2;
	s9 =	sadd.s32 s8, s0;
	s0 =	sshrl.u32 s0, $0x3  }
0xd: {  	s8 =	sadd.s32 $0x27000, s2;
	s26 =	simm.s32 $0x3;
	s5 =	sshrl.u32 s5, $0x3  }
0xe: {  	_ =	strace $0x80000047;
	s9 =	sshrl.u32 s9, $0x3;
	s6 =	sadd.s32 s5, s1  }
0xf: {  	s11 =	smax.u32 s11, $0x1;
	s1 =	sadd.s32 $0x1BC00, s1;
	s5 =	sadd.s32 $0x3200, s6  }
0x10: {  	s6 =	sadd.s32 $0xCE40, s6;
	s0 =	sadd.s32 s1, s0;
	s9 =	sadd.s32 s1, s9  }
0x11: {  	v0 =	vimm.f32 $0.0e+00;
	s1 =	simm.s32 $0x4D30;
	s10 =	sadd.s32 $0x4E00, s0;
	s0 =	simm.s32 $0x4DD0  }
.LBB2_1:
0x12: {  	[tilespmem:s3], [sflag:$0x6] =	stream.linear.gather [hbm4b:s5+s3], $0x2710, $0x38;
	[tilespmem:$0xB530] =	vst v63  }
0x13: {  	_ =	swait.ge [sflag:s12], $0x2710  }
0x14: {  	[sflag:s12] =	ssyncset.done $0x0  }
0x15: {  	s19 =	simm.s32 $0x2710;
	[sflag:s12] =	ssyncadd.s32 $0xFFFFD8F0  }
0x16: {  	[tilespmem:s19], [sflag:$0x6] =	stream.linear.gather [hbm4b:s6+s3], $0x2710, $0x38;
	[tilespmem:$0xB530] =	vst v63  }
0x17: {  	_ =	swait.ge [sflag:s12], $0x2710  }
0x18: {  	[sflag:s12] =	ssyncset.done $0x0  }
0x19: {  	[sflag:s12] =	ssyncadd.s32 $0xFFFFD8F0  }
0x1a: {  	[tilespmem:s15], [sflag:$0x1] =	stream.indirect.gather [hbm4b:s4+s14], $0x10, s3, s14, $0xb8;
	[tilespmem:$0xB530] =	vst v63  }
0x1b: {  	_ = 	snop  }
0x1c: {  	[tilespmem:s16], [sflag:$0x2] =	stream.indirect.gather [hbm4b:s4+s14], $0x10, s14, s14, $0xb8;
	[tilespmem:$0xB530] =	vst v63  }
0x1d: {  	s23 =	simm.s32 $0xA0  }
0x1e: {  	[tilespmem:s18], [sflag:$0x3] =	stream.indirect.gather [hbm4b:s4+s14], $0x10, s23, s14, $0xb8;
	[tilespmem:$0xB530] =	vst v63  }
0x1f: {  	s21 =	simm.s32 $0xF0  }
0x20: {  	[tilespmem:s20], [sflag:$0x4] =	stream.indirect.gather [hbm4b:s4+s14], $0x10, s21, s14, $0xb8;
	[tilespmem:$0xB530] =	vst v63  }
0x21: {  	s19 =	simm.s32 $0x40;
	s23 =	simm.s32 $0x140;
	s21 =	simm.s32 $0x0  }
0x22: {  	[tilespmem:s22], [sflag:$0x5] =	stream.indirect.gather [hbm4b:s4+s14], $0x10, s23, s14, $0xb8;
	[tilespmem:$0xB530] =	vst v63  }
.LBB2_2:
0x23: {  	p1 =	sne.s32 s19, $0x9BC0;
	[tilespmem:s21+$0x6720] =	vst v0;
	s21 =	smov.u32 s19;
	s19 =	sadd.s32 $0x40, s19  }
.Ltmp0:
0x24: {  	(pc) =	sbr.rel @p1 .LBB2_2-.Ltmp0, $2  }
0x25: {  	_ =	sdelay $0x2  }
0x26: {  	s21 =	sshra.s32 s21, $0x2  }
0x27: {  	[tilespmem:s21+$0x6720] =	vst v0;
	s19 =	simm.s32 $0x6720  }
0x28: {  	[spmem:s7] =	stream.linear.scatter [tilespmem:s19], [sflag:$0x6], $0x2700, $0x38;
	[tilespmem:$0xB530] =	vst v63  }
0x29: {  	_ =	swait.ge [sflag:s12], $0x2700  }
0x2a: {  	[sflag:s12] =	ssyncset.done $0x0  }
0x2b: {  	s19 =	simm.s32 @!p0 $0x6720;
	[sflag:s12] =	ssyncadd.s32 $0xFFFFD900  }
0x2c: {  	[spmem:s8] =	stream.linear.scatter @!p0 [tilespmem:s19], [sflag:$0x6], $0x100, $0x38;
	[tilespmem:$0xB530] =	vst v63  }
0x2d: {  	s19 =	simm.s32 @!p0 $0x6  }
0x2e: {  	_ =	swait.ge @!p0 [sflag:s19], $0x100  }
0x2f: {  	[sflag:s19] =	ssyncset.done @!p0 $0x0  }
0x30: {  	[sflag:s19] =	ssyncadd.s32 @!p0 $0xFFFFFF00  }
0x31: {  	[bflag:$0x0] =	sbarrier.arrive $0xFFFF  }
0x32: {  	_ =	swait.ge [sflag:s24], $0x500  }
0x33: {  	[sflag:s24] =	ssyncset.done $0x0  }
0x34: {  	s23 =	simm.s32 $0x2710;
	[sflag:s24] =	ssyncadd.s32 $0xFFFFFB00  }
0x35: {  	[spmem:s2] =	stream.indirect.scatter.add.f32 [tilespmem:s15], [sflag:$0x6], $0x10, s23, s14, $0xb8;
	[tilespmem:$0xB530] =	vst v63  }
0x36: {  	_ =	swait.ge [sflag:s12], $0x500  }
0x37: {  	[sflag:s12] =	ssyncset.done $0x0  }
0x38: {  	s21 =	simm.s32 $0x190;
	[sflag:s12] =	ssyncadd.s32 $0xFFFFFB00  }
0x39: {  	[tilespmem:s15], [sflag:$0x1] =	stream.indirect.gather [hbm4b:s4+s14], $0x10, s21, s14, $0xb8;
	[tilespmem:$0xB530] =	vst v63  }
0x3a: {  	_ =	swait.ge [sflag:s25], $0x500  }
0x3b: {  	[sflag:s25] =	ssyncset.done $0x0  }
0x3c: {  	s23 =	simm.s32 $0x2760;
	[sflag:s25] =	ssyncadd.s32 $0xFFFFFB00  }
0x3d: {  	[spmem:s2] =	stream.indirect.scatter.add.f32 [tilespmem:s16], [sflag:$0x6], $0x10, s23, s14, $0xb8;
	[tilespmem:$0xB530] =	vst v63  }
0x3e: {  	_ =	swait.ge [sflag:s12], $0x500  }
0x3f: {  	[sflag:s12] =	ssyncset.done $0x0  }
0x40: {  	s21 =	simm.s32 $0x1E0;
	[sflag:s12] =	ssyncadd.s32 $0xFFFFFB00  }
0x41: {  	[tilespmem:s16], [sflag:$0x2] =	stream.indirect.gather [hbm4b:s4+s14], $0x10, s21, s14, $0xb8;
	[tilespmem:$0xB530] =	vst v63  }
0x42: {  	_ =	swait.ge [sflag:s26], $0x500  }
0x43: {  	[sflag:s26] =	ssyncset.done $0x0  }
0x44: {  	s23 =	simm.s32 $0x27B0;
	[sflag:s26] =	ssyncadd.s32 $0xFFFFFB00  }
0x45: {  	[spmem:s2] =	stream.indirect.scatter.add.f32 [tilespmem:s18], [sflag:$0x6], $0x10, s23, s14, $0xb8;
	[tilespmem:$0xB530] =	vst v63  }
0x46: {  	_ =	swait.ge [sflag:s12], $0x500  }
0x47: {  	[sflag:s12] =	ssyncset.done $0x0  }
0x48: {  	s21 =	simm.s32 $0x230;
	[sflag:s12] =	ssyncadd.s32 $0xFFFFFB00  }
0x49: {  	[tilespmem:s18], [sflag:$0x3] =	stream.indirect.gather [hbm4b:s4+s14], $0x10, s21, s14, $0xb8;
	[tilespmem:$0xB530] =	vst v63  }
0x4a: {  	_ =	swait.ge [sflag:s28], $0x500  }
0x4b: {  	[sflag:s28] =	ssyncset.done $0x0  }
0x4c: {  	s23 =	simm.s32 $0x2800;
	[sflag:s28] =	ssyncadd.s32 $0xFFFFFB00  }
0x4d: {  	[spmem:s2] =	stream.indirect.scatter.add.f32 [tilespmem:s20], [sflag:$0x6], $0x10, s23, s14, $0xb8;
	[tilespmem:$0xB530] =	vst v63  }
0x4e: {  	_ =	swait.ge [sflag:s12], $0x500  }
0x4f: {  	[sflag:s12] =	ssyncset.done $0x0  }
0x50: {  	s21 =	simm.s32 $0x280;
	[sflag:s12] =	ssyncadd.s32 $0xFFFFFB00  }
0x51: {  	[tilespmem:s20], [sflag:$0x4] =	stream.indirect.gather [hbm4b:s4+s14], $0x10, s21, s14, $0xb8;
	[tilespmem:$0xB530] =	vst v63  }
0x52: {  	_ =	swait.ge [sflag:s29], $0x500  }
0x53: {  	[sflag:s29] =	ssyncset.done $0x0  }
0x54: {  	s23 =	simm.s32 $0x2850;
	[sflag:s29] =	ssyncadd.s32 $0xFFFFFB00  }
0x55: {  	[spmem:s2] =	stream.indirect.scatter.add.f32 [tilespmem:s22], [sflag:$0x6], $0x10, s23, s14, $0xb8;
	[tilespmem:$0xB530] =	vst v63  }
0x56: {  	_ =	swait.ge [sflag:s12], $0x500  }
0x57: {  	[sflag:s12] =	ssyncset.done $0x0  }
0x58: {  	s19 =	simm.s32 $0x640;
	s21 =	simm.s32 $0x2D0;
	[sflag:s12] =	ssyncadd.s32 $0xFFFFFB00  }
.LBB2_4:
0x59: {  	[tilespmem:s22], [sflag:$0x5] =	stream.indirect.gather [hbm4b:s4+s14], $0x10, s21, s14, $0xb8;
	[tilespmem:$0xB530] =	vst v63  }
0x5a: {  	s21 =	smov.u32 s19  }
0x5b: {  	p1 =	sne.s32 s19, $0x8FC0;
	s19 =	sadd.s32 $0x640, s19;
	_ =	swait.ge [sflag:s24], $0x500  }
0x5c: {  	s21 =	sshra.s32 s21, $0x2;
	[sflag:s24] =	ssyncset.done $0x0  }
0x5d: {  	s23 =	sadd.s32 $0x2710, s21;
	[sflag:s24] =	ssyncadd.s32 $0xFFFFFB00  }
0x5e: {  	[spmem:s2] =	stream.indirect.scatter.add.f32 [tilespmem:s15], [sflag:$0x6], $0x10, s23, s14, $0xb8;
	[tilespmem:$0xB530] =	vst v63  }
0x5f: {  	_ =	swait.ge [sflag:s12], $0x500  }
0x60: {  	[sflag:s12] =	ssyncset.done $0x0  }
0x61: {  	s23 =	sadd.s32 $0x190, s21;
	[sflag:s12] =	ssyncadd.s32 $0xFFFFFB00  }
0x62: {  	[tilespmem:s15], [sflag:$0x1] =	stream.indirect.gather [hbm4b:s4+s14], $0x10, s23, s14, $0xb8;
	[tilespmem:$0xB530] =	vst v63  }
0x63: {  	_ =	swait.ge [sflag:s25], $0x500  }
0x64: {  	[sflag:s25] =	ssyncset.done $0x0  }
0x65: {  	s23 =	sadd.s32 $0x2760, s21;
	[sflag:s25] =	ssyncadd.s32 $0xFFFFFB00  }
0x66: {  	[spmem:s2] =	stream.indirect.scatter.add.f32 [tilespmem:s16], [sflag:$0x6], $0x10, s23, s14, $0xb8;
	[tilespmem:$0xB530] =	vst v63  }
0x67: {  	_ =	swait.ge [sflag:s12], $0x500  }
0x68: {  	[sflag:s12] =	ssyncset.done $0x0  }
0x69: {  	s23 =	sadd.s32 $0x1E0, s21;
	[sflag:s12] =	ssyncadd.s32 $0xFFFFFB00  }
0x6a: {  	[tilespmem:s16], [sflag:$0x2] =	stream.indirect.gather [hbm4b:s4+s14], $0x10, s23, s14, $0xb8;
	[tilespmem:$0xB530] =	vst v63  }
0x6b: {  	_ =	swait.ge [sflag:s26], $0x500  }
0x6c: {  	[sflag:s26] =	ssyncset.done $0x0  }
0x6d: {  	s23 =	sadd.s32 $0x27B0, s21;
	[sflag:s26] =	ssyncadd.s32 $0xFFFFFB00  }
0x6e: {  	[spmem:s2] =	stream.indirect.scatter.add.f32 [tilespmem:s18], [sflag:$0x6], $0x10, s23, s14, $0xb8;
	[tilespmem:$0xB530] =	vst v63  }
0x6f: {  	_ =	swait.ge [sflag:s12], $0x500  }
0x70: {  	[sflag:s12] =	ssyncset.done $0x0  }
0x71: {  	s23 =	sadd.s32 $0x230, s21;
	[sflag:s12] =	ssyncadd.s32 $0xFFFFFB00  }
0x72: {  	[tilespmem:s18], [sflag:$0x3] =	stream.indirect.gather [hbm4b:s4+s14], $0x10, s23, s14, $0xb8;
	[tilespmem:$0xB530] =	vst v63  }
0x73: {  	_ =	swait.ge [sflag:s28], $0x500  }
0x74: {  	[sflag:s28] =	ssyncset.done $0x0  }
0x75: {  	s23 =	sadd.s32 $0x2800, s21;
	[sflag:s28] =	ssyncadd.s32 $0xFFFFFB00  }
0x76: {  	[spmem:s2] =	stream.indirect.scatter.add.f32 [tilespmem:s20], [sflag:$0x6], $0x10, s23, s14, $0xb8;
	[tilespmem:$0xB530] =	vst v63  }
0x77: {  	_ =	swait.ge [sflag:s12], $0x500  }
0x78: {  	[sflag:s12] =	ssyncset.done $0x0  }
0x79: {  	s23 =	sadd.s32 $0x280, s21;
	[sflag:s12] =	ssyncadd.s32 $0xFFFFFB00  }
0x7a: {  	[tilespmem:s20], [sflag:$0x4] =	stream.indirect.gather [hbm4b:s4+s14], $0x10, s23, s14, $0xb8;
	[tilespmem:$0xB530] =	vst v63  }
0x7b: {  	_ =	swait.ge [sflag:s29], $0x500  }
0x7c: {  	[sflag:s29] =	ssyncset.done $0x0  }
.Ltmp1:
0x7d: {  	s23 =	sadd.s32 $0x2850, s21;
	[sflag:s29] =	ssyncadd.s32 $0xFFFFFB00;
	(pc) =	sbr.rel @p1 .LBB2_4-.Ltmp1, $4  }
0x7e: {  	[spmem:s2] =	stream.indirect.scatter.add.f32 [tilespmem:s22], [sflag:$0x6], $0x10, s23, s14, $0xb8;
	[tilespmem:$0xB530] =	vst v63  }
0x7f: {  	_ =	swait.ge [sflag:s12], $0x500  }
0x80: {  	[sflag:s12] =	ssyncset.done $0x0  }
0x81: {  	s21 =	sadd.s32 $0x2D0, s21;
	[sflag:s12] =	ssyncadd.s32 $0xFFFFFB00  }
0x82: {  	[tilespmem:s22], [sflag:$0x5] =	stream.indirect.gather [hbm4b:s4+s14], $0x10, s21, s14, $0xb8;
	[tilespmem:$0xB530] =	vst v63  }
0x83: {  	_ =	swait.ge [sflag:s24], $0x500  }
0x84: {  	[sflag:s24] =	ssyncset.done $0x0  }
0x85: {  	[sflag:s24] =	ssyncadd.s32 $0xFFFFFB00  }
0x86: {  	[spmem:s2] =	stream.indirect.scatter.add.f32 [tilespmem:s15], [sflag:$0x6], $0x10, s30, s14, $0xb8;
	[tilespmem:$0xB530] =	vst v63  }
0x87: {  	_ =	swait.ge [sflag:s12], $0x500  }
0x88: {  	[sflag:s12] =	ssyncset.done $0x0  }
0x89: {  	[sflag:s12] =	ssyncadd.s32 $0xFFFFFB00  }
0x8a: {  	_ =	swait.ge [sflag:s25], $0x500  }
0x8b: {  	[sflag:s25] =	ssyncset.done $0x0  }
0x8c: {  	[sflag:s25] =	ssyncadd.s32 $0xFFFFFB00  }
0x8d: {  	[spmem:s2] =	stream.indirect.scatter.add.f32 [tilespmem:s16], [sflag:$0x6], $0x10, s31, s14, $0xb8;
	[tilespmem:$0xB530] =	vst v63  }
0x8e: {  	_ =	swait.ge [sflag:s12], $0x500  }
0x8f: {  	[sflag:s12] =	ssyncset.done $0x0  }
0x90: {  	[sflag:s12] =	ssyncadd.s32 $0xFFFFFB00  }
0x91: {  	_ =	swait.ge [sflag:s26], $0x500  }
0x92: {  	[sflag:s26] =	ssyncset.done $0x0  }
0x93: {  	[sflag:s26] =	ssyncadd.s32 $0xFFFFFB00  }
0x94: {  	[spmem:s2] =	stream.indirect.scatter.add.f32 [tilespmem:s18], [sflag:$0x6], $0x10, s1, s14, $0xb8;
	[tilespmem:$0xB530] =	vst v63  }
0x95: {  	_ =	swait.ge [sflag:s12], $0x500  }
0x96: {  	[sflag:s12] =	ssyncset.done $0x0  }
0x97: {  	[sflag:s12] =	ssyncadd.s32 $0xFFFFFB00  }
0x98: {  	_ =	swait.ge [sflag:s28], $0x500  }
0x99: {  	[sflag:s28] =	ssyncset.done $0x0  }
0x9a: {  	[sflag:s28] =	ssyncadd.s32 $0xFFFFFB00  }
0x9b: {  	[spmem:s2] =	stream.indirect.scatter.add.f32 [tilespmem:s20], [sflag:$0x6], $0x10, s13, s14, $0xb8;
	[tilespmem:$0xB530] =	vst v63  }
0x9c: {  	_ =	swait.ge [sflag:s12], $0x500  }
0x9d: {  	[sflag:s12] =	ssyncset.done $0x0  }
0x9e: {  	[sflag:s12] =	ssyncadd.s32 $0xFFFFFB00  }
0x9f: {  	_ =	swait.ge [sflag:s29], $0x500  }
0xa0: {  	[sflag:s29] =	ssyncset.done $0x0  }
0xa1: {  	[sflag:s29] =	ssyncadd.s32 $0xFFFFFB00  }
0xa2: {  	[spmem:s2] =	stream.indirect.scatter.add.f32 [tilespmem:s22], [sflag:$0x6], $0x10, s0, s14, $0xb8;
	[tilespmem:$0xB530] =	vst v63  }
0xa3: {  	_ =	swait.ge [sflag:s12], $0x500  }
0xa4: {  	s19 =	stileid.u32;
	[sflag:s12] =	ssyncset.done $0x0  }
0xa5: {  	s19 =	sshll.u32 s19, $0x6;
	[sflag:s12] =	ssyncadd.s32 $0xFFFFFB00  }
0xa6: {  	s23 =	sshrl.u32 s7, $0x3;
	s19 =	sor.u32 $0x1C06, s19;
	[bflag:$0x0] =	sbarrier.arrive $0xFFFF  }
0xa7: {  	[hbm:s9], [sflag:s19] =	dma.local [spmem:s23], $0x4E0  }
0xa8: {  	_ =	swait.ge [sflag:s12], $0x4E0  }
0xa9: {  	s17 =	sadd.s32 $0x1, s17;
	[sflag:s12] =	ssyncset.done $0x0  }
0xaa: {  	s21 =	sshrl.u32 @!p0 s8, $0x3;
	p1 =	sne.s32 s17, s11;
	[sflag:s12] =	ssyncadd.s32 $0xFFFFFB20  }
0xab: {  	[hbm:s10], [sflag:s19] =	dma.local @!p0 [spmem:s21], $0x20  }
.Ltmp2:
0xac: {  	_ = 	snop;
	(pc) =	sbr.rel @p1 .LBB2_1-.Ltmp2, $4  }
0xad: {  	s19 =	simm.s32 @!p0 $0x6  }
0xae: {  	_ =	swait.ge @!p0 [sflag:s19], $0x20  }
0xaf: {  	[sflag:s19] =	ssyncset.done @!p0 $0x0  }
0xb0: {  	[sflag:s19] =	ssyncadd.s32 @!p0 $0xFFFFFFE0  }
0xb1: {  	_ =	sfence.sel $0x180000  }
0xb2: {  	[bflag:$0x0] =	sbarrier.arrive $0xFFFF  }
0xb3: {  	_ =	strace $0x90000047  }
0xb4: {  	s0 =	stileid.u32;
	[bflag:$0x2] =	sbarrier.arrive $0xFFFF  }
0xb5: {  	p0 =	sne.s32 s0, $0x0;
	s0 =	rddreg [dreg:$0x2]  }
0xb6: {  	s0 =	sadd.s32 @!p0 $0x100000, s0  }
0xb7: {  	[sflag:s0] =	ssyncadd.tile.s32 @!p0 $0x1;
	_ =	shalt  }
.Lfunc_end2:
_tile_overlayer_lowered:
.L_overlay_start_2:
0xb8: {  	(tag) =	ssettag $0x2  }
0xb9: {  	s0 =	rddreg [dreg:$0x0];
	s2 =	stileid.u32  }
0xba: {  	s1 =	rddreg [dreg:$0x1];
	p0 =	sne.s32 s2, $0x0  }
0xbb: {  	s3 =	rddreg [dreg:$0x2];
	[bflag:$0x3] =	sbarrier.arrive $0xFFFF;
	s2 =	simm.s32 @!p0 $0x1C06  }
0xbc: {  	[timem:s3], [sflag:s2] =	dma.local @!p0 [hbm:s0], s1  }
0xbd: {  	s0 =	simm.s32 @!p0 $0x6  }
0xbe: {  	_ =	swait.ge @!p0 [sflag:s0], s1  }
0xbf: {  	s1 =	ssub.s32 @!p0 $0x0, s1;
	[sflag:s0] =	ssyncset.done @!p0 $0x0  }
0xc0: {  	[sflag:s0] =	ssyncadd.s32 @!p0 s1  }
0xc1: {  	[bflag:$0x3] =	sbarrier.arrive $0xFFFF  }
0xc2: {  	_ =	shalt  }

</sc_bundles>
